<compile_context>
chip_gen: v7x
topology: tpu7x:2x2x1
jax: 0.10.2.dev20260603
libtpu: 0.0.44.dev20260713+nightly
codegen_flags: <defaults>
</compile_context>

<pallas_src>
import functools

import jax
import jax.numpy as jnp
from jax import lax
from jax.experimental import pallas as pl
from jax.experimental.pallas import tpu as pltpu
from jax.experimental.pallas import tpu_sc as plsc

N = 10000
D = 128
DW = D // 2
E = 320000
NC = 2
NS = 16
NW = NC * NS
K = 125
NCHUNK = E // (NW * K)
BLK = 2
NBLK = NCHUNK // BLK
NGRP = NCHUNK // 4
RPT = 632
RPT_LAST = N - (NS - 1) * RPT
ZR = 40

_mesh = plsc.VectorSubcoreMesh(core_axis_name="c", subcore_axis_name="s")


@functools.partial(
    pl.kernel,
    out_type=jax.ShapeDtypeStruct((NC, 2, N, DW), jnp.float32),
    mesh=_mesh,
    compiler_params=pltpu.CompilerParams(use_tc_tiling_on_sc=False),
    scratch_types=[
        pltpu.VMEM_SHARED((N, DW), jnp.float32),
        pltpu.VMEM_SHARED((N, DW), jnp.float32),
        pltpu.VMEM((2, BLK, K), jnp.int32),
        pltpu.VMEM((2, BLK, K), jnp.int32),
        pltpu.VMEM((2, K, DW), jnp.float32),
        pltpu.VMEM((K, DW), jnp.float32),
        pltpu.SemaphoreType.DMA,
        pltpu.SemaphoreType.DMA,
        pltpu.SemaphoreType.DMA,
        pltpu.SemaphoreType.DMA,
        pltpu.SemaphoreType.DMA,
        pltpu.SemaphoreType.DMA,
        pltpu.SemaphoreType.DMA,
        pltpu.SemaphoreType.DMA,
        pltpu.SemaphoreType.DMA,
    ],
)
def _sc_aggregate(xq_hbm, ei_hbm, out_hbm,
                  acc_lo, acc_hi, sblk, dblk, rows, flo,
                  g0, g1, slo, sh0, sh1, is0, is1, id0, id1):
    gsems = (g0, g1)
    shsems = (sh0, sh1)
    isems = (is0, is1)
    idsems = (id0, id1)
    accs = (acc_lo, acc_hi)
    c = lax.axis_index("c")
    s = lax.axis_index("s")
    w = c * NS + s
    src_hbm = ei_hbm.at[0]
    dst_hbm = ei_hbm.at[1]

    pltpu.async_copy(src_hbm.at[w, 0], sblk.at[0], isems[0])
    pltpu.async_copy(dst_hbm.at[w, 0], dblk.at[0], idsems[0])

    zv = jnp.zeros((16,), jnp.float32)
    for i in range(ZR):
        for jj in range(DW // 16):
            flo[i, pl.ds(jj * 16, 16)] = zv

    zbase = s * RPT

    @pl.when(s < NS - 1)
    def _():
        for a in range(2):
            for r in range(15):
                pltpu.async_copy(flo.at[pl.ds(0, ZR)],
                                 accs[a].at[pl.ds(zbase + r * ZR, ZR)],
                                 shsems[a])
            pltpu.async_copy(flo.at[pl.ds(0, 32)],
                             accs[a].at[pl.ds(zbase + 15 * ZR, 32)],
                             shsems[a])
        for a in range(2):
            for r in range(15):
                pltpu.make_async_copy(flo.at[pl.ds(0, ZR)],
                                      accs[a].at[pl.ds(zbase + r * ZR, ZR)],
                                      shsems[a]).wait()
            pltpu.make_async_copy(flo.at[pl.ds(0, 32)],
                                  accs[a].at[pl.ds(zbase + 15 * ZR, 32)],
                                  shsems[a]).wait()

    @pl.when(s == NS - 1)
    def _():
        for a in range(2):
            for r in range(13):
                pltpu.async_copy(flo.at[pl.ds(0, ZR)],
                                 accs[a].at[pl.ds(zbase + r * ZR, ZR)],
                                 shsems[a])
        for a in range(2):
            for r in range(13):
                pltpu.make_async_copy(flo.at[pl.ds(0, ZR)],
                                      accs[a].at[pl.ds(zbase + r * ZR, ZR)],
                                      shsems[a]).wait()

    pltpu.make_async_copy(src_hbm.at[w, 0], sblk.at[0], isems[0]).wait()
    pltpu.make_async_copy(dst_hbm.at[w, 0], dblk.at[0], idsems[0]).wait()

    plsc.subcore_barrier()

    pltpu.async_copy(xq_hbm.at[sblk.at[0, 0]], rows.at[0], gsems[0])

    def _shift_lo(slot):
        @plsc.parallel_loop(0, K, unroll=5)
        def conv_row(rw):
            for g2 in range(DW // 16):
                v = lax.bitcast_convert_type(
                    rows[slot, rw, pl.ds(g2 * 16, 16)], jnp.int32)
                flo[rw, pl.ds(g2 * 16, 16)] = lax.bitcast_convert_type(
                    lax.shift_left(v, 16), jnp.float32)

    def body(g, carry):
        for u in range(4):
            ru, rn = u % 2, (u + 1) % 2
            p, r = u // 2, u % 2
            pp, rr = ((u - 1) % 4) // 2, (u - 1) % 2

            pltpu.make_async_copy(xq_hbm.at[sblk.at[p, r]], rows.at[ru],
                                  gsems[ru]).wait()
            pltpu.async_copy(rows.at[ru], acc_hi.at[dblk.at[p, r]],
                             shsems[ru], add=True)

            if u == 0:
                @pl.when(g >= 1)
                def _():
                    pltpu.make_async_copy(rows.at[rn],
                                          acc_hi.at[dblk.at[1, 1]],
                                          shsems[rn]).wait()
            else:
                pltpu.make_async_copy(rows.at[rn],
                                      acc_hi.at[dblk.at[pp, rr]],
                                      shsems[rn]).wait()

            np_, nr = ((u + 1) // 2) % 2, (u + 1) % 2
            if u == 1:
                blk = 2 * g + 1
                pltpu.make_async_copy(src_hbm.at[w, blk], sblk.at[1],
                                      isems[1]).wait()
                pltpu.make_async_copy(dst_hbm.at[w, blk], dblk.at[1],
                                      idsems[1]).wait()
            if u == 3:
                @pl.when(g < NGRP - 1)
                def _():
                    blk = 2 * g + 2
                    pltpu.make_async_copy(src_hbm.at[w, blk], sblk.at[0],
                                          isems[0]).wait()
                    pltpu.make_async_copy(dst_hbm.at[w, blk], dblk.at[0],
                                          idsems[0]).wait()
                    pltpu.async_copy(xq_hbm.at[sblk.at[0, 0]], rows.at[rn],
                                     gsems[rn])
            else:
                pltpu.async_copy(xq_hbm.at[sblk.at[np_, nr]], rows.at[rn],
                                 gsems[rn])

            if u == 0:
                @pl.when(g >= 1)
                def _():
                    pltpu.make_async_copy(flo, acc_lo.at[dblk.at[1, 1]],
                                          slo).wait()
            else:
                pltpu.make_async_copy(flo, acc_lo.at[dblk.at[pp, rr]],
                                      slo).wait()

            _shift_lo(ru)

            pltpu.async_copy(flo, acc_lo.at[dblk.at[p, r]], slo, add=True)

            if u == 0:
                blk = 2 * g + 1
                pltpu.async_copy(src_hbm.at[w, blk], sblk.at[1], isems[1])
                pltpu.async_copy(dst_hbm.at[w, blk], dblk.at[1], idsems[1])
            if u == 2:
                @pl.when(g < NGRP - 1)
                def _():
                    blk = 2 * g + 2
                    pltpu.async_copy(src_hbm.at[w, blk], sblk.at[0], isems[0])
                    pltpu.async_copy(dst_hbm.at[w, blk], dblk.at[0],
                                     idsems[0])
        return carry

    lax.fori_loop(0, NGRP, body, 0)

    pltpu.make_async_copy(rows.at[1], acc_hi.at[dblk.at[1, 1]],
                          shsems[1]).wait()
    pltpu.make_async_copy(flo, acc_lo.at[dblk.at[1, 1]], slo).wait()

    plsc.subcore_barrier()

    @pl.when(s < NS - 1)
    def _():
        for a in range(2):
            pltpu.sync_copy(accs[a].at[pl.ds(s * RPT, RPT)],
                            out_hbm.at[c, a, pl.ds(s * RPT, RPT)])

    @pl.when(s == NS - 1)
    def _():
        for a in range(2):
            pltpu.sync_copy(accs[a].at[pl.ds((NS - 1) * RPT, RPT_LAST)],
                            out_hbm.at[c, a, pl.ds((NS - 1) * RPT, RPT_LAST)])


BN = 1000


def _tc_body(x_ref, p_ref, w_ref, b_ref, o_ref):
    lo = p_ref[0, 0] + p_ref[1, 0]
    hi = p_ref[0, 1] + p_ref[1, 1]
    h = x_ref[...] + jnp.concatenate([lo, hi], axis=1)
    o_ref[...] = lax.dot_general(
        h, w_ref[...], (((1,), (1,)), ((), ())),
        preferred_element_type=jnp.float32) + b_ref[...]


def _tc_combine(x, parts, W, b2):
    return pl.pallas_call(
        _tc_body,
        grid=(N // BN,),
        in_specs=[
            pl.BlockSpec((BN, D), lambda i: (i, 0)),
            pl.BlockSpec((NC, 2, BN, DW), lambda i: (0, 0, i, 0)),
            pl.BlockSpec((D, D), lambda i: (0, 0)),
            pl.BlockSpec((1, D), lambda i: (0, 0)),
        ],
        out_specs=pl.BlockSpec((BN, D), lambda i: (i, 0)),
        out_shape=jax.ShapeDtypeStruct((N, D), jnp.float32),
    )(x, parts, W, b2)


def kernel(x, edge_index, W, b):
    ei = edge_index.astype(jnp.int32).reshape(2, NW, NBLK, BLK, K)
    xq = x.astype(jnp.bfloat16)
    xi = jnp.stack([xq[:, :DW], xq[:, DW:]], axis=-1)
    xqf = lax.bitcast_convert_type(
        lax.bitcast_convert_type(xi, jnp.int32), jnp.float32)
    parts = _sc_aggregate(xqf, ei)
    return _tc_combine(x, parts, W, b.reshape(1, D))

# --- scband reference (transcript-rebuilt; emitter-appended) ---
"""Pipeline reference for scband-ginconv-19619410608393 (READ-ONLY COPY).

The authoritative reference and input builder live on the scoring server;
editing this copy changes nothing except your own understanding.
"""

import jax, jax.numpy as jnp
import numpy as np

N_NODES = 10000
N_EDGES = 320000
D_IN = 128
D_OUT = 128

def setup_inputs(seed: int = 0) -> dict:
    key = jax.random.key(seed)
    k_x, k_ei, k_w, k_b = jax.random.split(key, 4)
    x = jax.random.normal(k_x, (N_NODES, D_IN), dtype=jnp.float32)
    edge_index = jax.random.randint(k_ei, (2, N_EDGES), 0, N_NODES, dtype=jnp.int64)
    # nn.Linear(input_dim, output_dim): weight [out, in], bias [out]
    bound = 1.0 / np.sqrt(D_IN)
    W = jax.random.uniform(k_w, (D_OUT, D_IN), dtype=jnp.float32, minval=-bound, maxval=bound)
    b = jax.random.uniform(k_b, (D_OUT,), dtype=jnp.float32, minval=-bound, maxval=bound)
    return {"x": x, "edge_index": edge_index, "W": W, "b": b}

def reference(x, edge_index, W, b):
    # PyG GINConv with default eps=0.0 (train_eps=False):
    #   out = nn((1 + eps) * x_i + sum_{j in N(i)} x_j)
    # edge_index[0] = source nodes, edge_index[1] = target nodes.
    src = edge_index[0]
    dst = edge_index[1]
    messages = jnp.take(x, src, axis=0)                      # gather [E, D]
    agg = jnp.zeros_like(x).at[dst].add(messages)            # scatter-add into dst
    h = (1.0 + 0.0) * x + agg
    out = h @ W.T + b                                        # linear
    return out

if __name__ == "__main__":
    import jax
    _d = setup_inputs()
    print(jax.jit(kernel)(*tuple(_d.values())))

</pallas_src>

<mosaic_0001>
#map = affine_map<(d0, d1) -> (0, 0)>
#map1 = affine_map<(d0, d1) -> (0, 0, 0, 0, 0)>
#map2 = affine_map<(d0, d1) -> (0, 0, 0, 0)>
module attributes {stable_mosaic.version = 14 : i64} {
  func.func @_sc_aggregate(%arg0: i32, %arg1: i32, %arg2: memref<10000x64xf32, #tpu.memory_space<hbm>>, %arg3: memref<2x32x40x2x125xi32, #tpu.memory_space<hbm>>, %arg4: memref<2x2x10000x64xf32, #tpu.memory_space<hbm>>, %arg5: memref<10000x64xf32, #tpu.memory_space<vmem_shared>>, %arg6: memref<10000x64xf32, #tpu.memory_space<vmem_shared>>, %arg7: memref<2x2x125xi32, #tpu.memory_space<vmem>>, %arg8: memref<2x2x125xi32, #tpu.memory_space<vmem>>, %arg9: memref<2x125x64xf32, #tpu.memory_space<vmem>>, %arg10: memref<125x64xf32, #tpu.memory_space<vmem>>, %arg11: memref<!tpu.dma_semaphore, #tpu.memory_space<semaphore_mem>>, %arg12: memref<!tpu.dma_semaphore, #tpu.memory_space<semaphore_mem>>, %arg13: memref<!tpu.dma_semaphore, #tpu.memory_space<semaphore_mem>>, %arg14: memref<!tpu.dma_semaphore, #tpu.memory_space<semaphore_mem>>, %arg15: memref<!tpu.dma_semaphore, #tpu.memory_space<semaphore_mem>>, %arg16: memref<!tpu.dma_semaphore, #tpu.memory_space<semaphore_mem>>, %arg17: memref<!tpu.dma_semaphore, #tpu.memory_space<semaphore_mem>>, %arg18: memref<!tpu.dma_semaphore, #tpu.memory_space<semaphore_mem>>, %arg19: memref<!tpu.dma_semaphore, #tpu.memory_space<semaphore_mem>>) attributes {dimension_semantics = [#tpu.dimension_semantics<core_parallel>, #tpu.dimension_semantics<subcore_parallel>], iteration_bounds = array<i64: 2, 16>, scalar_prefetch = 0 : i64, scratch_operands = 15 : i64, tpu.core_type = #tpu.core_type<sc_vector_subcore>, window_params = [{transform_indices = #map}, {transform_indices = #map1}, {transform_indices = #map2}]} {
    %mul3A = arith.constant 16 : i32
    %mul3A_0 = arith.muli %arg0, %mul3A : i32
    %add3A = arith.addi %mul3A_0, %arg1 : i32
    %dma_start3A = arith.constant 0 : i32
    %dma_start3A_1 = arith.constant 0 : i32
    %dma_start3A_2 = arith.constant 0 : i32
    %dma_start3A_3 = arith.constant 0 : i32
    %dma_start3A_4 = arith.constant 0 : i32
    %dma_start3A_5 = tpu.memref_slice %arg7[%dma_start3A_2, %dma_start3A_3, %dma_start3A_4] : memref<2x2x125xi32, #tpu.memory_space<vmem>> -> memref<1x2x125xi32, #tpu.memory_space<vmem>>
    %dma_start3A_6 = tpu.memref_squeeze %dma_start3A_5 : memref<1x2x125xi32, #tpu.memory_space<vmem>> -> memref<2x125xi32, #tpu.memory_space<vmem>>
    %dma_start3A_7 = arith.constant 0 : i32
    %dma_start3A_8 = arith.constant 0 : i32
    %dma_start3A_9 = arith.constant 0 : i32
    %dma_start3A_10 = arith.constant 0 : i32
    %dma_start3A_11 = tpu.memref_slice %arg3[%dma_start3A, %dma_start3A_7, %dma_start3A_8, %dma_start3A_9, %dma_start3A_10] : memref<2x32x40x2x125xi32, #tpu.memory_space<hbm>> -> memref<1x32x40x2x125xi32, #tpu.memory_space<hbm>>
    %dma_start3A_12 = tpu.memref_squeeze %dma_start3A_11 : memref<1x32x40x2x125xi32, #tpu.memory_space<hbm>> -> memref<32x40x2x125xi32, #tpu.memory_space<hbm>>
    %dma_start3A_13 = arith.constant 0 : i32
    %dma_start3A_14 = arith.constant 0 : i32
    %dma_start3A_15 = tpu.memref_slice %dma_start3A_12[%add3A, %dma_start3A_1, %dma_start3A_13, %dma_start3A_14] : memref<32x40x2x125xi32, #tpu.memory_space<hbm>> -> memref<1x1x2x125xi32, #tpu.memory_space<hbm>>
    %dma_start3A_16 = tpu.memref_squeeze %dma_start3A_15 : memref<1x1x2x125xi32, #tpu.memory_space<hbm>> -> memref<2x125xi32, #tpu.memory_space<hbm>>
    %dma_start3A_17 = arith.constant 0 : i32
    %dma_start3A_18 = arith.constant 0 : i32
    %dma_start3A_19 = tpu.memref_slice %arg7[%dma_start3A_2, %dma_start3A_17, %dma_start3A_18] : memref<2x2x125xi32, #tpu.memory_space<vmem>> -> memref<1x2x125xi32, #tpu.memory_space<vmem>>
    %dma_start3A_20 = tpu.memref_squeeze %dma_start3A_19 : memref<1x2x125xi32, #tpu.memory_space<vmem>> -> memref<2x125xi32, #tpu.memory_space<vmem>>
    %dma_start3A_21 = arith.constant 0 : i32
    %dma_start3A_22 = arith.constant 0 : i32
    %dma_start3A_23 = arith.constant 0 : i32
    %dma_start3A_24 = arith.constant 0 : i32
    %dma_start3A_25 = tpu.memref_slice %arg3[%dma_start3A, %dma_start3A_21, %dma_start3A_22, %dma_start3A_23, %dma_start3A_24] : memref<2x32x40x2x125xi32, #tpu.memory_space<hbm>> -> memref<1x32x40x2x125xi32, #tpu.memory_space<hbm>>
    %dma_start3A_26 = tpu.memref_squeeze %dma_start3A_25 : memref<1x32x40x2x125xi32, #tpu.memory_space<hbm>> -> memref<32x40x2x125xi32, #tpu.memory_space<hbm>>
    %dma_start3A_27 = arith.constant 0 : i32
    %dma_start3A_28 = arith.constant 0 : i32
    %dma_start3A_29 = tpu.memref_slice %dma_start3A_26[%add3A, %dma_start3A_1, %dma_start3A_27, %dma_start3A_28] : memref<32x40x2x125xi32, #tpu.memory_space<hbm>> -> memref<1x1x2x125xi32, #tpu.memory_space<hbm>>
    %dma_start3A_30 = tpu.memref_squeeze %dma_start3A_29 : memref<1x1x2x125xi32, #tpu.memory_space<hbm>> -> memref<2x125xi32, #tpu.memory_space<hbm>>
    tpu.enqueue_dma source(%dma_start3A_30 : memref<2x125xi32, #tpu.memory_space<hbm>>) target(%dma_start3A_20 : memref<2x125xi32, #tpu.memory_space<vmem>>) target_semaphore(%arg16 : memref<!tpu.dma_semaphore, #tpu.memory_space<semaphore_mem>>)
    %dma_start3A_31 = arith.constant 1 : i32
    %dma_start3A_32 = arith.constant 0 : i32
    %dma_start3A_33 = arith.constant 0 : i32
    %dma_start3A_34 = arith.constant 0 : i32
    %dma_start3A_35 = arith.constant 0 : i32
    %dma_start3A_36 = tpu.memref_slice %arg8[%dma_start3A_33, %dma_start3A_34, %dma_start3A_35] : memref<2x2x125xi32, #tpu.memory_space<vmem>> -> memref<1x2x125xi32, #tpu.memory_space<vmem>>
    %dma_start3A_37 = tpu.memref_squeeze %dma_start3A_36 : memref<1x2x125xi32, #tpu.memory_space<vmem>> -> memref<2x125xi32, #tpu.memory_space<vmem>>
    %dma_start3A_38 = arith.constant 0 : i32
    %dma_start3A_39 = arith.constant 0 : i32
    %dma_start3A_40 = arith.constant 0 : i32
    %dma_start3A_41 = arith.constant 0 : i32
    %dma_start3A_42 = tpu.memref_slice %arg3[%dma_start3A_31, %dma_start3A_38, %dma_start3A_39, %dma_start3A_40, %dma_start3A_41] : memref<2x32x40x2x125xi32, #tpu.memory_space<hbm>> -> memref<1x32x40x2x125xi32, #tpu.memory_space<hbm>>
    %dma_start3A_43 = tpu.memref_squeeze %dma_start3A_42 : memref<1x32x40x2x125xi32, #tpu.memory_space<hbm>> -> memref<32x40x2x125xi32, #tpu.memory_space<hbm>>
    %dma_start3A_44 = arith.constant 0 : i32
    %dma_start3A_45 = arith.constant 0 : i32
    %dma_start3A_46 = tpu.memref_slice %dma_start3A_43[%add3A, %dma_start3A_32, %dma_start3A_44, %dma_start3A_45] : memref<32x40x2x125xi32, #tpu.memory_space<hbm>> -> memref<1x1x2x125xi32, #tpu.memory_space<hbm>>
    %dma_start3A_47 = tpu.memref_squeeze %dma_start3A_46 : memref<1x1x2x125xi32, #tpu.memory_space<hbm>> -> memref<2x125xi32, #tpu.memory_space<hbm>>
    %dma_start3A_48 = arith.constant 0 : i32
    %dma_start3A_49 = arith.constant 0 : i32
    %dma_start3A_50 = tpu.memref_slice %arg8[%dma_start3A_33, %dma_start3A_48, %dma_start3A_49] : memref<2x2x125xi32, #tpu.memory_space<vmem>> -> memref<1x2x125xi32, #tpu.memory_space<vmem>>
    %dma_start3A_51 = tpu.memref_squeeze %dma_start3A_50 : memref<1x2x125xi32, #tpu.memory_space<vmem>> -> memref<2x125xi32, #tpu.memory_space<vmem>>
    %dma_start3A_52 = arith.constant 0 : i32
    %dma_start3A_53 = arith.constant 0 : i32
    %dma_start3A_54 = arith.constant 0 : i32
    %dma_start3A_55 = arith.constant 0 : i32
    %dma_start3A_56 = tpu.memref_slice %arg3[%dma_start3A_31, %dma_start3A_52, %dma_start3A_53, %dma_start3A_54, %dma_start3A_55] : memref<2x32x40x2x125xi32, #tpu.memory_space<hbm>> -> memref<1x32x40x2x125xi32, #tpu.memory_space<hbm>>
    %dma_start3A_57 = tpu.memref_squeeze %dma_start3A_56 : memref<1x32x40x2x125xi32, #tpu.memory_space<hbm>> -> memref<32x40x2x125xi32, #tpu.memory_space<hbm>>
    %dma_start3A_58 = arith.constant 0 : i32
    %dma_start3A_59 = arith.constant 0 : i32
    %dma_start3A_60 = tpu.memref_slice %dma_start3A_57[%add3A, %dma_start3A_32, %dma_start3A_58, %dma_start3A_59] : memref<32x40x2x125xi32, #tpu.memory_space<hbm>> -> memref<1x1x2x125xi32, #tpu.memory_space<hbm>>
    %dma_start3A_61 = tpu.memref_squeeze %dma_start3A_60 : memref<1x1x2x125xi32, #tpu.memory_space<hbm>> -> memref<2x125xi32, #tpu.memory_space<hbm>>
    tpu.enqueue_dma source(%dma_start3A_61 : memref<2x125xi32, #tpu.memory_space<hbm>>) target(%dma_start3A_51 : memref<2x125xi32, #tpu.memory_space<vmem>>) target_semaphore(%arg18 : memref<!tpu.dma_semaphore, #tpu.memory_space<semaphore_mem>>)
    %broadcast_in_dim3A = arith.constant 0.000000e+00 : f32
    %broadcast_in_dim3A_62 = vector.broadcast %broadcast_in_dim3A : f32 to vector<16xf32>
    %swap3A = arith.constant 0 : i32
    %swap3A_63 = arith.index_cast %swap3A : i32 to index
    %swap3A_64 = arith.constant 0 : index
    %swap3A_65 = tpu.vector_load %arg10[%swap3A_63, %swap3A_64] {strides = array<i32>} : memref<125x64xf32, #tpu.memory_space<vmem>>, vector<1x16xf32>,
    %swap3A_66 = vector.shape_cast %swap3A_65 : vector<1x16xf32> to vector<16xf32>
    %swap3A_67 = vector.shape_cast %broadcast_in_dim3A_62 : vector<16xf32> to vector<1x16xf32>
    tpu.vector_store %arg10[%swap3A_63, %swap3A_64], %swap3A_67 {strides = array<i32>} : memref<125x64xf32, #tpu.memory_space<vmem>>, vector<1x16xf32>,
    %swap3A_68 = arith.constant 0 : i32
    %swap3A_69 = arith.index_cast %swap3A_68 : i32 to index
    %swap3A_70 = arith.constant 16 : index
    %swap3A_71 = tpu.vector_load %arg10[%swap3A_69, %swap3A_70] {strides = array<i32>} : memref<125x64xf32, #tpu.memory_space<vmem>>, vector<1x16xf32>,
    %swap3A_72 = vector.shape_cast %swap3A_71 : vector<1x16xf32> to vector<16xf32>
    %swap3A_73 = vector.shape_cast %broadcast_in_dim3A_62 : vector<16xf32> to vector<1x16xf32>
    tpu.vector_store %arg10[%swap3A_69, %swap3A_70], %swap3A_73 {strides = array<i32>} : memref<125x64xf32, #tpu.memory_space<vmem>>, vector<1x16xf32>,
    %swap3A_74 = arith.constant 0 : i32
    %swap3A_75 = arith.index_cast %swap3A_74 : i32 to index
    %swap3A_76 = arith.constant 32 : index
    %swap3A_77 = tpu.vector_load %arg10[%swap3A_75, %swap3A_76] {strides = array<i32>} : memref<125x64xf32, #tpu.memory_space<vmem>>, vector<1x16xf32>,
    %swap3A_78 = vector.shape_cast %swap3A_77 : vector<1x16xf32> to vector<16xf32>
    %swap3A_79 = vector.shape_cast %broadcast_in_dim3A_62 : vector<16xf32> to vector<1x16xf32>
    tpu.vector_store %arg10[%swap3A_75, %swap3A_76], %swap3A_79 {strides = array<i32>} : memref<125x64xf32, #tpu.memory_space<vmem>>, vector<1x16xf32>,
    %swap3A_80 = arith.constant 0 : i32
    %swap3A_81 = arith.index_cast %swap3A_80 : i32 to index
    %swap3A_82 = arith.constant 48 : index
    %swap3A_83 = tpu.vector_load %arg10[%swap3A_81, %swap3A_82] {strides = array<i32>} : memref<125x64xf32, #tpu.memory_space<vmem>>, vector<1x16xf32>,
    %swap3A_84 = vector.shape_cast %swap3A_83 : vector<1x16xf32> to vector<16xf32>
    %swap3A_85 = vector.shape_cast %broadcast_in_dim3A_62 : vector<16xf32> to vector<1x16xf32>
    tpu.vector_store %arg10[%swap3A_81, %swap3A_82], %swap3A_85 {strides = array<i32>} : memref<125x64xf32, #tpu.memory_space<vmem>>, vector<1x16xf32>,
    %swap3A_86 = arith.constant 1 : i32
    %swap3A_87 = arith.index_cast %swap3A_86 : i32 to index
    %swap3A_88 = arith.constant 0 : index
    %swap3A_89 = tpu.vector_load %arg10[%swap3A_87, %swap3A_88] {strides = array<i32>} : memref<125x64xf32, #tpu.memory_space<vmem>>, vector<1x16xf32>,
    %swap3A_90 = vector.shape_cast %swap3A_89 : vector<1x16xf32> to vector<16xf32>
    %swap3A_91 = vector.shape_cast %broadcast_in_dim3A_62 : vector<16xf32> to vector<1x16xf32>
    tpu.vector_store %arg10[%swap3A_87, %swap3A_88], %swap3A_91 {strides = array<i32>} : memref<125x64xf32, #tpu.memory_space<vmem>>, vector<1x16xf32>,
    %swap3A_92 = arith.constant 1 : i32
    %swap3A_93 = arith.index_cast %swap3A_92 : i32 to index
    %swap3A_94 = arith.constant 16 : index
    %swap3A_95 = tpu.vector_load %arg10[%swap3A_93, %swap3A_94] {strides = array<i32>} : memref<125x64xf32, #tpu.memory_space<vmem>>, vector<1x16xf32>,
    %swap3A_96 = vector.shape_cast %swap3A_95 : vector<1x16xf32> to vector<16xf32>
    %swap3A_97 = vector.shape_cast %broadcast_in_dim3A_62 : vector<16xf32> to vector<1x16xf32>
    tpu.vector_store %arg10[%swap3A_93, %swap3A_94], %swap3A_97 {strides = array<i32>} : memref<125x64xf32, #tpu.memory_space<vmem>>, vector<1x16xf32>,
    %swap3A_98 = arith.constant 1 : i32
    %swap3A_99 = arith.index_cast %swap3A_98 : i32 to index
    %swap3A_100 = arith.constant 32 : index
    %swap3A_101 = tpu.vector_load %arg10[%swap3A_99, %swap3A_100] {strides = array<i32>} : memref<125x64xf32, #tpu.memory_space<vmem>>, vector<1x16xf32>,
    %swap3A_102 = vector.shape_cast %swap3A_101 : vector<1x16xf32> to vector<16xf32>
    %swap3A_103 = vector.shape_cast %broadcast_in_dim3A_62 : vector<16xf32> to vector<1x16xf32>
    tpu.vector_store %arg10[%swap3A_99, %swap3A_100], %swap3A_103 {strides = array<i32>} : memref<125x64xf32, #tpu.memory_space<vmem>>, vector<1x16xf32>,
    %swap3A_104 = arith.constant 1 : i32
    %swap3A_105 = arith.index_cast %swap3A_104 : i32 to index
    %swap3A_106 = arith.constant 48 : index
    %swap3A_107 = tpu.vector_load %arg10[%swap3A_105, %swap3A_106] {strides = array<i32>} : memref<125x64xf32, #tpu.memory_space<vmem>>, vector<1x16xf32>,
    %swap3A_108 = vector.shape_cast %swap3A_107 : vector<1x16xf32> to vector<16xf32>
    %swap3A_109 = vector.shape_cast %broadcast_in_dim3A_62 : vector<16xf32> to vector<1x16xf32>
    tpu.vector_store %arg10[%swap3A_105, %swap3A_106], %swap3A_109 {strides = array<i32>} : memref<125x64xf32, #tpu.memory_space<vmem>>, vector<1x16xf32>,
    %swap3A_110 = arith.constant 2 : i32
    %swap3A_111 = arith.index_cast %swap3A_110 : i32 to index
    %swap3A_112 = arith.constant 0 : index
    %swap3A_113 = tpu.vector_load %arg10[%swap3A_111, %swap3A_112] {strides = array<i32>} : memref<125x64xf32, #tpu.memory_space<vmem>>, vector<1x16xf32>,
    %swap3A_114 = vector.shape_cast %swap3A_113 : vector<1x16xf32> to vector<16xf32>
    %swap3A_115 = vector.shape_cast %broadcast_in_dim3A_62 : vector<16xf32> to vector<1x16xf32>
    tpu.vector_store %arg10[%swap3A_111, %swap3A_112], %swap3A_115 {strides = array<i32>} : memref<125x64xf32, #tpu.memory_space<vmem>>, vector<1x16xf32>,
    %swap3A_116 = arith.constant 2 : i32
    %swap3A_117 = arith.index_cast %swap3A_116 : i32 to index
    %swap3A_118 = arith.constant 16 : index
    %swap3A_119 = tpu.vector_load %arg10[%swap3A_117, %swap3A_118] {strides = array<i32>} : memref<125x64xf32, #tpu.memory_space<vmem>>, vector<1x16xf32>,
    %swap3A_120 = vector.shape_cast %swap3A_119 : vector<1x16xf32> to vector<16xf32>
    %swap3A_121 = vector.shape_cast %broadcast_in_dim3A_62 : vector<16xf32> to vector<1x16xf32>
    tpu.vector_store %arg10[%swap3A_117, %swap3A_118], %swap3A_121 {strides = array<i32>} : memref<125x64xf32, #tpu.memory_space<vmem>>, vector<1x16xf32>,
    %swap3A_122 = arith.constant 2 : i32
    %swap3A_123 = arith.index_cast %swap3A_122 : i32 to index
    %swap3A_124 = arith.constant 32 : index
    %swap3A_125 = tpu.vector_load %arg10[%swap3A_123, %swap3A_124] {strides = array<i32>} : memref<125x64xf32, #tpu.memory_space<vmem>>, vector<1x16xf32>,
    %swap3A_126 = vector.shape_cast %swap3A_125 : vector<1x16xf32> to vector<16xf32>
    %swap3A_127 = vector.shape_cast %broadcast_in_dim3A_62 : vector<16xf32> to vector<1x16xf32>
    tpu.vector_store %arg10[%swap3A_123, %swap3A_124], %swap3A_127 {strides = array<i32>} : memref<125x64xf32, #tpu.memory_space<vmem>>, vector<1x16xf32>,
    %swap3A_128 = arith.constant 2 : i32
    %swap3A_129 = arith.index_cast %swap3A_128 : i32 to index
    %swap3A_130 = arith.constant 48 : index
    %swap3A_131 = tpu.vector_load %arg10[%swap3A_129, %swap3A_130] {strides = array<i32>} : memref<125x64xf32, #tpu.memory_space<vmem>>, vector<1x16xf32>,
    %swap3A_132 = vector.shape_cast %swap3A_131 : vector<1x16xf32> to vector<16xf32>
    %swap3A_133 = vector.shape_cast %broadcast_in_dim3A_62 : vector<16xf32> to vector<1x16xf32>
    tpu.vector_store %arg10[%swap3A_129, %swap3A_130], %swap3A_133 {strides = array<i32>} : memref<125x64xf32, #tpu.memory_space<vmem>>, vector<1x16xf32>,
    %swap3A_134 = arith.constant 3 : i32
    %swap3A_135 = arith.index_cast %swap3A_134 : i32 to index
    %swap3A_136 = arith.constant 0 : index
    %swap3A_137 = tpu.vector_load %arg10[%swap3A_135, %swap3A_136] {strides = array<i32>} : memref<125x64xf32, #tpu.memory_space<vmem>>, vector<1x16xf32>,
    %swap3A_138 = vector.shape_cast %swap3A_137 : vector<1x16xf32> to vector<16xf32>
    %swap3A_139 = vector.shape_cast %broadcast_in_dim3A_62 : vector<16xf32> to vector<1x16xf32>
    tpu.vector_store %arg10[%swap3A_135, %swap3A_136], %swap3A_139 {strides = array<i32>} : memref<125x64xf32, #tpu.memory_space<vmem>>, vector<1x16xf32>,
    %swap3A_140 = arith.constant 3 : i32
    %swap3A_141 = arith.index_cast %swap3A_140 : i32 to index
    %swap3A_142 = arith.constant 16 : index
    %swap3A_143 = tpu.vector_load %arg10[%swap3A_141, %swap3A_142] {strides = array<i32>} : memref<125x64xf32, #tpu.memory_space<vmem>>, vector<1x16xf32>,
    %swap3A_144 = vector.shape_cast %swap3A_143 : vector<1x16xf32> to vector<16xf32>
    %swap3A_145 = vector.shape_cast %broadcast_in_dim3A_62 : vector<16xf32> to vector<1x16xf32>
    tpu.vector_store %arg10[%swap3A_141, %swap3A_142], %swap3A_145 {strides = array<i32>} : memref<125x64xf32, #tpu.memory_space<vmem>>, vector<1x16xf32>,
    %swap3A_146 = arith.constant 3 : i32
    %swap3A_147 = arith.index_cast %swap3A_146 : i32 to index
    %swap3A_148 = arith.constant 32 : index
    %swap3A_149 = tpu.vector_load %arg10[%swap3A_147, %swap3A_148] {strides = array<i32>} : memref<125x64xf32, #tpu.memory_space<vmem>>, vector<1x16xf32>,
    %swap3A_150 = vector.shape_cast %swap3A_149 : vector<1x16xf32> to vector<16xf32>
    %swap3A_151 = vector.shape_cast %broadcast_in_dim3A_62 : vector<16xf32> to vector<1x16xf32>
    tpu.vector_store %arg10[%swap3A_147, %swap3A_148], %swap3A_151 {strides = array<i32>} : memref<125x64xf32, #tpu.memory_space<vmem>>, vector<1x16xf32>,
    %swap3A_152 = arith.constant 3 : i32
    %swap3A_153 = arith.index_cast %swap3A_152 : i32 to index
    %swap3A_154 = arith.constant 48 : index
    %swap3A_155 = tpu.vector_load %arg10[%swap3A_153, %swap3A_154] {strides = array<i32>} : memref<125x64xf32, #tpu.memory_space<vmem>>, vector<1x16xf32>,
    %swap3A_156 = vector.shape_cast %swap3A_155 : vector<1x16xf32> to vector<16xf32>
    %swap3A_157 = vector.shape_cast %broadcast_in_dim3A_62 : vector<16xf32> to vector<1x16xf32>
    tpu.vector_store %arg10[%swap3A_153, %swap3A_154], %swap3A_157 {strides = array<i32>} : memref<125x64xf32, #tpu.memory_space<vmem>>, vector<1x16xf32>,
    %swap3A_158 = arith.constant 4 : i32
    %swap3A_159 = arith.index_cast %swap3A_158 : i32 to index
    %swap3A_160 = arith.constant 0 : index
    %swap3A_161 = tpu.vector_load %arg10[%swap3A_159, %swap3A_160] {strides = array<i32>} : memref<125x64xf32, #tpu.memory_space<vmem>>, vector<1x16xf32>,
    %swap3A_162 = vector.shape_cast %swap3A_161 : vector<1x16xf32> to vector<16xf32>
    %swap3A_163 = vector.shape_cast %broadcast_in_dim3A_62 : vector<16xf32> to vector<1x16xf32>
    tpu.vector_store %arg10[%swap3A_159, %swap3A_160], %swap3A_163 {strides = array<i32>} : memref<125x64xf32, #tpu.memory_space<vmem>>, vector<1x16xf32>,
    %swap3A_164 = arith.constant 4 : i32
    %swap3A_165 = arith.index_cast %swap3A_164 : i32 to index
    %swap3A_166 = arith.constant 16 : index
    %swap3A_167 = tpu.vector_load %arg10[%swap3A_165, %swap3A_166] {strides = array<i32>} : memref<125x64xf32, #tpu.memory_space<vmem>>, vector<1x16xf32>,
    %swap3A_168 = vector.shape_cast %swap3A_167 : vector<1x16xf32> to vector<16xf32>
    %swap3A_169 = vector.shape_cast %broadcast_in_dim3A_62 : vector<16xf32> to vector<1x16xf32>
    tpu.vector_store %arg10[%swap3A_165, %swap3A_166], %swap3A_169 {strides = array<i32>} : memref<125x64xf32, #tpu.memory_space<vmem>>, vector<1x16xf32>,
    %swap3A_170 = arith.constant 4 : i32
    %swap3A_171 = arith.index_cast %swap3A_170 : i32 to index
    %swap3A_172 = arith.constant 32 : index
    %swap3A_173 = tpu.vector_load %arg10[%swap3A_171, %swap3A_172] {strides = array<i32>} : memref<125x64xf32, #tpu.memory_space<vmem>>, vector<1x16xf32>,
    %swap3A_174 = vector.shape_cast %swap3A_173 : vector<1x16xf32> to vector<16xf32>
    %swap3A_175 = vector.shape_cast %broadcast_in_dim3A_62 : vector<16xf32> to vector<1x16xf32>
    tpu.vector_store %arg10[%swap3A_171, %swap3A_172], %swap3A_175 {strides = array<i32>} : memref<125x64xf32, #tpu.memory_space<vmem>>, vector<1x16xf32>,
    %swap3A_176 = arith.constant 4 : i32
    %swap3A_177 = arith.index_cast %swap3A_176 : i32 to index
    %swap3A_178 = arith.constant 48 : index
    %swap3A_179 = tpu.vector_load %arg10[%swap3A_177, %swap3A_178] {strides = array<i32>} : memref<125x64xf32, #tpu.memory_space<vmem>>, vector<1x16xf32>,
    %swap3A_180 = vector.shape_cast %swap3A_179 : vector<1x16xf32> to vector<16xf32>
    %swap3A_181 = vector.shape_cast %broadcast_in_dim3A_62 : vector<16xf32> to vector<1x16xf32>
    tpu.vector_store %arg10[%swap3A_177, %swap3A_178], %swap3A_181 {strides = array<i32>} : memref<125x64xf32, #tpu.memory_space<vmem>>, vector<1x16xf32>,
    %swap3A_182 = arith.constant 5 : i32
    %swap3A_183 = arith.index_cast %swap3A_182 : i32 to index
    %swap3A_184 = arith.constant 0 : index
    %swap3A_185 = tpu.vector_load %arg10[%swap3A_183, %swap3A_184] {strides = array<i32>} : memref<125x64xf32, #tpu.memory_space<vmem>>, vector<1x16xf32>,
    %swap3A_186 = vector.shape_cast %swap3A_185 : vector<1x16xf32> to vector<16xf32>
    %swap3A_187 = vector.shape_cast %broadcast_in_dim3A_62 : vector<16xf32> to vector<1x16xf32>
    tpu.vector_store %arg10[%swap3A_183, %swap3A_184], %swap3A_187 {strides = array<i32>} : memref<125x64xf32, #tpu.memory_space<vmem>>, vector<1x16xf32>,
    %swap3A_188 = arith.constant 5 : i32
    %swap3A_189 = arith.index_cast %swap3A_188 : i32 to index
    %swap3A_190 = arith.constant 16 : index
    %swap3A_191 = tpu.vector_load %arg10[%swap3A_189, %swap3A_190] {strides = array<i32>} : memref<125x64xf32, #tpu.memory_space<vmem>>, vector<1x16xf32>,
    %swap3A_192 = vector.shape_cast %swap3A_191 : vector<1x16xf32> to vector<16xf32>
    %swap3A_193 = vector.shape_cast %broadcast_in_dim3A_62 : vector<16xf32> to vector<1x16xf32>
    tpu.vector_store %arg10[%swap3A_189, %swap3A_190], %swap3A_193 {strides = array<i32>} : memref<125x64xf32, #tpu.memory_space<vmem>>, vector<1x16xf32>,
    %swap3A_194 = arith.constant 5 : i32
    %swap3A_195 = arith.index_cast %swap3A_194 : i32 to index
    %swap3A_196 = arith.constant 32 : index
    %swap3A_197 = tpu.vector_load %arg10[%swap3A_195, %swap3A_196] {strides = array<i32>} : memref<125x64xf32, #tpu.memory_space<vmem>>, vector<1x16xf32>,
    %swap3A_198 = vector.shape_cast %swap3A_197 : vector<1x16xf32> to vector<16xf32>
    %swap3A_199 = vector.shape_cast %broadcast_in_dim3A_62 : vector<16xf32> to vector<1x16xf32>
    tpu.vector_store %arg10[%swap3A_195, %swap3A_196], %swap3A_199 {strides = array<i32>} : memref<125x64xf32, #tpu.memory_space<vmem>>, vector<1x16xf32>,
    %swap3A_200 = arith.constant 5 : i32
    %swap3A_201 = arith.index_cast %swap3A_200 : i32 to index
    %swap3A_202 = arith.constant 48 : index
    %swap3A_203 = tpu.vector_load %arg10[%swap3A_201, %swap3A_202] {strides = array<i32>} : memref<125x64xf32, #tpu.memory_space<vmem>>, vector<1x16xf32>,
    %swap3A_204 = vector.shape_cast %swap3A_203 : vector<1x16xf32> to vector<16xf32>
    %swap3A_205 = vector.shape_cast %broadcast_in_dim3A_62 : vector<16xf32> to vector<1x16xf32>
    tpu.vector_store %arg10[%swap3A_201, %swap3A_202], %swap3A_205 {strides = array<i32>} : memref<125x64xf32, #tpu.memory_space<vmem>>, vector<1x16xf32>,
    %swap3A_206 = arith.constant 6 : i32
    %swap3A_207 = arith.index_cast %swap3A_206 : i32 to index
    %swap3A_208 = arith.constant 0 : index
    %swap3A_209 = tpu.vector_load %arg10[%swap3A_207, %swap3A_208] {strides = array<i32>} : memref<125x64xf32, #tpu.memory_space<vmem>>, vector<1x16xf32>,
    %swap3A_210 = vector.shape_cast %swap3A_209 : vector<1x16xf32> to vector<16xf32>
    %swap3A_211 = vector.shape_cast %broadcast_in_dim3A_62 : vector<16xf32> to vector<1x16xf32>
    tpu.vector_store %arg10[%swap3A_207, %swap3A_208], %swap3A_211 {strides = array<i32>} : memref<125x64xf32, #tpu.memory_space<vmem>>, vector<1x16xf32>,
    %swap3A_212 = arith.constant 6 : i32
    %swap3A_213 = arith.index_cast %swap3A_212 : i32 to index
    %swap3A_214 = arith.constant 16 : index
    %swap3A_215 = tpu.vector_load %arg10[%swap3A_213, %swap3A_214] {strides = array<i32>} : memref<125x64xf32, #tpu.memory_space<vmem>>, vector<1x16xf32>,
    %swap3A_216 = vector.shape_cast %swap3A_215 : vector<1x16xf32> to vector<16xf32>
    %swap3A_217 = vector.shape_cast %broadcast_in_dim3A_62 : vector<16xf32> to vector<1x16xf32>
    tpu.vector_store %arg10[%swap3A_213, %swap3A_214], %swap3A_217 {strides = array<i32>} : memref<125x64xf32, #tpu.memory_space<vmem>>, vector<1x16xf32>,
    %swap3A_218 = arith.constant 6 : i32
    %swap3A_219 = arith.index_cast %swap3A_218 : i32 to index
    %swap3A_220 = arith.constant 32 : index
    %swap3A_221 = tpu.vector_load %arg10[%swap3A_219, %swap3A_220] {strides = array<i32>} : memref<125x64xf32, #tpu.memory_space<vmem>>, vector<1x16xf32>,
    %swap3A_222 = vector.shape_cast %swap3A_221 : vector<1x16xf32> to vector<16xf32>
    %swap3A_223 = vector.shape_cast %broadcast_in_dim3A_62 : vector<16xf32> to vector<1x16xf32>
    tpu.vector_store %arg10[%swap3A_219, %swap3A_220], %swap3A_223 {strides = array<i32>} : memref<125x64xf32, #tpu.memory_space<vmem>>, vector<1x16xf32>,
    %swap3A_224 = arith.constant 6 : i32
    %swap3A_225 = arith.index_cast %swap3A_224 : i32 to index
    %swap3A_226 = arith.constant 48 : index
    %swap3A_227 = tpu.vector_load %arg10[%swap3A_225, %swap3A_226] {strides = array<i32>} : memref<125x64xf32, #tpu.memory_space<vmem>>, vector<1x16xf32>,
    %swap3A_228 = vector.shape_cast %swap3A_227 : vector<1x16xf32> to vector<16xf32>
    %swap3A_229 = vector.shape_cast %broadcast_in_dim3A_62 : vector<16xf32> to vector<1x16xf32>
    tpu.vector_store %arg10[%swap3A_225, %swap3A_226], %swap3A_229 {strides = array<i32>} : memref<125x64xf32, #tpu.memory_space<vmem>>, vector<1x16xf32>,
    %swap3A_230 = arith.constant 7 : i32
    %swap3A_231 = arith.index_cast %swap3A_230 : i32 to index
    %swap3A_232 = arith.constant 0 : index
    %swap3A_233 = tpu.vector_load %arg10[%swap3A_231, %swap3A_232] {strides = array<i32>} : memref<125x64xf32, #tpu.memory_space<vmem>>, vector<1x16xf32>,
    %swap3A_234 = vector.shape_cast %swap3A_233 : vector<1x16xf32> to vector<16xf32>
    %swap3A_235 = vector.shape_cast %broadcast_in_dim3A_62 : vector<16xf32> to vector<1x16xf32>
    tpu.vector_store %arg10[%swap3A_231, %swap3A_232], %swap3A_235 {strides = array<i32>} : memref<125x64xf32, #tpu.memory_space<vmem>>, vector<1x16xf32>,
    %swap3A_236 = arith.constant 7 : i32
    %swap3A_237 = arith.index_cast %swap3A_236 : i32 to index
    %swap3A_238 = arith.constant 16 : index
    %swap3A_239 = tpu.vector_load %arg10[%swap3A_237, %swap3A_238] {strides = array<i32>} : memref<125x64xf32, #tpu.memory_space<vmem>>, vector<1x16xf32>,
    %swap3A_240 = vector.shape_cast %swap3A_239 : vector<1x16xf32> to vector<16xf32>
    %swap3A_241 = vector.shape_cast %broadcast_in_dim3A_62 : vector<16xf32> to vector<1x16xf32>
    tpu.vector_store %arg10[%swap3A_237, %swap3A_238], %swap3A_241 {strides = array<i32>} : memref<125x64xf32, #tpu.memory_space<vmem>>, vector<1x16xf32>,
    %swap3A_242 = arith.constant 7 : i32
    %swap3A_243 = arith.index_cast %swap3A_242 : i32 to index
    %swap3A_244 = arith.constant 32 : index
    %swap3A_245 = tpu.vector_load %arg10[%swap3A_243, %swap3A_244] {strides = array<i32>} : memref<125x64xf32, #tpu.memory_space<vmem>>, vector<1x16xf32>,
    %swap3A_246 = vector.shape_cast %swap3A_245 : vector<1x16xf32> to vector<16xf32>
    %swap3A_247 = vector.shape_cast %broadcast_in_dim3A_62 : vector<16xf32> to vector<1x16xf32>
    tpu.vector_store %arg10[%swap3A_243, %swap3A_244], %swap3A_247 {strides = array<i32>} : memref<125x64xf32, #tpu.memory_space<vmem>>, vector<1x16xf32>,
    %swap3A_248 = arith.constant 7 : i32
    %swap3A_249 = arith.index_cast %swap3A_248 : i32 to index
    %swap3A_250 = arith.constant 48 : index
    %swap3A_251 = tpu.vector_load %arg10[%swap3A_249, %swap3A_250] {strides = array<i32>} : memref<125x64xf32, #tpu.memory_space<vmem>>, vector<1x16xf32>,
    %swap3A_252 = vector.shape_cast %swap3A_251 : vector<1x16xf32> to vector<16xf32>
    %swap3A_253 = vector.shape_cast %broadcast_in_dim3A_62 : vector<16xf32> to vector<1x16xf32>
    tpu.vector_store %arg10[%swap3A_249, %swap3A_250], %swap3A_253 {strides = array<i32>} : memref<125x64xf32, #tpu.memory_space<vmem>>, vector<1x16xf32>,
    %swap3A_254 = arith.constant 8 : i32
    %swap3A_255 = arith.index_cast %swap3A_254 : i32 to index
    %swap3A_256 = arith.constant 0 : index
    %swap3A_257 = tpu.vector_load %arg10[%swap3A_255, %swap3A_256] {strides = array<i32>} : memref<125x64xf32, #tpu.memory_space<vmem>>, vector<1x16xf32>,
    %swap3A_258 = vector.shape_cast %swap3A_257 : vector<1x16xf32> to vector<16xf32>
    %swap3A_259 = vector.shape_cast %broadcast_in_dim3A_62 : vector<16xf32> to vector<1x16xf32>
    tpu.vector_store %arg10[%swap3A_255, %swap3A_256], %swap3A_259 {strides = array<i32>} : memref<125x64xf32, #tpu.memory_space<vmem>>, vector<1x16xf32>,
    %swap3A_260 = arith.constant 8 : i32
    %swap3A_261 = arith.index_cast %swap3A_260 : i32 to index
    %swap3A_262 = arith.constant 16 : index
    %swap3A_263 = tpu.vector_load %arg10[%swap3A_261, %swap3A_262] {strides = array<i32>} : memref<125x64xf32, #tpu.memory_space<vmem>>, vector<1x16xf32>,
    %swap3A_264 = vector.shape_cast %swap3A_263 : vector<1x16xf32> to vector<16xf32>
    %swap3A_265 = vector.shape_cast %broadcast_in_dim3A_62 : vector<16xf32> to vector<1x16xf32>
    tpu.vector_store %arg10[%swap3A_261, %swap3A_262], %swap3A_265 {strides = array<i32>} : memref<125x64xf32, #tpu.memory_space<vmem>>, vector<1x16xf32>,
    %swap3A_266 = arith.constant 8 : i32
    %swap3A_267 = arith.index_cast %swap3A_266 : i32 to index
    %swap3A_268 = arith.constant 32 : index
    %swap3A_269 = tpu.vector_load %arg10[%swap3A_267, %swap3A_268] {strides = array<i32>} : memref<125x64xf32, #tpu.memory_space<vmem>>, vector<1x16xf32>,
    %swap3A_270 = vector.shape_cast %swap3A_269 : vector<1x16xf32> to vector<16xf32>
    %swap3A_271 = vector.shape_cast %broadcast_in_dim3A_62 : vector<16xf32> to vector<1x16xf32>
    tpu.vector_store %arg10[%swap3A_267, %swap3A_268], %swap3A_271 {strides = array<i32>} : memref<125x64xf32, #tpu.memory_space<vmem>>, vector<1x16xf32>,
    %swap3A_272 = arith.constant 8 : i32
    %swap3A_273 = arith.index_cast %swap3A_272 : i32 to index
    %swap3A_274 = arith.constant 48 : index
    %swap3A_275 = tpu.vector_load %arg10[%swap3A_273, %swap3A_274] {strides = array<i32>} : memref<125x64xf32, #tpu.memory_space<vmem>>, vector<1x16xf32>,
    %swap3A_276 = vector.shape_cast %swap3A_275 : vector<1x16xf32> to vector<16xf32>
    %swap3A_277 = vector.shape_cast %broadcast_in_dim3A_62 : vector<16xf32> to vector<1x16xf32>
    tpu.vector_store %arg10[%swap3A_273, %swap3A_274], %swap3A_277 {strides = array<i32>} : memref<125x64xf32, #tpu.memory_space<vmem>>, vector<1x16xf32>,
    %swap3A_278 = arith.constant 9 : i32
    %swap3A_279 = arith.index_cast %swap3A_278 : i32 to index
    %swap3A_280 = arith.constant 0 : index
    %swap3A_281 = tpu.vector_load %arg10[%swap3A_279, %swap3A_280] {strides = array<i32>} : memref<125x64xf32, #tpu.memory_space<vmem>>, vector<1x16xf32>,
    %swap3A_282 = vector.shape_cast %swap3A_281 : vector<1x16xf32> to vector<16xf32>
    %swap3A_283 = vector.shape_cast %broadcast_in_dim3A_62 : vector<16xf32> to vector<1x16xf32>
    tpu.vector_store %arg10[%swap3A_279, %swap3A_280], %swap3A_283 {strides = array<i32>} : memref<125x64xf32, #tpu.memory_space<vmem>>, vector<1x16xf32>,
    %swap3A_284 = arith.constant 9 : i32
    %swap3A_285 = arith.index_cast %swap3A_284 : i32 to index
    %swap3A_286 = arith.constant 16 : index
    %swap3A_287 = tpu.vector_load %arg10[%swap3A_285, %swap3A_286] {strides = array<i32>} : memref<125x64xf32, #tpu.memory_space<vmem>>, vector<1x16xf32>,
    %swap3A_288 = vector.shape_cast %swap3A_287 : vector<1x16xf32> to vector<16xf32>
    %swap3A_289 = vector.shape_cast %broadcast_in_dim3A_62 : vector<16xf32> to vector<1x16xf32>
    tpu.vector_store %arg10[%swap3A_285, %swap3A_286], %swap3A_289 {strides = array<i32>} : memref<125x64xf32, #tpu.memory_space<vmem>>, vector<1x16xf32>,
    %swap3A_290 = arith.constant 9 : i32
    %swap3A_291 = arith.index_cast %swap3A_290 : i32 to index
    %swap3A_292 = arith.constant 32 : index
    %swap3A_293 = tpu.vector_load %arg10[%swap3A_291, %swap3A_292] {strides = array<i32>} : memref<125x64xf32, #tpu.memory_space<vmem>>, vector<1x16xf32>,
    %swap3A_294 = vector.shape_cast %swap3A_293 : vector<1x16xf32> to vector<16xf32>
    %swap3A_295 = vector.shape_cast %broadcast_in_dim3A_62 : vector<16xf32> to vector<1x16xf32>
    tpu.vector_store %arg10[%swap3A_291, %swap3A_292], %swap3A_295 {strides = array<i32>} : memref<125x64xf32, #tpu.memory_space<vmem>>, vector<1x16xf32>,
    %swap3A_296 = arith.constant 9 : i32
    %swap3A_297 = arith.index_cast %swap3A_296 : i32 to index
    %swap3A_298 = arith.constant 48 : index
    %swap3A_299 = tpu.vector_load %arg10[%swap3A_297, %swap3A_298] {strides = array<i32>} : memref<125x64xf32, #tpu.memory_space<vmem>>, vector<1x16xf32>,
    %swap3A_300 = vector.shape_cast %swap3A_299 : vector<1x16xf32> to vector<16xf32>
    %swap3A_301 = vector.shape_cast %broadcast_in_dim3A_62 : vector<16xf32> to vector<1x16xf32>
    tpu.vector_store %arg10[%swap3A_297, %swap3A_298], %swap3A_301 {strides = array<i32>} : memref<125x64xf32, #tpu.memory_space<vmem>>, vector<1x16xf32>,
    %swap3A_302 = arith.constant 10 : i32
    %swap3A_303 = arith.index_cast %swap3A_302 : i32 to index
    %swap3A_304 = arith.constant 0 : index
    %swap3A_305 = tpu.vector_load %arg10[%swap3A_303, %swap3A_304] {strides = array<i32>} : memref<125x64xf32, #tpu.memory_space<vmem>>, vector<1x16xf32>,
    %swap3A_306 = vector.shape_cast %swap3A_305 : vector<1x16xf32> to vector<16xf32>
    %swap3A_307 = vector.shape_cast %broadcast_in_dim3A_62 : vector<16xf32> to vector<1x16xf32>
    tpu.vector_store %arg10[%swap3A_303, %swap3A_304], %swap3A_307 {strides = array<i32>} : memref<125x64xf32, #tpu.memory_space<vmem>>, vector<1x16xf32>,
    %swap3A_308 = arith.constant 10 : i32
    %swap3A_309 = arith.index_cast %swap3A_308 : i32 to index
    %swap3A_310 = arith.constant 16 : index
    %swap3A_311 = tpu.vector_load %arg10[%swap3A_309, %swap3A_310] {strides = array<i32>} : memref<125x64xf32, #tpu.memory_space<vmem>>, vector<1x16xf32>,
    %swap3A_312 = vector.shape_cast %swap3A_311 : vector<1x16xf32> to vector<16xf32>
    %swap3A_313 = vector.shape_cast %broadcast_in_dim3A_62 : vector<16xf32> to vector<1x16xf32>
    tpu.vector_store %arg10[%swap3A_309, %swap3A_310], %swap3A_313 {strides = array<i32>} : memref<125x64xf32, #tpu.memory_space<vmem>>, vector<1x16xf32>,
    %swap3A_314 = arith.constant 10 : i32
    %swap3A_315 = arith.index_cast %swap3A_314 : i32 to index
    %swap3A_316 = arith.constant 32 : index
    %swap3A_317 = tpu.vector_load %arg10[%swap3A_315, %swap3A_316] {strides = array<i32>} : memref<125x64xf32, #tpu.memory_space<vmem>>, vector<1x16xf32>,
    %swap3A_318 = vector.shape_cast %swap3A_317 : vector<1x16xf32> to vector<16xf32>
    %swap3A_319 = vector.shape_cast %broadcast_in_dim3A_62 : vector<16xf32> to vector<1x16xf32>
    tpu.vector_store %arg10[%swap3A_315, %swap3A_316], %swap3A_319 {strides = array<i32>} : memref<125x64xf32, #tpu.memory_space<vmem>>, vector<1x16xf32>,
    %swap3A_320 = arith.constant 10 : i32
    %swap3A_321 = arith.index_cast %swap3A_320 : i32 to index
    %swap3A_322 = arith.constant 48 : index
    %swap3A_323 = tpu.vector_load %arg10[%swap3A_321, %swap3A_322] {strides = array<i32>} : memref<125x64xf32, #tpu.memory_space<vmem>>, vector<1x16xf32>,
    %swap3A_324 = vector.shape_cast %swap3A_323 : vector<1x16xf32> to vector<16xf32>
    %swap3A_325 = vector.shape_cast %broadcast_in_dim3A_62 : vector<16xf32> to vector<1x16xf32>
    tpu.vector_store %arg10[%swap3A_321, %swap3A_322], %swap3A_325 {strides = array<i32>} : memref<125x64xf32, #tpu.memory_space<vmem>>, vector<1x16xf32>,
    %swap3A_326 = arith.constant 11 : i32
    %swap3A_327 = arith.index_cast %swap3A_326 : i32 to index
    %swap3A_328 = arith.constant 0 : index
    %swap3A_329 = tpu.vector_load %arg10[%swap3A_327, %swap3A_328] {strides = array<i32>} : memref<125x64xf32, #tpu.memory_space<vmem>>, vector<1x16xf32>,
    %swap3A_330 = vector.shape_cast %swap3A_329 : vector<1x16xf32> to vector<16xf32>
    %swap3A_331 = vector.shape_cast %broadcast_in_dim3A_62 : vector<16xf32> to vector<1x16xf32>
    tpu.vector_store %arg10[%swap3A_327, %swap3A_328], %swap3A_331 {strides = array<i32>} : memref<125x64xf32, #tpu.memory_space<vmem>>, vector<1x16xf32>,
    %swap3A_332 = arith.constant 11 : i32
    %swap3A_333 = arith.index_cast %swap3A_332 : i32 to index
    %swap3A_334 = arith.constant 16 : index
    %swap3A_335 = tpu.vector_load %arg10[%swap3A_333, %swap3A_334] {strides = array<i32>} : memref<125x64xf32, #tpu.memory_space<vmem>>, vector<1x16xf32>,
    %swap3A_336 = vector.shape_cast %swap3A_335 : vector<1x16xf32> to vector<16xf32>
    %swap3A_337 = vector.shape_cast %broadcast_in_dim3A_62 : vector<16xf32> to vector<1x16xf32>
    tpu.vector_store %arg10[%swap3A_333, %swap3A_334], %swap3A_337 {strides = array<i32>} : memref<125x64xf32, #tpu.memory_space<vmem>>, vector<1x16xf32>,
    %swap3A_338 = arith.constant 11 : i32
    %swap3A_339 = arith.index_cast %swap3A_338 : i32 to index
    %swap3A_340 = arith.constant 32 : index
    %swap3A_341 = tpu.vector_load %arg10[%swap3A_339, %swap3A_340] {strides = array<i32>} : memref<125x64xf32, #tpu.memory_space<vmem>>, vector<1x16xf32>,
    %swap3A_342 = vector.shape_cast %swap3A_341 : vector<1x16xf32> to vector<16xf32>
    %swap3A_343 = vector.shape_cast %broadcast_in_dim3A_62 : vector<16xf32> to vector<1x16xf32>
    tpu.vector_store %arg10[%swap3A_339, %swap3A_340], %swap3A_343 {strides = array<i32>} : memref<125x64xf32, #tpu.memory_space<vmem>>, vector<1x16xf32>,
    %swap3A_344 = arith.constant 11 : i32
    %swap3A_345 = arith.index_cast %swap3A_344 : i32 to index
    %swap3A_346 = arith.constant 48 : index
    %swap3A_347 = tpu.vector_load %arg10[%swap3A_345, %swap3A_346] {strides = array<i32>} : memref<125x64xf32, #tpu.memory_space<vmem>>, vector<1x16xf32>,
    %swap3A_348 = vector.shape_cast %swap3A_347 : vector<1x16xf32> to vector<16xf32>
    %swap3A_349 = vector.shape_cast %broadcast_in_dim3A_62 : vector<16xf32> to vector<1x16xf32>
    tpu.vector_store %arg10[%swap3A_345, %swap3A_346], %swap3A_349 {strides = array<i32>} : memref<125x64xf32, #tpu.memory_space<vmem>>, vector<1x16xf32>,
    %swap3A_350 = arith.constant 12 : i32
    %swap3A_351 = arith.index_cast %swap3A_350 : i32 to index
    %swap3A_352 = arith.constant 0 : index
    %swap3A_353 = tpu.vector_load %arg10[%swap3A_351, %swap3A_352] {strides = array<i32>} : memref<125x64xf32, #tpu.memory_space<vmem>>, vector<1x16xf32>,
    %swap3A_354 = vector.shape_cast %swap3A_353 : vector<1x16xf32> to vector<16xf32>
    %swap3A_355 = vector.shape_cast %broadcast_in_dim3A_62 : vector<16xf32> to vector<1x16xf32>
    tpu.vector_store %arg10[%swap3A_351, %swap3A_352], %swap3A_355 {strides = array<i32>} : memref<125x64xf32, #tpu.memory_space<vmem>>, vector<1x16xf32>,
    %swap3A_356 = arith.constant 12 : i32
    %swap3A_357 = arith.index_cast %swap3A_356 : i32 to index
    %swap3A_358 = arith.constant 16 : index
    %swap3A_359 = tpu.vector_load %arg10[%swap3A_357, %swap3A_358] {strides = array<i32>} : memref<125x64xf32, #tpu.memory_space<vmem>>, vector<1x16xf32>,
    %swap3A_360 = vector.shape_cast %swap3A_359 : vector<1x16xf32> to vector<16xf32>
    %swap3A_361 = vector.shape_cast %broadcast_in_dim3A_62 : vector<16xf32> to vector<1x16xf32>
    tpu.vector_store %arg10[%swap3A_357, %swap3A_358], %swap3A_361 {strides = array<i32>} : memref<125x64xf32, #tpu.memory_space<vmem>>, vector<1x16xf32>,
    %swap3A_362 = arith.constant 12 : i32
    %swap3A_363 = arith.index_cast %swap3A_362 : i32 to index
    %swap3A_364 = arith.constant 32 : index
    %swap3A_365 = tpu.vector_load %arg10[%swap3A_363, %swap3A_364] {strides = array<i32>} : memref<125x64xf32, #tpu.memory_space<vmem>>, vector<1x16xf32>,
    %swap3A_366 = vector.shape_cast %swap3A_365 : vector<1x16xf32> to vector<16xf32>
    %swap3A_367 = vector.shape_cast %broadcast_in_dim3A_62 : vector<16xf32> to vector<1x16xf32>
    tpu.vector_store %arg10[%swap3A_363, %swap3A_364], %swap3A_367 {strides = array<i32>} : memref<125x64xf32, #tpu.memory_space<vmem>>, vector<1x16xf32>,
    %swap3A_368 = arith.constant 12 : i32
    %swap3A_369 = arith.index_cast %swap3A_368 : i32 to index
    %swap3A_370 = arith.constant 48 : index
    %swap3A_371 = tpu.vector_load %arg10[%swap3A_369, %swap3A_370] {strides = array<i32>} : memref<125x64xf32, #tpu.memory_space<vmem>>, vector<1x16xf32>,
    %swap3A_372 = vector.shape_cast %swap3A_371 : vector<1x16xf32> to vector<16xf32>
    %swap3A_373 = vector.shape_cast %broadcast_in_dim3A_62 : vector<16xf32> to vector<1x16xf32>
    tpu.vector_store %arg10[%swap3A_369, %swap3A_370], %swap3A_373 {strides = array<i32>} : memref<125x64xf32, #tpu.memory_space<vmem>>, vector<1x16xf32>,
    %swap3A_374 = arith.constant 13 : i32
    %swap3A_375 = arith.index_cast %swap3A_374 : i32 to index
    %swap3A_376 = arith.constant 0 : index
    %swap3A_377 = tpu.vector_load %arg10[%swap3A_375, %swap3A_376] {strides = array<i32>} : memref<125x64xf32, #tpu.memory_space<vmem>>, vector<1x16xf32>,
    %swap3A_378 = vector.shape_cast %swap3A_377 : vector<1x16xf32> to vector<16xf32>
    %swap3A_379 = vector.shape_cast %broadcast_in_dim3A_62 : vector<16xf32> to vector<1x16xf32>
    tpu.vector_store %arg10[%swap3A_375, %swap3A_376], %swap3A_379 {strides = array<i32>} : memref<125x64xf32, #tpu.memory_space<vmem>>, vector<1x16xf32>,
    %swap3A_380 = arith.constant 13 : i32
    %swap3A_381 = arith.index_cast %swap3A_380 : i32 to index
    %swap3A_382 = arith.constant 16 : index
    %swap3A_383 = tpu.vector_load %arg10[%swap3A_381, %swap3A_382] {strides = array<i32>} : memref<125x64xf32, #tpu.memory_space<vmem>>, vector<1x16xf32>,
    %swap3A_384 = vector.shape_cast %swap3A_383 : vector<1x16xf32> to vector<16xf32>
    %swap3A_385 = vector.shape_cast %broadcast_in_dim3A_62 : vector<16xf32> to vector<1x16xf32>
    tpu.vector_store %arg10[%swap3A_381, %swap3A_382], %swap3A_385 {strides = array<i32>} : memref<125x64xf32, #tpu.memory_space<vmem>>, vector<1x16xf32>,
    %swap3A_386 = arith.constant 13 : i32
    %swap3A_387 = arith.index_cast %swap3A_386 : i32 to index
    %swap3A_388 = arith.constant 32 : index
    %swap3A_389 = tpu.vector_load %arg10[%swap3A_387, %swap3A_388] {strides = array<i32>} : memref<125x64xf32, #tpu.memory_space<vmem>>, vector<1x16xf32>,
    %swap3A_390 = vector.shape_cast %swap3A_389 : vector<1x16xf32> to vector<16xf32>
    %swap3A_391 = vector.shape_cast %broadcast_in_dim3A_62 : vector<16xf32> to vector<1x16xf32>
    tpu.vector_store %arg10[%swap3A_387, %swap3A_388], %swap3A_391 {strides = array<i32>} : memref<125x64xf32, #tpu.memory_space<vmem>>, vector<1x16xf32>,
    %swap3A_392 = arith.constant 13 : i32
    %swap3A_393 = arith.index_cast %swap3A_392 : i32 to index
    %swap3A_394 = arith.constant 48 : index
    %swap3A_395 = tpu.vector_load %arg10[%swap3A_393, %swap3A_394] {strides = array<i32>} : memref<125x64xf32, #tpu.memory_space<vmem>>, vector<1x16xf32>,
    %swap3A_396 = vector.shape_cast %swap3A_395 : vector<1x16xf32> to vector<16xf32>
    %swap3A_397 = vector.shape_cast %broadcast_in_dim3A_62 : vector<16xf32> to vector<1x16xf32>
    tpu.vector_store %arg10[%swap3A_393, %swap3A_394], %swap3A_397 {strides = array<i32>} : memref<125x64xf32, #tpu.memory_space<vmem>>, vector<1x16xf32>,
    %swap3A_398 = arith.constant 14 : i32
    %swap3A_399 = arith.index_cast %swap3A_398 : i32 to index
    %swap3A_400 = arith.constant 0 : index
    %swap3A_401 = tpu.vector_load %arg10[%swap3A_399, %swap3A_400] {strides = array<i32>} : memref<125x64xf32, #tpu.memory_space<vmem>>, vector<1x16xf32>,
    %swap3A_402 = vector.shape_cast %swap3A_401 : vector<1x16xf32> to vector<16xf32>
    %swap3A_403 = vector.shape_cast %broadcast_in_dim3A_62 : vector<16xf32> to vector<1x16xf32>
    tpu.vector_store %arg10[%swap3A_399, %swap3A_400], %swap3A_403 {strides = array<i32>} : memref<125x64xf32, #tpu.memory_space<vmem>>, vector<1x16xf32>,
    %swap3A_404 = arith.constant 14 : i32
    %swap3A_405 = arith.index_cast %swap3A_404 : i32 to index
    %swap3A_406 = arith.constant 16 : index
    %swap3A_407 = tpu.vector_load %arg10[%swap3A_405, %swap3A_406] {strides = array<i32>} : memref<125x64xf32, #tpu.memory_space<vmem>>, vector<1x16xf32>,
    %swap3A_408 = vector.shape_cast %swap3A_407 : vector<1x16xf32> to vector<16xf32>
    %swap3A_409 = vector.shape_cast %broadcast_in_dim3A_62 : vector<16xf32> to vector<1x16xf32>
    tpu.vector_store %arg10[%swap3A_405, %swap3A_406], %swap3A_409 {strides = array<i32>} : memref<125x64xf32, #tpu.memory_space<vmem>>, vector<1x16xf32>,
    %swap3A_410 = arith.constant 14 : i32
    %swap3A_411 = arith.index_cast %swap3A_410 : i32 to index
    %swap3A_412 = arith.constant 32 : index
    %swap3A_413 = tpu.vector_load %arg10[%swap3A_411, %swap3A_412] {strides = array<i32>} : memref<125x64xf32, #tpu.memory_space<vmem>>, vector<1x16xf32>,
    %swap3A_414 = vector.shape_cast %swap3A_413 : vector<1x16xf32> to vector<16xf32>
    %swap3A_415 = vector.shape_cast %broadcast_in_dim3A_62 : vector<16xf32> to vector<1x16xf32>
    tpu.vector_store %arg10[%swap3A_411, %swap3A_412], %swap3A_415 {strides = array<i32>} : memref<125x64xf32, #tpu.memory_space<vmem>>, vector<1x16xf32>,
    %swap3A_416 = arith.constant 14 : i32
    %swap3A_417 = arith.index_cast %swap3A_416 : i32 to index
    %swap3A_418 = arith.constant 48 : index
    %swap3A_419 = tpu.vector_load %arg10[%swap3A_417, %swap3A_418] {strides = array<i32>} : memref<125x64xf32, #tpu.memory_space<vmem>>, vector<1x16xf32>,
    %swap3A_420 = vector.shape_cast %swap3A_419 : vector<1x16xf32> to vector<16xf32>
    %swap3A_421 = vector.shape_cast %broadcast_in_dim3A_62 : vector<16xf32> to vector<1x16xf32>
    tpu.vector_store %arg10[%swap3A_417, %swap3A_418], %swap3A_421 {strides = array<i32>} : memref<125x64xf32, #tpu.memory_space<vmem>>, vector<1x16xf32>,
    %swap3A_422 = arith.constant 15 : i32
    %swap3A_423 = arith.index_cast %swap3A_422 : i32 to index
    %swap3A_424 = arith.constant 0 : index
    %swap3A_425 = tpu.vector_load %arg10[%swap3A_423, %swap3A_424] {strides = array<i32>} : memref<125x64xf32, #tpu.memory_space<vmem>>, vector<1x16xf32>,
    %swap3A_426 = vector.shape_cast %swap3A_425 : vector<1x16xf32> to vector<16xf32>
    %swap3A_427 = vector.shape_cast %broadcast_in_dim3A_62 : vector<16xf32> to vector<1x16xf32>
    tpu.vector_store %arg10[%swap3A_423, %swap3A_424], %swap3A_427 {strides = array<i32>} : memref<125x64xf32, #tpu.memory_space<vmem>>, vector<1x16xf32>,
    %swap3A_428 = arith.constant 15 : i32
    %swap3A_429 = arith.index_cast %swap3A_428 : i32 to index
    %swap3A_430 = arith.constant 16 : index
    %swap3A_431 = tpu.vector_load %arg10[%swap3A_429, %swap3A_430] {strides = array<i32>} : memref<125x64xf32, #tpu.memory_space<vmem>>, vector<1x16xf32>,
    %swap3A_432 = vector.shape_cast %swap3A_431 : vector<1x16xf32> to vector<16xf32>
    %swap3A_433 = vector.shape_cast %broadcast_in_dim3A_62 : vector<16xf32> to vector<1x16xf32>
    tpu.vector_store %arg10[%swap3A_429, %swap3A_430], %swap3A_433 {strides = array<i32>} : memref<125x64xf32, #tpu.memory_space<vmem>>, vector<1x16xf32>,
    %swap3A_434 = arith.constant 15 : i32
    %swap3A_435 = arith.index_cast %swap3A_434 : i32 to index
    %swap3A_436 = arith.constant 32 : index
    %swap3A_437 = tpu.vector_load %arg10[%swap3A_435, %swap3A_436] {strides = array<i32>} : memref<125x64xf32, #tpu.memory_space<vmem>>, vector<1x16xf32>,
    %swap3A_438 = vector.shape_cast %swap3A_437 : vector<1x16xf32> to vector<16xf32>
    %swap3A_439 = vector.shape_cast %broadcast_in_dim3A_62 : vector<16xf32> to vector<1x16xf32>
    tpu.vector_store %arg10[%swap3A_435, %swap3A_436], %swap3A_439 {strides = array<i32>} : memref<125x64xf32, #tpu.memory_space<vmem>>, vector<1x16xf32>,
    %swap3A_440 = arith.constant 15 : i32
    %swap3A_441 = arith.index_cast %swap3A_440 : i32 to index
    %swap3A_442 = arith.constant 48 : index
    %swap3A_443 = tpu.vector_load %arg10[%swap3A_441, %swap3A_442] {strides = array<i32>} : memref<125x64xf32, #tpu.memory_space<vmem>>, vector<1x16xf32>,
    %swap3A_444 = vector.shape_cast %swap3A_443 : vector<1x16xf32> to vector<16xf32>
    %swap3A_445 = vector.shape_cast %broadcast_in_dim3A_62 : vector<16xf32> to vector<1x16xf32>
    tpu.vector_store %arg10[%swap3A_441, %swap3A_442], %swap3A_445 {strides = array<i32>} : memref<125x64xf32, #tpu.memory_space<vmem>>, vector<1x16xf32>,
    %swap3A_446 = arith.constant 16 : i32
    %swap3A_447 = arith.index_cast %swap3A_446 : i32 to index
    %swap3A_448 = arith.constant 0 : index
    %swap3A_449 = tpu.vector_load %arg10[%swap3A_447, %swap3A_448] {strides = array<i32>} : memref<125x64xf32, #tpu.memory_space<vmem>>, vector<1x16xf32>,
    %swap3A_450 = vector.shape_cast %swap3A_449 : vector<1x16xf32> to vector<16xf32>
    %swap3A_451 = vector.shape_cast %broadcast_in_dim3A_62 : vector<16xf32> to vector<1x16xf32>
    tpu.vector_store %arg10[%swap3A_447, %swap3A_448], %swap3A_451 {strides = array<i32>} : memref<125x64xf32, #tpu.memory_space<vmem>>, vector<1x16xf32>,
    %swap3A_452 = arith.constant 16 : i32
    %swap3A_453 = arith.index_cast %swap3A_452 : i32 to index
    %swap3A_454 = arith.constant 16 : index
    %swap3A_455 = tpu.vector_load %arg10[%swap3A_453, %swap3A_454] {strides = array<i32>} : memref<125x64xf32, #tpu.memory_space<vmem>>, vector<1x16xf32>,
    %swap3A_456 = vector.shape_cast %swap3A_455 : vector<1x16xf32> to vector<16xf32>
    %swap3A_457 = vector.shape_cast %broadcast_in_dim3A_62 : vector<16xf32> to vector<1x16xf32>
    tpu.vector_store %arg10[%swap3A_453, %swap3A_454], %swap3A_457 {strides = array<i32>} : memref<125x64xf32, #tpu.memory_space<vmem>>, vector<1x16xf32>,
    %swap3A_458 = arith.constant 16 : i32
    %swap3A_459 = arith.index_cast %swap3A_458 : i32 to index
    %swap3A_460 = arith.constant 32 : index
    %swap3A_461 = tpu.vector_load %arg10[%swap3A_459, %swap3A_460] {strides = array<i32>} : memref<125x64xf32, #tpu.memory_space<vmem>>, vector<1x16xf32>,
    %swap3A_462 = vector.shape_cast %swap3A_461 : vector<1x16xf32> to vector<16xf32>
    %swap3A_463 = vector.shape_cast %broadcast_in_dim3A_62 : vector<16xf32> to vector<1x16xf32>
    tpu.vector_store %arg10[%swap3A_459, %swap3A_460], %swap3A_463 {strides = array<i32>} : memref<125x64xf32, #tpu.memory_space<vmem>>, vector<1x16xf32>,
    %swap3A_464 = arith.constant 16 : i32
    %swap3A_465 = arith.index_cast %swap3A_464 : i32 to index
    %swap3A_466 = arith.constant 48 : index
    %swap3A_467 = tpu.vector_load %arg10[%swap3A_465, %swap3A_466] {strides = array<i32>} : memref<125x64xf32, #tpu.memory_space<vmem>>, vector<1x16xf32>,
    %swap3A_468 = vector.shape_cast %swap3A_467 : vector<1x16xf32> to vector<16xf32>
    %swap3A_469 = vector.shape_cast %broadcast_in_dim3A_62 : vector<16xf32> to vector<1x16xf32>
    tpu.vector_store %arg10[%swap3A_465, %swap3A_466], %swap3A_469 {strides = array<i32>} : memref<125x64xf32, #tpu.memory_space<vmem>>, vector<1x16xf32>,
    %swap3A_470 = arith.constant 17 : i32
    %swap3A_471 = arith.index_cast %swap3A_470 : i32 to index
    %swap3A_472 = arith.constant 0 : index
    %swap3A_473 = tpu.vector_load %arg10[%swap3A_471, %swap3A_472] {strides = array<i32>} : memref<125x64xf32, #tpu.memory_space<vmem>>, vector<1x16xf32>,
    %swap3A_474 = vector.shape_cast %swap3A_473 : vector<1x16xf32> to vector<16xf32>
    %swap3A_475 = vector.shape_cast %broadcast_in_dim3A_62 : vector<16xf32> to vector<1x16xf32>
    tpu.vector_store %arg10[%swap3A_471, %swap3A_472], %swap3A_475 {strides = array<i32>} : memref<125x64xf32, #tpu.memory_space<vmem>>, vector<1x16xf32>,
    %swap3A_476 = arith.constant 17 : i32
    %swap3A_477 = arith.index_cast %swap3A_476 : i32 to index
    %swap3A_478 = arith.constant 16 : index
    %swap3A_479 = tpu.vector_load %arg10[%swap3A_477, %swap3A_478] {strides = array<i32>} : memref<125x64xf32, #tpu.memory_space<vmem>>, vector<1x16xf32>,
    %swap3A_480 = vector.shape_cast %swap3A_479 : vector<1x16xf32> to vector<16xf32>
    %swap3A_481 = vector.shape_cast %broadcast_in_dim3A_62 : vector<16xf32> to vector<1x16xf32>
    tpu.vector_store %arg10[%swap3A_477, %swap3A_478], %swap3A_481 {strides = array<i32>} : memref<125x64xf32, #tpu.memory_space<vmem>>, vector<1x16xf32>,
    %swap3A_482 = arith.constant 17 : i32
    %swap3A_483 = arith.index_cast %swap3A_482 : i32 to index
    %swap3A_484 = arith.constant 32 : index
    %swap3A_485 = tpu.vector_load %arg10[%swap3A_483, %swap3A_484] {strides = array<i32>} : memref<125x64xf32, #tpu.memory_space<vmem>>, vector<1x16xf32>,
    %swap3A_486 = vector.shape_cast %swap3A_485 : vector<1x16xf32> to vector<16xf32>
    %swap3A_487 = vector.shape_cast %broadcast_in_dim3A_62 : vector<16xf32> to vector<1x16xf32>
    tpu.vector_store %arg10[%swap3A_483, %swap3A_484], %swap3A_487 {strides = array<i32>} : memref<125x64xf32, #tpu.memory_space<vmem>>, vector<1x16xf32>,
    %swap3A_488 = arith.constant 17 : i32
    %swap3A_489 = arith.index_cast %swap3A_488 : i32 to index
    %swap3A_490 = arith.constant 48 : index
    %swap3A_491 = tpu.vector_load %arg10[%swap3A_489, %swap3A_490] {strides = array<i32>} : memref<125x64xf32, #tpu.memory_space<vmem>>, vector<1x16xf32>,
    %swap3A_492 = vector.shape_cast %swap3A_491 : vector<1x16xf32> to vector<16xf32>
    %swap3A_493 = vector.shape_cast %broadcast_in_dim3A_62 : vector<16xf32> to vector<1x16xf32>
    tpu.vector_store %arg10[%swap3A_489, %swap3A_490], %swap3A_493 {strides = array<i32>} : memref<125x64xf32, #tpu.memory_space<vmem>>, vector<1x16xf32>,
    %swap3A_494 = arith.constant 18 : i32
    %swap3A_495 = arith.index_cast %swap3A_494 : i32 to index
    %swap3A_496 = arith.constant 0 : index
    %swap3A_497 = tpu.vector_load %arg10[%swap3A_495, %swap3A_496] {strides = array<i32>} : memref<125x64xf32, #tpu.memory_space<vmem>>, vector<1x16xf32>,
    %swap3A_498 = vector.shape_cast %swap3A_497 : vector<1x16xf32> to vector<16xf32>
    %swap3A_499 = vector.shape_cast %broadcast_in_dim3A_62 : vector<16xf32> to vector<1x16xf32>
    tpu.vector_store %arg10[%swap3A_495, %swap3A_496], %swap3A_499 {strides = array<i32>} : memref<125x64xf32, #tpu.memory_space<vmem>>, vector<1x16xf32>,
    %swap3A_500 = arith.constant 18 : i32
    %swap3A_501 = arith.index_cast %swap3A_500 : i32 to index
    %swap3A_502 = arith.constant 16 : index
    %swap3A_503 = tpu.vector_load %arg10[%swap3A_501, %swap3A_502] {strides = array<i32>} : memref<125x64xf32, #tpu.memory_space<vmem>>, vector<1x16xf32>,
    %swap3A_504 = vector.shape_cast %swap3A_503 : vector<1x16xf32> to vector<16xf32>
    %swap3A_505 = vector.shape_cast %broadcast_in_dim3A_62 : vector<16xf32> to vector<1x16xf32>
    tpu.vector_store %arg10[%swap3A_501, %swap3A_502], %swap3A_505 {strides = array<i32>} : memref<125x64xf32, #tpu.memory_space<vmem>>, vector<1x16xf32>,
    %swap3A_506 = arith.constant 18 : i32
    %swap3A_507 = arith.index_cast %swap3A_506 : i32 to index
    %swap3A_508 = arith.constant 32 : index
    %swap3A_509 = tpu.vector_load %arg10[%swap3A_507, %swap3A_508] {strides = array<i32>} : memref<125x64xf32, #tpu.memory_space<vmem>>, vector<1x16xf32>,
    %swap3A_510 = vector.shape_cast %swap3A_509 : vector<1x16xf32> to vector<16xf32>
    %swap3A_511 = vector.shape_cast %broadcast_in_dim3A_62 : vector<16xf32> to vector<1x16xf32>
    tpu.vector_store %arg10[%swap3A_507, %swap3A_508], %swap3A_511 {strides = array<i32>} : memref<125x64xf32, #tpu.memory_space<vmem>>, vector<1x16xf32>,
    %swap3A_512 = arith.constant 18 : i32
    %swap3A_513 = arith.index_cast %swap3A_512 : i32 to index
    %swap3A_514 = arith.constant 48 : index
    %swap3A_515 = tpu.vector_load %arg10[%swap3A_513, %swap3A_514] {strides = array<i32>} : memref<125x64xf32, #tpu.memory_space<vmem>>, vector<1x16xf32>,
    %swap3A_516 = vector.shape_cast %swap3A_515 : vector<1x16xf32> to vector<16xf32>
    %swap3A_517 = vector.shape_cast %broadcast_in_dim3A_62 : vector<16xf32> to vector<1x16xf32>
    tpu.vector_store %arg10[%swap3A_513, %swap3A_514], %swap3A_517 {strides = array<i32>} : memref<125x64xf32, #tpu.memory_space<vmem>>, vector<1x16xf32>,
    %swap3A_518 = arith.constant 19 : i32
    %swap3A_519 = arith.index_cast %swap3A_518 : i32 to index
    %swap3A_520 = arith.constant 0 : index
    %swap3A_521 = tpu.vector_load %arg10[%swap3A_519, %swap3A_520] {strides = array<i32>} : memref<125x64xf32, #tpu.memory_space<vmem>>, vector<1x16xf32>,
    %swap3A_522 = vector.shape_cast %swap3A_521 : vector<1x16xf32> to vector<16xf32>
    %swap3A_523 = vector.shape_cast %broadcast_in_dim3A_62 : vector<16xf32> to vector<1x16xf32>
    tpu.vector_store %arg10[%swap3A_519, %swap3A_520], %swap3A_523 {strides = array<i32>} : memref<125x64xf32, #tpu.memory_space<vmem>>, vector<1x16xf32>,
    %swap3A_524 = arith.constant 19 : i32
    %swap3A_525 = arith.index_cast %swap3A_524 : i32 to index
    %swap3A_526 = arith.constant 16 : index
    %swap3A_527 = tpu.vector_load %arg10[%swap3A_525, %swap3A_526] {strides = array<i32>} : memref<125x64xf32, #tpu.memory_space<vmem>>, vector<1x16xf32>,
    %swap3A_528 = vector.shape_cast %swap3A_527 : vector<1x16xf32> to vector<16xf32>
    %swap3A_529 = vector.shape_cast %broadcast_in_dim3A_62 : vector<16xf32> to vector<1x16xf32>
    tpu.vector_store %arg10[%swap3A_525, %swap3A_526], %swap3A_529 {strides = array<i32>} : memref<125x64xf32, #tpu.memory_space<vmem>>, vector<1x16xf32>,
    %swap3A_530 = arith.constant 19 : i32
    %swap3A_531 = arith.index_cast %swap3A_530 : i32 to index
    %swap3A_532 = arith.constant 32 : index
    %swap3A_533 = tpu.vector_load %arg10[%swap3A_531, %swap3A_532] {strides = array<i32>} : memref<125x64xf32, #tpu.memory_space<vmem>>, vector<1x16xf32>,
    %swap3A_534 = vector.shape_cast %swap3A_533 : vector<1x16xf32> to vector<16xf32>
    %swap3A_535 = vector.shape_cast %broadcast_in_dim3A_62 : vector<16xf32> to vector<1x16xf32>
    tpu.vector_store %arg10[%swap3A_531, %swap3A_532], %swap3A_535 {strides = array<i32>} : memref<125x64xf32, #tpu.memory_space<vmem>>, vector<1x16xf32>,
    %swap3A_536 = arith.constant 19 : i32
    %swap3A_537 = arith.index_cast %swap3A_536 : i32 to index
    %swap3A_538 = arith.constant 48 : index
    %swap3A_539 = tpu.vector_load %arg10[%swap3A_537, %swap3A_538] {strides = array<i32>} : memref<125x64xf32, #tpu.memory_space<vmem>>, vector<1x16xf32>,
    %swap3A_540 = vector.shape_cast %swap3A_539 : vector<1x16xf32> to vector<16xf32>
    %swap3A_541 = vector.shape_cast %broadcast_in_dim3A_62 : vector<16xf32> to vector<1x16xf32>
    tpu.vector_store %arg10[%swap3A_537, %swap3A_538], %swap3A_541 {strides = array<i32>} : memref<125x64xf32, #tpu.memory_space<vmem>>, vector<1x16xf32>,
    %swap3A_542 = arith.constant 20 : i32
    %swap3A_543 = arith.index_cast %swap3A_542 : i32 to index
    %swap3A_544 = arith.constant 0 : index
    %swap3A_545 = tpu.vector_load %arg10[%swap3A_543, %swap3A_544] {strides = array<i32>} : memref<125x64xf32, #tpu.memory_space<vmem>>, vector<1x16xf32>,
    %swap3A_546 = vector.shape_cast %swap3A_545 : vector<1x16xf32> to vector<16xf32>
    %swap3A_547 = vector.shape_cast %broadcast_in_dim3A_62 : vector<16xf32> to vector<1x16xf32>
    tpu.vector_store %arg10[%swap3A_543, %swap3A_544], %swap3A_547 {strides = array<i32>} : memref<125x64xf32, #tpu.memory_space<vmem>>, vector<1x16xf32>,
    %swap3A_548 = arith.constant 20 : i32
    %swap3A_549 = arith.index_cast %swap3A_548 : i32 to index
    %swap3A_550 = arith.constant 16 : index
    %swap3A_551 = tpu.vector_load %arg10[%swap3A_549, %swap3A_550] {strides = array<i32>} : memref<125x64xf32, #tpu.memory_space<vmem>>, vector<1x16xf32>,
    %swap3A_552 = vector.shape_cast %swap3A_551 : vector<1x16xf32> to vector<16xf32>
    %swap3A_553 = vector.shape_cast %broadcast_in_dim3A_62 : vector<16xf32> to vector<1x16xf32>
    tpu.vector_store %arg10[%swap3A_549, %swap3A_550], %swap3A_553 {strides = array<i32>} : memref<125x64xf32, #tpu.memory_space<vmem>>, vector<1x16xf32>,
    %swap3A_554 = arith.constant 20 : i32
    %swap3A_555 = arith.index_cast %swap3A_554 : i32 to index
    %swap3A_556 = arith.constant 32 : index
    %swap3A_557 = tpu.vector_load %arg10[%swap3A_555, %swap3A_556] {strides = array<i32>} : memref<125x64xf32, #tpu.memory_space<vmem>>, vector<1x16xf32>,
    %swap3A_558 = vector.shape_cast %swap3A_557 : vector<1x16xf32> to vector<16xf32>
    %swap3A_559 = vector.shape_cast %broadcast_in_dim3A_62 : vector<16xf32> to vector<1x16xf32>
    tpu.vector_store %arg10[%swap3A_555, %swap3A_556], %swap3A_559 {strides = array<i32>} : memref<125x64xf32, #tpu.memory_space<vmem>>, vector<1x16xf32>,
    %swap3A_560 = arith.constant 20 : i32
    %swap3A_561 = arith.index_cast %swap3A_560 : i32 to index
    %swap3A_562 = arith.constant 48 : index
    %swap3A_563 = tpu.vector_load %arg10[%swap3A_561, %swap3A_562] {strides = array<i32>} : memref<125x64xf32, #tpu.memory_space<vmem>>, vector<1x16xf32>,
    %swap3A_564 = vector.shape_cast %swap3A_563 : vector<1x16xf32> to vector<16xf32>
    %swap3A_565 = vector.shape_cast %broadcast_in_dim3A_62 : vector<16xf32> to vector<1x16xf32>
    tpu.vector_store %arg10[%swap3A_561, %swap3A_562], %swap3A_565 {strides = array<i32>} : memref<125x64xf32, #tpu.memory_space<vmem>>, vector<1x16xf32>,
    %swap3A_566 = arith.constant 21 : i32
    %swap3A_567 = arith.index_cast %swap3A_566 : i32 to index
    %swap3A_568 = arith.constant 0 : index
    %swap3A_569 = tpu.vector_load %arg10[%swap3A_567, %swap3A_568] {strides = array<i32>} : memref<125x64xf32, #tpu.memory_space<vmem>>, vector<1x16xf32>,
    %swap3A_570 = vector.shape_cast %swap3A_569 : vector<1x16xf32> to vector<16xf32>
    %swap3A_571 = vector.shape_cast %broadcast_in_dim3A_62 : vector<16xf32> to vector<1x16xf32>
    tpu.vector_store %arg10[%swap3A_567, %swap3A_568], %swap3A_571 {strides = array<i32>} : memref<125x64xf32, #tpu.memory_space<vmem>>, vector<1x16xf32>,
    %swap3A_572 = arith.constant 21 : i32
    %swap3A_573 = arith.index_cast %swap3A_572 : i32 to index
    %swap3A_574 = arith.constant 16 : index
    %swap3A_575 = tpu.vector_load %arg10[%swap3A_573, %swap3A_574] {strides = array<i32>} : memref<125x64xf32, #tpu.memory_space<vmem>>, vector<1x16xf32>,
    %swap3A_576 = vector.shape_cast %swap3A_575 : vector<1x16xf32> to vector<16xf32>
    %swap3A_577 = vector.shape_cast %broadcast_in_dim3A_62 : vector<16xf32> to vector<1x16xf32>
    tpu.vector_store %arg10[%swap3A_573, %swap3A_574], %swap3A_577 {strides = array<i32>} : memref<125x64xf32, #tpu.memory_space<vmem>>, vector<1x16xf32>,
    %swap3A_578 = arith.constant 21 : i32
    %swap3A_579 = arith.index_cast %swap3A_578 : i32 to index
    %swap3A_580 = arith.constant 32 : index
    %swap3A_581 = tpu.vector_load %arg10[%swap3A_579, %swap3A_580] {strides = array<i32>} : memref<125x64xf32, #tpu.memory_space<vmem>>, vector<1x16xf32>,
    %swap3A_582 = vector.shape_cast %swap3A_581 : vector<1x16xf32> to vector<16xf32>
    %swap3A_583 = vector.shape_cast %broadcast_in_dim3A_62 : vector<16xf32> to vector<1x16xf32>
    tpu.vector_store %arg10[%swap3A_579, %swap3A_580], %swap3A_583 {strides = array<i32>} : memref<125x64xf32, #tpu.memory_space<vmem>>, vector<1x16xf32>,
    %swap3A_584 = arith.constant 21 : i32
    %swap3A_585 = arith.index_cast %swap3A_584 : i32 to index
    %swap3A_586 = arith.constant 48 : index
    %swap3A_587 = tpu.vector_load %arg10[%swap3A_585, %swap3A_586] {strides = array<i32>} : memref<125x64xf32, #tpu.memory_space<vmem>>, vector<1x16xf32>,
    %swap3A_588 = vector.shape_cast %swap3A_587 : vector<1x16xf32> to vector<16xf32>
    %swap3A_589 = vector.shape_cast %broadcast_in_dim3A_62 : vector<16xf32> to vector<1x16xf32>
    tpu.vector_store %arg10[%swap3A_585, %swap3A_586], %swap3A_589 {strides = array<i32>} : memref<125x64xf32, #tpu.memory_space<vmem>>, vector<1x16xf32>,
    %swap3A_590 = arith.constant 22 : i32
    %swap3A_591 = arith.index_cast %swap3A_590 : i32 to index
    %swap3A_592 = arith.constant 0 : index
    %swap3A_593 = tpu.vector_load %arg10[%swap3A_591, %swap3A_592] {strides = array<i32>} : memref<125x64xf32, #tpu.memory_space<vmem>>, vector<1x16xf32>,
    %swap3A_594 = vector.shape_cast %swap3A_593 : vector<1x16xf32> to vector<16xf32>
    %swap3A_595 = vector.shape_cast %broadcast_in_dim3A_62 : vector<16xf32> to vector<1x16xf32>
    tpu.vector_store %arg10[%swap3A_591, %swap3A_592], %swap3A_595 {strides = array<i32>} : memref<125x64xf32, #tpu.memory_space<vmem>>, vector<1x16xf32>,
    %swap3A_596 = arith.constant 22 : i32
    %swap3A_597 = arith.index_cast %swap3A_596 : i32 to index
    %swap3A_598 = arith.constant 16 : index
    %swap3A_599 = tpu.vector_load %arg10[%swap3A_597, %swap3A_598] {strides = array<i32>} : memref<125x64xf32, #tpu.memory_space<vmem>>, vector<1x16xf32>,
    %swap3A_600 = vector.shape_cast %swap3A_599 : vector<1x16xf32> to vector<16xf32>
    %swap3A_601 = vector.shape_cast %broadcast_in_dim3A_62 : vector<16xf32> to vector<1x16xf32>
    tpu.vector_store %arg10[%swap3A_597, %swap3A_598], %swap3A_601 {strides = array<i32>} : memref<125x64xf32, #tpu.memory_space<vmem>>, vector<1x16xf32>,
    %swap3A_602 = arith.constant 22 : i32
    %swap3A_603 = arith.index_cast %swap3A_602 : i32 to index
    %swap3A_604 = arith.constant 32 : index
    %swap3A_605 = tpu.vector_load %arg10[%swap3A_603, %swap3A_604] {strides = array<i32>} : memref<125x64xf32, #tpu.memory_space<vmem>>, vector<1x16xf32>,
    %swap3A_606 = vector.shape_cast %swap3A_605 : vector<1x16xf32> to vector<16xf32>
    %swap3A_607 = vector.shape_cast %broadcast_in_dim3A_62 : vector<16xf32> to vector<1x16xf32>
    tpu.vector_store %arg10[%swap3A_603, %swap3A_604], %swap3A_607 {strides = array<i32>} : memref<125x64xf32, #tpu.memory_space<vmem>>, vector<1x16xf32>,
    %swap3A_608 = arith.constant 22 : i32
    %swap3A_609 = arith.index_cast %swap3A_608 : i32 to index
    %swap3A_610 = arith.constant 48 : index
    %swap3A_611 = tpu.vector_load %arg10[%swap3A_609, %swap3A_610] {strides = array<i32>} : memref<125x64xf32, #tpu.memory_space<vmem>>, vector<1x16xf32>,
    %swap3A_612 = vector.shape_cast %swap3A_611 : vector<1x16xf32> to vector<16xf32>
    %swap3A_613 = vector.shape_cast %broadcast_in_dim3A_62 : vector<16xf32> to vector<1x16xf32>
    tpu.vector_store %arg10[%swap3A_609, %swap3A_610], %swap3A_613 {strides = array<i32>} : memref<125x64xf32, #tpu.memory_space<vmem>>, vector<1x16xf32>,
    %swap3A_614 = arith.constant 23 : i32
    %swap3A_615 = arith.index_cast %swap3A_614 : i32 to index
    %swap3A_616 = arith.constant 0 : index
    %swap3A_617 = tpu.vector_load %arg10[%swap3A_615, %swap3A_616] {strides = array<i32>} : memref<125x64xf32, #tpu.memory_space<vmem>>, vector<1x16xf32>,
    %swap3A_618 = vector.shape_cast %swap3A_617 : vector<1x16xf32> to vector<16xf32>
    %swap3A_619 = vector.shape_cast %broadcast_in_dim3A_62 : vector<16xf32> to vector<1x16xf32>
    tpu.vector_store %arg10[%swap3A_615, %swap3A_616], %swap3A_619 {strides = array<i32>} : memref<125x64xf32, #tpu.memory_space<vmem>>, vector<1x16xf32>,
    %swap3A_620 = arith.constant 23 : i32
    %swap3A_621 = arith.index_cast %swap3A_620 : i32 to index
    %swap3A_622 = arith.constant 16 : index
    %swap3A_623 = tpu.vector_load %arg10[%swap3A_621, %swap3A_622] {strides = array<i32>} : memref<125x64xf32, #tpu.memory_space<vmem>>, vector<1x16xf32>,
    %swap3A_624 = vector.shape_cast %swap3A_623 : vector<1x16xf32> to vector<16xf32>
    %swap3A_625 = vector.shape_cast %broadcast_in_dim3A_62 : vector<16xf32> to vector<1x16xf32>
    tpu.vector_store %arg10[%swap3A_621, %swap3A_622], %swap3A_625 {strides = array<i32>} : memref<125x64xf32, #tpu.memory_space<vmem>>, vector<1x16xf32>,
    %swap3A_626 = arith.constant 23 : i32
    %swap3A_627 = arith.index_cast %swap3A_626 : i32 to index
    %swap3A_628 = arith.constant 32 : index
    %swap3A_629 = tpu.vector_load %arg10[%swap3A_627, %swap3A_628] {strides = array<i32>} : memref<125x64xf32, #tpu.memory_space<vmem>>, vector<1x16xf32>,
    %swap3A_630 = vector.shape_cast %swap3A_629 : vector<1x16xf32> to vector<16xf32>
    %swap3A_631 = vector.shape_cast %broadcast_in_dim3A_62 : vector<16xf32> to vector<1x16xf32>
    tpu.vector_store %arg10[%swap3A_627, %swap3A_628], %swap3A_631 {strides = array<i32>} : memref<125x64xf32, #tpu.memory_space<vmem>>, vector<1x16xf32>,
    %swap3A_632 = arith.constant 23 : i32
    %swap3A_633 = arith.index_cast %swap3A_632 : i32 to index
    %swap3A_634 = arith.constant 48 : index
    %swap3A_635 = tpu.vector_load %arg10[%swap3A_633, %swap3A_634] {strides = array<i32>} : memref<125x64xf32, #tpu.memory_space<vmem>>, vector<1x16xf32>,
    %swap3A_636 = vector.shape_cast %swap3A_635 : vector<1x16xf32> to vector<16xf32>
    %swap3A_637 = vector.shape_cast %broadcast_in_dim3A_62 : vector<16xf32> to vector<1x16xf32>
    tpu.vector_store %arg10[%swap3A_633, %swap3A_634], %swap3A_637 {strides = array<i32>} : memref<125x64xf32, #tpu.memory_space<vmem>>, vector<1x16xf32>,
    %swap3A_638 = arith.constant 24 : i32
    %swap3A_639 = arith.index_cast %swap3A_638 : i32 to index
    %swap3A_640 = arith.constant 0 : index
    %swap3A_641 = tpu.vector_load %arg10[%swap3A_639, %swap3A_640] {strides = array<i32>} : memref<125x64xf32, #tpu.memory_space<vmem>>, vector<1x16xf32>,
    %swap3A_642 = vector.shape_cast %swap3A_641 : vector<1x16xf32> to vector<16xf32>
    %swap3A_643 = vector.shape_cast %broadcast_in_dim3A_62 : vector<16xf32> to vector<1x16xf32>
    tpu.vector_store %arg10[%swap3A_639, %swap3A_640], %swap3A_643 {strides = array<i32>} : memref<125x64xf32, #tpu.memory_space<vmem>>, vector<1x16xf32>,
    %swap3A_644 = arith.constant 24 : i32
    %swap3A_645 = arith.index_cast %swap3A_644 : i32 to index
    %swap3A_646 = arith.constant 16 : index
    %swap3A_647 = tpu.vector_load %arg10[%swap3A_645, %swap3A_646] {strides = array<i32>} : memref<125x64xf32, #tpu.memory_space<vmem>>, vector<1x16xf32>,
    %swap3A_648 = vector.shape_cast %swap3A_647 : vector<1x16xf32> to vector<16xf32>
    %swap3A_649 = vector.shape_cast %broadcast_in_dim3A_62 : vector<16xf32> to vector<1x16xf32>
    tpu.vector_store %arg10[%swap3A_645, %swap3A_646], %swap3A_649 {strides = array<i32>} : memref<125x64xf32, #tpu.memory_space<vmem>>, vector<1x16xf32>,
    %swap3A_650 = arith.constant 24 : i32
    %swap3A_651 = arith.index_cast %swap3A_650 : i32 to index
    %swap3A_652 = arith.constant 32 : index
    %swap3A_653 = tpu.vector_load %arg10[%swap3A_651, %swap3A_652] {strides = array<i32>} : memref<125x64xf32, #tpu.memory_space<vmem>>, vector<1x16xf32>,
    %swap3A_654 = vector.shape_cast %swap3A_653 : vector<1x16xf32> to vector<16xf32>
    %swap3A_655 = vector.shape_cast %broadcast_in_dim3A_62 : vector<16xf32> to vector<1x16xf32>
    tpu.vector_store %arg10[%swap3A_651, %swap3A_652], %swap3A_655 {strides = array<i32>} : memref<125x64xf32, #tpu.memory_space<vmem>>, vector<1x16xf32>,
    %swap3A_656 = arith.constant 24 : i32
    %swap3A_657 = arith.index_cast %swap3A_656 : i32 to index
    %swap3A_658 = arith.constant 48 : index
    %swap3A_659 = tpu.vector_load %arg10[%swap3A_657, %swap3A_658] {strides = array<i32>} : memref<125x64xf32, #tpu.memory_space<vmem>>, vector<1x16xf32>,
    %swap3A_660 = vector.shape_cast %swap3A_659 : vector<1x16xf32> to vector<16xf32>
    %swap3A_661 = vector.shape_cast %broadcast_in_dim3A_62 : vector<16xf32> to vector<1x16xf32>
    tpu.vector_store %arg10[%swap3A_657, %swap3A_658], %swap3A_661 {strides = array<i32>} : memref<125x64xf32, #tpu.memory_space<vmem>>, vector<1x16xf32>,
    %swap3A_662 = arith.constant 25 : i32
    %swap3A_663 = arith.index_cast %swap3A_662 : i32 to index
    %swap3A_664 = arith.constant 0 : index
    %swap3A_665 = tpu.vector_load %arg10[%swap3A_663, %swap3A_664] {strides = array<i32>} : memref<125x64xf32, #tpu.memory_space<vmem>>, vector<1x16xf32>,
    %swap3A_666 = vector.shape_cast %swap3A_665 : vector<1x16xf32> to vector<16xf32>
    %swap3A_667 = vector.shape_cast %broadcast_in_dim3A_62 : vector<16xf32> to vector<1x16xf32>
    tpu.vector_store %arg10[%swap3A_663, %swap3A_664], %swap3A_667 {strides = array<i32>} : memref<125x64xf32, #tpu.memory_space<vmem>>, vector<1x16xf32>,
    %swap3A_668 = arith.constant 25 : i32
    %swap3A_669 = arith.index_cast %swap3A_668 : i32 to index
    %swap3A_670 = arith.constant 16 : index
    %swap3A_671 = tpu.vector_load %arg10[%swap3A_669, %swap3A_670] {strides = array<i32>} : memref<125x64xf32, #tpu.memory_space<vmem>>, vector<1x16xf32>,
    %swap3A_672 = vector.shape_cast %swap3A_671 : vector<1x16xf32> to vector<16xf32>
    %swap3A_673 = vector.shape_cast %broadcast_in_dim3A_62 : vector<16xf32> to vector<1x16xf32>
    tpu.vector_store %arg10[%swap3A_669, %swap3A_670], %swap3A_673 {strides = array<i32>} : memref<125x64xf32, #tpu.memory_space<vmem>>, vector<1x16xf32>,
    %swap3A_674 = arith.constant 25 : i32
    %swap3A_675 = arith.index_cast %swap3A_674 : i32 to index
    %swap3A_676 = arith.constant 32 : index
    %swap3A_677 = tpu.vector_load %arg10[%swap3A_675, %swap3A_676] {strides = array<i32>} : memref<125x64xf32, #tpu.memory_space<vmem>>, vector<1x16xf32>,
    %swap3A_678 = vector.shape_cast %swap3A_677 : vector<1x16xf32> to vector<16xf32>
    %swap3A_679 = vector.shape_cast %broadcast_in_dim3A_62 : vector<16xf32> to vector<1x16xf32>
    tpu.vector_store %arg10[%swap3A_675, %swap3A_676], %swap3A_679 {strides = array<i32>} : memref<125x64xf32, #tpu.memory_space<vmem>>, vector<1x16xf32>,
    %swap3A_680 = arith.constant 25 : i32
    %swap3A_681 = arith.index_cast %swap3A_680 : i32 to index
    %swap3A_682 = arith.constant 48 : index
    %swap3A_683 = tpu.vector_load %arg10[%swap3A_681, %swap3A_682] {strides = array<i32>} : memref<125x64xf32, #tpu.memory_space<vmem>>, vector<1x16xf32>,
    %swap3A_684 = vector.shape_cast %swap3A_683 : vector<1x16xf32> to vector<16xf32>
    %swap3A_685 = vector.shape_cast %broadcast_in_dim3A_62 : vector<16xf32> to vector<1x16xf32>
    tpu.vector_store %arg10[%swap3A_681, %swap3A_682], %swap3A_685 {strides = array<i32>} : memref<125x64xf32, #tpu.memory_space<vmem>>, vector<1x16xf32>,
    %swap3A_686 = arith.constant 26 : i32
    %swap3A_687 = arith.index_cast %swap3A_686 : i32 to index
    %swap3A_688 = arith.constant 0 : index
    %swap3A_689 = tpu.vector_load %arg10[%swap3A_687, %swap3A_688] {strides = array<i32>} : memref<125x64xf32, #tpu.memory_space<vmem>>, vector<1x16xf32>,
    %swap3A_690 = vector.shape_cast %swap3A_689 : vector<1x16xf32> to vector<16xf32>
    %swap3A_691 = vector.shape_cast %broadcast_in_dim3A_62 : vector<16xf32> to vector<1x16xf32>
    tpu.vector_store %arg10[%swap3A_687, %swap3A_688], %swap3A_691 {strides = array<i32>} : memref<125x64xf32, #tpu.memory_space<vmem>>, vector<1x16xf32>,
    %swap3A_692 = arith.constant 26 : i32
    %swap3A_693 = arith.index_cast %swap3A_692 : i32 to index
    %swap3A_694 = arith.constant 16 : index
    %swap3A_695 = tpu.vector_load %arg10[%swap3A_693, %swap3A_694] {strides = array<i32>} : memref<125x64xf32, #tpu.memory_space<vmem>>, vector<1x16xf32>,
    %swap3A_696 = vector.shape_cast %swap3A_695 : vector<1x16xf32> to vector<16xf32>
    %swap3A_697 = vector.shape_cast %broadcast_in_dim3A_62 : vector<16xf32> to vector<1x16xf32>
    tpu.vector_store %arg10[%swap3A_693, %swap3A_694], %swap3A_697 {strides = array<i32>} : memref<125x64xf32, #tpu.memory_space<vmem>>, vector<1x16xf32>,
    %swap3A_698 = arith.constant 26 : i32
    %swap3A_699 = arith.index_cast %swap3A_698 : i32 to index
    %swap3A_700 = arith.constant 32 : index
    %swap3A_701 = tpu.vector_load %arg10[%swap3A_699, %swap3A_700] {strides = array<i32>} : memref<125x64xf32, #tpu.memory_space<vmem>>, vector<1x16xf32>,
    %swap3A_702 = vector.shape_cast %swap3A_701 : vector<1x16xf32> to vector<16xf32>
    %swap3A_703 = vector.shape_cast %broadcast_in_dim3A_62 : vector<16xf32> to vector<1x16xf32>
    tpu.vector_store %arg10[%swap3A_699, %swap3A_700], %swap3A_703 {strides = array<i32>} : memref<125x64xf32, #tpu.memory_space<vmem>>, vector<1x16xf32>,
    %swap3A_704 = arith.constant 26 : i32
    %swap3A_705 = arith.index_cast %swap3A_704 : i32 to index
    %swap3A_706 = arith.constant 48 : index
    %swap3A_707 = tpu.vector_load %arg10[%swap3A_705, %swap3A_706] {strides = array<i32>} : memref<125x64xf32, #tpu.memory_space<vmem>>, vector<1x16xf32>,
    %swap3A_708 = vector.shape_cast %swap3A_707 : vector<1x16xf32> to vector<16xf32>
    %swap3A_709 = vector.shape_cast %broadcast_in_dim3A_62 : vector<16xf32> to vector<1x16xf32>
    tpu.vector_store %arg10[%swap3A_705, %swap3A_706], %swap3A_709 {strides = array<i32>} : memref<125x64xf32, #tpu.memory_space<vmem>>, vector<1x16xf32>,
    %swap3A_710 = arith.constant 27 : i32
    %swap3A_711 = arith.index_cast %swap3A_710 : i32 to index
    %swap3A_712 = arith.constant 0 : index
    %swap3A_713 = tpu.vector_load %arg10[%swap3A_711, %swap3A_712] {strides = array<i32>} : memref<125x64xf32, #tpu.memory_space<vmem>>, vector<1x16xf32>,
    %swap3A_714 = vector.shape_cast %swap3A_713 : vector<1x16xf32> to vector<16xf32>
    %swap3A_715 = vector.shape_cast %broadcast_in_dim3A_62 : vector<16xf32> to vector<1x16xf32>
    tpu.vector_store %arg10[%swap3A_711, %swap3A_712], %swap3A_715 {strides = array<i32>} : memref<125x64xf32, #tpu.memory_space<vmem>>, vector<1x16xf32>,
    %swap3A_716 = arith.constant 27 : i32
    %swap3A_717 = arith.index_cast %swap3A_716 : i32 to index
    %swap3A_718 = arith.constant 16 : index
    %swap3A_719 = tpu.vector_load %arg10[%swap3A_717, %swap3A_718] {strides = array<i32>} : memref<125x64xf32, #tpu.memory_space<vmem>>, vector<1x16xf32>,
    %swap3A_720 = vector.shape_cast %swap3A_719 : vector<1x16xf32> to vector<16xf32>
    %swap3A_721 = vector.shape_cast %broadcast_in_dim3A_62 : vector<16xf32> to vector<1x16xf32>
    tpu.vector_store %arg10[%swap3A_717, %swap3A_718], %swap3A_721 {strides = array<i32>} : memref<125x64xf32, #tpu.memory_space<vmem>>, vector<1x16xf32>,
    %swap3A_722 = arith.constant 27 : i32
    %swap3A_723 = arith.index_cast %swap3A_722 : i32 to index
    %swap3A_724 = arith.constant 32 : index
    %swap3A_725 = tpu.vector_load %arg10[%swap3A_723, %swap3A_724] {strides = array<i32>} : memref<125x64xf32, #tpu.memory_space<vmem>>, vector<1x16xf32>,
    %swap3A_726 = vector.shape_cast %swap3A_725 : vector<1x16xf32> to vector<16xf32>
    %swap3A_727 = vector.shape_cast %broadcast_in_dim3A_62 : vector<16xf32> to vector<1x16xf32>
    tpu.vector_store %arg10[%swap3A_723, %swap3A_724], %swap3A_727 {strides = array<i32>} : memref<125x64xf32, #tpu.memory_space<vmem>>, vector<1x16xf32>,
    %swap3A_728 = arith.constant 27 : i32
    %swap3A_729 = arith.index_cast %swap3A_728 : i32 to index
    %swap3A_730 = arith.constant 48 : index
    %swap3A_731 = tpu.vector_load %arg10[%swap3A_729, %swap3A_730] {strides = array<i32>} : memref<125x64xf32, #tpu.memory_space<vmem>>, vector<1x16xf32>,
    %swap3A_732 = vector.shape_cast %swap3A_731 : vector<1x16xf32> to vector<16xf32>
    %swap3A_733 = vector.shape_cast %broadcast_in_dim3A_62 : vector<16xf32> to vector<1x16xf32>
    tpu.vector_store %arg10[%swap3A_729, %swap3A_730], %swap3A_733 {strides = array<i32>} : memref<125x64xf32, #tpu.memory_space<vmem>>, vector<1x16xf32>,
    %swap3A_734 = arith.constant 28 : i32
    %swap3A_735 = arith.index_cast %swap3A_734 : i32 to index
    %swap3A_736 = arith.constant 0 : index
    %swap3A_737 = tpu.vector_load %arg10[%swap3A_735, %swap3A_736] {strides = array<i32>} : memref<125x64xf32, #tpu.memory_space<vmem>>, vector<1x16xf32>,
    %swap3A_738 = vector.shape_cast %swap3A_737 : vector<1x16xf32> to vector<16xf32>
    %swap3A_739 = vector.shape_cast %broadcast_in_dim3A_62 : vector<16xf32> to vector<1x16xf32>
    tpu.vector_store %arg10[%swap3A_735, %swap3A_736], %swap3A_739 {strides = array<i32>} : memref<125x64xf32, #tpu.memory_space<vmem>>, vector<1x16xf32>,
    %swap3A_740 = arith.constant 28 : i32
    %swap3A_741 = arith.index_cast %swap3A_740 : i32 to index
    %swap3A_742 = arith.constant 16 : index
    %swap3A_743 = tpu.vector_load %arg10[%swap3A_741, %swap3A_742] {strides = array<i32>} : memref<125x64xf32, #tpu.memory_space<vmem>>, vector<1x16xf32>,
    %swap3A_744 = vector.shape_cast %swap3A_743 : vector<1x16xf32> to vector<16xf32>
    %swap3A_745 = vector.shape_cast %broadcast_in_dim3A_62 : vector<16xf32> to vector<1x16xf32>
    tpu.vector_store %arg10[%swap3A_741, %swap3A_742], %swap3A_745 {strides = array<i32>} : memref<125x64xf32, #tpu.memory_space<vmem>>, vector<1x16xf32>,
    %swap3A_746 = arith.constant 28 : i32
    %swap3A_747 = arith.index_cast %swap3A_746 : i32 to index
    %swap3A_748 = arith.constant 32 : index
    %swap3A_749 = tpu.vector_load %arg10[%swap3A_747, %swap3A_748] {strides = array<i32>} : memref<125x64xf32, #tpu.memory_space<vmem>>, vector<1x16xf32>,
    %swap3A_750 = vector.shape_cast %swap3A_749 : vector<1x16xf32> to vector<16xf32>
    %swap3A_751 = vector.shape_cast %broadcast_in_dim3A_62 : vector<16xf32> to vector<1x16xf32>
    tpu.vector_store %arg10[%swap3A_747, %swap3A_748], %swap3A_751 {strides = array<i32>} : memref<125x64xf32, #tpu.memory_space<vmem>>, vector<1x16xf32>,
    %swap3A_752 = arith.constant 28 : i32
    %swap3A_753 = arith.index_cast %swap3A_752 : i32 to index
    %swap3A_754 = arith.constant 48 : index
    %swap3A_755 = tpu.vector_load %arg10[%swap3A_753, %swap3A_754] {strides = array<i32>} : memref<125x64xf32, #tpu.memory_space<vmem>>, vector<1x16xf32>,
    %swap3A_756 = vector.shape_cast %swap3A_755 : vector<1x16xf32> to vector<16xf32>
    %swap3A_757 = vector.shape_cast %broadcast_in_dim3A_62 : vector<16xf32> to vector<1x16xf32>
    tpu.vector_store %arg10[%swap3A_753, %swap3A_754], %swap3A_757 {strides = array<i32>} : memref<125x64xf32, #tpu.memory_space<vmem>>, vector<1x16xf32>,
    %swap3A_758 = arith.constant 29 : i32
    %swap3A_759 = arith.index_cast %swap3A_758 : i32 to index
    %swap3A_760 = arith.constant 0 : index
    %swap3A_761 = tpu.vector_load %arg10[%swap3A_759, %swap3A_760] {strides = array<i32>} : memref<125x64xf32, #tpu.memory_space<vmem>>, vector<1x16xf32>,
    %swap3A_762 = vector.shape_cast %swap3A_761 : vector<1x16xf32> to vector<16xf32>
    %swap3A_763 = vector.shape_cast %broadcast_in_dim3A_62 : vector<16xf32> to vector<1x16xf32>
    tpu.vector_store %arg10[%swap3A_759, %swap3A_760], %swap3A_763 {strides = array<i32>} : memref<125x64xf32, #tpu.memory_space<vmem>>, vector<1x16xf32>,
    %swap3A_764 = arith.constant 29 : i32
    %swap3A_765 = arith.index_cast %swap3A_764 : i32 to index
    %swap3A_766 = arith.constant 16 : index
    %swap3A_767 = tpu.vector_load %arg10[%swap3A_765, %swap3A_766] {strides = array<i32>} : memref<125x64xf32, #tpu.memory_space<vmem>>, vector<1x16xf32>,
    %swap3A_768 = vector.shape_cast %swap3A_767 : vector<1x16xf32> to vector<16xf32>
    %swap3A_769 = vector.shape_cast %broadcast_in_dim3A_62 : vector<16xf32> to vector<1x16xf32>
    tpu.vector_store %arg10[%swap3A_765, %swap3A_766], %swap3A_769 {strides = array<i32>} : memref<125x64xf32, #tpu.memory_space<vmem>>, vector<1x16xf32>,
    %swap3A_770 = arith.constant 29 : i32
    %swap3A_771 = arith.index_cast %swap3A_770 : i32 to index
    %swap3A_772 = arith.constant 32 : index
    %swap3A_773 = tpu.vector_load %arg10[%swap3A_771, %swap3A_772] {strides = array<i32>} : memref<125x64xf32, #tpu.memory_space<vmem>>, vector<1x16xf32>,
    %swap3A_774 = vector.shape_cast %swap3A_773 : vector<1x16xf32> to vector<16xf32>
    %swap3A_775 = vector.shape_cast %broadcast_in_dim3A_62 : vector<16xf32> to vector<1x16xf32>
    tpu.vector_store %arg10[%swap3A_771, %swap3A_772], %swap3A_775 {strides = array<i32>} : memref<125x64xf32, #tpu.memory_space<vmem>>, vector<1x16xf32>,
    %swap3A_776 = arith.constant 29 : i32
    %swap3A_777 = arith.index_cast %swap3A_776 : i32 to index
    %swap3A_778 = arith.constant 48 : index
    %swap3A_779 = tpu.vector_load %arg10[%swap3A_777, %swap3A_778] {strides = array<i32>} : memref<125x64xf32, #tpu.memory_space<vmem>>, vector<1x16xf32>,
    %swap3A_780 = vector.shape_cast %swap3A_779 : vector<1x16xf32> to vector<16xf32>
    %swap3A_781 = vector.shape_cast %broadcast_in_dim3A_62 : vector<16xf32> to vector<1x16xf32>
    tpu.vector_store %arg10[%swap3A_777, %swap3A_778], %swap3A_781 {strides = array<i32>} : memref<125x64xf32, #tpu.memory_space<vmem>>, vector<1x16xf32>,
    %swap3A_782 = arith.constant 30 : i32
    %swap3A_783 = arith.index_cast %swap3A_782 : i32 to index
    %swap3A_784 = arith.constant 0 : index
    %swap3A_785 = tpu.vector_load %arg10[%swap3A_783, %swap3A_784] {strides = array<i32>} : memref<125x64xf32, #tpu.memory_space<vmem>>, vector<1x16xf32>,
    %swap3A_786 = vector.shape_cast %swap3A_785 : vector<1x16xf32> to vector<16xf32>
    %swap3A_787 = vector.shape_cast %broadcast_in_dim3A_62 : vector<16xf32> to vector<1x16xf32>
    tpu.vector_store %arg10[%swap3A_783, %swap3A_784], %swap3A_787 {strides = array<i32>} : memref<125x64xf32, #tpu.memory_space<vmem>>, vector<1x16xf32>,
    %swap3A_788 = arith.constant 30 : i32
    %swap3A_789 = arith.index_cast %swap3A_788 : i32 to index
    %swap3A_790 = arith.constant 16 : index
    %swap3A_791 = tpu.vector_load %arg10[%swap3A_789, %swap3A_790] {strides = array<i32>} : memref<125x64xf32, #tpu.memory_space<vmem>>, vector<1x16xf32>,
    %swap3A_792 = vector.shape_cast %swap3A_791 : vector<1x16xf32> to vector<16xf32>
    %swap3A_793 = vector.shape_cast %broadcast_in_dim3A_62 : vector<16xf32> to vector<1x16xf32>
    tpu.vector_store %arg10[%swap3A_789, %swap3A_790], %swap3A_793 {strides = array<i32>} : memref<125x64xf32, #tpu.memory_space<vmem>>, vector<1x16xf32>,
    %swap3A_794 = arith.constant 30 : i32
    %swap3A_795 = arith.index_cast %swap3A_794 : i32 to index
    %swap3A_796 = arith.constant 32 : index
    %swap3A_797 = tpu.vector_load %arg10[%swap3A_795, %swap3A_796] {strides = array<i32>} : memref<125x64xf32, #tpu.memory_space<vmem>>, vector<1x16xf32>,
    %swap3A_798 = vector.shape_cast %swap3A_797 : vector<1x16xf32> to vector<16xf32>
    %swap3A_799 = vector.shape_cast %broadcast_in_dim3A_62 : vector<16xf32> to vector<1x16xf32>
    tpu.vector_store %arg10[%swap3A_795, %swap3A_796], %swap3A_799 {strides = array<i32>} : memref<125x64xf32, #tpu.memory_space<vmem>>, vector<1x16xf32>,
    %swap3A_800 = arith.constant 30 : i32
    %swap3A_801 = arith.index_cast %swap3A_800 : i32 to index
    %swap3A_802 = arith.constant 48 : index
    %swap3A_803 = tpu.vector_load %arg10[%swap3A_801, %swap3A_802] {strides = array<i32>} : memref<125x64xf32, #tpu.memory_space<vmem>>, vector<1x16xf32>,
    %swap3A_804 = vector.shape_cast %swap3A_803 : vector<1x16xf32> to vector<16xf32>
    %swap3A_805 = vector.shape_cast %broadcast_in_dim3A_62 : vector<16xf32> to vector<1x16xf32>
    tpu.vector_store %arg10[%swap3A_801, %swap3A_802], %swap3A_805 {strides = array<i32>} : memref<125x64xf32, #tpu.memory_space<vmem>>, vector<1x16xf32>,
    %swap3A_806 = arith.constant 31 : i32
    %swap3A_807 = arith.index_cast %swap3A_806 : i32 to index
    %swap3A_808 = arith.constant 0 : index
    %swap3A_809 = tpu.vector_load %arg10[%swap3A_807, %swap3A_808] {strides = array<i32>} : memref<125x64xf32, #tpu.memory_space<vmem>>, vector<1x16xf32>,
    %swap3A_810 = vector.shape_cast %swap3A_809 : vector<1x16xf32> to vector<16xf32>
    %swap3A_811 = vector.shape_cast %broadcast_in_dim3A_62 : vector<16xf32> to vector<1x16xf32>
    tpu.vector_store %arg10[%swap3A_807, %swap3A_808], %swap3A_811 {strides = array<i32>} : memref<125x64xf32, #tpu.memory_space<vmem>>, vector<1x16xf32>,
    %swap3A_812 = arith.constant 31 : i32
    %swap3A_813 = arith.index_cast %swap3A_812 : i32 to index
    %swap3A_814 = arith.constant 16 : index
    %swap3A_815 = tpu.vector_load %arg10[%swap3A_813, %swap3A_814] {strides = array<i32>} : memref<125x64xf32, #tpu.memory_space<vmem>>, vector<1x16xf32>,
    %swap3A_816 = vector.shape_cast %swap3A_815 : vector<1x16xf32> to vector<16xf32>
    %swap3A_817 = vector.shape_cast %broadcast_in_dim3A_62 : vector<16xf32> to vector<1x16xf32>
    tpu.vector_store %arg10[%swap3A_813, %swap3A_814], %swap3A_817 {strides = array<i32>} : memref<125x64xf32, #tpu.memory_space<vmem>>, vector<1x16xf32>,
    %swap3A_818 = arith.constant 31 : i32
    %swap3A_819 = arith.index_cast %swap3A_818 : i32 to index
    %swap3A_820 = arith.constant 32 : index
    %swap3A_821 = tpu.vector_load %arg10[%swap3A_819, %swap3A_820] {strides = array<i32>} : memref<125x64xf32, #tpu.memory_space<vmem>>, vector<1x16xf32>,
    %swap3A_822 = vector.shape_cast %swap3A_821 : vector<1x16xf32> to vector<16xf32>
    %swap3A_823 = vector.shape_cast %broadcast_in_dim3A_62 : vector<16xf32> to vector<1x16xf32>
    tpu.vector_store %arg10[%swap3A_819, %swap3A_820], %swap3A_823 {strides = array<i32>} : memref<125x64xf32, #tpu.memory_space<vmem>>, vector<1x16xf32>,
    %swap3A_824 = arith.constant 31 : i32
    %swap3A_825 = arith.index_cast %swap3A_824 : i32 to index
    %swap3A_826 = arith.constant 48 : index
    %swap3A_827 = tpu.vector_load %arg10[%swap3A_825, %swap3A_826] {strides = array<i32>} : memref<125x64xf32, #tpu.memory_space<vmem>>, vector<1x16xf32>,
    %swap3A_828 = vector.shape_cast %swap3A_827 : vector<1x16xf32> to vector<16xf32>
    %swap3A_829 = vector.shape_cast %broadcast_in_dim3A_62 : vector<16xf32> to vector<1x16xf32>
    tpu.vector_store %arg10[%swap3A_825, %swap3A_826], %swap3A_829 {strides = array<i32>} : memref<125x64xf32, #tpu.memory_space<vmem>>, vector<1x16xf32>,
    %swap3A_830 = arith.constant 32 : i32
    %swap3A_831 = arith.index_cast %swap3A_830 : i32 to index
    %swap3A_832 = arith.constant 0 : index
    %swap3A_833 = tpu.vector_load %arg10[%swap3A_831, %swap3A_832] {strides = array<i32>} : memref<125x64xf32, #tpu.memory_space<vmem>>, vector<1x16xf32>,
    %swap3A_834 = vector.shape_cast %swap3A_833 : vector<1x16xf32> to vector<16xf32>
    %swap3A_835 = vector.shape_cast %broadcast_in_dim3A_62 : vector<16xf32> to vector<1x16xf32>
    tpu.vector_store %arg10[%swap3A_831, %swap3A_832], %swap3A_835 {strides = array<i32>} : memref<125x64xf32, #tpu.memory_space<vmem>>, vector<1x16xf32>,
    %swap3A_836 = arith.constant 32 : i32
    %swap3A_837 = arith.index_cast %swap3A_836 : i32 to index
    %swap3A_838 = arith.constant 16 : index
    %swap3A_839 = tpu.vector_load %arg10[%swap3A_837, %swap3A_838] {strides = array<i32>} : memref<125x64xf32, #tpu.memory_space<vmem>>, vector<1x16xf32>,
    %swap3A_840 = vector.shape_cast %swap3A_839 : vector<1x16xf32> to vector<16xf32>
    %swap3A_841 = vector.shape_cast %broadcast_in_dim3A_62 : vector<16xf32> to vector<1x16xf32>
    tpu.vector_store %arg10[%swap3A_837, %swap3A_838], %swap3A_841 {strides = array<i32>} : memref<125x64xf32, #tpu.memory_space<vmem>>, vector<1x16xf32>,
    %swap3A_842 = arith.constant 32 : i32
    %swap3A_843 = arith.index_cast %swap3A_842 : i32 to index
    %swap3A_844 = arith.constant 32 : index
    %swap3A_845 = tpu.vector_load %arg10[%swap3A_843, %swap3A_844] {strides = array<i32>} : memref<125x64xf32, #tpu.memory_space<vmem>>, vector<1x16xf32>,
    %swap3A_846 = vector.shape_cast %swap3A_845 : vector<1x16xf32> to vector<16xf32>
    %swap3A_847 = vector.shape_cast %broadcast_in_dim3A_62 : vector<16xf32> to vector<1x16xf32>
    tpu.vector_store %arg10[%swap3A_843, %swap3A_844], %swap3A_847 {strides = array<i32>} : memref<125x64xf32, #tpu.memory_space<vmem>>, vector<1x16xf32>,
    %swap3A_848 = arith.constant 32 : i32
    %swap3A_849 = arith.index_cast %swap3A_848 : i32 to index
    %swap3A_850 = arith.constant 48 : index
    %swap3A_851 = tpu.vector_load %arg10[%swap3A_849, %swap3A_850] {strides = array<i32>} : memref<125x64xf32, #tpu.memory_space<vmem>>, vector<1x16xf32>,
    %swap3A_852 = vector.shape_cast %swap3A_851 : vector<1x16xf32> to vector<16xf32>
    %swap3A_853 = vector.shape_cast %broadcast_in_dim3A_62 : vector<16xf32> to vector<1x16xf32>
    tpu.vector_store %arg10[%swap3A_849, %swap3A_850], %swap3A_853 {strides = array<i32>} : memref<125x64xf32, #tpu.memory_space<vmem>>, vector<1x16xf32>,
    %swap3A_854 = arith.constant 33 : i32
    %swap3A_855 = arith.index_cast %swap3A_854 : i32 to index
    %swap3A_856 = arith.constant 0 : index
    %swap3A_857 = tpu.vector_load %arg10[%swap3A_855, %swap3A_856] {strides = array<i32>} : memref<125x64xf32, #tpu.memory_space<vmem>>, vector<1x16xf32>,
    %swap3A_858 = vector.shape_cast %swap3A_857 : vector<1x16xf32> to vector<16xf32>
    %swap3A_859 = vector.shape_cast %broadcast_in_dim3A_62 : vector<16xf32> to vector<1x16xf32>
    tpu.vector_store %arg10[%swap3A_855, %swap3A_856], %swap3A_859 {strides = array<i32>} : memref<125x64xf32, #tpu.memory_space<vmem>>, vector<1x16xf32>,
    %swap3A_860 = arith.constant 33 : i32
    %swap3A_861 = arith.index_cast %swap3A_860 : i32 to index
    %swap3A_862 = arith.constant 16 : index
    %swap3A_863 = tpu.vector_load %arg10[%swap3A_861, %swap3A_862] {strides = array<i32>} : memref<125x64xf32, #tpu.memory_space<vmem>>, vector<1x16xf32>,
    %swap3A_864 = vector.shape_cast %swap3A_863 : vector<1x16xf32> to vector<16xf32>
    %swap3A_865 = vector.shape_cast %broadcast_in_dim3A_62 : vector<16xf32> to vector<1x16xf32>
    tpu.vector_store %arg10[%swap3A_861, %swap3A_862], %swap3A_865 {strides = array<i32>} : memref<125x64xf32, #tpu.memory_space<vmem>>, vector<1x16xf32>,
    %swap3A_866 = arith.constant 33 : i32
    %swap3A_867 = arith.index_cast %swap3A_866 : i32 to index
    %swap3A_868 = arith.constant 32 : index
    %swap3A_869 = tpu.vector_load %arg10[%swap3A_867, %swap3A_868] {strides = array<i32>} : memref<125x64xf32, #tpu.memory_space<vmem>>, vector<1x16xf32>,
    %swap3A_870 = vector.shape_cast %swap3A_869 : vector<1x16xf32> to vector<16xf32>
    %swap3A_871 = vector.shape_cast %broadcast_in_dim3A_62 : vector<16xf32> to vector<1x16xf32>
    tpu.vector_store %arg10[%swap3A_867, %swap3A_868], %swap3A_871 {strides = array<i32>} : memref<125x64xf32, #tpu.memory_space<vmem>>, vector<1x16xf32>,
    %swap3A_872 = arith.constant 33 : i32
    %swap3A_873 = arith.index_cast %swap3A_872 : i32 to index
    %swap3A_874 = arith.constant 48 : index
    %swap3A_875 = tpu.vector_load %arg10[%swap3A_873, %swap3A_874] {strides = array<i32>} : memref<125x64xf32, #tpu.memory_space<vmem>>, vector<1x16xf32>,
    %swap3A_876 = vector.shape_cast %swap3A_875 : vector<1x16xf32> to vector<16xf32>
    %swap3A_877 = vector.shape_cast %broadcast_in_dim3A_62 : vector<16xf32> to vector<1x16xf32>
    tpu.vector_store %arg10[%swap3A_873, %swap3A_874], %swap3A_877 {strides = array<i32>} : memref<125x64xf32, #tpu.memory_space<vmem>>, vector<1x16xf32>,
    %swap3A_878 = arith.constant 34 : i32
    %swap3A_879 = arith.index_cast %swap3A_878 : i32 to index
    %swap3A_880 = arith.constant 0 : index
    %swap3A_881 = tpu.vector_load %arg10[%swap3A_879, %swap3A_880] {strides = array<i32>} : memref<125x64xf32, #tpu.memory_space<vmem>>, vector<1x16xf32>,
    %swap3A_882 = vector.shape_cast %swap3A_881 : vector<1x16xf32> to vector<16xf32>
    %swap3A_883 = vector.shape_cast %broadcast_in_dim3A_62 : vector<16xf32> to vector<1x16xf32>
    tpu.vector_store %arg10[%swap3A_879, %swap3A_880], %swap3A_883 {strides = array<i32>} : memref<125x64xf32, #tpu.memory_space<vmem>>, vector<1x16xf32>,
    %swap3A_884 = arith.constant 34 : i32
    %swap3A_885 = arith.index_cast %swap3A_884 : i32 to index
    %swap3A_886 = arith.constant 16 : index
    %swap3A_887 = tpu.vector_load %arg10[%swap3A_885, %swap3A_886] {strides = array<i32>} : memref<125x64xf32, #tpu.memory_space<vmem>>, vector<1x16xf32>,
    %swap3A_888 = vector.shape_cast %swap3A_887 : vector<1x16xf32> to vector<16xf32>
    %swap3A_889 = vector.shape_cast %broadcast_in_dim3A_62 : vector<16xf32> to vector<1x16xf32>
    tpu.vector_store %arg10[%swap3A_885, %swap3A_886], %swap3A_889 {strides = array<i32>} : memref<125x64xf32, #tpu.memory_space<vmem>>, vector<1x16xf32>,
    %swap3A_890 = arith.constant 34 : i32
    %swap3A_891 = arith.index_cast %swap3A_890 : i32 to index
    %swap3A_892 = arith.constant 32 : index
    %swap3A_893 = tpu.vector_load %arg10[%swap3A_891, %swap3A_892] {strides = array<i32>} : memref<125x64xf32, #tpu.memory_space<vmem>>, vector<1x16xf32>,
    %swap3A_894 = vector.shape_cast %swap3A_893 : vector<1x16xf32> to vector<16xf32>
    %swap3A_895 = vector.shape_cast %broadcast_in_dim3A_62 : vector<16xf32> to vector<1x16xf32>
    tpu.vector_store %arg10[%swap3A_891, %swap3A_892], %swap3A_895 {strides = array<i32>} : memref<125x64xf32, #tpu.memory_space<vmem>>, vector<1x16xf32>,
    %swap3A_896 = arith.constant 34 : i32
    %swap3A_897 = arith.index_cast %swap3A_896 : i32 to index
    %swap3A_898 = arith.constant 48 : index
    %swap3A_899 = tpu.vector_load %arg10[%swap3A_897, %swap3A_898] {strides = array<i32>} : memref<125x64xf32, #tpu.memory_space<vmem>>, vector<1x16xf32>,
    %swap3A_900 = vector.shape_cast %swap3A_899 : vector<1x16xf32> to vector<16xf32>
    %swap3A_901 = vector.shape_cast %broadcast_in_dim3A_62 : vector<16xf32> to vector<1x16xf32>
    tpu.vector_store %arg10[%swap3A_897, %swap3A_898], %swap3A_901 {strides = array<i32>} : memref<125x64xf32, #tpu.memory_space<vmem>>, vector<1x16xf32>,
    %swap3A_902 = arith.constant 35 : i32
    %swap3A_903 = arith.index_cast %swap3A_902 : i32 to index
    %swap3A_904 = arith.constant 0 : index
    %swap3A_905 = tpu.vector_load %arg10[%swap3A_903, %swap3A_904] {strides = array<i32>} : memref<125x64xf32, #tpu.memory_space<vmem>>, vector<1x16xf32>,
    %swap3A_906 = vector.shape_cast %swap3A_905 : vector<1x16xf32> to vector<16xf32>
    %swap3A_907 = vector.shape_cast %broadcast_in_dim3A_62 : vector<16xf32> to vector<1x16xf32>
    tpu.vector_store %arg10[%swap3A_903, %swap3A_904], %swap3A_907 {strides = array<i32>} : memref<125x64xf32, #tpu.memory_space<vmem>>, vector<1x16xf32>,
    %swap3A_908 = arith.constant 35 : i32
    %swap3A_909 = arith.index_cast %swap3A_908 : i32 to index
    %swap3A_910 = arith.constant 16 : index
    %swap3A_911 = tpu.vector_load %arg10[%swap3A_909, %swap3A_910] {strides = array<i32>} : memref<125x64xf32, #tpu.memory_space<vmem>>, vector<1x16xf32>,
    %swap3A_912 = vector.shape_cast %swap3A_911 : vector<1x16xf32> to vector<16xf32>
    %swap3A_913 = vector.shape_cast %broadcast_in_dim3A_62 : vector<16xf32> to vector<1x16xf32>
    tpu.vector_store %arg10[%swap3A_909, %swap3A_910], %swap3A_913 {strides = array<i32>} : memref<125x64xf32, #tpu.memory_space<vmem>>, vector<1x16xf32>,
    %swap3A_914 = arith.constant 35 : i32
    %swap3A_915 = arith.index_cast %swap3A_914 : i32 to index
    %swap3A_916 = arith.constant 32 : index
    %swap3A_917 = tpu.vector_load %arg10[%swap3A_915, %swap3A_916] {strides = array<i32>} : memref<125x64xf32, #tpu.memory_space<vmem>>, vector<1x16xf32>,
    %swap3A_918 = vector.shape_cast %swap3A_917 : vector<1x16xf32> to vector<16xf32>
    %swap3A_919 = vector.shape_cast %broadcast_in_dim3A_62 : vector<16xf32> to vector<1x16xf32>
    tpu.vector_store %arg10[%swap3A_915, %swap3A_916], %swap3A_919 {strides = array<i32>} : memref<125x64xf32, #tpu.memory_space<vmem>>, vector<1x16xf32>,
    %swap3A_920 = arith.constant 35 : i32
    %swap3A_921 = arith.index_cast %swap3A_920 : i32 to index
    %swap3A_922 = arith.constant 48 : index
    %swap3A_923 = tpu.vector_load %arg10[%swap3A_921, %swap3A_922] {strides = array<i32>} : memref<125x64xf32, #tpu.memory_space<vmem>>, vector<1x16xf32>,
    %swap3A_924 = vector.shape_cast %swap3A_923 : vector<1x16xf32> to vector<16xf32>
    %swap3A_925 = vector.shape_cast %broadcast_in_dim3A_62 : vector<16xf32> to vector<1x16xf32>
    tpu.vector_store %arg10[%swap3A_921, %swap3A_922], %swap3A_925 {strides = array<i32>} : memref<125x64xf32, #tpu.memory_space<vmem>>, vector<1x16xf32>,
    %swap3A_926 = arith.constant 36 : i32
    %swap3A_927 = arith.index_cast %swap3A_926 : i32 to index
    %swap3A_928 = arith.constant 0 : index
    %swap3A_929 = tpu.vector_load %arg10[%swap3A_927, %swap3A_928] {strides = array<i32>} : memref<125x64xf32, #tpu.memory_space<vmem>>, vector<1x16xf32>,
    %swap3A_930 = vector.shape_cast %swap3A_929 : vector<1x16xf32> to vector<16xf32>
    %swap3A_931 = vector.shape_cast %broadcast_in_dim3A_62 : vector<16xf32> to vector<1x16xf32>
    tpu.vector_store %arg10[%swap3A_927, %swap3A_928], %swap3A_931 {strides = array<i32>} : memref<125x64xf32, #tpu.memory_space<vmem>>, vector<1x16xf32>,
    %swap3A_932 = arith.constant 36 : i32
    %swap3A_933 = arith.index_cast %swap3A_932 : i32 to index
    %swap3A_934 = arith.constant 16 : index
    %swap3A_935 = tpu.vector_load %arg10[%swap3A_933, %swap3A_934] {strides = array<i32>} : memref<125x64xf32, #tpu.memory_space<vmem>>, vector<1x16xf32>,
    %swap3A_936 = vector.shape_cast %swap3A_935 : vector<1x16xf32> to vector<16xf32>
    %swap3A_937 = vector.shape_cast %broadcast_in_dim3A_62 : vector<16xf32> to vector<1x16xf32>
    tpu.vector_store %arg10[%swap3A_933, %swap3A_934], %swap3A_937 {strides = array<i32>} : memref<125x64xf32, #tpu.memory_space<vmem>>, vector<1x16xf32>,
    %swap3A_938 = arith.constant 36 : i32
    %swap3A_939 = arith.index_cast %swap3A_938 : i32 to index
    %swap3A_940 = arith.constant 32 : index
    %swap3A_941 = tpu.vector_load %arg10[%swap3A_939, %swap3A_940] {strides = array<i32>} : memref<125x64xf32, #tpu.memory_space<vmem>>, vector<1x16xf32>,
    %swap3A_942 = vector.shape_cast %swap3A_941 : vector<1x16xf32> to vector<16xf32>
    %swap3A_943 = vector.shape_cast %broadcast_in_dim3A_62 : vector<16xf32> to vector<1x16xf32>
    tpu.vector_store %arg10[%swap3A_939, %swap3A_940], %swap3A_943 {strides = array<i32>} : memref<125x64xf32, #tpu.memory_space<vmem>>, vector<1x16xf32>,
    %swap3A_944 = arith.constant 36 : i32
    %swap3A_945 = arith.index_cast %swap3A_944 : i32 to index
    %swap3A_946 = arith.constant 48 : index
    %swap3A_947 = tpu.vector_load %arg10[%swap3A_945, %swap3A_946] {strides = array<i32>} : memref<125x64xf32, #tpu.memory_space<vmem>>, vector<1x16xf32>,
    %swap3A_948 = vector.shape_cast %swap3A_947 : vector<1x16xf32> to vector<16xf32>
    %swap3A_949 = vector.shape_cast %broadcast_in_dim3A_62 : vector<16xf32> to vector<1x16xf32>
    tpu.vector_store %arg10[%swap3A_945, %swap3A_946], %swap3A_949 {strides = array<i32>} : memref<125x64xf32, #tpu.memory_space<vmem>>, vector<1x16xf32>,
    %swap3A_950 = arith.constant 37 : i32
    %swap3A_951 = arith.index_cast %swap3A_950 : i32 to index
    %swap3A_952 = arith.constant 0 : index
    %swap3A_953 = tpu.vector_load %arg10[%swap3A_951, %swap3A_952] {strides = array<i32>} : memref<125x64xf32, #tpu.memory_space<vmem>>, vector<1x16xf32>,
    %swap3A_954 = vector.shape_cast %swap3A_953 : vector<1x16xf32> to vector<16xf32>
    %swap3A_955 = vector.shape_cast %broadcast_in_dim3A_62 : vector<16xf32> to vector<1x16xf32>
    tpu.vector_store %arg10[%swap3A_951, %swap3A_952], %swap3A_955 {strides = array<i32>} : memref<125x64xf32, #tpu.memory_space<vmem>>, vector<1x16xf32>,
    %swap3A_956 = arith.constant 37 : i32
    %swap3A_957 = arith.index_cast %swap3A_956 : i32 to index
    %swap3A_958 = arith.constant 16 : index
    %swap3A_959 = tpu.vector_load %arg10[%swap3A_957, %swap3A_958] {strides = array<i32>} : memref<125x64xf32, #tpu.memory_space<vmem>>, vector<1x16xf32>,
    %swap3A_960 = vector.shape_cast %swap3A_959 : vector<1x16xf32> to vector<16xf32>
    %swap3A_961 = vector.shape_cast %broadcast_in_dim3A_62 : vector<16xf32> to vector<1x16xf32>
    tpu.vector_store %arg10[%swap3A_957, %swap3A_958], %swap3A_961 {strides = array<i32>} : memref<125x64xf32, #tpu.memory_space<vmem>>, vector<1x16xf32>,
    %swap3A_962 = arith.constant 37 : i32
    %swap3A_963 = arith.index_cast %swap3A_962 : i32 to index
    %swap3A_964 = arith.constant 32 : index
    %swap3A_965 = tpu.vector_load %arg10[%swap3A_963, %swap3A_964] {strides = array<i32>} : memref<125x64xf32, #tpu.memory_space<vmem>>, vector<1x16xf32>,
    %swap3A_966 = vector.shape_cast %swap3A_965 : vector<1x16xf32> to vector<16xf32>
    %swap3A_967 = vector.shape_cast %broadcast_in_dim3A_62 : vector<16xf32> to vector<1x16xf32>
    tpu.vector_store %arg10[%swap3A_963, %swap3A_964], %swap3A_967 {strides = array<i32>} : memref<125x64xf32, #tpu.memory_space<vmem>>, vector<1x16xf32>,
    %swap3A_968 = arith.constant 37 : i32
    %swap3A_969 = arith.index_cast %swap3A_968 : i32 to index
    %swap3A_970 = arith.constant 48 : index
    %swap3A_971 = tpu.vector_load %arg10[%swap3A_969, %swap3A_970] {strides = array<i32>} : memref<125x64xf32, #tpu.memory_space<vmem>>, vector<1x16xf32>,
    %swap3A_972 = vector.shape_cast %swap3A_971 : vector<1x16xf32> to vector<16xf32>
    %swap3A_973 = vector.shape_cast %broadcast_in_dim3A_62 : vector<16xf32> to vector<1x16xf32>
    tpu.vector_store %arg10[%swap3A_969, %swap3A_970], %swap3A_973 {strides = array<i32>} : memref<125x64xf32, #tpu.memory_space<vmem>>, vector<1x16xf32>,
    %swap3A_974 = arith.constant 38 : i32
    %swap3A_975 = arith.index_cast %swap3A_974 : i32 to index
    %swap3A_976 = arith.constant 0 : index
    %swap3A_977 = tpu.vector_load %arg10[%swap3A_975, %swap3A_976] {strides = array<i32>} : memref<125x64xf32, #tpu.memory_space<vmem>>, vector<1x16xf32>,
    %swap3A_978 = vector.shape_cast %swap3A_977 : vector<1x16xf32> to vector<16xf32>
    %swap3A_979 = vector.shape_cast %broadcast_in_dim3A_62 : vector<16xf32> to vector<1x16xf32>
    tpu.vector_store %arg10[%swap3A_975, %swap3A_976], %swap3A_979 {strides = array<i32>} : memref<125x64xf32, #tpu.memory_space<vmem>>, vector<1x16xf32>,
    %swap3A_980 = arith.constant 38 : i32
    %swap3A_981 = arith.index_cast %swap3A_980 : i32 to index
    %swap3A_982 = arith.constant 16 : index
    %swap3A_983 = tpu.vector_load %arg10[%swap3A_981, %swap3A_982] {strides = array<i32>} : memref<125x64xf32, #tpu.memory_space<vmem>>, vector<1x16xf32>,
    %swap3A_984 = vector.shape_cast %swap3A_983 : vector<1x16xf32> to vector<16xf32>
    %swap3A_985 = vector.shape_cast %broadcast_in_dim3A_62 : vector<16xf32> to vector<1x16xf32>
    tpu.vector_store %arg10[%swap3A_981, %swap3A_982], %swap3A_985 {strides = array<i32>} : memref<125x64xf32, #tpu.memory_space<vmem>>, vector<1x16xf32>,
    %swap3A_986 = arith.constant 38 : i32
    %swap3A_987 = arith.index_cast %swap3A_986 : i32 to index
    %swap3A_988 = arith.constant 32 : index
    %swap3A_989 = tpu.vector_load %arg10[%swap3A_987, %swap3A_988] {strides = array<i32>} : memref<125x64xf32, #tpu.memory_space<vmem>>, vector<1x16xf32>,
    %swap3A_990 = vector.shape_cast %swap3A_989 : vector<1x16xf32> to vector<16xf32>
    %swap3A_991 = vector.shape_cast %broadcast_in_dim3A_62 : vector<16xf32> to vector<1x16xf32>
    tpu.vector_store %arg10[%swap3A_987, %swap3A_988], %swap3A_991 {strides = array<i32>} : memref<125x64xf32, #tpu.memory_space<vmem>>, vector<1x16xf32>,
    %swap3A_992 = arith.constant 38 : i32
    %swap3A_993 = arith.index_cast %swap3A_992 : i32 to index
    %swap3A_994 = arith.constant 48 : index
    %swap3A_995 = tpu.vector_load %arg10[%swap3A_993, %swap3A_994] {strides = array<i32>} : memref<125x64xf32, #tpu.memory_space<vmem>>, vector<1x16xf32>,
    %swap3A_996 = vector.shape_cast %swap3A_995 : vector<1x16xf32> to vector<16xf32>
    %swap3A_997 = vector.shape_cast %broadcast_in_dim3A_62 : vector<16xf32> to vector<1x16xf32>
    tpu.vector_store %arg10[%swap3A_993, %swap3A_994], %swap3A_997 {strides = array<i32>} : memref<125x64xf32, #tpu.memory_space<vmem>>, vector<1x16xf32>,
    %swap3A_998 = arith.constant 39 : i32
    %swap3A_999 = arith.index_cast %swap3A_998 : i32 to index
    %swap3A_1000 = arith.constant 0 : index
    %swap3A_1001 = tpu.vector_load %arg10[%swap3A_999, %swap3A_1000] {strides = array<i32>} : memref<125x64xf32, #tpu.memory_space<vmem>>, vector<1x16xf32>,
    %swap3A_1002 = vector.shape_cast %swap3A_1001 : vector<1x16xf32> to vector<16xf32>
    %swap3A_1003 = vector.shape_cast %broadcast_in_dim3A_62 : vector<16xf32> to vector<1x16xf32>
    tpu.vector_store %arg10[%swap3A_999, %swap3A_1000], %swap3A_1003 {strides = array<i32>} : memref<125x64xf32, #tpu.memory_space<vmem>>, vector<1x16xf32>,
    %swap3A_1004 = arith.constant 39 : i32
    %swap3A_1005 = arith.index_cast %swap3A_1004 : i32 to index
    %swap3A_1006 = arith.constant 16 : index
    %swap3A_1007 = tpu.vector_load %arg10[%swap3A_1005, %swap3A_1006] {strides = array<i32>} : memref<125x64xf32, #tpu.memory_space<vmem>>, vector<1x16xf32>,
    %swap3A_1008 = vector.shape_cast %swap3A_1007 : vector<1x16xf32> to vector<16xf32>
    %swap3A_1009 = vector.shape_cast %broadcast_in_dim3A_62 : vector<16xf32> to vector<1x16xf32>
    tpu.vector_store %arg10[%swap3A_1005, %swap3A_1006], %swap3A_1009 {strides = array<i32>} : memref<125x64xf32, #tpu.memory_space<vmem>>, vector<1x16xf32>,
    %swap3A_1010 = arith.constant 39 : i32
    %swap3A_1011 = arith.index_cast %swap3A_1010 : i32 to index
    %swap3A_1012 = arith.constant 32 : index
    %swap3A_1013 = tpu.vector_load %arg10[%swap3A_1011, %swap3A_1012] {strides = array<i32>} : memref<125x64xf32, #tpu.memory_space<vmem>>, vector<1x16xf32>,
    %swap3A_1014 = vector.shape_cast %swap3A_1013 : vector<1x16xf32> to vector<16xf32>
    %swap3A_1015 = vector.shape_cast %broadcast_in_dim3A_62 : vector<16xf32> to vector<1x16xf32>
    tpu.vector_store %arg10[%swap3A_1011, %swap3A_1012], %swap3A_1015 {strides = array<i32>} : memref<125x64xf32, #tpu.memory_space<vmem>>, vector<1x16xf32>,
    %swap3A_1016 = arith.constant 39 : i32
    %swap3A_1017 = arith.index_cast %swap3A_1016 : i32 to index
    %swap3A_1018 = arith.constant 48 : index
    %swap3A_1019 = tpu.vector_load %arg10[%swap3A_1017, %swap3A_1018] {strides = array<i32>} : memref<125x64xf32, #tpu.memory_space<vmem>>, vector<1x16xf32>,
    %swap3A_1020 = vector.shape_cast %swap3A_1019 : vector<1x16xf32> to vector<16xf32>
    %swap3A_1021 = vector.shape_cast %broadcast_in_dim3A_62 : vector<16xf32> to vector<1x16xf32>
    tpu.vector_store %arg10[%swap3A_1017, %swap3A_1018], %swap3A_1021 {strides = array<i32>} : memref<125x64xf32, #tpu.memory_space<vmem>>, vector<1x16xf32>,
    %mul3A_1022 = arith.constant 632 : i32
    %mul3A_1023 = arith.muli %arg1, %mul3A_1022 : i32
    %lt3A = arith.constant 15 : i32
    %lt3A_1024 = arith.cmpi slt, %arg1, %lt3A : i32
    %convert_element_type3A = arith.extui %lt3A_1024 : i1 to i32
    %cond3A = arith.constant 0 : i32
    %cond3A_1025 = arith.cmpi ne, %convert_element_type3A, %cond3A : i32
    scf.if %cond3A_1025 {
      %add3A_1143 = arith.constant 0 : i32
      %add3A_1144 = arith.addi %mul3A_1023, %add3A_1143 : i32
      %dma_start3A_1145 = arith.constant 0 : i32
      %dma_start3A_1146 = arith.constant 0 : i32
      %dma_start3A_1147 = tpu.memref_slice %arg10[%dma_start3A_1145, %dma_start3A_1146] : memref<125x64xf32, #tpu.memory_space<vmem>> -> memref<40x64xf32, #tpu.memory_space<vmem>>
      %dma_start3A_1148 = arith.constant 0 : i32
      %dma_start3A_1149 = tpu.memref_slice %arg5[%add3A_1144, %dma_start3A_1148] : memref<10000x64xf32, #tpu.memory_space<vmem_shared>> -> memref<40x64xf32, #tpu.memory_space<vmem_shared>>
      %dma_start3A_1150 = arith.constant 0 : i32
      %dma_start3A_1151 = tpu.memref_slice %arg5[%add3A_1144, %dma_start3A_1150] : memref<10000x64xf32, #tpu.memory_space<vmem_shared>> -> memref<40x64xf32, #tpu.memory_space<vmem_shared>>
      %dma_start3A_1152 = arith.constant 0 : i32
      %dma_start3A_1153 = arith.constant 0 : i32
      %dma_start3A_1154 = tpu.memref_slice %arg10[%dma_start3A_1152, %dma_start3A_1153] : memref<125x64xf32, #tpu.memory_space<vmem>> -> memref<40x64xf32, #tpu.memory_space<vmem>>
      tpu.enqueue_dma source(%dma_start3A_1154 : memref<40x64xf32, #tpu.memory_space<vmem>>) target(%dma_start3A_1151 : memref<40x64xf32, #tpu.memory_space<vmem_shared>>) target_semaphore(%arg14 : memref<!tpu.dma_semaphore, #tpu.memory_space<semaphore_mem>>)
      %add3A_1155 = arith.constant 40 : i32
      %add3A_1156 = arith.addi %mul3A_1023, %add3A_1155 : i32
      %dma_start3A_1157 = arith.constant 0 : i32
      %dma_start3A_1158 = arith.constant 0 : i32
      %dma_start3A_1159 = tpu.memref_slice %arg10[%dma_start3A_1157, %dma_start3A_1158] : memref<125x64xf32, #tpu.memory_space<vmem>> -> memref<40x64xf32, #tpu.memory_space<vmem>>
      %dma_start3A_1160 = arith.constant 0 : i32
      %dma_start3A_1161 = tpu.memref_slice %arg5[%add3A_1156, %dma_start3A_1160] : memref<10000x64xf32, #tpu.memory_space<vmem_shared>> -> memref<40x64xf32, #tpu.memory_space<vmem_shared>>
      %dma_start3A_1162 = arith.constant 0 : i32
      %dma_start3A_1163 = tpu.memref_slice %arg5[%add3A_1156, %dma_start3A_1162] : memref<10000x64xf32, #tpu.memory_space<vmem_shared>> -> memref<40x64xf32, #tpu.memory_space<vmem_shared>>
      %dma_start3A_1164 = arith.constant 0 : i32
      %dma_start3A_1165 = arith.constant 0 : i32
      %dma_start3A_1166 = tpu.memref_slice %arg10[%dma_start3A_1164, %dma_start3A_1165] : memref<125x64xf32, #tpu.memory_space<vmem>> -> memref<40x64xf32, #tpu.memory_space<vmem>>
      tpu.enqueue_dma source(%dma_start3A_1166 : memref<40x64xf32, #tpu.memory_space<vmem>>) target(%dma_start3A_1163 : memref<40x64xf32, #tpu.memory_space<vmem_shared>>) target_semaphore(%arg14 : memref<!tpu.dma_semaphore, #tpu.memory_space<semaphore_mem>>)
      %add3A_1167 = arith.constant 80 : i32
      %add3A_1168 = arith.addi %mul3A_1023, %add3A_1167 : i32
      %dma_start3A_1169 = arith.constant 0 : i32
      %dma_start3A_1170 = arith.constant 0 : i32
      %dma_start3A_1171 = tpu.memref_slice %arg10[%dma_start3A_1169, %dma_start3A_1170] : memref<125x64xf32, #tpu.memory_space<vmem>> -> memref<40x64xf32, #tpu.memory_space<vmem>>
      %dma_start3A_1172 = arith.constant 0 : i32
      %dma_start3A_1173 = tpu.memref_slice %arg5[%add3A_1168, %dma_start3A_1172] : memref<10000x64xf32, #tpu.memory_space<vmem_shared>> -> memref<40x64xf32, #tpu.memory_space<vmem_shared>>
      %dma_start3A_1174 = arith.constant 0 : i32
      %dma_start3A_1175 = tpu.memref_slice %arg5[%add3A_1168, %dma_start3A_1174] : memref<10000x64xf32, #tpu.memory_space<vmem_shared>> -> memref<40x64xf32, #tpu.memory_space<vmem_shared>>
      %dma_start3A_1176 = arith.constant 0 : i32
      %dma_start3A_1177 = arith.constant 0 : i32
      %dma_start3A_1178 = tpu.memref_slice %arg10[%dma_start3A_1176, %dma_start3A_1177] : memref<125x64xf32, #tpu.memory_space<vmem>> -> memref<40x64xf32, #tpu.memory_space<vmem>>
      tpu.enqueue_dma source(%dma_start3A_1178 : memref<40x64xf32, #tpu.memory_space<vmem>>) target(%dma_start3A_1175 : memref<40x64xf32, #tpu.memory_space<vmem_shared>>) target_semaphore(%arg14 : memref<!tpu.dma_semaphore, #tpu.memory_space<semaphore_mem>>)
      %add3A_1179 = arith.constant 120 : i32
      %add3A_1180 = arith.addi %mul3A_1023, %add3A_1179 : i32
      %dma_start3A_1181 = arith.constant 0 : i32
      %dma_start3A_1182 = arith.constant 0 : i32
      %dma_start3A_1183 = tpu.memref_slice %arg10[%dma_start3A_1181, %dma_start3A_1182] : memref<125x64xf32, #tpu.memory_space<vmem>> -> memref<40x64xf32, #tpu.memory_space<vmem>>
      %dma_start3A_1184 = arith.constant 0 : i32
      %dma_start3A_1185 = tpu.memref_slice %arg5[%add3A_1180, %dma_start3A_1184] : memref<10000x64xf32, #tpu.memory_space<vmem_shared>> -> memref<40x64xf32, #tpu.memory_space<vmem_shared>>
      %dma_start3A_1186 = arith.constant 0 : i32
      %dma_start3A_1187 = tpu.memref_slice %arg5[%add3A_1180, %dma_start3A_1186] : memref<10000x64xf32, #tpu.memory_space<vmem_shared>> -> memref<40x64xf32, #tpu.memory_space<vmem_shared>>
      %dma_start3A_1188 = arith.constant 0 : i32
      %dma_start3A_1189 = arith.constant 0 : i32
      %dma_start3A_1190 = tpu.memref_slice %arg10[%dma_start3A_1188, %dma_start3A_1189] : memref<125x64xf32, #tpu.memory_space<vmem>> -> memref<40x64xf32, #tpu.memory_space<vmem>>
      tpu.enqueue_dma source(%dma_start3A_1190 : memref<40x64xf32, #tpu.memory_space<vmem>>) target(%dma_start3A_1187 : memref<40x64xf32, #tpu.memory_space<vmem_shared>>) target_semaphore(%arg14 : memref<!tpu.dma_semaphore, #tpu.memory_space<semaphore_mem>>)
      %add3A_1191 = arith.constant 160 : i32
      %add3A_1192 = arith.addi %mul3A_1023, %add3A_1191 : i32
      %dma_start3A_1193 = arith.constant 0 : i32
      %dma_start3A_1194 = arith.constant 0 : i32
      %dma_start3A_1195 = tpu.memref_slice %arg10[%dma_start3A_1193, %dma_start3A_1194] : memref<125x64xf32, #tpu.memory_space<vmem>> -> memref<40x64xf32, #tpu.memory_space<vmem>>
      %dma_start3A_1196 = arith.constant 0 : i32
      %dma_start3A_1197 = tpu.memref_slice %arg5[%add3A_1192, %dma_start3A_1196] : memref<10000x64xf32, #tpu.memory_space<vmem_shared>> -> memref<40x64xf32, #tpu.memory_space<vmem_shared>>
      %dma_start3A_1198 = arith.constant 0 : i32
      %dma_start3A_1199 = tpu.memref_slice %arg5[%add3A_1192, %dma_start3A_1198] : memref<10000x64xf32, #tpu.memory_space<vmem_shared>> -> memref<40x64xf32, #tpu.memory_space<vmem_shared>>
      %dma_start3A_1200 = arith.constant 0 : i32
      %dma_start3A_1201 = arith.constant 0 : i32
      %dma_start3A_1202 = tpu.memref_slice %arg10[%dma_start3A_1200, %dma_start3A_1201] : memref<125x64xf32, #tpu.memory_space<vmem>> -> memref<40x64xf32, #tpu.memory_space<vmem>>
      tpu.enqueue_dma source(%dma_start3A_1202 : memref<40x64xf32, #tpu.memory_space<vmem>>) target(%dma_start3A_1199 : memref<40x64xf32, #tpu.memory_space<vmem_shared>>) target_semaphore(%arg14 : memref<!tpu.dma_semaphore, #tpu.memory_space<semaphore_mem>>)
      %add3A_1203 = arith.constant 200 : i32
      %add3A_1204 = arith.addi %mul3A_1023, %add3A_1203 : i32
      %dma_start3A_1205 = arith.constant 0 : i32
      %dma_start3A_1206 = arith.constant 0 : i32
      %dma_start3A_1207 = tpu.memref_slice %arg10[%dma_start3A_1205, %dma_start3A_1206] : memref<125x64xf32, #tpu.memory_space<vmem>> -> memref<40x64xf32, #tpu.memory_space<vmem>>
      %dma_start3A_1208 = arith.constant 0 : i32
      %dma_start3A_1209 = tpu.memref_slice %arg5[%add3A_1204, %dma_start3A_1208] : memref<10000x64xf32, #tpu.memory_space<vmem_shared>> -> memref<40x64xf32, #tpu.memory_space<vmem_shared>>
      %dma_start3A_1210 = arith.constant 0 : i32
      %dma_start3A_1211 = tpu.memref_slice %arg5[%add3A_1204, %dma_start3A_1210] : memref<10000x64xf32, #tpu.memory_space<vmem_shared>> -> memref<40x64xf32, #tpu.memory_space<vmem_shared>>
      %dma_start3A_1212 = arith.constant 0 : i32
      %dma_start3A_1213 = arith.constant 0 : i32
      %dma_start3A_1214 = tpu.memref_slice %arg10[%dma_start3A_1212, %dma_start3A_1213] : memref<125x64xf32, #tpu.memory_space<vmem>> -> memref<40x64xf32, #tpu.memory_space<vmem>>
      tpu.enqueue_dma source(%dma_start3A_1214 : memref<40x64xf32, #tpu.memory_space<vmem>>) target(%dma_start3A_1211 : memref<40x64xf32, #tpu.memory_space<vmem_shared>>) target_semaphore(%arg14 : memref<!tpu.dma_semaphore, #tpu.memory_space<semaphore_mem>>)
      %add3A_1215 = arith.constant 240 : i32
      %add3A_1216 = arith.addi %mul3A_1023, %add3A_1215 : i32
      %dma_start3A_1217 = arith.constant 0 : i32
      %dma_start3A_1218 = arith.constant 0 : i32
      %dma_start3A_1219 = tpu.memref_slice %arg10[%dma_start3A_1217, %dma_start3A_1218] : memref<125x64xf32, #tpu.memory_space<vmem>> -> memref<40x64xf32, #tpu.memory_space<vmem>>
      %dma_start3A_1220 = arith.constant 0 : i32
      %dma_start3A_1221 = tpu.memref_slice %arg5[%add3A_1216, %dma_start3A_1220] : memref<10000x64xf32, #tpu.memory_space<vmem_shared>> -> memref<40x64xf32, #tpu.memory_space<vmem_shared>>
      %dma_start3A_1222 = arith.constant 0 : i32
      %dma_start3A_1223 = tpu.memref_slice %arg5[%add3A_1216, %dma_start3A_1222] : memref<10000x64xf32, #tpu.memory_space<vmem_shared>> -> memref<40x64xf32, #tpu.memory_space<vmem_shared>>
      %dma_start3A_1224 = arith.constant 0 : i32
      %dma_start3A_1225 = arith.constant 0 : i32
      %dma_start3A_1226 = tpu.memref_slice %arg10[%dma_start3A_1224, %dma_start3A_1225] : memref<125x64xf32, #tpu.memory_space<vmem>> -> memref<40x64xf32, #tpu.memory_space<vmem>>
      tpu.enqueue_dma source(%dma_start3A_1226 : memref<40x64xf32, #tpu.memory_space<vmem>>) target(%dma_start3A_1223 : memref<40x64xf32, #tpu.memory_space<vmem_shared>>) target_semaphore(%arg14 : memref<!tpu.dma_semaphore, #tpu.memory_space<semaphore_mem>>)
      %add3A_1227 = arith.constant 280 : i32
      %add3A_1228 = arith.addi %mul3A_1023, %add3A_1227 : i32
      %dma_start3A_1229 = arith.constant 0 : i32
      %dma_start3A_1230 = arith.constant 0 : i32
      %dma_start3A_1231 = tpu.memref_slice %arg10[%dma_start3A_1229, %dma_start3A_1230] : memref<125x64xf32, #tpu.memory_space<vmem>> -> memref<40x64xf32, #tpu.memory_space<vmem>>
      %dma_start3A_1232 = arith.constant 0 : i32
      %dma_start3A_1233 = tpu.memref_slice %arg5[%add3A_1228, %dma_start3A_1232] : memref<10000x64xf32, #tpu.memory_space<vmem_shared>> -> memref<40x64xf32, #tpu.memory_space<vmem_shared>>
      %dma_start3A_1234 = arith.constant 0 : i32
      %dma_start3A_1235 = tpu.memref_slice %arg5[%add3A_1228, %dma_start3A_1234] : memref<10000x64xf32, #tpu.memory_space<vmem_shared>> -> memref<40x64xf32, #tpu.memory_space<vmem_shared>>
      %dma_start3A_1236 = arith.constant 0 : i32
      %dma_start3A_1237 = arith.constant 0 : i32
      %dma_start3A_1238 = tpu.memref_slice %arg10[%dma_start3A_1236, %dma_start3A_1237] : memref<125x64xf32, #tpu.memory_space<vmem>> -> memref<40x64xf32, #tpu.memory_space<vmem>>
      tpu.enqueue_dma source(%dma_start3A_1238 : memref<40x64xf32, #tpu.memory_space<vmem>>) target(%dma_start3A_1235 : memref<40x64xf32, #tpu.memory_space<vmem_shared>>) target_semaphore(%arg14 : memref<!tpu.dma_semaphore, #tpu.memory_space<semaphore_mem>>)
      %add3A_1239 = arith.constant 320 : i32
      %add3A_1240 = arith.addi %mul3A_1023, %add3A_1239 : i32
      %dma_start3A_1241 = arith.constant 0 : i32
      %dma_start3A_1242 = arith.constant 0 : i32
      %dma_start3A_1243 = tpu.memref_slice %arg10[%dma_start3A_1241, %dma_start3A_1242] : memref<125x64xf32, #tpu.memory_space<vmem>> -> memref<40x64xf32, #tpu.memory_space<vmem>>
      %dma_start3A_1244 = arith.constant 0 : i32
      %dma_start3A_1245 = tpu.memref_slice %arg5[%add3A_1240, %dma_start3A_1244] : memref<10000x64xf32, #tpu.memory_space<vmem_shared>> -> memref<40x64xf32, #tpu.memory_space<vmem_shared>>
      %dma_start3A_1246 = arith.constant 0 : i32
      %dma_start3A_1247 = tpu.memref_slice %arg5[%add3A_1240, %dma_start3A_1246] : memref<10000x64xf32, #tpu.memory_space<vmem_shared>> -> memref<40x64xf32, #tpu.memory_space<vmem_shared>>
      %dma_start3A_1248 = arith.constant 0 : i32
      %dma_start3A_1249 = arith.constant 0 : i32
      %dma_start3A_1250 = tpu.memref_slice %arg10[%dma_start3A_1248, %dma_start3A_1249] : memref<125x64xf32, #tpu.memory_space<vmem>> -> memref<40x64xf32, #tpu.memory_space<vmem>>
      tpu.enqueue_dma source(%dma_start3A_1250 : memref<40x64xf32, #tpu.memory_space<vmem>>) target(%dma_start3A_1247 : memref<40x64xf32, #tpu.memory_space<vmem_shared>>) target_semaphore(%arg14 : memref<!tpu.dma_semaphore, #tpu.memory_space<semaphore_mem>>)
      %add3A_1251 = arith.constant 360 : i32
      %add3A_1252 = arith.addi %mul3A_1023, %add3A_1251 : i32
      %dma_start3A_1253 = arith.constant 0 : i32
      %dma_start3A_1254 = arith.constant 0 : i32
      %dma_start3A_1255 = tpu.memref_slice %arg10[%dma_start3A_1253, %dma_start3A_1254] : memref<125x64xf32, #tpu.memory_space<vmem>> -> memref<40x64xf32, #tpu.memory_space<vmem>>
      %dma_start3A_1256 = arith.constant 0 : i32
      %dma_start3A_1257 = tpu.memref_slice %arg5[%add3A_1252, %dma_start3A_1256] : memref<10000x64xf32, #tpu.memory_space<vmem_shared>> -> memref<40x64xf32, #tpu.memory_space<vmem_shared>>
      %dma_start3A_1258 = arith.constant 0 : i32
      %dma_start3A_1259 = tpu.memref_slice %arg5[%add3A_1252, %dma_start3A_1258] : memref<10000x64xf32, #tpu.memory_space<vmem_shared>> -> memref<40x64xf32, #tpu.memory_space<vmem_shared>>
      %dma_start3A_1260 = arith.constant 0 : i32
      %dma_start3A_1261 = arith.constant 0 : i32
      %dma_start3A_1262 = tpu.memref_slice %arg10[%dma_start3A_1260, %dma_start3A_1261] : memref<125x64xf32, #tpu.memory_space<vmem>> -> memref<40x64xf32, #tpu.memory_space<vmem>>
      tpu.enqueue_dma source(%dma_start3A_1262 : memref<40x64xf32, #tpu.memory_space<vmem>>) target(%dma_start3A_1259 : memref<40x64xf32, #tpu.memory_space<vmem_shared>>) target_semaphore(%arg14 : memref<!tpu.dma_semaphore, #tpu.memory_space<semaphore_mem>>)
      %add3A_1263 = arith.constant 400 : i32
      %add3A_1264 = arith.addi %mul3A_1023, %add3A_1263 : i32
      %dma_start3A_1265 = arith.constant 0 : i32
      %dma_start3A_1266 = arith.constant 0 : i32
      %dma_start3A_1267 = tpu.memref_slice %arg10[%dma_start3A_1265, %dma_start3A_1266] : memref<125x64xf32, #tpu.memory_space<vmem>> -> memref<40x64xf32, #tpu.memory_space<vmem>>
      %dma_start3A_1268 = arith.constant 0 : i32
      %dma_start3A_1269 = tpu.memref_slice %arg5[%add3A_1264, %dma_start3A_1268] : memref<10000x64xf32, #tpu.memory_space<vmem_shared>> -> memref<40x64xf32, #tpu.memory_space<vmem_shared>>
      %dma_start3A_1270 = arith.constant 0 : i32
      %dma_start3A_1271 = tpu.memref_slice %arg5[%add3A_1264, %dma_start3A_1270] : memref<10000x64xf32, #tpu.memory_space<vmem_shared>> -> memref<40x64xf32, #tpu.memory_space<vmem_shared>>
      %dma_start3A_1272 = arith.constant 0 : i32
      %dma_start3A_1273 = arith.constant 0 : i32
      %dma_start3A_1274 = tpu.memref_slice %arg10[%dma_start3A_1272, %dma_start3A_1273] : memref<125x64xf32, #tpu.memory_space<vmem>> -> memref<40x64xf32, #tpu.memory_space<vmem>>
      tpu.enqueue_dma source(%dma_start3A_1274 : memref<40x64xf32, #tpu.memory_space<vmem>>) target(%dma_start3A_1271 : memref<40x64xf32, #tpu.memory_space<vmem_shared>>) target_semaphore(%arg14 : memref<!tpu.dma_semaphore, #tpu.memory_space<semaphore_mem>>)
      %add3A_1275 = arith.constant 440 : i32
      %add3A_1276 = arith.addi %mul3A_1023, %add3A_1275 : i32
      %dma_start3A_1277 = arith.constant 0 : i32
      %dma_start3A_1278 = arith.constant 0 : i32
      %dma_start3A_1279 = tpu.memref_slice %arg10[%dma_start3A_1277, %dma_start3A_1278] : memref<125x64xf32, #tpu.memory_space<vmem>> -> memref<40x64xf32, #tpu.memory_space<vmem>>
      %dma_start3A_1280 = arith.constant 0 : i32
      %dma_start3A_1281 = tpu.memref_slice %arg5[%add3A_1276, %dma_start3A_1280] : memref<10000x64xf32, #tpu.memory_space<vmem_shared>> -> memref<40x64xf32, #tpu.memory_space<vmem_shared>>
      %dma_start3A_1282 = arith.constant 0 : i32
      %dma_start3A_1283 = tpu.memref_slice %arg5[%add3A_1276, %dma_start3A_1282] : memref<10000x64xf32, #tpu.memory_space<vmem_shared>> -> memref<40x64xf32, #tpu.memory_space<vmem_shared>>
      %dma_start3A_1284 = arith.constant 0 : i32
      %dma_start3A_1285 = arith.constant 0 : i32
      %dma_start3A_1286 = tpu.memref_slice %arg10[%dma_start3A_1284, %dma_start3A_1285] : memref<125x64xf32, #tpu.memory_space<vmem>> -> memref<40x64xf32, #tpu.memory_space<vmem>>
      tpu.enqueue_dma source(%dma_start3A_1286 : memref<40x64xf32, #tpu.memory_space<vmem>>) target(%dma_start3A_1283 : memref<40x64xf32, #tpu.memory_space<vmem_shared>>) target_semaphore(%arg14 : memref<!tpu.dma_semaphore, #tpu.memory_space<semaphore_mem>>)
      %add3A_1287 = arith.constant 480 : i32
      %add3A_1288 = arith.addi %mul3A_1023, %add3A_1287 : i32
      %dma_start3A_1289 = arith.constant 0 : i32
      %dma_start3A_1290 = arith.constant 0 : i32
      %dma_start3A_1291 = tpu.memref_slice %arg10[%dma_start3A_1289, %dma_start3A_1290] : memref<125x64xf32, #tpu.memory_space<vmem>> -> memref<40x64xf32, #tpu.memory_space<vmem>>
      %dma_start3A_1292 = arith.constant 0 : i32
      %dma_start3A_1293 = tpu.memref_slice %arg5[%add3A_1288, %dma_start3A_1292] : memref<10000x64xf32, #tpu.memory_space<vmem_shared>> -> memref<40x64xf32, #tpu.memory_space<vmem_shared>>
      %dma_start3A_1294 = arith.constant 0 : i32
      %dma_start3A_1295 = tpu.memref_slice %arg5[%add3A_1288, %dma_start3A_1294] : memref<10000x64xf32, #tpu.memory_space<vmem_shared>> -> memref<40x64xf32, #tpu.memory_space<vmem_shared>>
      %dma_start3A_1296 = arith.constant 0 : i32
      %dma_start3A_1297 = arith.constant 0 : i32
      %dma_start3A_1298 = tpu.memref_slice %arg10[%dma_start3A_1296, %dma_start3A_1297] : memref<125x64xf32, #tpu.memory_space<vmem>> -> memref<40x64xf32, #tpu.memory_space<vmem>>
      tpu.enqueue_dma source(%dma_start3A_1298 : memref<40x64xf32, #tpu.memory_space<vmem>>) target(%dma_start3A_1295 : memref<40x64xf32, #tpu.memory_space<vmem_shared>>) target_semaphore(%arg14 : memref<!tpu.dma_semaphore, #tpu.memory_space<semaphore_mem>>)
      %add3A_1299 = arith.constant 520 : i32
      %add3A_1300 = arith.addi %mul3A_1023, %add3A_1299 : i32
      %dma_start3A_1301 = arith.constant 0 : i32
      %dma_start3A_1302 = arith.constant 0 : i32
      %dma_start3A_1303 = tpu.memref_slice %arg10[%dma_start3A_1301, %dma_start3A_1302] : memref<125x64xf32, #tpu.memory_space<vmem>> -> memref<40x64xf32, #tpu.memory_space<vmem>>
      %dma_start3A_1304 = arith.constant 0 : i32
      %dma_start3A_1305 = tpu.memref_slice %arg5[%add3A_1300, %dma_start3A_1304] : memref<10000x64xf32, #tpu.memory_space<vmem_shared>> -> memref<40x64xf32, #tpu.memory_space<vmem_shared>>
      %dma_start3A_1306 = arith.constant 0 : i32
      %dma_start3A_1307 = tpu.memref_slice %arg5[%add3A_1300, %dma_start3A_1306] : memref<10000x64xf32, #tpu.memory_space<vmem_shared>> -> memref<40x64xf32, #tpu.memory_space<vmem_shared>>
      %dma_start3A_1308 = arith.constant 0 : i32
      %dma_start3A_1309 = arith.constant 0 : i32
      %dma_start3A_1310 = tpu.memref_slice %arg10[%dma_start3A_1308, %dma_start3A_1309] : memref<125x64xf32, #tpu.memory_space<vmem>> -> memref<40x64xf32, #tpu.memory_space<vmem>>
      tpu.enqueue_dma source(%dma_start3A_1310 : memref<40x64xf32, #tpu.memory_space<vmem>>) target(%dma_start3A_1307 : memref<40x64xf32, #tpu.memory_space<vmem_shared>>) target_semaphore(%arg14 : memref<!tpu.dma_semaphore, #tpu.memory_space<semaphore_mem>>)
      %add3A_1311 = arith.constant 560 : i32
      %add3A_1312 = arith.addi %mul3A_1023, %add3A_1311 : i32
      %dma_start3A_1313 = arith.constant 0 : i32
      %dma_start3A_1314 = arith.constant 0 : i32
      %dma_start3A_1315 = tpu.memref_slice %arg10[%dma_start3A_1313, %dma_start3A_1314] : memref<125x64xf32, #tpu.memory_space<vmem>> -> memref<40x64xf32, #tpu.memory_space<vmem>>
      %dma_start3A_1316 = arith.constant 0 : i32
      %dma_start3A_1317 = tpu.memref_slice %arg5[%add3A_1312, %dma_start3A_1316] : memref<10000x64xf32, #tpu.memory_space<vmem_shared>> -> memref<40x64xf32, #tpu.memory_space<vmem_shared>>
      %dma_start3A_1318 = arith.constant 0 : i32
      %dma_start3A_1319 = tpu.memref_slice %arg5[%add3A_1312, %dma_start3A_1318] : memref<10000x64xf32, #tpu.memory_space<vmem_shared>> -> memref<40x64xf32, #tpu.memory_space<vmem_shared>>
      %dma_start3A_1320 = arith.constant 0 : i32
      %dma_start3A_1321 = arith.constant 0 : i32
      %dma_start3A_1322 = tpu.memref_slice %arg10[%dma_start3A_1320, %dma_start3A_1321] : memref<125x64xf32, #tpu.memory_space<vmem>> -> memref<40x64xf32, #tpu.memory_space<vmem>>
      tpu.enqueue_dma source(%dma_start3A_1322 : memref<40x64xf32, #tpu.memory_space<vmem>>) target(%dma_start3A_1319 : memref<40x64xf32, #tpu.memory_space<vmem_shared>>) target_semaphore(%arg14 : memref<!tpu.dma_semaphore, #tpu.memory_space<semaphore_mem>>)
      %add3A_1323 = arith.constant 600 : i32
      %add3A_1324 = arith.addi %mul3A_1023, %add3A_1323 : i32
      %dma_start3A_1325 = arith.constant 0 : i32
      %dma_start3A_1326 = arith.constant 0 : i32
      %dma_start3A_1327 = tpu.memref_slice %arg10[%dma_start3A_1325, %dma_start3A_1326] : memref<125x64xf32, #tpu.memory_space<vmem>> -> memref<32x64xf32, #tpu.memory_space<vmem>>
      %dma_start3A_1328 = arith.constant 0 : i32
      %dma_start3A_1329 = tpu.memref_slice %arg5[%add3A_1324, %dma_start3A_1328] : memref<10000x64xf32, #tpu.memory_space<vmem_shared>> -> memref<32x64xf32, #tpu.memory_space<vmem_shared>>
      %dma_start3A_1330 = arith.constant 0 : i32
      %dma_start3A_1331 = tpu.memref_slice %arg5[%add3A_1324, %dma_start3A_1330] : memref<10000x64xf32, #tpu.memory_space<vmem_shared>> -> memref<32x64xf32, #tpu.memory_space<vmem_shared>>
      %dma_start3A_1332 = arith.constant 0 : i32
      %dma_start3A_1333 = arith.constant 0 : i32
      %dma_start3A_1334 = tpu.memref_slice %arg10[%dma_start3A_1332, %dma_start3A_1333] : memref<125x64xf32, #tpu.memory_space<vmem>> -> memref<32x64xf32, #tpu.memory_space<vmem>>
      tpu.enqueue_dma source(%dma_start3A_1334 : memref<32x64xf32, #tpu.memory_space<vmem>>) target(%dma_start3A_1331 : memref<32x64xf32, #tpu.memory_space<vmem_shared>>) target_semaphore(%arg14 : memref<!tpu.dma_semaphore, #tpu.memory_space<semaphore_mem>>)
      %add3A_1335 = arith.constant 0 : i32
      %add3A_1336 = arith.addi %mul3A_1023, %add3A_1335 : i32
      %dma_start3A_1337 = arith.constant 0 : i32
      %dma_start3A_1338 = arith.constant 0 : i32
      %dma_start3A_1339 = tpu.memref_slice %arg10[%dma_start3A_1337, %dma_start3A_1338] : memref<125x64xf32, #tpu.memory_space<vmem>> -> memref<40x64xf32, #tpu.memory_space<vmem>>
      %dma_start3A_1340 = arith.constant 0 : i32
      %dma_start3A_1341 = tpu.memref_slice %arg6[%add3A_1336, %dma_start3A_1340] : memref<10000x64xf32, #tpu.memory_space<vmem_shared>> -> memref<40x64xf32, #tpu.memory_space<vmem_shared>>
      %dma_start3A_1342 = arith.constant 0 : i32
      %dma_start3A_1343 = tpu.memref_slice %arg6[%add3A_1336, %dma_start3A_1342] : memref<10000x64xf32, #tpu.memory_space<vmem_shared>> -> memref<40x64xf32, #tpu.memory_space<vmem_shared>>
      %dma_start3A_1344 = arith.constant 0 : i32
      %dma_start3A_1345 = arith.constant 0 : i32
      %dma_start3A_1346 = tpu.memref_slice %arg10[%dma_start3A_1344, %dma_start3A_1345] : memref<125x64xf32, #tpu.memory_space<vmem>> -> memref<40x64xf32, #tpu.memory_space<vmem>>
      tpu.enqueue_dma source(%dma_start3A_1346 : memref<40x64xf32, #tpu.memory_space<vmem>>) target(%dma_start3A_1343 : memref<40x64xf32, #tpu.memory_space<vmem_shared>>) target_semaphore(%arg15 : memref<!tpu.dma_semaphore, #tpu.memory_space<semaphore_mem>>)
      %add3A_1347 = arith.constant 40 : i32
      %add3A_1348 = arith.addi %mul3A_1023, %add3A_1347 : i32
      %dma_start3A_1349 = arith.constant 0 : i32
      %dma_start3A_1350 = arith.constant 0 : i32
      %dma_start3A_1351 = tpu.memref_slice %arg10[%dma_start3A_1349, %dma_start3A_1350] : memref<125x64xf32, #tpu.memory_space<vmem>> -> memref<40x64xf32, #tpu.memory_space<vmem>>
      %dma_start3A_1352 = arith.constant 0 : i32
      %dma_start3A_1353 = tpu.memref_slice %arg6[%add3A_1348, %dma_start3A_1352] : memref<10000x64xf32, #tpu.memory_space<vmem_shared>> -> memref<40x64xf32, #tpu.memory_space<vmem_shared>>
      %dma_start3A_1354 = arith.constant 0 : i32
      %dma_start3A_1355 = tpu.memref_slice %arg6[%add3A_1348, %dma_start3A_1354] : memref<10000x64xf32, #tpu.memory_space<vmem_shared>> -> memref<40x64xf32, #tpu.memory_space<vmem_shared>>
      %dma_start3A_1356 = arith.constant 0 : i32
      %dma_start3A_1357 = arith.constant 0 : i32
      %dma_start3A_1358 = tpu.memref_slice %arg10[%dma_start3A_1356, %dma_start3A_1357] : memref<125x64xf32, #tpu.memory_space<vmem>> -> memref<40x64xf32, #tpu.memory_space<vmem>>
      tpu.enqueue_dma source(%dma_start3A_1358 : memref<40x64xf32, #tpu.memory_space<vmem>>) target(%dma_start3A_1355 : memref<40x64xf32, #tpu.memory_space<vmem_shared>>) target_semaphore(%arg15 : memref<!tpu.dma_semaphore, #tpu.memory_space<semaphore_mem>>)
      %add3A_1359 = arith.constant 80 : i32
      %add3A_1360 = arith.addi %mul3A_1023, %add3A_1359 : i32
      %dma_start3A_1361 = arith.constant 0 : i32
      %dma_start3A_1362 = arith.constant 0 : i32
      %dma_start3A_1363 = tpu.memref_slice %arg10[%dma_start3A_1361, %dma_start3A_1362] : memref<125x64xf32, #tpu.memory_space<vmem>> -> memref<40x64xf32, #tpu.memory_space<vmem>>
      %dma_start3A_1364 = arith.constant 0 : i32
      %dma_start3A_1365 = tpu.memref_slice %arg6[%add3A_1360, %dma_start3A_1364] : memref<10000x64xf32, #tpu.memory_space<vmem_shared>> -> memref<40x64xf32, #tpu.memory_space<vmem_shared>>
      %dma_start3A_1366 = arith.constant 0 : i32
      %dma_start3A_1367 = tpu.memref_slice %arg6[%add3A_1360, %dma_start3A_1366] : memref<10000x64xf32, #tpu.memory_space<vmem_shared>> -> memref<40x64xf32, #tpu.memory_space<vmem_shared>>
      %dma_start3A_1368 = arith.constant 0 : i32
      %dma_start3A_1369 = arith.constant 0 : i32
      %dma_start3A_1370 = tpu.memref_slice %arg10[%dma_start3A_1368, %dma_start3A_1369] : memref<125x64xf32, #tpu.memory_space<vmem>> -> memref<40x64xf32, #tpu.memory_space<vmem>>
      tpu.enqueue_dma source(%dma_start3A_1370 : memref<40x64xf32, #tpu.memory_space<vmem>>) target(%dma_start3A_1367 : memref<40x64xf32, #tpu.memory_space<vmem_shared>>) target_semaphore(%arg15 : memref<!tpu.dma_semaphore, #tpu.memory_space<semaphore_mem>>)
      %add3A_1371 = arith.constant 120 : i32
      %add3A_1372 = arith.addi %mul3A_1023, %add3A_1371 : i32
      %dma_start3A_1373 = arith.constant 0 : i32
      %dma_start3A_1374 = arith.constant 0 : i32
      %dma_start3A_1375 = tpu.memref_slice %arg10[%dma_start3A_1373, %dma_start3A_1374] : memref<125x64xf32, #tpu.memory_space<vmem>> -> memref<40x64xf32, #tpu.memory_space<vmem>>
      %dma_start3A_1376 = arith.constant 0 : i32
      %dma_start3A_1377 = tpu.memref_slice %arg6[%add3A_1372, %dma_start3A_1376] : memref<10000x64xf32, #tpu.memory_space<vmem_shared>> -> memref<40x64xf32, #tpu.memory_space<vmem_shared>>
      %dma_start3A_1378 = arith.constant 0 : i32
      %dma_start3A_1379 = tpu.memref_slice %arg6[%add3A_1372, %dma_start3A_1378] : memref<10000x64xf32, #tpu.memory_space<vmem_shared>> -> memref<40x64xf32, #tpu.memory_space<vmem_shared>>
      %dma_start3A_1380 = arith.constant 0 : i32
      %dma_start3A_1381 = arith.constant 0 : i32
      %dma_start3A_1382 = tpu.memref_slice %arg10[%dma_start3A_1380, %dma_start3A_1381] : memref<125x64xf32, #tpu.memory_space<vmem>> -> memref<40x64xf32, #tpu.memory_space<vmem>>
      tpu.enqueue_dma source(%dma_start3A_1382 : memref<40x64xf32, #tpu.memory_space<vmem>>) target(%dma_start3A_1379 : memref<40x64xf32, #tpu.memory_space<vmem_shared>>) target_semaphore(%arg15 : memref<!tpu.dma_semaphore, #tpu.memory_space<semaphore_mem>>)
      %add3A_1383 = arith.constant 160 : i32
      %add3A_1384 = arith.addi %mul3A_1023, %add3A_1383 : i32
      %dma_start3A_1385 = arith.constant 0 : i32
      %dma_start3A_1386 = arith.constant 0 : i32
      %dma_start3A_1387 = tpu.memref_slice %arg10[%dma_start3A_1385, %dma_start3A_1386] : memref<125x64xf32, #tpu.memory_space<vmem>> -> memref<40x64xf32, #tpu.memory_space<vmem>>
      %dma_start3A_1388 = arith.constant 0 : i32
      %dma_start3A_1389 = tpu.memref_slice %arg6[%add3A_1384, %dma_start3A_1388] : memref<10000x64xf32, #tpu.memory_space<vmem_shared>> -> memref<40x64xf32, #tpu.memory_space<vmem_shared>>
      %dma_start3A_1390 = arith.constant 0 : i32
      %dma_start3A_1391 = tpu.memref_slice %arg6[%add3A_1384, %dma_start3A_1390] : memref<10000x64xf32, #tpu.memory_space<vmem_shared>> -> memref<40x64xf32, #tpu.memory_space<vmem_shared>>
      %dma_start3A_1392 = arith.constant 0 : i32
      %dma_start3A_1393 = arith.constant 0 : i32
      %dma_start3A_1394 = tpu.memref_slice %arg10[%dma_start3A_1392, %dma_start3A_1393] : memref<125x64xf32, #tpu.memory_space<vmem>> -> memref<40x64xf32, #tpu.memory_space<vmem>>
      tpu.enqueue_dma source(%dma_start3A_1394 : memref<40x64xf32, #tpu.memory_space<vmem>>) target(%dma_start3A_1391 : memref<40x64xf32, #tpu.memory_space<vmem_shared>>) target_semaphore(%arg15 : memref<!tpu.dma_semaphore, #tpu.memory_space<semaphore_mem>>)
      %add3A_1395 = arith.constant 200 : i32
      %add3A_1396 = arith.addi %mul3A_1023, %add3A_1395 : i32
      %dma_start3A_1397 = arith.constant 0 : i32
      %dma_start3A_1398 = arith.constant 0 : i32
      %dma_start3A_1399 = tpu.memref_slice %arg10[%dma_start3A_1397, %dma_start3A_1398] : memref<125x64xf32, #tpu.memory_space<vmem>> -> memref<40x64xf32, #tpu.memory_space<vmem>>
      %dma_start3A_1400 = arith.constant 0 : i32
      %dma_start3A_1401 = tpu.memref_slice %arg6[%add3A_1396, %dma_start3A_1400] : memref<10000x64xf32, #tpu.memory_space<vmem_shared>> -> memref<40x64xf32, #tpu.memory_space<vmem_shared>>
      %dma_start3A_1402 = arith.constant 0 : i32
      %dma_start3A_1403 = tpu.memref_slice %arg6[%add3A_1396, %dma_start3A_1402] : memref<10000x64xf32, #tpu.memory_space<vmem_shared>> -> memref<40x64xf32, #tpu.memory_space<vmem_shared>>
      %dma_start3A_1404 = arith.constant 0 : i32
      %dma_start3A_1405 = arith.constant 0 : i32
      %dma_start3A_1406 = tpu.memref_slice %arg10[%dma_start3A_1404, %dma_start3A_1405] : memref<125x64xf32, #tpu.memory_space<vmem>> -> memref<40x64xf32, #tpu.memory_space<vmem>>
      tpu.enqueue_dma source(%dma_start3A_1406 : memref<40x64xf32, #tpu.memory_space<vmem>>) target(%dma_start3A_1403 : memref<40x64xf32, #tpu.memory_space<vmem_shared>>) target_semaphore(%arg15 : memref<!tpu.dma_semaphore, #tpu.memory_space<semaphore_mem>>)
      %add3A_1407 = arith.constant 240 : i32
      %add3A_1408 = arith.addi %mul3A_1023, %add3A_1407 : i32
      %dma_start3A_1409 = arith.constant 0 : i32
      %dma_start3A_1410 = arith.constant 0 : i32
      %dma_start3A_1411 = tpu.memref_slice %arg10[%dma_start3A_1409, %dma_start3A_1410] : memref<125x64xf32, #tpu.memory_space<vmem>> -> memref<40x64xf32, #tpu.memory_space<vmem>>
      %dma_start3A_1412 = arith.constant 0 : i32
      %dma_start3A_1413 = tpu.memref_slice %arg6[%add3A_1408, %dma_start3A_1412] : memref<10000x64xf32, #tpu.memory_space<vmem_shared>> -> memref<40x64xf32, #tpu.memory_space<vmem_shared>>
      %dma_start3A_1414 = arith.constant 0 : i32
      %dma_start3A_1415 = tpu.memref_slice %arg6[%add3A_1408, %dma_start3A_1414] : memref<10000x64xf32, #tpu.memory_space<vmem_shared>> -> memref<40x64xf32, #tpu.memory_space<vmem_shared>>
      %dma_start3A_1416 = arith.constant 0 : i32
      %dma_start3A_1417 = arith.constant 0 : i32
      %dma_start3A_1418 = tpu.memref_slice %arg10[%dma_start3A_1416, %dma_start3A_1417] : memref<125x64xf32, #tpu.memory_space<vmem>> -> memref<40x64xf32, #tpu.memory_space<vmem>>
      tpu.enqueue_dma source(%dma_start3A_1418 : memref<40x64xf32, #tpu.memory_space<vmem>>) target(%dma_start3A_1415 : memref<40x64xf32, #tpu.memory_space<vmem_shared>>) target_semaphore(%arg15 : memref<!tpu.dma_semaphore, #tpu.memory_space<semaphore_mem>>)
      %add3A_1419 = arith.constant 280 : i32
      %add3A_1420 = arith.addi %mul3A_1023, %add3A_1419 : i32
      %dma_start3A_1421 = arith.constant 0 : i32
      %dma_start3A_1422 = arith.constant 0 : i32
      %dma_start3A_1423 = tpu.memref_slice %arg10[%dma_start3A_1421, %dma_start3A_1422] : memref<125x64xf32, #tpu.memory_space<vmem>> -> memref<40x64xf32, #tpu.memory_space<vmem>>
      %dma_start3A_1424 = arith.constant 0 : i32
      %dma_start3A_1425 = tpu.memref_slice %arg6[%add3A_1420, %dma_start3A_1424] : memref<10000x64xf32, #tpu.memory_space<vmem_shared>> -> memref<40x64xf32, #tpu.memory_space<vmem_shared>>
      %dma_start3A_1426 = arith.constant 0 : i32
      %dma_start3A_1427 = tpu.memref_slice %arg6[%add3A_1420, %dma_start3A_1426] : memref<10000x64xf32, #tpu.memory_space<vmem_shared>> -> memref<40x64xf32, #tpu.memory_space<vmem_shared>>
      %dma_start3A_1428 = arith.constant 0 : i32
      %dma_start3A_1429 = arith.constant 0 : i32
      %dma_start3A_1430 = tpu.memref_slice %arg10[%dma_start3A_1428, %dma_start3A_1429] : memref<125x64xf32, #tpu.memory_space<vmem>> -> memref<40x64xf32, #tpu.memory_space<vmem>>
      tpu.enqueue_dma source(%dma_start3A_1430 : memref<40x64xf32, #tpu.memory_space<vmem>>) target(%dma_start3A_1427 : memref<40x64xf32, #tpu.memory_space<vmem_shared>>) target_semaphore(%arg15 : memref<!tpu.dma_semaphore, #tpu.memory_space<semaphore_mem>>)
      %add3A_1431 = arith.constant 320 : i32
      %add3A_1432 = arith.addi %mul3A_1023, %add3A_1431 : i32
      %dma_start3A_1433 = arith.constant 0 : i32
      %dma_start3A_1434 = arith.constant 0 : i32
      %dma_start3A_1435 = tpu.memref_slice %arg10[%dma_start3A_1433, %dma_start3A_1434] : memref<125x64xf32, #tpu.memory_space<vmem>> -> memref<40x64xf32, #tpu.memory_space<vmem>>
      %dma_start3A_1436 = arith.constant 0 : i32
      %dma_start3A_1437 = tpu.memref_slice %arg6[%add3A_1432, %dma_start3A_1436] : memref<10000x64xf32, #tpu.memory_space<vmem_shared>> -> memref<40x64xf32, #tpu.memory_space<vmem_shared>>
      %dma_start3A_1438 = arith.constant 0 : i32
      %dma_start3A_1439 = tpu.memref_slice %arg6[%add3A_1432, %dma_start3A_1438] : memref<10000x64xf32, #tpu.memory_space<vmem_shared>> -> memref<40x64xf32, #tpu.memory_space<vmem_shared>>
      %dma_start3A_1440 = arith.constant 0 : i32
      %dma_start3A_1441 = arith.constant 0 : i32
      %dma_start3A_1442 = tpu.memref_slice %arg10[%dma_start3A_1440, %dma_start3A_1441] : memref<125x64xf32, #tpu.memory_space<vmem>> -> memref<40x64xf32, #tpu.memory_space<vmem>>
      tpu.enqueue_dma source(%dma_start3A_1442 : memref<40x64xf32, #tpu.memory_space<vmem>>) target(%dma_start3A_1439 : memref<40x64xf32, #tpu.memory_space<vmem_shared>>) target_semaphore(%arg15 : memref<!tpu.dma_semaphore, #tpu.memory_space<semaphore_mem>>)
      %add3A_1443 = arith.constant 360 : i32
      %add3A_1444 = arith.addi %mul3A_1023, %add3A_1443 : i32
      %dma_start3A_1445 = arith.constant 0 : i32
      %dma_start3A_1446 = arith.constant 0 : i32
      %dma_start3A_1447 = tpu.memref_slice %arg10[%dma_start3A_1445, %dma_start3A_1446] : memref<125x64xf32, #tpu.memory_space<vmem>> -> memref<40x64xf32, #tpu.memory_space<vmem>>
      %dma_start3A_1448 = arith.constant 0 : i32
      %dma_start3A_1449 = tpu.memref_slice %arg6[%add3A_1444, %dma_start3A_1448] : memref<10000x64xf32, #tpu.memory_space<vmem_shared>> -> memref<40x64xf32, #tpu.memory_space<vmem_shared>>
      %dma_start3A_1450 = arith.constant 0 : i32
      %dma_start3A_1451 = tpu.memref_slice %arg6[%add3A_1444, %dma_start3A_1450] : memref<10000x64xf32, #tpu.memory_space<vmem_shared>> -> memref<40x64xf32, #tpu.memory_space<vmem_shared>>
      %dma_start3A_1452 = arith.constant 0 : i32
      %dma_start3A_1453 = arith.constant 0 : i32
      %dma_start3A_1454 = tpu.memref_slice %arg10[%dma_start3A_1452, %dma_start3A_1453] : memref<125x64xf32, #tpu.memory_space<vmem>> -> memref<40x64xf32, #tpu.memory_space<vmem>>
      tpu.enqueue_dma source(%dma_start3A_1454 : memref<40x64xf32, #tpu.memory_space<vmem>>) target(%dma_start3A_1451 : memref<40x64xf32, #tpu.memory_space<vmem_shared>>) target_semaphore(%arg15 : memref<!tpu.dma_semaphore, #tpu.memory_space<semaphore_mem>>)
      %add3A_1455 = arith.constant 400 : i32
      %add3A_1456 = arith.addi %mul3A_1023, %add3A_1455 : i32
      %dma_start3A_1457 = arith.constant 0 : i32
      %dma_start3A_1458 = arith.constant 0 : i32
      %dma_start3A_1459 = tpu.memref_slice %arg10[%dma_start3A_1457, %dma_start3A_1458] : memref<125x64xf32, #tpu.memory_space<vmem>> -> memref<40x64xf32, #tpu.memory_space<vmem>>
      %dma_start3A_1460 = arith.constant 0 : i32
      %dma_start3A_1461 = tpu.memref_slice %arg6[%add3A_1456, %dma_start3A_1460] : memref<10000x64xf32, #tpu.memory_space<vmem_shared>> -> memref<40x64xf32, #tpu.memory_space<vmem_shared>>
      %dma_start3A_1462 = arith.constant 0 : i32
      %dma_start3A_1463 = tpu.memref_slice %arg6[%add3A_1456, %dma_start3A_1462] : memref<10000x64xf32, #tpu.memory_space<vmem_shared>> -> memref<40x64xf32, #tpu.memory_space<vmem_shared>>
      %dma_start3A_1464 = arith.constant 0 : i32
      %dma_start3A_1465 = arith.constant 0 : i32
      %dma_start3A_1466 = tpu.memref_slice %arg10[%dma_start3A_1464, %dma_start3A_1465] : memref<125x64xf32, #tpu.memory_space<vmem>> -> memref<40x64xf32, #tpu.memory_space<vmem>>
      tpu.enqueue_dma source(%dma_start3A_1466 : memref<40x64xf32, #tpu.memory_space<vmem>>) target(%dma_start3A_1463 : memref<40x64xf32, #tpu.memory_space<vmem_shared>>) target_semaphore(%arg15 : memref<!tpu.dma_semaphore, #tpu.memory_space<semaphore_mem>>)
      %add3A_1467 = arith.constant 440 : i32
      %add3A_1468 = arith.addi %mul3A_1023, %add3A_1467 : i32
      %dma_start3A_1469 = arith.constant 0 : i32
      %dma_start3A_1470 = arith.constant 0 : i32
      %dma_start3A_1471 = tpu.memref_slice %arg10[%dma_start3A_1469, %dma_start3A_1470] : memref<125x64xf32, #tpu.memory_space<vmem>> -> memref<40x64xf32, #tpu.memory_space<vmem>>
      %dma_start3A_1472 = arith.constant 0 : i32
      %dma_start3A_1473 = tpu.memref_slice %arg6[%add3A_1468, %dma_start3A_1472] : memref<10000x64xf32, #tpu.memory_space<vmem_shared>> -> memref<40x64xf32, #tpu.memory_space<vmem_shared>>
      %dma_start3A_1474 = arith.constant 0 : i32
      %dma_start3A_1475 = tpu.memref_slice %arg6[%add3A_1468, %dma_start3A_1474] : memref<10000x64xf32, #tpu.memory_space<vmem_shared>> -> memref<40x64xf32, #tpu.memory_space<vmem_shared>>
      %dma_start3A_1476 = arith.constant 0 : i32
      %dma_start3A_1477 = arith.constant 0 : i32
      %dma_start3A_1478 = tpu.memref_slice %arg10[%dma_start3A_1476, %dma_start3A_1477] : memref<125x64xf32, #tpu.memory_space<vmem>> -> memref<40x64xf32, #tpu.memory_space<vmem>>
      tpu.enqueue_dma source(%dma_start3A_1478 : memref<40x64xf32, #tpu.memory_space<vmem>>) target(%dma_start3A_1475 : memref<40x64xf32, #tpu.memory_space<vmem_shared>>) target_semaphore(%arg15 : memref<!tpu.dma_semaphore, #tpu.memory_space<semaphore_mem>>)
      %add3A_1479 = arith.constant 480 : i32
      %add3A_1480 = arith.addi %mul3A_1023, %add3A_1479 : i32
      %dma_start3A_1481 = arith.constant 0 : i32
      %dma_start3A_1482 = arith.constant 0 : i32
      %dma_start3A_1483 = tpu.memref_slice %arg10[%dma_start3A_1481, %dma_start3A_1482] : memref<125x64xf32, #tpu.memory_space<vmem>> -> memref<40x64xf32, #tpu.memory_space<vmem>>
      %dma_start3A_1484 = arith.constant 0 : i32
      %dma_start3A_1485 = tpu.memref_slice %arg6[%add3A_1480, %dma_start3A_1484] : memref<10000x64xf32, #tpu.memory_space<vmem_shared>> -> memref<40x64xf32, #tpu.memory_space<vmem_shared>>
      %dma_start3A_1486 = arith.constant 0 : i32
      %dma_start3A_1487 = tpu.memref_slice %arg6[%add3A_1480, %dma_start3A_1486] : memref<10000x64xf32, #tpu.memory_space<vmem_shared>> -> memref<40x64xf32, #tpu.memory_space<vmem_shared>>
      %dma_start3A_1488 = arith.constant 0 : i32
      %dma_start3A_1489 = arith.constant 0 : i32
      %dma_start3A_1490 = tpu.memref_slice %arg10[%dma_start3A_1488, %dma_start3A_1489] : memref<125x64xf32, #tpu.memory_space<vmem>> -> memref<40x64xf32, #tpu.memory_space<vmem>>
      tpu.enqueue_dma source(%dma_start3A_1490 : memref<40x64xf32, #tpu.memory_space<vmem>>) target(%dma_start3A_1487 : memref<40x64xf32, #tpu.memory_space<vmem_shared>>) target_semaphore(%arg15 : memref<!tpu.dma_semaphore, #tpu.memory_space<semaphore_mem>>)
      %add3A_1491 = arith.constant 520 : i32
      %add3A_1492 = arith.addi %mul3A_1023, %add3A_1491 : i32
      %dma_start3A_1493 = arith.constant 0 : i32
      %dma_start3A_1494 = arith.constant 0 : i32
      %dma_start3A_1495 = tpu.memref_slice %arg10[%dma_start3A_1493, %dma_start3A_1494] : memref<125x64xf32, #tpu.memory_space<vmem>> -> memref<40x64xf32, #tpu.memory_space<vmem>>
      %dma_start3A_1496 = arith.constant 0 : i32
      %dma_start3A_1497 = tpu.memref_slice %arg6[%add3A_1492, %dma_start3A_1496] : memref<10000x64xf32, #tpu.memory_space<vmem_shared>> -> memref<40x64xf32, #tpu.memory_space<vmem_shared>>
      %dma_start3A_1498 = arith.constant 0 : i32
      %dma_start3A_1499 = tpu.memref_slice %arg6[%add3A_1492, %dma_start3A_1498] : memref<10000x64xf32, #tpu.memory_space<vmem_shared>> -> memref<40x64xf32, #tpu.memory_space<vmem_shared>>
      %dma_start3A_1500 = arith.constant 0 : i32
      %dma_start3A_1501 = arith.constant 0 : i32
      %dma_start3A_1502 = tpu.memref_slice %arg10[%dma_start3A_1500, %dma_start3A_1501] : memref<125x64xf32, #tpu.memory_space<vmem>> -> memref<40x64xf32, #tpu.memory_space<vmem>>
      tpu.enqueue_dma source(%dma_start3A_1502 : memref<40x64xf32, #tpu.memory_space<vmem>>) target(%dma_start3A_1499 : memref<40x64xf32, #tpu.memory_space<vmem_shared>>) target_semaphore(%arg15 : memref<!tpu.dma_semaphore, #tpu.memory_space<semaphore_mem>>)
      %add3A_1503 = arith.constant 560 : i32
      %add3A_1504 = arith.addi %mul3A_1023, %add3A_1503 : i32
      %dma_start3A_1505 = arith.constant 0 : i32
      %dma_start3A_1506 = arith.constant 0 : i32
      %dma_start3A_1507 = tpu.memref_slice %arg10[%dma_start3A_1505, %dma_start3A_1506] : memref<125x64xf32, #tpu.memory_space<vmem>> -> memref<40x64xf32, #tpu.memory_space<vmem>>
      %dma_start3A_1508 = arith.constant 0 : i32
      %dma_start3A_1509 = tpu.memref_slice %arg6[%add3A_1504, %dma_start3A_1508] : memref<10000x64xf32, #tpu.memory_space<vmem_shared>> -> memref<40x64xf32, #tpu.memory_space<vmem_shared>>
      %dma_start3A_1510 = arith.constant 0 : i32
      %dma_start3A_1511 = tpu.memref_slice %arg6[%add3A_1504, %dma_start3A_1510] : memref<10000x64xf32, #tpu.memory_space<vmem_shared>> -> memref<40x64xf32, #tpu.memory_space<vmem_shared>>
      %dma_start3A_1512 = arith.constant 0 : i32
      %dma_start3A_1513 = arith.constant 0 : i32
      %dma_start3A_1514 = tpu.memref_slice %arg10[%dma_start3A_1512, %dma_start3A_1513] : memref<125x64xf32, #tpu.memory_space<vmem>> -> memref<40x64xf32, #tpu.memory_space<vmem>>
      tpu.enqueue_dma source(%dma_start3A_1514 : memref<40x64xf32, #tpu.memory_space<vmem>>) target(%dma_start3A_1511 : memref<40x64xf32, #tpu.memory_space<vmem_shared>>) target_semaphore(%arg15 : memref<!tpu.dma_semaphore, #tpu.memory_space<semaphore_mem>>)
      %add3A_1515 = arith.constant 600 : i32
      %add3A_1516 = arith.addi %mul3A_1023, %add3A_1515 : i32
      %dma_start3A_1517 = arith.constant 0 : i32
      %dma_start3A_1518 = arith.constant 0 : i32
      %dma_start3A_1519 = tpu.memref_slice %arg10[%dma_start3A_1517, %dma_start3A_1518] : memref<125x64xf32, #tpu.memory_space<vmem>> -> memref<32x64xf32, #tpu.memory_space<vmem>>
      %dma_start3A_1520 = arith.constant 0 : i32
      %dma_start3A_1521 = tpu.memref_slice %arg6[%add3A_1516, %dma_start3A_1520] : memref<10000x64xf32, #tpu.memory_space<vmem_shared>> -> memref<32x64xf32, #tpu.memory_space<vmem_shared>>
      %dma_start3A_1522 = arith.constant 0 : i32
      %dma_start3A_1523 = tpu.memref_slice %arg6[%add3A_1516, %dma_start3A_1522] : memref<10000x64xf32, #tpu.memory_space<vmem_shared>> -> memref<32x64xf32, #tpu.memory_space<vmem_shared>>
      %dma_start3A_1524 = arith.constant 0 : i32
      %dma_start3A_1525 = arith.constant 0 : i32
      %dma_start3A_1526 = tpu.memref_slice %arg10[%dma_start3A_1524, %dma_start3A_1525] : memref<125x64xf32, #tpu.memory_space<vmem>> -> memref<32x64xf32, #tpu.memory_space<vmem>>
      tpu.enqueue_dma source(%dma_start3A_1526 : memref<32x64xf32, #tpu.memory_space<vmem>>) target(%dma_start3A_1523 : memref<32x64xf32, #tpu.memory_space<vmem_shared>>) target_semaphore(%arg15 : memref<!tpu.dma_semaphore, #tpu.memory_space<semaphore_mem>>)
      %add3A_1527 = arith.constant 0 : i32
      %add3A_1528 = arith.addi %mul3A_1023, %add3A_1527 : i32
      %dma_wait3A_1529 = arith.constant 0 : i32
      %dma_wait3A_1530 = arith.constant 0 : i32
      %dma_wait3A_1531 = tpu.memref_slice %arg10[%dma_wait3A_1529, %dma_wait3A_1530] : memref<125x64xf32, #tpu.memory_space<vmem>> -> memref<40x64xf32, #tpu.memory_space<vmem>>
      %dma_wait3A_1532 = arith.constant 0 : i32
      %dma_wait3A_1533 = tpu.memref_slice %arg5[%add3A_1528, %dma_wait3A_1532] : memref<10000x64xf32, #tpu.memory_space<vmem_shared>> -> memref<40x64xf32, #tpu.memory_space<vmem_shared>>
      %dma_wait3A_1534 = arith.constant 0 : i32
      %dma_wait3A_1535 = tpu.memref_slice %arg5[%add3A_1528, %dma_wait3A_1534] : memref<10000x64xf32, #tpu.memory_space<vmem_shared>> -> memref<40x64xf32, #tpu.memory_space<vmem_shared>>
      %dma_wait3A_1536 = arith.constant 0 : i32
      %dma_wait3A_1537 = arith.constant 0 : i32
      %dma_wait3A_1538 = tpu.memref_slice %arg10[%dma_wait3A_1536, %dma_wait3A_1537] : memref<125x64xf32, #tpu.memory_space<vmem>> -> memref<40x64xf32, #tpu.memory_space<vmem>>
      tpu.wait_dma2 semaphore(%arg14 : memref<!tpu.dma_semaphore, #tpu.memory_space<semaphore_mem>>) src(%dma_wait3A_1538 : memref<40x64xf32, #tpu.memory_space<vmem>>) dst(%dma_wait3A_1535 : memref<40x64xf32, #tpu.memory_space<vmem_shared>>)
      %add3A_1539 = arith.constant 40 : i32
      %add3A_1540 = arith.addi %mul3A_1023, %add3A_1539 : i32
      %dma_wait3A_1541 = arith.constant 0 : i32
      %dma_wait3A_1542 = arith.constant 0 : i32
      %dma_wait3A_1543 = tpu.memref_slice %arg10[%dma_wait3A_1541, %dma_wait3A_1542] : memref<125x64xf32, #tpu.memory_space<vmem>> -> memref<40x64xf32, #tpu.memory_space<vmem>>
      %dma_wait3A_1544 = arith.constant 0 : i32
      %dma_wait3A_1545 = tpu.memref_slice %arg5[%add3A_1540, %dma_wait3A_1544] : memref<10000x64xf32, #tpu.memory_space<vmem_shared>> -> memref<40x64xf32, #tpu.memory_space<vmem_shared>>
      %dma_wait3A_1546 = arith.constant 0 : i32
      %dma_wait3A_1547 = tpu.memref_slice %arg5[%add3A_1540, %dma_wait3A_1546] : memref<10000x64xf32, #tpu.memory_space<vmem_shared>> -> memref<40x64xf32, #tpu.memory_space<vmem_shared>>
      %dma_wait3A_1548 = arith.constant 0 : i32
      %dma_wait3A_1549 = arith.constant 0 : i32
      %dma_wait3A_1550 = tpu.memref_slice %arg10[%dma_wait3A_1548, %dma_wait3A_1549] : memref<125x64xf32, #tpu.memory_space<vmem>> -> memref<40x64xf32, #tpu.memory_space<vmem>>
      tpu.wait_dma2 semaphore(%arg14 : memref<!tpu.dma_semaphore, #tpu.memory_space<semaphore_mem>>) src(%dma_wait3A_1550 : memref<40x64xf32, #tpu.memory_space<vmem>>) dst(%dma_wait3A_1547 : memref<40x64xf32, #tpu.memory_space<vmem_shared>>)
      %add3A_1551 = arith.constant 80 : i32
      %add3A_1552 = arith.addi %mul3A_1023, %add3A_1551 : i32
      %dma_wait3A_1553 = arith.constant 0 : i32
      %dma_wait3A_1554 = arith.constant 0 : i32
      %dma_wait3A_1555 = tpu.memref_slice %arg10[%dma_wait3A_1553, %dma_wait3A_1554] : memref<125x64xf32, #tpu.memory_space<vmem>> -> memref<40x64xf32, #tpu.memory_space<vmem>>
      %dma_wait3A_1556 = arith.constant 0 : i32
      %dma_wait3A_1557 = tpu.memref_slice %arg5[%add3A_1552, %dma_wait3A_1556] : memref<10000x64xf32, #tpu.memory_space<vmem_shared>> -> memref<40x64xf32, #tpu.memory_space<vmem_shared>>
      %dma_wait3A_1558 = arith.constant 0 : i32
      %dma_wait3A_1559 = tpu.memref_slice %arg5[%add3A_1552, %dma_wait3A_1558] : memref<10000x64xf32, #tpu.memory_space<vmem_shared>> -> memref<40x64xf32, #tpu.memory_space<vmem_shared>>
      %dma_wait3A_1560 = arith.constant 0 : i32
      %dma_wait3A_1561 = arith.constant 0 : i32
      %dma_wait3A_1562 = tpu.memref_slice %arg10[%dma_wait3A_1560, %dma_wait3A_1561] : memref<125x64xf32, #tpu.memory_space<vmem>> -> memref<40x64xf32, #tpu.memory_space<vmem>>
      tpu.wait_dma2 semaphore(%arg14 : memref<!tpu.dma_semaphore, #tpu.memory_space<semaphore_mem>>) src(%dma_wait3A_1562 : memref<40x64xf32, #tpu.memory_space<vmem>>) dst(%dma_wait3A_1559 : memref<40x64xf32, #tpu.memory_space<vmem_shared>>)
      %add3A_1563 = arith.constant 120 : i32
      %add3A_1564 = arith.addi %mul3A_1023, %add3A_1563 : i32
      %dma_wait3A_1565 = arith.constant 0 : i32
      %dma_wait3A_1566 = arith.constant 0 : i32
      %dma_wait3A_1567 = tpu.memref_slice %arg10[%dma_wait3A_1565, %dma_wait3A_1566] : memref<125x64xf32, #tpu.memory_space<vmem>> -> memref<40x64xf32, #tpu.memory_space<vmem>>
      %dma_wait3A_1568 = arith.constant 0 : i32
      %dma_wait3A_1569 = tpu.memref_slice %arg5[%add3A_1564, %dma_wait3A_1568] : memref<10000x64xf32, #tpu.memory_space<vmem_shared>> -> memref<40x64xf32, #tpu.memory_space<vmem_shared>>
      %dma_wait3A_1570 = arith.constant 0 : i32
      %dma_wait3A_1571 = tpu.memref_slice %arg5[%add3A_1564, %dma_wait3A_1570] : memref<10000x64xf32, #tpu.memory_space<vmem_shared>> -> memref<40x64xf32, #tpu.memory_space<vmem_shared>>
      %dma_wait3A_1572 = arith.constant 0 : i32
      %dma_wait3A_1573 = arith.constant 0 : i32
      %dma_wait3A_1574 = tpu.memref_slice %arg10[%dma_wait3A_1572, %dma_wait3A_1573] : memref<125x64xf32, #tpu.memory_space<vmem>> -> memref<40x64xf32, #tpu.memory_space<vmem>>
      tpu.wait_dma2 semaphore(%arg14 : memref<!tpu.dma_semaphore, #tpu.memory_space<semaphore_mem>>) src(%dma_wait3A_1574 : memref<40x64xf32, #tpu.memory_space<vmem>>) dst(%dma_wait3A_1571 : memref<40x64xf32, #tpu.memory_space<vmem_shared>>)
      %add3A_1575 = arith.constant 160 : i32
      %add3A_1576 = arith.addi %mul3A_1023, %add3A_1575 : i32
      %dma_wait3A_1577 = arith.constant 0 : i32
      %dma_wait3A_1578 = arith.constant 0 : i32
      %dma_wait3A_1579 = tpu.memref_slice %arg10[%dma_wait3A_1577, %dma_wait3A_1578] : memref<125x64xf32, #tpu.memory_space<vmem>> -> memref<40x64xf32, #tpu.memory_space<vmem>>
      %dma_wait3A_1580 = arith.constant 0 : i32
      %dma_wait3A_1581 = tpu.memref_slice %arg5[%add3A_1576, %dma_wait3A_1580] : memref<10000x64xf32, #tpu.memory_space<vmem_shared>> -> memref<40x64xf32, #tpu.memory_space<vmem_shared>>
      %dma_wait3A_1582 = arith.constant 0 : i32
      %dma_wait3A_1583 = tpu.memref_slice %arg5[%add3A_1576, %dma_wait3A_1582] : memref<10000x64xf32, #tpu.memory_space<vmem_shared>> -> memref<40x64xf32, #tpu.memory_space<vmem_shared>>
      %dma_wait3A_1584 = arith.constant 0 : i32
      %dma_wait3A_1585 = arith.constant 0 : i32
      %dma_wait3A_1586 = tpu.memref_slice %arg10[%dma_wait3A_1584, %dma_wait3A_1585] : memref<125x64xf32, #tpu.memory_space<vmem>> -> memref<40x64xf32, #tpu.memory_space<vmem>>
      tpu.wait_dma2 semaphore(%arg14 : memref<!tpu.dma_semaphore, #tpu.memory_space<semaphore_mem>>) src(%dma_wait3A_1586 : memref<40x64xf32, #tpu.memory_space<vmem>>) dst(%dma_wait3A_1583 : memref<40x64xf32, #tpu.memory_space<vmem_shared>>)
      %add3A_1587 = arith.constant 200 : i32
      %add3A_1588 = arith.addi %mul3A_1023, %add3A_1587 : i32
      %dma_wait3A_1589 = arith.constant 0 : i32
      %dma_wait3A_1590 = arith.constant 0 : i32
      %dma_wait3A_1591 = tpu.memref_slice %arg10[%dma_wait3A_1589, %dma_wait3A_1590] : memref<125x64xf32, #tpu.memory_space<vmem>> -> memref<40x64xf32, #tpu.memory_space<vmem>>
      %dma_wait3A_1592 = arith.constant 0 : i32
      %dma_wait3A_1593 = tpu.memref_slice %arg5[%add3A_1588, %dma_wait3A_1592] : memref<10000x64xf32, #tpu.memory_space<vmem_shared>> -> memref<40x64xf32, #tpu.memory_space<vmem_shared>>
      %dma_wait3A_1594 = arith.constant 0 : i32
      %dma_wait3A_1595 = tpu.memref_slice %arg5[%add3A_1588, %dma_wait3A_1594] : memref<10000x64xf32, #tpu.memory_space<vmem_shared>> -> memref<40x64xf32, #tpu.memory_space<vmem_shared>>
      %dma_wait3A_1596 = arith.constant 0 : i32
      %dma_wait3A_1597 = arith.constant 0 : i32
      %dma_wait3A_1598 = tpu.memref_slice %arg10[%dma_wait3A_1596, %dma_wait3A_1597] : memref<125x64xf32, #tpu.memory_space<vmem>> -> memref<40x64xf32, #tpu.memory_space<vmem>>
      tpu.wait_dma2 semaphore(%arg14 : memref<!tpu.dma_semaphore, #tpu.memory_space<semaphore_mem>>) src(%dma_wait3A_1598 : memref<40x64xf32, #tpu.memory_space<vmem>>) dst(%dma_wait3A_1595 : memref<40x64xf32, #tpu.memory_space<vmem_shared>>)
      %add3A_1599 = arith.constant 240 : i32
      %add3A_1600 = arith.addi %mul3A_1023, %add3A_1599 : i32
      %dma_wait3A_1601 = arith.constant 0 : i32
      %dma_wait3A_1602 = arith.constant 0 : i32
      %dma_wait3A_1603 = tpu.memref_slice %arg10[%dma_wait3A_1601, %dma_wait3A_1602] : memref<125x64xf32, #tpu.memory_space<vmem>> -> memref<40x64xf32, #tpu.memory_space<vmem>>
      %dma_wait3A_1604 = arith.constant 0 : i32
      %dma_wait3A_1605 = tpu.memref_slice %arg5[%add3A_1600, %dma_wait3A_1604] : memref<10000x64xf32, #tpu.memory_space<vmem_shared>> -> memref<40x64xf32, #tpu.memory_space<vmem_shared>>
      %dma_wait3A_1606 = arith.constant 0 : i32
      %dma_wait3A_1607 = tpu.memref_slice %arg5[%add3A_1600, %dma_wait3A_1606] : memref<10000x64xf32, #tpu.memory_space<vmem_shared>> -> memref<40x64xf32, #tpu.memory_space<vmem_shared>>
      %dma_wait3A_1608 = arith.constant 0 : i32
      %dma_wait3A_1609 = arith.constant 0 : i32
      %dma_wait3A_1610 = tpu.memref_slice %arg10[%dma_wait3A_1608, %dma_wait3A_1609] : memref<125x64xf32, #tpu.memory_space<vmem>> -> memref<40x64xf32, #tpu.memory_space<vmem>>
      tpu.wait_dma2 semaphore(%arg14 : memref<!tpu.dma_semaphore, #tpu.memory_space<semaphore_mem>>) src(%dma_wait3A_1610 : memref<40x64xf32, #tpu.memory_space<vmem>>) dst(%dma_wait3A_1607 : memref<40x64xf32, #tpu.memory_space<vmem_shared>>)
      %add3A_1611 = arith.constant 280 : i32
      %add3A_1612 = arith.addi %mul3A_1023, %add3A_1611 : i32
      %dma_wait3A_1613 = arith.constant 0 : i32
      %dma_wait3A_1614 = arith.constant 0 : i32
      %dma_wait3A_1615 = tpu.memref_slice %arg10[%dma_wait3A_1613, %dma_wait3A_1614] : memref<125x64xf32, #tpu.memory_space<vmem>> -> memref<40x64xf32, #tpu.memory_space<vmem>>
      %dma_wait3A_1616 = arith.constant 0 : i32
      %dma_wait3A_1617 = tpu.memref_slice %arg5[%add3A_1612, %dma_wait3A_1616] : memref<10000x64xf32, #tpu.memory_space<vmem_shared>> -> memref<40x64xf32, #tpu.memory_space<vmem_shared>>
      %dma_wait3A_1618 = arith.constant 0 : i32
      %dma_wait3A_1619 = tpu.memref_slice %arg5[%add3A_1612, %dma_wait3A_1618] : memref<10000x64xf32, #tpu.memory_space<vmem_shared>> -> memref<40x64xf32, #tpu.memory_space<vmem_shared>>
      %dma_wait3A_1620 = arith.constant 0 : i32
      %dma_wait3A_1621 = arith.constant 0 : i32
      %dma_wait3A_1622 = tpu.memref_slice %arg10[%dma_wait3A_1620, %dma_wait3A_1621] : memref<125x64xf32, #tpu.memory_space<vmem>> -> memref<40x64xf32, #tpu.memory_space<vmem>>
      tpu.wait_dma2 semaphore(%arg14 : memref<!tpu.dma_semaphore, #tpu.memory_space<semaphore_mem>>) src(%dma_wait3A_1622 : memref<40x64xf32, #tpu.memory_space<vmem>>) dst(%dma_wait3A_1619 : memref<40x64xf32, #tpu.memory_space<vmem_shared>>)
      %add3A_1623 = arith.constant 320 : i32
      %add3A_1624 = arith.addi %mul3A_1023, %add3A_1623 : i32
      %dma_wait3A_1625 = arith.constant 0 : i32
      %dma_wait3A_1626 = arith.constant 0 : i32
      %dma_wait3A_1627 = tpu.memref_slice %arg10[%dma_wait3A_1625, %dma_wait3A_1626] : memref<125x64xf32, #tpu.memory_space<vmem>> -> memref<40x64xf32, #tpu.memory_space<vmem>>
      %dma_wait3A_1628 = arith.constant 0 : i32
      %dma_wait3A_1629 = tpu.memref_slice %arg5[%add3A_1624, %dma_wait3A_1628] : memref<10000x64xf32, #tpu.memory_space<vmem_shared>> -> memref<40x64xf32, #tpu.memory_space<vmem_shared>>
      %dma_wait3A_1630 = arith.constant 0 : i32
      %dma_wait3A_1631 = tpu.memref_slice %arg5[%add3A_1624, %dma_wait3A_1630] : memref<10000x64xf32, #tpu.memory_space<vmem_shared>> -> memref<40x64xf32, #tpu.memory_space<vmem_shared>>
      %dma_wait3A_1632 = arith.constant 0 : i32
      %dma_wait3A_1633 = arith.constant 0 : i32
      %dma_wait3A_1634 = tpu.memref_slice %arg10[%dma_wait3A_1632, %dma_wait3A_1633] : memref<125x64xf32, #tpu.memory_space<vmem>> -> memref<40x64xf32, #tpu.memory_space<vmem>>
      tpu.wait_dma2 semaphore(%arg14 : memref<!tpu.dma_semaphore, #tpu.memory_space<semaphore_mem>>) src(%dma_wait3A_1634 : memref<40x64xf32, #tpu.memory_space<vmem>>) dst(%dma_wait3A_1631 : memref<40x64xf32, #tpu.memory_space<vmem_shared>>)
      %add3A_1635 = arith.constant 360 : i32
      %add3A_1636 = arith.addi %mul3A_1023, %add3A_1635 : i32
      %dma_wait3A_1637 = arith.constant 0 : i32
      %dma_wait3A_1638 = arith.constant 0 : i32
      %dma_wait3A_1639 = tpu.memref_slice %arg10[%dma_wait3A_1637, %dma_wait3A_1638] : memref<125x64xf32, #tpu.memory_space<vmem>> -> memref<40x64xf32, #tpu.memory_space<vmem>>
      %dma_wait3A_1640 = arith.constant 0 : i32
      %dma_wait3A_1641 = tpu.memref_slice %arg5[%add3A_1636, %dma_wait3A_1640] : memref<10000x64xf32, #tpu.memory_space<vmem_shared>> -> memref<40x64xf32, #tpu.memory_space<vmem_shared>>
      %dma_wait3A_1642 = arith.constant 0 : i32
      %dma_wait3A_1643 = tpu.memref_slice %arg5[%add3A_1636, %dma_wait3A_1642] : memref<10000x64xf32, #tpu.memory_space<vmem_shared>> -> memref<40x64xf32, #tpu.memory_space<vmem_shared>>
      %dma_wait3A_1644 = arith.constant 0 : i32
      %dma_wait3A_1645 = arith.constant 0 : i32
      %dma_wait3A_1646 = tpu.memref_slice %arg10[%dma_wait3A_1644, %dma_wait3A_1645] : memref<125x64xf32, #tpu.memory_space<vmem>> -> memref<40x64xf32, #tpu.memory_space<vmem>>
      tpu.wait_dma2 semaphore(%arg14 : memref<!tpu.dma_semaphore, #tpu.memory_space<semaphore_mem>>) src(%dma_wait3A_1646 : memref<40x64xf32, #tpu.memory_space<vmem>>) dst(%dma_wait3A_1643 : memref<40x64xf32, #tpu.memory_space<vmem_shared>>)
      %add3A_1647 = arith.constant 400 : i32
      %add3A_1648 = arith.addi %mul3A_1023, %add3A_1647 : i32
      %dma_wait3A_1649 = arith.constant 0 : i32
      %dma_wait3A_1650 = arith.constant 0 : i32
      %dma_wait3A_1651 = tpu.memref_slice %arg10[%dma_wait3A_1649, %dma_wait3A_1650] : memref<125x64xf32, #tpu.memory_space<vmem>> -> memref<40x64xf32, #tpu.memory_space<vmem>>
      %dma_wait3A_1652 = arith.constant 0 : i32
      %dma_wait3A_1653 = tpu.memref_slice %arg5[%add3A_1648, %dma_wait3A_1652] : memref<10000x64xf32, #tpu.memory_space<vmem_shared>> -> memref<40x64xf32, #tpu.memory_space<vmem_shared>>
      %dma_wait3A_1654 = arith.constant 0 : i32
      %dma_wait3A_1655 = tpu.memref_slice %arg5[%add3A_1648, %dma_wait3A_1654] : memref<10000x64xf32, #tpu.memory_space<vmem_shared>> -> memref<40x64xf32, #tpu.memory_space<vmem_shared>>
      %dma_wait3A_1656 = arith.constant 0 : i32
      %dma_wait3A_1657 = arith.constant 0 : i32
      %dma_wait3A_1658 = tpu.memref_slice %arg10[%dma_wait3A_1656, %dma_wait3A_1657] : memref<125x64xf32, #tpu.memory_space<vmem>> -> memref<40x64xf32, #tpu.memory_space<vmem>>
      tpu.wait_dma2 semaphore(%arg14 : memref<!tpu.dma_semaphore, #tpu.memory_space<semaphore_mem>>) src(%dma_wait3A_1658 : memref<40x64xf32, #tpu.memory_space<vmem>>) dst(%dma_wait3A_1655 : memref<40x64xf32, #tpu.memory_space<vmem_shared>>)
      %add3A_1659 = arith.constant 440 : i32
      %add3A_1660 = arith.addi %mul3A_1023, %add3A_1659 : i32
      %dma_wait3A_1661 = arith.constant 0 : i32
      %dma_wait3A_1662 = arith.constant 0 : i32
      %dma_wait3A_1663 = tpu.memref_slice %arg10[%dma_wait3A_1661, %dma_wait3A_1662] : memref<125x64xf32, #tpu.memory_space<vmem>> -> memref<40x64xf32, #tpu.memory_space<vmem>>
      %dma_wait3A_1664 = arith.constant 0 : i32
      %dma_wait3A_1665 = tpu.memref_slice %arg5[%add3A_1660, %dma_wait3A_1664] : memref<10000x64xf32, #tpu.memory_space<vmem_shared>> -> memref<40x64xf32, #tpu.memory_space<vmem_shared>>
      %dma_wait3A_1666 = arith.constant 0 : i32
      %dma_wait3A_1667 = tpu.memref_slice %arg5[%add3A_1660, %dma_wait3A_1666] : memref<10000x64xf32, #tpu.memory_space<vmem_shared>> -> memref<40x64xf32, #tpu.memory_space<vmem_shared>>
      %dma_wait3A_1668 = arith.constant 0 : i32
      %dma_wait3A_1669 = arith.constant 0 : i32
      %dma_wait3A_1670 = tpu.memref_slice %arg10[%dma_wait3A_1668, %dma_wait3A_1669] : memref<125x64xf32, #tpu.memory_space<vmem>> -> memref<40x64xf32, #tpu.memory_space<vmem>>
      tpu.wait_dma2 semaphore(%arg14 : memref<!tpu.dma_semaphore, #tpu.memory_space<semaphore_mem>>) src(%dma_wait3A_1670 : memref<40x64xf32, #tpu.memory_space<vmem>>) dst(%dma_wait3A_1667 : memref<40x64xf32, #tpu.memory_space<vmem_shared>>)
      %add3A_1671 = arith.constant 480 : i32
      %add3A_1672 = arith.addi %mul3A_1023, %add3A_1671 : i32
      %dma_wait3A_1673 = arith.constant 0 : i32
      %dma_wait3A_1674 = arith.constant 0 : i32
      %dma_wait3A_1675 = tpu.memref_slice %arg10[%dma_wait3A_1673, %dma_wait3A_1674] : memref<125x64xf32, #tpu.memory_space<vmem>> -> memref<40x64xf32, #tpu.memory_space<vmem>>
      %dma_wait3A_1676 = arith.constant 0 : i32
      %dma_wait3A_1677 = tpu.memref_slice %arg5[%add3A_1672, %dma_wait3A_1676] : memref<10000x64xf32, #tpu.memory_space<vmem_shared>> -> memref<40x64xf32, #tpu.memory_space<vmem_shared>>
      %dma_wait3A_1678 = arith.constant 0 : i32
      %dma_wait3A_1679 = tpu.memref_slice %arg5[%add3A_1672, %dma_wait3A_1678] : memref<10000x64xf32, #tpu.memory_space<vmem_shared>> -> memref<40x64xf32, #tpu.memory_space<vmem_shared>>
      %dma_wait3A_1680 = arith.constant 0 : i32
      %dma_wait3A_1681 = arith.constant 0 : i32
      %dma_wait3A_1682 = tpu.memref_slice %arg10[%dma_wait3A_1680, %dma_wait3A_1681] : memref<125x64xf32, #tpu.memory_space<vmem>> -> memref<40x64xf32, #tpu.memory_space<vmem>>
      tpu.wait_dma2 semaphore(%arg14 : memref<!tpu.dma_semaphore, #tpu.memory_space<semaphore_mem>>) src(%dma_wait3A_1682 : memref<40x64xf32, #tpu.memory_space<vmem>>) dst(%dma_wait3A_1679 : memref<40x64xf32, #tpu.memory_space<vmem_shared>>)
      %add3A_1683 = arith.constant 520 : i32
      %add3A_1684 = arith.addi %mul3A_1023, %add3A_1683 : i32
      %dma_wait3A_1685 = arith.constant 0 : i32
      %dma_wait3A_1686 = arith.constant 0 : i32
      %dma_wait3A_1687 = tpu.memref_slice %arg10[%dma_wait3A_1685, %dma_wait3A_1686] : memref<125x64xf32, #tpu.memory_space<vmem>> -> memref<40x64xf32, #tpu.memory_space<vmem>>
      %dma_wait3A_1688 = arith.constant 0 : i32
      %dma_wait3A_1689 = tpu.memref_slice %arg5[%add3A_1684, %dma_wait3A_1688] : memref<10000x64xf32, #tpu.memory_space<vmem_shared>> -> memref<40x64xf32, #tpu.memory_space<vmem_shared>>
      %dma_wait3A_1690 = arith.constant 0 : i32
      %dma_wait3A_1691 = tpu.memref_slice %arg5[%add3A_1684, %dma_wait3A_1690] : memref<10000x64xf32, #tpu.memory_space<vmem_shared>> -> memref<40x64xf32, #tpu.memory_space<vmem_shared>>
      %dma_wait3A_1692 = arith.constant 0 : i32
      %dma_wait3A_1693 = arith.constant 0 : i32
      %dma_wait3A_1694 = tpu.memref_slice %arg10[%dma_wait3A_1692, %dma_wait3A_1693] : memref<125x64xf32, #tpu.memory_space<vmem>> -> memref<40x64xf32, #tpu.memory_space<vmem>>
      tpu.wait_dma2 semaphore(%arg14 : memref<!tpu.dma_semaphore, #tpu.memory_space<semaphore_mem>>) src(%dma_wait3A_1694 : memref<40x64xf32, #tpu.memory_space<vmem>>) dst(%dma_wait3A_1691 : memref<40x64xf32, #tpu.memory_space<vmem_shared>>)
      %add3A_1695 = arith.constant 560 : i32
      %add3A_1696 = arith.addi %mul3A_1023, %add3A_1695 : i32
      %dma_wait3A_1697 = arith.constant 0 : i32
      %dma_wait3A_1698 = arith.constant 0 : i32
      %dma_wait3A_1699 = tpu.memref_slice %arg10[%dma_wait3A_1697, %dma_wait3A_1698] : memref<125x64xf32, #tpu.memory_space<vmem>> -> memref<40x64xf32, #tpu.memory_space<vmem>>
      %dma_wait3A_1700 = arith.constant 0 : i32
      %dma_wait3A_1701 = tpu.memref_slice %arg5[%add3A_1696, %dma_wait3A_1700] : memref<10000x64xf32, #tpu.memory_space<vmem_shared>> -> memref<40x64xf32, #tpu.memory_space<vmem_shared>>
      %dma_wait3A_1702 = arith.constant 0 : i32
      %dma_wait3A_1703 = tpu.memref_slice %arg5[%add3A_1696, %dma_wait3A_1702] : memref<10000x64xf32, #tpu.memory_space<vmem_shared>> -> memref<40x64xf32, #tpu.memory_space<vmem_shared>>
      %dma_wait3A_1704 = arith.constant 0 : i32
      %dma_wait3A_1705 = arith.constant 0 : i32
      %dma_wait3A_1706 = tpu.memref_slice %arg10[%dma_wait3A_1704, %dma_wait3A_1705] : memref<125x64xf32, #tpu.memory_space<vmem>> -> memref<40x64xf32, #tpu.memory_space<vmem>>
      tpu.wait_dma2 semaphore(%arg14 : memref<!tpu.dma_semaphore, #tpu.memory_space<semaphore_mem>>) src(%dma_wait3A_1706 : memref<40x64xf32, #tpu.memory_space<vmem>>) dst(%dma_wait3A_1703 : memref<40x64xf32, #tpu.memory_space<vmem_shared>>)
      %add3A_1707 = arith.constant 600 : i32
      %add3A_1708 = arith.addi %mul3A_1023, %add3A_1707 : i32
      %dma_wait3A_1709 = arith.constant 0 : i32
      %dma_wait3A_1710 = arith.constant 0 : i32
      %dma_wait3A_1711 = tpu.memref_slice %arg10[%dma_wait3A_1709, %dma_wait3A_1710] : memref<125x64xf32, #tpu.memory_space<vmem>> -> memref<32x64xf32, #tpu.memory_space<vmem>>
      %dma_wait3A_1712 = arith.constant 0 : i32
      %dma_wait3A_1713 = tpu.memref_slice %arg5[%add3A_1708, %dma_wait3A_1712] : memref<10000x64xf32, #tpu.memory_space<vmem_shared>> -> memref<32x64xf32, #tpu.memory_space<vmem_shared>>
      %dma_wait3A_1714 = arith.constant 0 : i32
      %dma_wait3A_1715 = tpu.memref_slice %arg5[%add3A_1708, %dma_wait3A_1714] : memref<10000x64xf32, #tpu.memory_space<vmem_shared>> -> memref<32x64xf32, #tpu.memory_space<vmem_shared>>
      %dma_wait3A_1716 = arith.constant 0 : i32
      %dma_wait3A_1717 = arith.constant 0 : i32
      %dma_wait3A_1718 = tpu.memref_slice %arg10[%dma_wait3A_1716, %dma_wait3A_1717] : memref<125x64xf32, #tpu.memory_space<vmem>> -> memref<32x64xf32, #tpu.memory_space<vmem>>
      tpu.wait_dma2 semaphore(%arg14 : memref<!tpu.dma_semaphore, #tpu.memory_space<semaphore_mem>>) src(%dma_wait3A_1718 : memref<32x64xf32, #tpu.memory_space<vmem>>) dst(%dma_wait3A_1715 : memref<32x64xf32, #tpu.memory_space<vmem_shared>>)
      %add3A_1719 = arith.constant 0 : i32
      %add3A_1720 = arith.addi %mul3A_1023, %add3A_1719 : i32
      %dma_wait3A_1721 = arith.constant 0 : i32
      %dma_wait3A_1722 = arith.constant 0 : i32
      %dma_wait3A_1723 = tpu.memref_slice %arg10[%dma_wait3A_1721, %dma_wait3A_1722] : memref<125x64xf32, #tpu.memory_space<vmem>> -> memref<40x64xf32, #tpu.memory_space<vmem>>
      %dma_wait3A_1724 = arith.constant 0 : i32
      %dma_wait3A_1725 = tpu.memref_slice %arg6[%add3A_1720, %dma_wait3A_1724] : memref<10000x64xf32, #tpu.memory_space<vmem_shared>> -> memref<40x64xf32, #tpu.memory_space<vmem_shared>>
      %dma_wait3A_1726 = arith.constant 0 : i32
      %dma_wait3A_1727 = tpu.memref_slice %arg6[%add3A_1720, %dma_wait3A_1726] : memref<10000x64xf32, #tpu.memory_space<vmem_shared>> -> memref<40x64xf32, #tpu.memory_space<vmem_shared>>
      %dma_wait3A_1728 = arith.constant 0 : i32
      %dma_wait3A_1729 = arith.constant 0 : i32
      %dma_wait3A_1730 = tpu.memref_slice %arg10[%dma_wait3A_1728, %dma_wait3A_1729] : memref<125x64xf32, #tpu.memory_space<vmem>> -> memref<40x64xf32, #tpu.memory_space<vmem>>
      tpu.wait_dma2 semaphore(%arg15 : memref<!tpu.dma_semaphore, #tpu.memory_space<semaphore_mem>>) src(%dma_wait3A_1730 : memref<40x64xf32, #tpu.memory_space<vmem>>) dst(%dma_wait3A_1727 : memref<40x64xf32, #tpu.memory_space<vmem_shared>>)
      %add3A_1731 = arith.constant 40 : i32
      %add3A_1732 = arith.addi %mul3A_1023, %add3A_1731 : i32
      %dma_wait3A_1733 = arith.constant 0 : i32
      %dma_wait3A_1734 = arith.constant 0 : i32
      %dma_wait3A_1735 = tpu.memref_slice %arg10[%dma_wait3A_1733, %dma_wait3A_1734] : memref<125x64xf32, #tpu.memory_space<vmem>> -> memref<40x64xf32, #tpu.memory_space<vmem>>
      %dma_wait3A_1736 = arith.constant 0 : i32
      %dma_wait3A_1737 = tpu.memref_slice %arg6[%add3A_1732, %dma_wait3A_1736] : memref<10000x64xf32, #tpu.memory_space<vmem_shared>> -> memref<40x64xf32, #tpu.memory_space<vmem_shared>>
      %dma_wait3A_1738 = arith.constant 0 : i32
      %dma_wait3A_1739 = tpu.memref_slice %arg6[%add3A_1732, %dma_wait3A_1738] : memref<10000x64xf32, #tpu.memory_space<vmem_shared>> -> memref<40x64xf32, #tpu.memory_space<vmem_shared>>
      %dma_wait3A_1740 = arith.constant 0 : i32
      %dma_wait3A_1741 = arith.constant 0 : i32
      %dma_wait3A_1742 = tpu.memref_slice %arg10[%dma_wait3A_1740, %dma_wait3A_1741] : memref<125x64xf32, #tpu.memory_space<vmem>> -> memref<40x64xf32, #tpu.memory_space<vmem>>
      tpu.wait_dma2 semaphore(%arg15 : memref<!tpu.dma_semaphore, #tpu.memory_space<semaphore_mem>>) src(%dma_wait3A_1742 : memref<40x64xf32, #tpu.memory_space<vmem>>) dst(%dma_wait3A_1739 : memref<40x64xf32, #tpu.memory_space<vmem_shared>>)
      %add3A_1743 = arith.constant 80 : i32
      %add3A_1744 = arith.addi %mul3A_1023, %add3A_1743 : i32
      %dma_wait3A_1745 = arith.constant 0 : i32
      %dma_wait3A_1746 = arith.constant 0 : i32
      %dma_wait3A_1747 = tpu.memref_slice %arg10[%dma_wait3A_1745, %dma_wait3A_1746] : memref<125x64xf32, #tpu.memory_space<vmem>> -> memref<40x64xf32, #tpu.memory_space<vmem>>
      %dma_wait3A_1748 = arith.constant 0 : i32
      %dma_wait3A_1749 = tpu.memref_slice %arg6[%add3A_1744, %dma_wait3A_1748] : memref<10000x64xf32, #tpu.memory_space<vmem_shared>> -> memref<40x64xf32, #tpu.memory_space<vmem_shared>>
      %dma_wait3A_1750 = arith.constant 0 : i32
      %dma_wait3A_1751 = tpu.memref_slice %arg6[%add3A_1744, %dma_wait3A_1750] : memref<10000x64xf32, #tpu.memory_space<vmem_shared>> -> memref<40x64xf32, #tpu.memory_space<vmem_shared>>
      %dma_wait3A_1752 = arith.constant 0 : i32
      %dma_wait3A_1753 = arith.constant 0 : i32
      %dma_wait3A_1754 = tpu.memref_slice %arg10[%dma_wait3A_1752, %dma_wait3A_1753] : memref<125x64xf32, #tpu.memory_space<vmem>> -> memref<40x64xf32, #tpu.memory_space<vmem>>
      tpu.wait_dma2 semaphore(%arg15 : memref<!tpu.dma_semaphore, #tpu.memory_space<semaphore_mem>>) src(%dma_wait3A_1754 : memref<40x64xf32, #tpu.memory_space<vmem>>) dst(%dma_wait3A_1751 : memref<40x64xf32, #tpu.memory_space<vmem_shared>>)
      %add3A_1755 = arith.constant 120 : i32
      %add3A_1756 = arith.addi %mul3A_1023, %add3A_1755 : i32
      %dma_wait3A_1757 = arith.constant 0 : i32
      %dma_wait3A_1758 = arith.constant 0 : i32
      %dma_wait3A_1759 = tpu.memref_slice %arg10[%dma_wait3A_1757, %dma_wait3A_1758] : memref<125x64xf32, #tpu.memory_space<vmem>> -> memref<40x64xf32, #tpu.memory_space<vmem>>
      %dma_wait3A_1760 = arith.constant 0 : i32
      %dma_wait3A_1761 = tpu.memref_slice %arg6[%add3A_1756, %dma_wait3A_1760] : memref<10000x64xf32, #tpu.memory_space<vmem_shared>> -> memref<40x64xf32, #tpu.memory_space<vmem_shared>>
      %dma_wait3A_1762 = arith.constant 0 : i32
      %dma_wait3A_1763 = tpu.memref_slice %arg6[%add3A_1756, %dma_wait3A_1762] : memref<10000x64xf32, #tpu.memory_space<vmem_shared>> -> memref<40x64xf32, #tpu.memory_space<vmem_shared>>
      %dma_wait3A_1764 = arith.constant 0 : i32
      %dma_wait3A_1765 = arith.constant 0 : i32
      %dma_wait3A_1766 = tpu.memref_slice %arg10[%dma_wait3A_1764, %dma_wait3A_1765] : memref<125x64xf32, #tpu.memory_space<vmem>> -> memref<40x64xf32, #tpu.memory_space<vmem>>
      tpu.wait_dma2 semaphore(%arg15 : memref<!tpu.dma_semaphore, #tpu.memory_space<semaphore_mem>>) src(%dma_wait3A_1766 : memref<40x64xf32, #tpu.memory_space<vmem>>) dst(%dma_wait3A_1763 : memref<40x64xf32, #tpu.memory_space<vmem_shared>>)
      %add3A_1767 = arith.constant 160 : i32
      %add3A_1768 = arith.addi %mul3A_1023, %add3A_1767 : i32
      %dma_wait3A_1769 = arith.constant 0 : i32
      %dma_wait3A_1770 = arith.constant 0 : i32
      %dma_wait3A_1771 = tpu.memref_slice %arg10[%dma_wait3A_1769, %dma_wait3A_1770] : memref<125x64xf32, #tpu.memory_space<vmem>> -> memref<40x64xf32, #tpu.memory_space<vmem>>
      %dma_wait3A_1772 = arith.constant 0 : i32
      %dma_wait3A_1773 = tpu.memref_slice %arg6[%add3A_1768, %dma_wait3A_1772] : memref<10000x64xf32, #tpu.memory_space<vmem_shared>> -> memref<40x64xf32, #tpu.memory_space<vmem_shared>>
      %dma_wait3A_1774 = arith.constant 0 : i32
      %dma_wait3A_1775 = tpu.memref_slice %arg6[%add3A_1768, %dma_wait3A_1774] : memref<10000x64xf32, #tpu.memory_space<vmem_shared>> -> memref<40x64xf32, #tpu.memory_space<vmem_shared>>
      %dma_wait3A_1776 = arith.constant 0 : i32
      %dma_wait3A_1777 = arith.constant 0 : i32
      %dma_wait3A_1778 = tpu.memref_slice %arg10[%dma_wait3A_1776, %dma_wait3A_1777] : memref<125x64xf32, #tpu.memory_space<vmem>> -> memref<40x64xf32, #tpu.memory_space<vmem>>
      tpu.wait_dma2 semaphore(%arg15 : memref<!tpu.dma_semaphore, #tpu.memory_space<semaphore_mem>>) src(%dma_wait3A_1778 : memref<40x64xf32, #tpu.memory_space<vmem>>) dst(%dma_wait3A_1775 : memref<40x64xf32, #tpu.memory_space<vmem_shared>>)
      %add3A_1779 = arith.constant 200 : i32
      %add3A_1780 = arith.addi %mul3A_1023, %add3A_1779 : i32
      %dma_wait3A_1781 = arith.constant 0 : i32
      %dma_wait3A_1782 = arith.constant 0 : i32
      %dma_wait3A_1783 = tpu.memref_slice %arg10[%dma_wait3A_1781, %dma_wait3A_1782] : memref<125x64xf32, #tpu.memory_space<vmem>> -> memref<40x64xf32, #tpu.memory_space<vmem>>
      %dma_wait3A_1784 = arith.constant 0 : i32
      %dma_wait3A_1785 = tpu.memref_slice %arg6[%add3A_1780, %dma_wait3A_1784] : memref<10000x64xf32, #tpu.memory_space<vmem_shared>> -> memref<40x64xf32, #tpu.memory_space<vmem_shared>>
      %dma_wait3A_1786 = arith.constant 0 : i32
      %dma_wait3A_1787 = tpu.memref_slice %arg6[%add3A_1780, %dma_wait3A_1786] : memref<10000x64xf32, #tpu.memory_space<vmem_shared>> -> memref<40x64xf32, #tpu.memory_space<vmem_shared>>
      %dma_wait3A_1788 = arith.constant 0 : i32
      %dma_wait3A_1789 = arith.constant 0 : i32
      %dma_wait3A_1790 = tpu.memref_slice %arg10[%dma_wait3A_1788, %dma_wait3A_1789] : memref<125x64xf32, #tpu.memory_space<vmem>> -> memref<40x64xf32, #tpu.memory_space<vmem>>
      tpu.wait_dma2 semaphore(%arg15 : memref<!tpu.dma_semaphore, #tpu.memory_space<semaphore_mem>>) src(%dma_wait3A_1790 : memref<40x64xf32, #tpu.memory_space<vmem>>) dst(%dma_wait3A_1787 : memref<40x64xf32, #tpu.memory_space<vmem_shared>>)
      %add3A_1791 = arith.constant 240 : i32
      %add3A_1792 = arith.addi %mul3A_1023, %add3A_1791 : i32
      %dma_wait3A_1793 = arith.constant 0 : i32
      %dma_wait3A_1794 = arith.constant 0 : i32
      %dma_wait3A_1795 = tpu.memref_slice %arg10[%dma_wait3A_1793, %dma_wait3A_1794] : memref<125x64xf32, #tpu.memory_space<vmem>> -> memref<40x64xf32, #tpu.memory_space<vmem>>
      %dma_wait3A_1796 = arith.constant 0 : i32
      %dma_wait3A_1797 = tpu.memref_slice %arg6[%add3A_1792, %dma_wait3A_1796] : memref<10000x64xf32, #tpu.memory_space<vmem_shared>> -> memref<40x64xf32, #tpu.memory_space<vmem_shared>>
      %dma_wait3A_1798 = arith.constant 0 : i32
      %dma_wait3A_1799 = tpu.memref_slice %arg6[%add3A_1792, %dma_wait3A_1798] : memref<10000x64xf32, #tpu.memory_space<vmem_shared>> -> memref<40x64xf32, #tpu.memory_space<vmem_shared>>
      %dma_wait3A_1800 = arith.constant 0 : i32
      %dma_wait3A_1801 = arith.constant 0 : i32
      %dma_wait3A_1802 = tpu.memref_slice %arg10[%dma_wait3A_1800, %dma_wait3A_1801] : memref<125x64xf32, #tpu.memory_space<vmem>> -> memref<40x64xf32, #tpu.memory_space<vmem>>
      tpu.wait_dma2 semaphore(%arg15 : memref<!tpu.dma_semaphore, #tpu.memory_space<semaphore_mem>>) src(%dma_wait3A_1802 : memref<40x64xf32, #tpu.memory_space<vmem>>) dst(%dma_wait3A_1799 : memref<40x64xf32, #tpu.memory_space<vmem_shared>>)
      %add3A_1803 = arith.constant 280 : i32
      %add3A_1804 = arith.addi %mul3A_1023, %add3A_1803 : i32
      %dma_wait3A_1805 = arith.constant 0 : i32
      %dma_wait3A_1806 = arith.constant 0 : i32
      %dma_wait3A_1807 = tpu.memref_slice %arg10[%dma_wait3A_1805, %dma_wait3A_1806] : memref<125x64xf32, #tpu.memory_space<vmem>> -> memref<40x64xf32, #tpu.memory_space<vmem>>
      %dma_wait3A_1808 = arith.constant 0 : i32
      %dma_wait3A_1809 = tpu.memref_slice %arg6[%add3A_1804, %dma_wait3A_1808] : memref<10000x64xf32, #tpu.memory_space<vmem_shared>> -> memref<40x64xf32, #tpu.memory_space<vmem_shared>>
      %dma_wait3A_1810 = arith.constant 0 : i32
      %dma_wait3A_1811 = tpu.memref_slice %arg6[%add3A_1804, %dma_wait3A_1810] : memref<10000x64xf32, #tpu.memory_space<vmem_shared>> -> memref<40x64xf32, #tpu.memory_space<vmem_shared>>
      %dma_wait3A_1812 = arith.constant 0 : i32
      %dma_wait3A_1813 = arith.constant 0 : i32
      %dma_wait3A_1814 = tpu.memref_slice %arg10[%dma_wait3A_1812, %dma_wait3A_1813] : memref<125x64xf32, #tpu.memory_space<vmem>> -> memref<40x64xf32, #tpu.memory_space<vmem>>
      tpu.wait_dma2 semaphore(%arg15 : memref<!tpu.dma_semaphore, #tpu.memory_space<semaphore_mem>>) src(%dma_wait3A_1814 : memref<40x64xf32, #tpu.memory_space<vmem>>) dst(%dma_wait3A_1811 : memref<40x64xf32, #tpu.memory_space<vmem_shared>>)
      %add3A_1815 = arith.constant 320 : i32
      %add3A_1816 = arith.addi %mul3A_1023, %add3A_1815 : i32
      %dma_wait3A_1817 = arith.constant 0 : i32
      %dma_wait3A_1818 = arith.constant 0 : i32
      %dma_wait3A_1819 = tpu.memref_slice %arg10[%dma_wait3A_1817, %dma_wait3A_1818] : memref<125x64xf32, #tpu.memory_space<vmem>> -> memref<40x64xf32, #tpu.memory_space<vmem>>
      %dma_wait3A_1820 = arith.constant 0 : i32
      %dma_wait3A_1821 = tpu.memref_slice %arg6[%add3A_1816, %dma_wait3A_1820] : memref<10000x64xf32, #tpu.memory_space<vmem_shared>> -> memref<40x64xf32, #tpu.memory_space<vmem_shared>>
      %dma_wait3A_1822 = arith.constant 0 : i32
      %dma_wait3A_1823 = tpu.memref_slice %arg6[%add3A_1816, %dma_wait3A_1822] : memref<10000x64xf32, #tpu.memory_space<vmem_shared>> -> memref<40x64xf32, #tpu.memory_space<vmem_shared>>
      %dma_wait3A_1824 = arith.constant 0 : i32
      %dma_wait3A_1825 = arith.constant 0 : i32
      %dma_wait3A_1826 = tpu.memref_slice %arg10[%dma_wait3A_1824, %dma_wait3A_1825] : memref<125x64xf32, #tpu.memory_space<vmem>> -> memref<40x64xf32, #tpu.memory_space<vmem>>
      tpu.wait_dma2 semaphore(%arg15 : memref<!tpu.dma_semaphore, #tpu.memory_space<semaphore_mem>>) src(%dma_wait3A_1826 : memref<40x64xf32, #tpu.memory_space<vmem>>) dst(%dma_wait3A_1823 : memref<40x64xf32, #tpu.memory_space<vmem_shared>>)
      %add3A_1827 = arith.constant 360 : i32
      %add3A_1828 = arith.addi %mul3A_1023, %add3A_1827 : i32
      %dma_wait3A_1829 = arith.constant 0 : i32
      %dma_wait3A_1830 = arith.constant 0 : i32
      %dma_wait3A_1831 = tpu.memref_slice %arg10[%dma_wait3A_1829, %dma_wait3A_1830] : memref<125x64xf32, #tpu.memory_space<vmem>> -> memref<40x64xf32, #tpu.memory_space<vmem>>
      %dma_wait3A_1832 = arith.constant 0 : i32
      %dma_wait3A_1833 = tpu.memref_slice %arg6[%add3A_1828, %dma_wait3A_1832] : memref<10000x64xf32, #tpu.memory_space<vmem_shared>> -> memref<40x64xf32, #tpu.memory_space<vmem_shared>>
      %dma_wait3A_1834 = arith.constant 0 : i32
      %dma_wait3A_1835 = tpu.memref_slice %arg6[%add3A_1828, %dma_wait3A_1834] : memref<10000x64xf32, #tpu.memory_space<vmem_shared>> -> memref<40x64xf32, #tpu.memory_space<vmem_shared>>
      %dma_wait3A_1836 = arith.constant 0 : i32
      %dma_wait3A_1837 = arith.constant 0 : i32
      %dma_wait3A_1838 = tpu.memref_slice %arg10[%dma_wait3A_1836, %dma_wait3A_1837] : memref<125x64xf32, #tpu.memory_space<vmem>> -> memref<40x64xf32, #tpu.memory_space<vmem>>
      tpu.wait_dma2 semaphore(%arg15 : memref<!tpu.dma_semaphore, #tpu.memory_space<semaphore_mem>>) src(%dma_wait3A_1838 : memref<40x64xf32, #tpu.memory_space<vmem>>) dst(%dma_wait3A_1835 : memref<40x64xf32, #tpu.memory_space<vmem_shared>>)
      %add3A_1839 = arith.constant 400 : i32
      %add3A_1840 = arith.addi %mul3A_1023, %add3A_1839 : i32
      %dma_wait3A_1841 = arith.constant 0 : i32
      %dma_wait3A_1842 = arith.constant 0 : i32
      %dma_wait3A_1843 = tpu.memref_slice %arg10[%dma_wait3A_1841, %dma_wait3A_1842] : memref<125x64xf32, #tpu.memory_space<vmem>> -> memref<40x64xf32, #tpu.memory_space<vmem>>
      %dma_wait3A_1844 = arith.constant 0 : i32
      %dma_wait3A_1845 = tpu.memref_slice %arg6[%add3A_1840, %dma_wait3A_1844] : memref<10000x64xf32, #tpu.memory_space<vmem_shared>> -> memref<40x64xf32, #tpu.memory_space<vmem_shared>>
      %dma_wait3A_1846 = arith.constant 0 : i32
      %dma_wait3A_1847 = tpu.memref_slice %arg6[%add3A_1840, %dma_wait3A_1846] : memref<10000x64xf32, #tpu.memory_space<vmem_shared>> -> memref<40x64xf32, #tpu.memory_space<vmem_shared>>
      %dma_wait3A_1848 = arith.constant 0 : i32
      %dma_wait3A_1849 = arith.constant 0 : i32
      %dma_wait3A_1850 = tpu.memref_slice %arg10[%dma_wait3A_1848, %dma_wait3A_1849] : memref<125x64xf32, #tpu.memory_space<vmem>> -> memref<40x64xf32, #tpu.memory_space<vmem>>
      tpu.wait_dma2 semaphore(%arg15 : memref<!tpu.dma_semaphore, #tpu.memory_space<semaphore_mem>>) src(%dma_wait3A_1850 : memref<40x64xf32, #tpu.memory_space<vmem>>) dst(%dma_wait3A_1847 : memref<40x64xf32, #tpu.memory_space<vmem_shared>>)
      %add3A_1851 = arith.constant 440 : i32
      %add3A_1852 = arith.addi %mul3A_1023, %add3A_1851 : i32
      %dma_wait3A_1853 = arith.constant 0 : i32
      %dma_wait3A_1854 = arith.constant 0 : i32
      %dma_wait3A_1855 = tpu.memref_slice %arg10[%dma_wait3A_1853, %dma_wait3A_1854] : memref<125x64xf32, #tpu.memory_space<vmem>> -> memref<40x64xf32, #tpu.memory_space<vmem>>
      %dma_wait3A_1856 = arith.constant 0 : i32
      %dma_wait3A_1857 = tpu.memref_slice %arg6[%add3A_1852, %dma_wait3A_1856] : memref<10000x64xf32, #tpu.memory_space<vmem_shared>> -> memref<40x64xf32, #tpu.memory_space<vmem_shared>>
      %dma_wait3A_1858 = arith.constant 0 : i32
      %dma_wait3A_1859 = tpu.memref_slice %arg6[%add3A_1852, %dma_wait3A_1858] : memref<10000x64xf32, #tpu.memory_space<vmem_shared>> -> memref<40x64xf32, #tpu.memory_space<vmem_shared>>
      %dma_wait3A_1860 = arith.constant 0 : i32
      %dma_wait3A_1861 = arith.constant 0 : i32
      %dma_wait3A_1862 = tpu.memref_slice %arg10[%dma_wait3A_1860, %dma_wait3A_1861] : memref<125x64xf32, #tpu.memory_space<vmem>> -> memref<40x64xf32, #tpu.memory_space<vmem>>
      tpu.wait_dma2 semaphore(%arg15 : memref<!tpu.dma_semaphore, #tpu.memory_space<semaphore_mem>>) src(%dma_wait3A_1862 : memref<40x64xf32, #tpu.memory_space<vmem>>) dst(%dma_wait3A_1859 : memref<40x64xf32, #tpu.memory_space<vmem_shared>>)
      %add3A_1863 = arith.constant 480 : i32
      %add3A_1864 = arith.addi %mul3A_1023, %add3A_1863 : i32
      %dma_wait3A_1865 = arith.constant 0 : i32
      %dma_wait3A_1866 = arith.constant 0 : i32
      %dma_wait3A_1867 = tpu.memref_slice %arg10[%dma_wait3A_1865, %dma_wait3A_1866] : memref<125x64xf32, #tpu.memory_space<vmem>> -> memref<40x64xf32, #tpu.memory_space<vmem>>
      %dma_wait3A_1868 = arith.constant 0 : i32
      %dma_wait3A_1869 = tpu.memref_slice %arg6[%add3A_1864, %dma_wait3A_1868] : memref<10000x64xf32, #tpu.memory_space<vmem_shared>> -> memref<40x64xf32, #tpu.memory_space<vmem_shared>>
      %dma_wait3A_1870 = arith.constant 0 : i32
      %dma_wait3A_1871 = tpu.memref_slice %arg6[%add3A_1864, %dma_wait3A_1870] : memref<10000x64xf32, #tpu.memory_space<vmem_shared>> -> memref<40x64xf32, #tpu.memory_space<vmem_shared>>
      %dma_wait3A_1872 = arith.constant 0 : i32
      %dma_wait3A_1873 = arith.constant 0 : i32
      %dma_wait3A_1874 = tpu.memref_slice %arg10[%dma_wait3A_1872, %dma_wait3A_1873] : memref<125x64xf32, #tpu.memory_space<vmem>> -> memref<40x64xf32, #tpu.memory_space<vmem>>
      tpu.wait_dma2 semaphore(%arg15 : memref<!tpu.dma_semaphore, #tpu.memory_space<semaphore_mem>>) src(%dma_wait3A_1874 : memref<40x64xf32, #tpu.memory_space<vmem>>) dst(%dma_wait3A_1871 : memref<40x64xf32, #tpu.memory_space<vmem_shared>>)
      %add3A_1875 = arith.constant 520 : i32
      %add3A_1876 = arith.addi %mul3A_1023, %add3A_1875 : i32
      %dma_wait3A_1877 = arith.constant 0 : i32
      %dma_wait3A_1878 = arith.constant 0 : i32
      %dma_wait3A_1879 = tpu.memref_slice %arg10[%dma_wait3A_1877, %dma_wait3A_1878] : memref<125x64xf32, #tpu.memory_space<vmem>> -> memref<40x64xf32, #tpu.memory_space<vmem>>
      %dma_wait3A_1880 = arith.constant 0 : i32
      %dma_wait3A_1881 = tpu.memref_slice %arg6[%add3A_1876, %dma_wait3A_1880] : memref<10000x64xf32, #tpu.memory_space<vmem_shared>> -> memref<40x64xf32, #tpu.memory_space<vmem_shared>>
      %dma_wait3A_1882 = arith.constant 0 : i32
      %dma_wait3A_1883 = tpu.memref_slice %arg6[%add3A_1876, %dma_wait3A_1882] : memref<10000x64xf32, #tpu.memory_space<vmem_shared>> -> memref<40x64xf32, #tpu.memory_space<vmem_shared>>
      %dma_wait3A_1884 = arith.constant 0 : i32
      %dma_wait3A_1885 = arith.constant 0 : i32
      %dma_wait3A_1886 = tpu.memref_slice %arg10[%dma_wait3A_1884, %dma_wait3A_1885] : memref<125x64xf32, #tpu.memory_space<vmem>> -> memref<40x64xf32, #tpu.memory_space<vmem>>
      tpu.wait_dma2 semaphore(%arg15 : memref<!tpu.dma_semaphore, #tpu.memory_space<semaphore_mem>>) src(%dma_wait3A_1886 : memref<40x64xf32, #tpu.memory_space<vmem>>) dst(%dma_wait3A_1883 : memref<40x64xf32, #tpu.memory_space<vmem_shared>>)
      %add3A_1887 = arith.constant 560 : i32
      %add3A_1888 = arith.addi %mul3A_1023, %add3A_1887 : i32
      %dma_wait3A_1889 = arith.constant 0 : i32
      %dma_wait3A_1890 = arith.constant 0 : i32
      %dma_wait3A_1891 = tpu.memref_slice %arg10[%dma_wait3A_1889, %dma_wait3A_1890] : memref<125x64xf32, #tpu.memory_space<vmem>> -> memref<40x64xf32, #tpu.memory_space<vmem>>
      %dma_wait3A_1892 = arith.constant 0 : i32
      %dma_wait3A_1893 = tpu.memref_slice %arg6[%add3A_1888, %dma_wait3A_1892] : memref<10000x64xf32, #tpu.memory_space<vmem_shared>> -> memref<40x64xf32, #tpu.memory_space<vmem_shared>>
      %dma_wait3A_1894 = arith.constant 0 : i32
      %dma_wait3A_1895 = tpu.memref_slice %arg6[%add3A_1888, %dma_wait3A_1894] : memref<10000x64xf32, #tpu.memory_space<vmem_shared>> -> memref<40x64xf32, #tpu.memory_space<vmem_shared>>
      %dma_wait3A_1896 = arith.constant 0 : i32
      %dma_wait3A_1897 = arith.constant 0 : i32
      %dma_wait3A_1898 = tpu.memref_slice %arg10[%dma_wait3A_1896, %dma_wait3A_1897] : memref<125x64xf32, #tpu.memory_space<vmem>> -> memref<40x64xf32, #tpu.memory_space<vmem>>
      tpu.wait_dma2 semaphore(%arg15 : memref<!tpu.dma_semaphore, #tpu.memory_space<semaphore_mem>>) src(%dma_wait3A_1898 : memref<40x64xf32, #tpu.memory_space<vmem>>) dst(%dma_wait3A_1895 : memref<40x64xf32, #tpu.memory_space<vmem_shared>>)
      %add3A_1899 = arith.constant 600 : i32
      %add3A_1900 = arith.addi %mul3A_1023, %add3A_1899 : i32
      %dma_wait3A_1901 = arith.constant 0 : i32
      %dma_wait3A_1902 = arith.constant 0 : i32
      %dma_wait3A_1903 = tpu.memref_slice %arg10[%dma_wait3A_1901, %dma_wait3A_1902] : memref<125x64xf32, #tpu.memory_space<vmem>> -> memref<32x64xf32, #tpu.memory_space<vmem>>
      %dma_wait3A_1904 = arith.constant 0 : i32
      %dma_wait3A_1905 = tpu.memref_slice %arg6[%add3A_1900, %dma_wait3A_1904] : memref<10000x64xf32, #tpu.memory_space<vmem_shared>> -> memref<32x64xf32, #tpu.memory_space<vmem_shared>>
      %dma_wait3A_1906 = arith.constant 0 : i32
      %dma_wait3A_1907 = tpu.memref_slice %arg6[%add3A_1900, %dma_wait3A_1906] : memref<10000x64xf32, #tpu.memory_space<vmem_shared>> -> memref<32x64xf32, #tpu.memory_space<vmem_shared>>
      %dma_wait3A_1908 = arith.constant 0 : i32
      %dma_wait3A_1909 = arith.constant 0 : i32
      %dma_wait3A_1910 = tpu.memref_slice %arg10[%dma_wait3A_1908, %dma_wait3A_1909] : memref<125x64xf32, #tpu.memory_space<vmem>> -> memref<32x64xf32, #tpu.memory_space<vmem>>
      tpu.wait_dma2 semaphore(%arg15 : memref<!tpu.dma_semaphore, #tpu.memory_space<semaphore_mem>>) src(%dma_wait3A_1910 : memref<32x64xf32, #tpu.memory_space<vmem>>) dst(%dma_wait3A_1907 : memref<32x64xf32, #tpu.memory_space<vmem_shared>>)
    } else {
    }
    %eq3A = arith.constant 15 : i32
    %eq3A_1026 = arith.cmpi eq, %arg1, %eq3A : i32
    %convert_element_type3A_1027 = arith.extui %eq3A_1026 : i1 to i32
    %cond3A_1028 = arith.constant 0 : i32
    %cond3A_1029 = arith.cmpi ne, %convert_element_type3A_1027, %cond3A_1028 : i32
    scf.if %cond3A_1029 {
      %add3A_1143 = arith.constant 0 : i32
      %add3A_1144 = arith.addi %mul3A_1023, %add3A_1143 : i32
      %dma_start3A_1145 = arith.constant 0 : i32
      %dma_start3A_1146 = arith.constant 0 : i32
      %dma_start3A_1147 = tpu.memref_slice %arg10[%dma_start3A_1145, %dma_start3A_1146] : memref<125x64xf32, #tpu.memory_space<vmem>> -> memref<40x64xf32, #tpu.memory_space<vmem>>
      %dma_start3A_1148 = arith.constant 0 : i32
      %dma_start3A_1149 = tpu.memref_slice %arg5[%add3A_1144, %dma_start3A_1148] : memref<10000x64xf32, #tpu.memory_space<vmem_shared>> -> memref<40x64xf32, #tpu.memory_space<vmem_shared>>
      %dma_start3A_1150 = arith.constant 0 : i32
      %dma_start3A_1151 = tpu.memref_slice %arg5[%add3A_1144, %dma_start3A_1150] : memref<10000x64xf32, #tpu.memory_space<vmem_shared>> -> memref<40x64xf32, #tpu.memory_space<vmem_shared>>
      %dma_start3A_1152 = arith.constant 0 : i32
      %dma_start3A_1153 = arith.constant 0 : i32
      %dma_start3A_1154 = tpu.memref_slice %arg10[%dma_start3A_1152, %dma_start3A_1153] : memref<125x64xf32, #tpu.memory_space<vmem>> -> memref<40x64xf32, #tpu.memory_space<vmem>>
      tpu.enqueue_dma source(%dma_start3A_1154 : memref<40x64xf32, #tpu.memory_space<vmem>>) target(%dma_start3A_1151 : memref<40x64xf32, #tpu.memory_space<vmem_shared>>) target_semaphore(%arg14 : memref<!tpu.dma_semaphore, #tpu.memory_space<semaphore_mem>>)
      %add3A_1155 = arith.constant 40 : i32
      %add3A_1156 = arith.addi %mul3A_1023, %add3A_1155 : i32
      %dma_start3A_1157 = arith.constant 0 : i32
      %dma_start3A_1158 = arith.constant 0 : i32
      %dma_start3A_1159 = tpu.memref_slice %arg10[%dma_start3A_1157, %dma_start3A_1158] : memref<125x64xf32, #tpu.memory_space<vmem>> -> memref<40x64xf32, #tpu.memory_space<vmem>>
      %dma_start3A_1160 = arith.constant 0 : i32
      %dma_start3A_1161 = tpu.memref_slice %arg5[%add3A_1156, %dma_start3A_1160] : memref<10000x64xf32, #tpu.memory_space<vmem_shared>> -> memref<40x64xf32, #tpu.memory_space<vmem_shared>>
      %dma_start3A_1162 = arith.constant 0 : i32
      %dma_start3A_1163 = tpu.memref_slice %arg5[%add3A_1156, %dma_start3A_1162] : memref<10000x64xf32, #tpu.memory_space<vmem_shared>> -> memref<40x64xf32, #tpu.memory_space<vmem_shared>>
      %dma_start3A_1164 = arith.constant 0 : i32
      %dma_start3A_1165 = arith.constant 0 : i32
      %dma_start3A_1166 = tpu.memref_slice %arg10[%dma_start3A_1164, %dma_start3A_1165] : memref<125x64xf32, #tpu.memory_space<vmem>> -> memref<40x64xf32, #tpu.memory_space<vmem>>
      tpu.enqueue_dma source(%dma_start3A_1166 : memref<40x64xf32, #tpu.memory_space<vmem>>) target(%dma_start3A_1163 : memref<40x64xf32, #tpu.memory_space<vmem_shared>>) target_semaphore(%arg14 : memref<!tpu.dma_semaphore, #tpu.memory_space<semaphore_mem>>)
      %add3A_1167 = arith.constant 80 : i32
      %add3A_1168 = arith.addi %mul3A_1023, %add3A_1167 : i32
      %dma_start3A_1169 = arith.constant 0 : i32
      %dma_start3A_1170 = arith.constant 0 : i32
      %dma_start3A_1171 = tpu.memref_slice %arg10[%dma_start3A_1169, %dma_start3A_1170] : memref<125x64xf32, #tpu.memory_space<vmem>> -> memref<40x64xf32, #tpu.memory_space<vmem>>
      %dma_start3A_1172 = arith.constant 0 : i32
      %dma_start3A_1173 = tpu.memref_slice %arg5[%add3A_1168, %dma_start3A_1172] : memref<10000x64xf32, #tpu.memory_space<vmem_shared>> -> memref<40x64xf32, #tpu.memory_space<vmem_shared>>
      %dma_start3A_1174 = arith.constant 0 : i32
      %dma_start3A_1175 = tpu.memref_slice %arg5[%add3A_1168, %dma_start3A_1174] : memref<10000x64xf32, #tpu.memory_space<vmem_shared>> -> memref<40x64xf32, #tpu.memory_space<vmem_shared>>
      %dma_start3A_1176 = arith.constant 0 : i32
      %dma_start3A_1177 = arith.constant 0 : i32
      %dma_start3A_1178 = tpu.memref_slice %arg10[%dma_start3A_1176, %dma_start3A_1177] : memref<125x64xf32, #tpu.memory_space<vmem>> -> memref<40x64xf32, #tpu.memory_space<vmem>>
      tpu.enqueue_dma source(%dma_start3A_1178 : memref<40x64xf32, #tpu.memory_space<vmem>>) target(%dma_start3A_1175 : memref<40x64xf32, #tpu.memory_space<vmem_shared>>) target_semaphore(%arg14 : memref<!tpu.dma_semaphore, #tpu.memory_space<semaphore_mem>>)
      %add3A_1179 = arith.constant 120 : i32
      %add3A_1180 = arith.addi %mul3A_1023, %add3A_1179 : i32
      %dma_start3A_1181 = arith.constant 0 : i32
      %dma_start3A_1182 = arith.constant 0 : i32
      %dma_start3A_1183 = tpu.memref_slice %arg10[%dma_start3A_1181, %dma_start3A_1182] : memref<125x64xf32, #tpu.memory_space<vmem>> -> memref<40x64xf32, #tpu.memory_space<vmem>>
      %dma_start3A_1184 = arith.constant 0 : i32
      %dma_start3A_1185 = tpu.memref_slice %arg5[%add3A_1180, %dma_start3A_1184] : memref<10000x64xf32, #tpu.memory_space<vmem_shared>> -> memref<40x64xf32, #tpu.memory_space<vmem_shared>>
      %dma_start3A_1186 = arith.constant 0 : i32
      %dma_start3A_1187 = tpu.memref_slice %arg5[%add3A_1180, %dma_start3A_1186] : memref<10000x64xf32, #tpu.memory_space<vmem_shared>> -> memref<40x64xf32, #tpu.memory_space<vmem_shared>>
      %dma_start3A_1188 = arith.constant 0 : i32
      %dma_start3A_1189 = arith.constant 0 : i32
      %dma_start3A_1190 = tpu.memref_slice %arg10[%dma_start3A_1188, %dma_start3A_1189] : memref<125x64xf32, #tpu.memory_space<vmem>> -> memref<40x64xf32, #tpu.memory_space<vmem>>
      tpu.enqueue_dma source(%dma_start3A_1190 : memref<40x64xf32, #tpu.memory_space<vmem>>) target(%dma_start3A_1187 : memref<40x64xf32, #tpu.memory_space<vmem_shared>>) target_semaphore(%arg14 : memref<!tpu.dma_semaphore, #tpu.memory_space<semaphore_mem>>)
      %add3A_1191 = arith.constant 160 : i32
      %add3A_1192 = arith.addi %mul3A_1023, %add3A_1191 : i32
      %dma_start3A_1193 = arith.constant 0 : i32
      %dma_start3A_1194 = arith.constant 0 : i32
      %dma_start3A_1195 = tpu.memref_slice %arg10[%dma_start3A_1193, %dma_start3A_1194] : memref<125x64xf32, #tpu.memory_space<vmem>> -> memref<40x64xf32, #tpu.memory_space<vmem>>
      %dma_start3A_1196 = arith.constant 0 : i32
      %dma_start3A_1197 = tpu.memref_slice %arg5[%add3A_1192, %dma_start3A_1196] : memref<10000x64xf32, #tpu.memory_space<vmem_shared>> -> memref<40x64xf32, #tpu.memory_space<vmem_shared>>
      %dma_start3A_1198 = arith.constant 0 : i32
      %dma_start3A_1199 = tpu.memref_slice %arg5[%add3A_1192, %dma_start3A_1198] : memref<10000x64xf32, #tpu.memory_space<vmem_shared>> -> memref<40x64xf32, #tpu.memory_space<vmem_shared>>
      %dma_start3A_1200 = arith.constant 0 : i32
      %dma_start3A_1201 = arith.constant 0 : i32
      %dma_start3A_1202 = tpu.memref_slice %arg10[%dma_start3A_1200, %dma_start3A_1201] : memref<125x64xf32, #tpu.memory_space<vmem>> -> memref<40x64xf32, #tpu.memory_space<vmem>>
      tpu.enqueue_dma source(%dma_start3A_1202 : memref<40x64xf32, #tpu.memory_space<vmem>>) target(%dma_start3A_1199 : memref<40x64xf32, #tpu.memory_space<vmem_shared>>) target_semaphore(%arg14 : memref<!tpu.dma_semaphore, #tpu.memory_space<semaphore_mem>>)
      %add3A_1203 = arith.constant 200 : i32
      %add3A_1204 = arith.addi %mul3A_1023, %add3A_1203 : i32
      %dma_start3A_1205 = arith.constant 0 : i32
      %dma_start3A_1206 = arith.constant 0 : i32
      %dma_start3A_1207 = tpu.memref_slice %arg10[%dma_start3A_1205, %dma_start3A_1206] : memref<125x64xf32, #tpu.memory_space<vmem>> -> memref<40x64xf32, #tpu.memory_space<vmem>>
      %dma_start3A_1208 = arith.constant 0 : i32
      %dma_start3A_1209 = tpu.memref_slice %arg5[%add3A_1204, %dma_start3A_1208] : memref<10000x64xf32, #tpu.memory_space<vmem_shared>> -> memref<40x64xf32, #tpu.memory_space<vmem_shared>>
      %dma_start3A_1210 = arith.constant 0 : i32
      %dma_start3A_1211 = tpu.memref_slice %arg5[%add3A_1204, %dma_start3A_1210] : memref<10000x64xf32, #tpu.memory_space<vmem_shared>> -> memref<40x64xf32, #tpu.memory_space<vmem_shared>>
      %dma_start3A_1212 = arith.constant 0 : i32
      %dma_start3A_1213 = arith.constant 0 : i32
      %dma_start3A_1214 = tpu.memref_slice %arg10[%dma_start3A_1212, %dma_start3A_1213] : memref<125x64xf32, #tpu.memory_space<vmem>> -> memref<40x64xf32, #tpu.memory_space<vmem>>
      tpu.enqueue_dma source(%dma_start3A_1214 : memref<40x64xf32, #tpu.memory_space<vmem>>) target(%dma_start3A_1211 : memref<40x64xf32, #tpu.memory_space<vmem_shared>>) target_semaphore(%arg14 : memref<!tpu.dma_semaphore, #tpu.memory_space<semaphore_mem>>)
      %add3A_1215 = arith.constant 240 : i32
      %add3A_1216 = arith.addi %mul3A_1023, %add3A_1215 : i32
      %dma_start3A_1217 = arith.constant 0 : i32
      %dma_start3A_1218 = arith.constant 0 : i32
      %dma_start3A_1219 = tpu.memref_slice %arg10[%dma_start3A_1217, %dma_start3A_1218] : memref<125x64xf32, #tpu.memory_space<vmem>> -> memref<40x64xf32, #tpu.memory_space<vmem>>
      %dma_start3A_1220 = arith.constant 0 : i32
      %dma_start3A_1221 = tpu.memref_slice %arg5[%add3A_1216, %dma_start3A_1220] : memref<10000x64xf32, #tpu.memory_space<vmem_shared>> -> memref<40x64xf32, #tpu.memory_space<vmem_shared>>
      %dma_start3A_1222 = arith.constant 0 : i32
      %dma_start3A_1223 = tpu.memref_slice %arg5[%add3A_1216, %dma_start3A_1222] : memref<10000x64xf32, #tpu.memory_space<vmem_shared>> -> memref<40x64xf32, #tpu.memory_space<vmem_shared>>
      %dma_start3A_1224 = arith.constant 0 : i32
      %dma_start3A_1225 = arith.constant 0 : i32
      %dma_start3A_1226 = tpu.memref_slice %arg10[%dma_start3A_1224, %dma_start3A_1225] : memref<125x64xf32, #tpu.memory_space<vmem>> -> memref<40x64xf32, #tpu.memory_space<vmem>>
      tpu.enqueue_dma source(%dma_start3A_1226 : memref<40x64xf32, #tpu.memory_space<vmem>>) target(%dma_start3A_1223 : memref<40x64xf32, #tpu.memory_space<vmem_shared>>) target_semaphore(%arg14 : memref<!tpu.dma_semaphore, #tpu.memory_space<semaphore_mem>>)
      %add3A_1227 = arith.constant 280 : i32
      %add3A_1228 = arith.addi %mul3A_1023, %add3A_1227 : i32
      %dma_start3A_1229 = arith.constant 0 : i32
      %dma_start3A_1230 = arith.constant 0 : i32
      %dma_start3A_1231 = tpu.memref_slice %arg10[%dma_start3A_1229, %dma_start3A_1230] : memref<125x64xf32, #tpu.memory_space<vmem>> -> memref<40x64xf32, #tpu.memory_space<vmem>>
      %dma_start3A_1232 = arith.constant 0 : i32
      %dma_start3A_1233 = tpu.memref_slice %arg5[%add3A_1228, %dma_start3A_1232] : memref<10000x64xf32, #tpu.memory_space<vmem_shared>> -> memref<40x64xf32, #tpu.memory_space<vmem_shared>>
      %dma_start3A_1234 = arith.constant 0 : i32
      %dma_start3A_1235 = tpu.memref_slice %arg5[%add3A_1228, %dma_start3A_1234] : memref<10000x64xf32, #tpu.memory_space<vmem_shared>> -> memref<40x64xf32, #tpu.memory_space<vmem_shared>>
      %dma_start3A_1236 = arith.constant 0 : i32
      %dma_start3A_1237 = arith.constant 0 : i32
      %dma_start3A_1238 = tpu.memref_slice %arg10[%dma_start3A_1236, %dma_start3A_1237] : memref<125x64xf32, #tpu.memory_space<vmem>> -> memref<40x64xf32, #tpu.memory_space<vmem>>
      tpu.enqueue_dma source(%dma_start3A_1238 : memref<40x64xf32, #tpu.memory_space<vmem>>) target(%dma_start3A_1235 : memref<40x64xf32, #tpu.memory_space<vmem_shared>>) target_semaphore(%arg14 : memref<!tpu.dma_semaphore, #tpu.memory_space<semaphore_mem>>)
      %add3A_1239 = arith.constant 320 : i32
      %add3A_1240 = arith.addi %mul3A_1023, %add3A_1239 : i32
      %dma_start3A_1241 = arith.constant 0 : i32
      %dma_start3A_1242 = arith.constant 0 : i32
      %dma_start3A_1243 = tpu.memref_slice %arg10[%dma_start3A_1241, %dma_start3A_1242] : memref<125x64xf32, #tpu.memory_space<vmem>> -> memref<40x64xf32, #tpu.memory_space<vmem>>
      %dma_start3A_1244 = arith.constant 0 : i32
      %dma_start3A_1245 = tpu.memref_slice %arg5[%add3A_1240, %dma_start3A_1244] : memref<10000x64xf32, #tpu.memory_space<vmem_shared>> -> memref<40x64xf32, #tpu.memory_space<vmem_shared>>
      %dma_start3A_1246 = arith.constant 0 : i32
      %dma_start3A_1247 = tpu.memref_slice %arg5[%add3A_1240, %dma_start3A_1246] : memref<10000x64xf32, #tpu.memory_space<vmem_shared>> -> memref<40x64xf32, #tpu.memory_space<vmem_shared>>
      %dma_start3A_1248 = arith.constant 0 : i32
      %dma_start3A_1249 = arith.constant 0 : i32
      %dma_start3A_1250 = tpu.memref_slice %arg10[%dma_start3A_1248, %dma_start3A_1249] : memref<125x64xf32, #tpu.memory_space<vmem>> -> memref<40x64xf32, #tpu.memory_space<vmem>>
      tpu.enqueue_dma source(%dma_start3A_1250 : memref<40x64xf32, #tpu.memory_space<vmem>>) target(%dma_start3A_1247 : memref<40x64xf32, #tpu.memory_space<vmem_shared>>) target_semaphore(%arg14 : memref<!tpu.dma_semaphore, #tpu.memory_space<semaphore_mem>>)
      %add3A_1251 = arith.constant 360 : i32
      %add3A_1252 = arith.addi %mul3A_1023, %add3A_1251 : i32
      %dma_start3A_1253 = arith.constant 0 : i32
      %dma_start3A_1254 = arith.constant 0 : i32
      %dma_start3A_1255 = tpu.memref_slice %arg10[%dma_start3A_1253, %dma_start3A_1254] : memref<125x64xf32, #tpu.memory_space<vmem>> -> memref<40x64xf32, #tpu.memory_space<vmem>>
      %dma_start3A_1256 = arith.constant 0 : i32
      %dma_start3A_1257 = tpu.memref_slice %arg5[%add3A_1252, %dma_start3A_1256] : memref<10000x64xf32, #tpu.memory_space<vmem_shared>> -> memref<40x64xf32, #tpu.memory_space<vmem_shared>>
      %dma_start3A_1258 = arith.constant 0 : i32
      %dma_start3A_1259 = tpu.memref_slice %arg5[%add3A_1252, %dma_start3A_1258] : memref<10000x64xf32, #tpu.memory_space<vmem_shared>> -> memref<40x64xf32, #tpu.memory_space<vmem_shared>>
      %dma_start3A_1260 = arith.constant 0 : i32
      %dma_start3A_1261 = arith.constant 0 : i32
      %dma_start3A_1262 = tpu.memref_slice %arg10[%dma_start3A_1260, %dma_start3A_1261] : memref<125x64xf32, #tpu.memory_space<vmem>> -> memref<40x64xf32, #tpu.memory_space<vmem>>
      tpu.enqueue_dma source(%dma_start3A_1262 : memref<40x64xf32, #tpu.memory_space<vmem>>) target(%dma_start3A_1259 : memref<40x64xf32, #tpu.memory_space<vmem_shared>>) target_semaphore(%arg14 : memref<!tpu.dma_semaphore, #tpu.memory_space<semaphore_mem>>)
      %add3A_1263 = arith.constant 400 : i32
      %add3A_1264 = arith.addi %mul3A_1023, %add3A_1263 : i32
      %dma_start3A_1265 = arith.constant 0 : i32
      %dma_start3A_1266 = arith.constant 0 : i32
      %dma_start3A_1267 = tpu.memref_slice %arg10[%dma_start3A_1265, %dma_start3A_1266] : memref<125x64xf32, #tpu.memory_space<vmem>> -> memref<40x64xf32, #tpu.memory_space<vmem>>
      %dma_start3A_1268 = arith.constant 0 : i32
      %dma_start3A_1269 = tpu.memref_slice %arg5[%add3A_1264, %dma_start3A_1268] : memref<10000x64xf32, #tpu.memory_space<vmem_shared>> -> memref<40x64xf32, #tpu.memory_space<vmem_shared>>
      %dma_start3A_1270 = arith.constant 0 : i32
      %dma_start3A_1271 = tpu.memref_slice %arg5[%add3A_1264, %dma_start3A_1270] : memref<10000x64xf32, #tpu.memory_space<vmem_shared>> -> memref<40x64xf32, #tpu.memory_space<vmem_shared>>
      %dma_start3A_1272 = arith.constant 0 : i32
      %dma_start3A_1273 = arith.constant 0 : i32
      %dma_start3A_1274 = tpu.memref_slice %arg10[%dma_start3A_1272, %dma_start3A_1273] : memref<125x64xf32, #tpu.memory_space<vmem>> -> memref<40x64xf32, #tpu.memory_space<vmem>>
      tpu.enqueue_dma source(%dma_start3A_1274 : memref<40x64xf32, #tpu.memory_space<vmem>>) target(%dma_start3A_1271 : memref<40x64xf32, #tpu.memory_space<vmem_shared>>) target_semaphore(%arg14 : memref<!tpu.dma_semaphore, #tpu.memory_space<semaphore_mem>>)
      %add3A_1275 = arith.constant 440 : i32
      %add3A_1276 = arith.addi %mul3A_1023, %add3A_1275 : i32
      %dma_start3A_1277 = arith.constant 0 : i32
      %dma_start3A_1278 = arith.constant 0 : i32
      %dma_start3A_1279 = tpu.memref_slice %arg10[%dma_start3A_1277, %dma_start3A_1278] : memref<125x64xf32, #tpu.memory_space<vmem>> -> memref<40x64xf32, #tpu.memory_space<vmem>>
      %dma_start3A_1280 = arith.constant 0 : i32
      %dma_start3A_1281 = tpu.memref_slice %arg5[%add3A_1276, %dma_start3A_1280] : memref<10000x64xf32, #tpu.memory_space<vmem_shared>> -> memref<40x64xf32, #tpu.memory_space<vmem_shared>>
      %dma_start3A_1282 = arith.constant 0 : i32
      %dma_start3A_1283 = tpu.memref_slice %arg5[%add3A_1276, %dma_start3A_1282] : memref<10000x64xf32, #tpu.memory_space<vmem_shared>> -> memref<40x64xf32, #tpu.memory_space<vmem_shared>>
      %dma_start3A_1284 = arith.constant 0 : i32
      %dma_start3A_1285 = arith.constant 0 : i32
      %dma_start3A_1286 = tpu.memref_slice %arg10[%dma_start3A_1284, %dma_start3A_1285] : memref<125x64xf32, #tpu.memory_space<vmem>> -> memref<40x64xf32, #tpu.memory_space<vmem>>
      tpu.enqueue_dma source(%dma_start3A_1286 : memref<40x64xf32, #tpu.memory_space<vmem>>) target(%dma_start3A_1283 : memref<40x64xf32, #tpu.memory_space<vmem_shared>>) target_semaphore(%arg14 : memref<!tpu.dma_semaphore, #tpu.memory_space<semaphore_mem>>)
      %add3A_1287 = arith.constant 480 : i32
      %add3A_1288 = arith.addi %mul3A_1023, %add3A_1287 : i32
      %dma_start3A_1289 = arith.constant 0 : i32
      %dma_start3A_1290 = arith.constant 0 : i32
      %dma_start3A_1291 = tpu.memref_slice %arg10[%dma_start3A_1289, %dma_start3A_1290] : memref<125x64xf32, #tpu.memory_space<vmem>> -> memref<40x64xf32, #tpu.memory_space<vmem>>
      %dma_start3A_1292 = arith.constant 0 : i32
      %dma_start3A_1293 = tpu.memref_slice %arg5[%add3A_1288, %dma_start3A_1292] : memref<10000x64xf32, #tpu.memory_space<vmem_shared>> -> memref<40x64xf32, #tpu.memory_space<vmem_shared>>
      %dma_start3A_1294 = arith.constant 0 : i32
      %dma_start3A_1295 = tpu.memref_slice %arg5[%add3A_1288, %dma_start3A_1294] : memref<10000x64xf32, #tpu.memory_space<vmem_shared>> -> memref<40x64xf32, #tpu.memory_space<vmem_shared>>
      %dma_start3A_1296 = arith.constant 0 : i32
      %dma_start3A_1297 = arith.constant 0 : i32
      %dma_start3A_1298 = tpu.memref_slice %arg10[%dma_start3A_1296, %dma_start3A_1297] : memref<125x64xf32, #tpu.memory_space<vmem>> -> memref<40x64xf32, #tpu.memory_space<vmem>>
      tpu.enqueue_dma source(%dma_start3A_1298 : memref<40x64xf32, #tpu.memory_space<vmem>>) target(%dma_start3A_1295 : memref<40x64xf32, #tpu.memory_space<vmem_shared>>) target_semaphore(%arg14 : memref<!tpu.dma_semaphore, #tpu.memory_space<semaphore_mem>>)
      %add3A_1299 = arith.constant 0 : i32
      %add3A_1300 = arith.addi %mul3A_1023, %add3A_1299 : i32
      %dma_start3A_1301 = arith.constant 0 : i32
      %dma_start3A_1302 = arith.constant 0 : i32
      %dma_start3A_1303 = tpu.memref_slice %arg10[%dma_start3A_1301, %dma_start3A_1302] : memref<125x64xf32, #tpu.memory_space<vmem>> -> memref<40x64xf32, #tpu.memory_space<vmem>>
      %dma_start3A_1304 = arith.constant 0 : i32
      %dma_start3A_1305 = tpu.memref_slice %arg6[%add3A_1300, %dma_start3A_1304] : memref<10000x64xf32, #tpu.memory_space<vmem_shared>> -> memref<40x64xf32, #tpu.memory_space<vmem_shared>>
      %dma_start3A_1306 = arith.constant 0 : i32
      %dma_start3A_1307 = tpu.memref_slice %arg6[%add3A_1300, %dma_start3A_1306] : memref<10000x64xf32, #tpu.memory_space<vmem_shared>> -> memref<40x64xf32, #tpu.memory_space<vmem_shared>>
      %dma_start3A_1308 = arith.constant 0 : i32
      %dma_start3A_1309 = arith.constant 0 : i32
      %dma_start3A_1310 = tpu.memref_slice %arg10[%dma_start3A_1308, %dma_start3A_1309] : memref<125x64xf32, #tpu.memory_space<vmem>> -> memref<40x64xf32, #tpu.memory_space<vmem>>
      tpu.enqueue_dma source(%dma_start3A_1310 : memref<40x64xf32, #tpu.memory_space<vmem>>) target(%dma_start3A_1307 : memref<40x64xf32, #tpu.memory_space<vmem_shared>>) target_semaphore(%arg15 : memref<!tpu.dma_semaphore, #tpu.memory_space<semaphore_mem>>)
      %add3A_1311 = arith.constant 40 : i32
      %add3A_1312 = arith.addi %mul3A_1023, %add3A_1311 : i32
      %dma_start3A_1313 = arith.constant 0 : i32
      %dma_start3A_1314 = arith.constant 0 : i32
      %dma_start3A_1315 = tpu.memref_slice %arg10[%dma_start3A_1313, %dma_start3A_1314] : memref<125x64xf32, #tpu.memory_space<vmem>> -> memref<40x64xf32, #tpu.memory_space<vmem>>
      %dma_start3A_1316 = arith.constant 0 : i32
      %dma_start3A_1317 = tpu.memref_slice %arg6[%add3A_1312, %dma_start3A_1316] : memref<10000x64xf32, #tpu.memory_space<vmem_shared>> -> memref<40x64xf32, #tpu.memory_space<vmem_shared>>
      %dma_start3A_1318 = arith.constant 0 : i32
      %dma_start3A_1319 = tpu.memref_slice %arg6[%add3A_1312, %dma_start3A_1318] : memref<10000x64xf32, #tpu.memory_space<vmem_shared>> -> memref<40x64xf32, #tpu.memory_space<vmem_shared>>
      %dma_start3A_1320 = arith.constant 0 : i32
      %dma_start3A_1321 = arith.constant 0 : i32
      %dma_start3A_1322 = tpu.memref_slice %arg10[%dma_start3A_1320, %dma_start3A_1321] : memref<125x64xf32, #tpu.memory_space<vmem>> -> memref<40x64xf32, #tpu.memory_space<vmem>>
      tpu.enqueue_dma source(%dma_start3A_1322 : memref<40x64xf32, #tpu.memory_space<vmem>>) target(%dma_start3A_1319 : memref<40x64xf32, #tpu.memory_space<vmem_shared>>) target_semaphore(%arg15 : memref<!tpu.dma_semaphore, #tpu.memory_space<semaphore_mem>>)
      %add3A_1323 = arith.constant 80 : i32
      %add3A_1324 = arith.addi %mul3A_1023, %add3A_1323 : i32
      %dma_start3A_1325 = arith.constant 0 : i32
      %dma_start3A_1326 = arith.constant 0 : i32
      %dma_start3A_1327 = tpu.memref_slice %arg10[%dma_start3A_1325, %dma_start3A_1326] : memref<125x64xf32, #tpu.memory_space<vmem>> -> memref<40x64xf32, #tpu.memory_space<vmem>>
      %dma_start3A_1328 = arith.constant 0 : i32
      %dma_start3A_1329 = tpu.memref_slice %arg6[%add3A_1324, %dma_start3A_1328] : memref<10000x64xf32, #tpu.memory_space<vmem_shared>> -> memref<40x64xf32, #tpu.memory_space<vmem_shared>>
      %dma_start3A_1330 = arith.constant 0 : i32
      %dma_start3A_1331 = tpu.memref_slice %arg6[%add3A_1324, %dma_start3A_1330] : memref<10000x64xf32, #tpu.memory_space<vmem_shared>> -> memref<40x64xf32, #tpu.memory_space<vmem_shared>>
      %dma_start3A_1332 = arith.constant 0 : i32
      %dma_start3A_1333 = arith.constant 0 : i32
      %dma_start3A_1334 = tpu.memref_slice %arg10[%dma_start3A_1332, %dma_start3A_1333] : memref<125x64xf32, #tpu.memory_space<vmem>> -> memref<40x64xf32, #tpu.memory_space<vmem>>
      tpu.enqueue_dma source(%dma_start3A_1334 : memref<40x64xf32, #tpu.memory_space<vmem>>) target(%dma_start3A_1331 : memref<40x64xf32, #tpu.memory_space<vmem_shared>>) target_semaphore(%arg15 : memref<!tpu.dma_semaphore, #tpu.memory_space<semaphore_mem>>)
      %add3A_1335 = arith.constant 120 : i32
      %add3A_1336 = arith.addi %mul3A_1023, %add3A_1335 : i32
      %dma_start3A_1337 = arith.constant 0 : i32
      %dma_start3A_1338 = arith.constant 0 : i32
      %dma_start3A_1339 = tpu.memref_slice %arg10[%dma_start3A_1337, %dma_start3A_1338] : memref<125x64xf32, #tpu.memory_space<vmem>> -> memref<40x64xf32, #tpu.memory_space<vmem>>
      %dma_start3A_1340 = arith.constant 0 : i32
      %dma_start3A_1341 = tpu.memref_slice %arg6[%add3A_1336, %dma_start3A_1340] : memref<10000x64xf32, #tpu.memory_space<vmem_shared>> -> memref<40x64xf32, #tpu.memory_space<vmem_shared>>
      %dma_start3A_1342 = arith.constant 0 : i32
      %dma_start3A_1343 = tpu.memref_slice %arg6[%add3A_1336, %dma_start3A_1342] : memref<10000x64xf32, #tpu.memory_space<vmem_shared>> -> memref<40x64xf32, #tpu.memory_space<vmem_shared>>
      %dma_start3A_1344 = arith.constant 0 : i32
      %dma_start3A_1345 = arith.constant 0 : i32
      %dma_start3A_1346 = tpu.memref_slice %arg10[%dma_start3A_1344, %dma_start3A_1345] : memref<125x64xf32, #tpu.memory_space<vmem>> -> memref<40x64xf32, #tpu.memory_space<vmem>>
      tpu.enqueue_dma source(%dma_start3A_1346 : memref<40x64xf32, #tpu.memory_space<vmem>>) target(%dma_start3A_1343 : memref<40x64xf32, #tpu.memory_space<vmem_shared>>) target_semaphore(%arg15 : memref<!tpu.dma_semaphore, #tpu.memory_space<semaphore_mem>>)
      %add3A_1347 = arith.constant 160 : i32
      %add3A_1348 = arith.addi %mul3A_1023, %add3A_1347 : i32
      %dma_start3A_1349 = arith.constant 0 : i32
      %dma_start3A_1350 = arith.constant 0 : i32
      %dma_start3A_1351 = tpu.memref_slice %arg10[%dma_start3A_1349, %dma_start3A_1350] : memref<125x64xf32, #tpu.memory_space<vmem>> -> memref<40x64xf32, #tpu.memory_space<vmem>>
      %dma_start3A_1352 = arith.constant 0 : i32
      %dma_start3A_1353 = tpu.memref_slice %arg6[%add3A_1348, %dma_start3A_1352] : memref<10000x64xf32, #tpu.memory_space<vmem_shared>> -> memref<40x64xf32, #tpu.memory_space<vmem_shared>>
      %dma_start3A_1354 = arith.constant 0 : i32
      %dma_start3A_1355 = tpu.memref_slice %arg6[%add3A_1348, %dma_start3A_1354] : memref<10000x64xf32, #tpu.memory_space<vmem_shared>> -> memref<40x64xf32, #tpu.memory_space<vmem_shared>>
      %dma_start3A_1356 = arith.constant 0 : i32
      %dma_start3A_1357 = arith.constant 0 : i32
      %dma_start3A_1358 = tpu.memref_slice %arg10[%dma_start3A_1356, %dma_start3A_1357] : memref<125x64xf32, #tpu.memory_space<vmem>> -> memref<40x64xf32, #tpu.memory_space<vmem>>
      tpu.enqueue_dma source(%dma_start3A_1358 : memref<40x64xf32, #tpu.memory_space<vmem>>) target(%dma_start3A_1355 : memref<40x64xf32, #tpu.memory_space<vmem_shared>>) target_semaphore(%arg15 : memref<!tpu.dma_semaphore, #tpu.memory_space<semaphore_mem>>)
      %add3A_1359 = arith.constant 200 : i32
      %add3A_1360 = arith.addi %mul3A_1023, %add3A_1359 : i32
      %dma_start3A_1361 = arith.constant 0 : i32
      %dma_start3A_1362 = arith.constant 0 : i32
      %dma_start3A_1363 = tpu.memref_slice %arg10[%dma_start3A_1361, %dma_start3A_1362] : memref<125x64xf32, #tpu.memory_space<vmem>> -> memref<40x64xf32, #tpu.memory_space<vmem>>
      %dma_start3A_1364 = arith.constant 0 : i32
      %dma_start3A_1365 = tpu.memref_slice %arg6[%add3A_1360, %dma_start3A_1364] : memref<10000x64xf32, #tpu.memory_space<vmem_shared>> -> memref<40x64xf32, #tpu.memory_space<vmem_shared>>
      %dma_start3A_1366 = arith.constant 0 : i32
      %dma_start3A_1367 = tpu.memref_slice %arg6[%add3A_1360, %dma_start3A_1366] : memref<10000x64xf32, #tpu.memory_space<vmem_shared>> -> memref<40x64xf32, #tpu.memory_space<vmem_shared>>
      %dma_start3A_1368 = arith.constant 0 : i32
      %dma_start3A_1369 = arith.constant 0 : i32
      %dma_start3A_1370 = tpu.memref_slice %arg10[%dma_start3A_1368, %dma_start3A_1369] : memref<125x64xf32, #tpu.memory_space<vmem>> -> memref<40x64xf32, #tpu.memory_space<vmem>>
      tpu.enqueue_dma source(%dma_start3A_1370 : memref<40x64xf32, #tpu.memory_space<vmem>>) target(%dma_start3A_1367 : memref<40x64xf32, #tpu.memory_space<vmem_shared>>) target_semaphore(%arg15 : memref<!tpu.dma_semaphore, #tpu.memory_space<semaphore_mem>>)
      %add3A_1371 = arith.constant 240 : i32
      %add3A_1372 = arith.addi %mul3A_1023, %add3A_1371 : i32
      %dma_start3A_1373 = arith.constant 0 : i32
      %dma_start3A_1374 = arith.constant 0 : i32
      %dma_start3A_1375 = tpu.memref_slice %arg10[%dma_start3A_1373, %dma_start3A_1374] : memref<125x64xf32, #tpu.memory_space<vmem>> -> memref<40x64xf32, #tpu.memory_space<vmem>>
      %dma_start3A_1376 = arith.constant 0 : i32
      %dma_start3A_1377 = tpu.memref_slice %arg6[%add3A_1372, %dma_start3A_1376] : memref<10000x64xf32, #tpu.memory_space<vmem_shared>> -> memref<40x64xf32, #tpu.memory_space<vmem_shared>>
      %dma_start3A_1378 = arith.constant 0 : i32
      %dma_start3A_1379 = tpu.memref_slice %arg6[%add3A_1372, %dma_start3A_1378] : memref<10000x64xf32, #tpu.memory_space<vmem_shared>> -> memref<40x64xf32, #tpu.memory_space<vmem_shared>>
      %dma_start3A_1380 = arith.constant 0 : i32
      %dma_start3A_1381 = arith.constant 0 : i32
      %dma_start3A_1382 = tpu.memref_slice %arg10[%dma_start3A_1380, %dma_start3A_1381] : memref<125x64xf32, #tpu.memory_space<vmem>> -> memref<40x64xf32, #tpu.memory_space<vmem>>
      tpu.enqueue_dma source(%dma_start3A_1382 : memref<40x64xf32, #tpu.memory_space<vmem>>) target(%dma_start3A_1379 : memref<40x64xf32, #tpu.memory_space<vmem_shared>>) target_semaphore(%arg15 : memref<!tpu.dma_semaphore, #tpu.memory_space<semaphore_mem>>)
      %add3A_1383 = arith.constant 280 : i32
      %add3A_1384 = arith.addi %mul3A_1023, %add3A_1383 : i32
      %dma_start3A_1385 = arith.constant 0 : i32
      %dma_start3A_1386 = arith.constant 0 : i32
      %dma_start3A_1387 = tpu.memref_slice %arg10[%dma_start3A_1385, %dma_start3A_1386] : memref<125x64xf32, #tpu.memory_space<vmem>> -> memref<40x64xf32, #tpu.memory_space<vmem>>
      %dma_start3A_1388 = arith.constant 0 : i32
      %dma_start3A_1389 = tpu.memref_slice %arg6[%add3A_1384, %dma_start3A_1388] : memref<10000x64xf32, #tpu.memory_space<vmem_shared>> -> memref<40x64xf32, #tpu.memory_space<vmem_shared>>
      %dma_start3A_1390 = arith.constant 0 : i32
      %dma_start3A_1391 = tpu.memref_slice %arg6[%add3A_1384, %dma_start3A_1390] : memref<10000x64xf32, #tpu.memory_space<vmem_shared>> -> memref<40x64xf32, #tpu.memory_space<vmem_shared>>
      %dma_start3A_1392 = arith.constant 0 : i32
      %dma_start3A_1393 = arith.constant 0 : i32
      %dma_start3A_1394 = tpu.memref_slice %arg10[%dma_start3A_1392, %dma_start3A_1393] : memref<125x64xf32, #tpu.memory_space<vmem>> -> memref<40x64xf32, #tpu.memory_space<vmem>>
      tpu.enqueue_dma source(%dma_start3A_1394 : memref<40x64xf32, #tpu.memory_space<vmem>>) target(%dma_start3A_1391 : memref<40x64xf32, #tpu.memory_space<vmem_shared>>) target_semaphore(%arg15 : memref<!tpu.dma_semaphore, #tpu.memory_space<semaphore_mem>>)
      %add3A_1395 = arith.constant 320 : i32
      %add3A_1396 = arith.addi %mul3A_1023, %add3A_1395 : i32
      %dma_start3A_1397 = arith.constant 0 : i32
      %dma_start3A_1398 = arith.constant 0 : i32
      %dma_start3A_1399 = tpu.memref_slice %arg10[%dma_start3A_1397, %dma_start3A_1398] : memref<125x64xf32, #tpu.memory_space<vmem>> -> memref<40x64xf32, #tpu.memory_space<vmem>>
      %dma_start3A_1400 = arith.constant 0 : i32
      %dma_start3A_1401 = tpu.memref_slice %arg6[%add3A_1396, %dma_start3A_1400] : memref<10000x64xf32, #tpu.memory_space<vmem_shared>> -> memref<40x64xf32, #tpu.memory_space<vmem_shared>>
      %dma_start3A_1402 = arith.constant 0 : i32
      %dma_start3A_1403 = tpu.memref_slice %arg6[%add3A_1396, %dma_start3A_1402] : memref<10000x64xf32, #tpu.memory_space<vmem_shared>> -> memref<40x64xf32, #tpu.memory_space<vmem_shared>>
      %dma_start3A_1404 = arith.constant 0 : i32
      %dma_start3A_1405 = arith.constant 0 : i32
      %dma_start3A_1406 = tpu.memref_slice %arg10[%dma_start3A_1404, %dma_start3A_1405] : memref<125x64xf32, #tpu.memory_space<vmem>> -> memref<40x64xf32, #tpu.memory_space<vmem>>
      tpu.enqueue_dma source(%dma_start3A_1406 : memref<40x64xf32, #tpu.memory_space<vmem>>) target(%dma_start3A_1403 : memref<40x64xf32, #tpu.memory_space<vmem_shared>>) target_semaphore(%arg15 : memref<!tpu.dma_semaphore, #tpu.memory_space<semaphore_mem>>)
      %add3A_1407 = arith.constant 360 : i32
      %add3A_1408 = arith.addi %mul3A_1023, %add3A_1407 : i32
      %dma_start3A_1409 = arith.constant 0 : i32
      %dma_start3A_1410 = arith.constant 0 : i32
      %dma_start3A_1411 = tpu.memref_slice %arg10[%dma_start3A_1409, %dma_start3A_1410] : memref<125x64xf32, #tpu.memory_space<vmem>> -> memref<40x64xf32, #tpu.memory_space<vmem>>
      %dma_start3A_1412 = arith.constant 0 : i32
      %dma_start3A_1413 = tpu.memref_slice %arg6[%add3A_1408, %dma_start3A_1412] : memref<10000x64xf32, #tpu.memory_space<vmem_shared>> -> memref<40x64xf32, #tpu.memory_space<vmem_shared>>
      %dma_start3A_1414 = arith.constant 0 : i32
      %dma_start3A_1415 = tpu.memref_slice %arg6[%add3A_1408, %dma_start3A_1414] : memref<10000x64xf32, #tpu.memory_space<vmem_shared>> -> memref<40x64xf32, #tpu.memory_space<vmem_shared>>
      %dma_start3A_1416 = arith.constant 0 : i32
      %dma_start3A_1417 = arith.constant 0 : i32
      %dma_start3A_1418 = tpu.memref_slice %arg10[%dma_start3A_1416, %dma_start3A_1417] : memref<125x64xf32, #tpu.memory_space<vmem>> -> memref<40x64xf32, #tpu.memory_space<vmem>>
      tpu.enqueue_dma source(%dma_start3A_1418 : memref<40x64xf32, #tpu.memory_space<vmem>>) target(%dma_start3A_1415 : memref<40x64xf32, #tpu.memory_space<vmem_shared>>) target_semaphore(%arg15 : memref<!tpu.dma_semaphore, #tpu.memory_space<semaphore_mem>>)
      %add3A_1419 = arith.constant 400 : i32
      %add3A_1420 = arith.addi %mul3A_1023, %add3A_1419 : i32
      %dma_start3A_1421 = arith.constant 0 : i32
      %dma_start3A_1422 = arith.constant 0 : i32
      %dma_start3A_1423 = tpu.memref_slice %arg10[%dma_start3A_1421, %dma_start3A_1422] : memref<125x64xf32, #tpu.memory_space<vmem>> -> memref<40x64xf32, #tpu.memory_space<vmem>>
      %dma_start3A_1424 = arith.constant 0 : i32
      %dma_start3A_1425 = tpu.memref_slice %arg6[%add3A_1420, %dma_start3A_1424] : memref<10000x64xf32, #tpu.memory_space<vmem_shared>> -> memref<40x64xf32, #tpu.memory_space<vmem_shared>>
      %dma_start3A_1426 = arith.constant 0 : i32
      %dma_start3A_1427 = tpu.memref_slice %arg6[%add3A_1420, %dma_start3A_1426] : memref<10000x64xf32, #tpu.memory_space<vmem_shared>> -> memref<40x64xf32, #tpu.memory_space<vmem_shared>>
      %dma_start3A_1428 = arith.constant 0 : i32
      %dma_start3A_1429 = arith.constant 0 : i32
      %dma_start3A_1430 = tpu.memref_slice %arg10[%dma_start3A_1428, %dma_start3A_1429] : memref<125x64xf32, #tpu.memory_space<vmem>> -> memref<40x64xf32, #tpu.memory_space<vmem>>
      tpu.enqueue_dma source(%dma_start3A_1430 : memref<40x64xf32, #tpu.memory_space<vmem>>) target(%dma_start3A_1427 : memref<40x64xf32, #tpu.memory_space<vmem_shared>>) target_semaphore(%arg15 : memref<!tpu.dma_semaphore, #tpu.memory_space<semaphore_mem>>)
      %add3A_1431 = arith.constant 440 : i32
      %add3A_1432 = arith.addi %mul3A_1023, %add3A_1431 : i32
      %dma_start3A_1433 = arith.constant 0 : i32
      %dma_start3A_1434 = arith.constant 0 : i32
      %dma_start3A_1435 = tpu.memref_slice %arg10[%dma_start3A_1433, %dma_start3A_1434] : memref<125x64xf32, #tpu.memory_space<vmem>> -> memref<40x64xf32, #tpu.memory_space<vmem>>
      %dma_start3A_1436 = arith.constant 0 : i32
      %dma_start3A_1437 = tpu.memref_slice %arg6[%add3A_1432, %dma_start3A_1436] : memref<10000x64xf32, #tpu.memory_space<vmem_shared>> -> memref<40x64xf32, #tpu.memory_space<vmem_shared>>
      %dma_start3A_1438 = arith.constant 0 : i32
      %dma_start3A_1439 = tpu.memref_slice %arg6[%add3A_1432, %dma_start3A_1438] : memref<10000x64xf32, #tpu.memory_space<vmem_shared>> -> memref<40x64xf32, #tpu.memory_space<vmem_shared>>
      %dma_start3A_1440 = arith.constant 0 : i32
      %dma_start3A_1441 = arith.constant 0 : i32
      %dma_start3A_1442 = tpu.memref_slice %arg10[%dma_start3A_1440, %dma_start3A_1441] : memref<125x64xf32, #tpu.memory_space<vmem>> -> memref<40x64xf32, #tpu.memory_space<vmem>>
      tpu.enqueue_dma source(%dma_start3A_1442 : memref<40x64xf32, #tpu.memory_space<vmem>>) target(%dma_start3A_1439 : memref<40x64xf32, #tpu.memory_space<vmem_shared>>) target_semaphore(%arg15 : memref<!tpu.dma_semaphore, #tpu.memory_space<semaphore_mem>>)
      %add3A_1443 = arith.constant 480 : i32
      %add3A_1444 = arith.addi %mul3A_1023, %add3A_1443 : i32
      %dma_start3A_1445 = arith.constant 0 : i32
      %dma_start3A_1446 = arith.constant 0 : i32
      %dma_start3A_1447 = tpu.memref_slice %arg10[%dma_start3A_1445, %dma_start3A_1446] : memref<125x64xf32, #tpu.memory_space<vmem>> -> memref<40x64xf32, #tpu.memory_space<vmem>>
      %dma_start3A_1448 = arith.constant 0 : i32
      %dma_start3A_1449 = tpu.memref_slice %arg6[%add3A_1444, %dma_start3A_1448] : memref<10000x64xf32, #tpu.memory_space<vmem_shared>> -> memref<40x64xf32, #tpu.memory_space<vmem_shared>>
      %dma_start3A_1450 = arith.constant 0 : i32
      %dma_start3A_1451 = tpu.memref_slice %arg6[%add3A_1444, %dma_start3A_1450] : memref<10000x64xf32, #tpu.memory_space<vmem_shared>> -> memref<40x64xf32, #tpu.memory_space<vmem_shared>>
      %dma_start3A_1452 = arith.constant 0 : i32
      %dma_start3A_1453 = arith.constant 0 : i32
      %dma_start3A_1454 = tpu.memref_slice %arg10[%dma_start3A_1452, %dma_start3A_1453] : memref<125x64xf32, #tpu.memory_space<vmem>> -> memref<40x64xf32, #tpu.memory_space<vmem>>
      tpu.enqueue_dma source(%dma_start3A_1454 : memref<40x64xf32, #tpu.memory_space<vmem>>) target(%dma_start3A_1451 : memref<40x64xf32, #tpu.memory_space<vmem_shared>>) target_semaphore(%arg15 : memref<!tpu.dma_semaphore, #tpu.memory_space<semaphore_mem>>)
      %add3A_1455 = arith.constant 0 : i32
      %add3A_1456 = arith.addi %mul3A_1023, %add3A_1455 : i32
      %dma_wait3A_1457 = arith.constant 0 : i32
      %dma_wait3A_1458 = arith.constant 0 : i32
      %dma_wait3A_1459 = tpu.memref_slice %arg10[%dma_wait3A_1457, %dma_wait3A_1458] : memref<125x64xf32, #tpu.memory_space<vmem>> -> memref<40x64xf32, #tpu.memory_space<vmem>>
      %dma_wait3A_1460 = arith.constant 0 : i32
      %dma_wait3A_1461 = tpu.memref_slice %arg5[%add3A_1456, %dma_wait3A_1460] : memref<10000x64xf32, #tpu.memory_space<vmem_shared>> -> memref<40x64xf32, #tpu.memory_space<vmem_shared>>
      %dma_wait3A_1462 = arith.constant 0 : i32
      %dma_wait3A_1463 = tpu.memref_slice %arg5[%add3A_1456, %dma_wait3A_1462] : memref<10000x64xf32, #tpu.memory_space<vmem_shared>> -> memref<40x64xf32, #tpu.memory_space<vmem_shared>>
      %dma_wait3A_1464 = arith.constant 0 : i32
      %dma_wait3A_1465 = arith.constant 0 : i32
      %dma_wait3A_1466 = tpu.memref_slice %arg10[%dma_wait3A_1464, %dma_wait3A_1465] : memref<125x64xf32, #tpu.memory_space<vmem>> -> memref<40x64xf32, #tpu.memory_space<vmem>>
      tpu.wait_dma2 semaphore(%arg14 : memref<!tpu.dma_semaphore, #tpu.memory_space<semaphore_mem>>) src(%dma_wait3A_1466 : memref<40x64xf32, #tpu.memory_space<vmem>>) dst(%dma_wait3A_1463 : memref<40x64xf32, #tpu.memory_space<vmem_shared>>)
      %add3A_1467 = arith.constant 40 : i32
      %add3A_1468 = arith.addi %mul3A_1023, %add3A_1467 : i32
      %dma_wait3A_1469 = arith.constant 0 : i32
      %dma_wait3A_1470 = arith.constant 0 : i32
      %dma_wait3A_1471 = tpu.memref_slice %arg10[%dma_wait3A_1469, %dma_wait3A_1470] : memref<125x64xf32, #tpu.memory_space<vmem>> -> memref<40x64xf32, #tpu.memory_space<vmem>>
      %dma_wait3A_1472 = arith.constant 0 : i32
      %dma_wait3A_1473 = tpu.memref_slice %arg5[%add3A_1468, %dma_wait3A_1472] : memref<10000x64xf32, #tpu.memory_space<vmem_shared>> -> memref<40x64xf32, #tpu.memory_space<vmem_shared>>
      %dma_wait3A_1474 = arith.constant 0 : i32
      %dma_wait3A_1475 = tpu.memref_slice %arg5[%add3A_1468, %dma_wait3A_1474] : memref<10000x64xf32, #tpu.memory_space<vmem_shared>> -> memref<40x64xf32, #tpu.memory_space<vmem_shared>>
      %dma_wait3A_1476 = arith.constant 0 : i32
      %dma_wait3A_1477 = arith.constant 0 : i32
      %dma_wait3A_1478 = tpu.memref_slice %arg10[%dma_wait3A_1476, %dma_wait3A_1477] : memref<125x64xf32, #tpu.memory_space<vmem>> -> memref<40x64xf32, #tpu.memory_space<vmem>>
      tpu.wait_dma2 semaphore(%arg14 : memref<!tpu.dma_semaphore, #tpu.memory_space<semaphore_mem>>) src(%dma_wait3A_1478 : memref<40x64xf32, #tpu.memory_space<vmem>>) dst(%dma_wait3A_1475 : memref<40x64xf32, #tpu.memory_space<vmem_shared>>)
      %add3A_1479 = arith.constant 80 : i32
      %add3A_1480 = arith.addi %mul3A_1023, %add3A_1479 : i32
      %dma_wait3A_1481 = arith.constant 0 : i32
      %dma_wait3A_1482 = arith.constant 0 : i32
      %dma_wait3A_1483 = tpu.memref_slice %arg10[%dma_wait3A_1481, %dma_wait3A_1482] : memref<125x64xf32, #tpu.memory_space<vmem>> -> memref<40x64xf32, #tpu.memory_space<vmem>>
      %dma_wait3A_1484 = arith.constant 0 : i32
      %dma_wait3A_1485 = tpu.memref_slice %arg5[%add3A_1480, %dma_wait3A_1484] : memref<10000x64xf32, #tpu.memory_space<vmem_shared>> -> memref<40x64xf32, #tpu.memory_space<vmem_shared>>
      %dma_wait3A_1486 = arith.constant 0 : i32
      %dma_wait3A_1487 = tpu.memref_slice %arg5[%add3A_1480, %dma_wait3A_1486] : memref<10000x64xf32, #tpu.memory_space<vmem_shared>> -> memref<40x64xf32, #tpu.memory_space<vmem_shared>>
      %dma_wait3A_1488 = arith.constant 0 : i32
      %dma_wait3A_1489 = arith.constant 0 : i32
      %dma_wait3A_1490 = tpu.memref_slice %arg10[%dma_wait3A_1488, %dma_wait3A_1489] : memref<125x64xf32, #tpu.memory_space<vmem>> -> memref<40x64xf32, #tpu.memory_space<vmem>>
      tpu.wait_dma2 semaphore(%arg14 : memref<!tpu.dma_semaphore, #tpu.memory_space<semaphore_mem>>) src(%dma_wait3A_1490 : memref<40x64xf32, #tpu.memory_space<vmem>>) dst(%dma_wait3A_1487 : memref<40x64xf32, #tpu.memory_space<vmem_shared>>)
      %add3A_1491 = arith.constant 120 : i32
      %add3A_1492 = arith.addi %mul3A_1023, %add3A_1491 : i32
      %dma_wait3A_1493 = arith.constant 0 : i32
      %dma_wait3A_1494 = arith.constant 0 : i32
      %dma_wait3A_1495 = tpu.memref_slice %arg10[%dma_wait3A_1493, %dma_wait3A_1494] : memref<125x64xf32, #tpu.memory_space<vmem>> -> memref<40x64xf32, #tpu.memory_space<vmem>>
      %dma_wait3A_1496 = arith.constant 0 : i32
      %dma_wait3A_1497 = tpu.memref_slice %arg5[%add3A_1492, %dma_wait3A_1496] : memref<10000x64xf32, #tpu.memory_space<vmem_shared>> -> memref<40x64xf32, #tpu.memory_space<vmem_shared>>
      %dma_wait3A_1498 = arith.constant 0 : i32
      %dma_wait3A_1499 = tpu.memref_slice %arg5[%add3A_1492, %dma_wait3A_1498] : memref<10000x64xf32, #tpu.memory_space<vmem_shared>> -> memref<40x64xf32, #tpu.memory_space<vmem_shared>>
      %dma_wait3A_1500 = arith.constant 0 : i32
      %dma_wait3A_1501 = arith.constant 0 : i32
      %dma_wait3A_1502 = tpu.memref_slice %arg10[%dma_wait3A_1500, %dma_wait3A_1501] : memref<125x64xf32, #tpu.memory_space<vmem>> -> memref<40x64xf32, #tpu.memory_space<vmem>>
      tpu.wait_dma2 semaphore(%arg14 : memref<!tpu.dma_semaphore, #tpu.memory_space<semaphore_mem>>) src(%dma_wait3A_1502 : memref<40x64xf32, #tpu.memory_space<vmem>>) dst(%dma_wait3A_1499 : memref<40x64xf32, #tpu.memory_space<vmem_shared>>)
      %add3A_1503 = arith.constant 160 : i32
      %add3A_1504 = arith.addi %mul3A_1023, %add3A_1503 : i32
      %dma_wait3A_1505 = arith.constant 0 : i32
      %dma_wait3A_1506 = arith.constant 0 : i32
      %dma_wait3A_1507 = tpu.memref_slice %arg10[%dma_wait3A_1505, %dma_wait3A_1506] : memref<125x64xf32, #tpu.memory_space<vmem>> -> memref<40x64xf32, #tpu.memory_space<vmem>>
      %dma_wait3A_1508 = arith.constant 0 : i32
      %dma_wait3A_1509 = tpu.memref_slice %arg5[%add3A_1504, %dma_wait3A_1508] : memref<10000x64xf32, #tpu.memory_space<vmem_shared>> -> memref<40x64xf32, #tpu.memory_space<vmem_shared>>
      %dma_wait3A_1510 = arith.constant 0 : i32
      %dma_wait3A_1511 = tpu.memref_slice %arg5[%add3A_1504, %dma_wait3A_1510] : memref<10000x64xf32, #tpu.memory_space<vmem_shared>> -> memref<40x64xf32, #tpu.memory_space<vmem_shared>>
      %dma_wait3A_1512 = arith.constant 0 : i32
      %dma_wait3A_1513 = arith.constant 0 : i32
      %dma_wait3A_1514 = tpu.memref_slice %arg10[%dma_wait3A_1512, %dma_wait3A_1513] : memref<125x64xf32, #tpu.memory_space<vmem>> -> memref<40x64xf32, #tpu.memory_space<vmem>>
      tpu.wait_dma2 semaphore(%arg14 : memref<!tpu.dma_semaphore, #tpu.memory_space<semaphore_mem>>) src(%dma_wait3A_1514 : memref<40x64xf32, #tpu.memory_space<vmem>>) dst(%dma_wait3A_1511 : memref<40x64xf32, #tpu.memory_space<vmem_shared>>)
      %add3A_1515 = arith.constant 200 : i32
      %add3A_1516 = arith.addi %mul3A_1023, %add3A_1515 : i32
      %dma_wait3A_1517 = arith.constant 0 : i32
      %dma_wait3A_1518 = arith.constant 0 : i32
      %dma_wait3A_1519 = tpu.memref_slice %arg10[%dma_wait3A_1517, %dma_wait3A_1518] : memref<125x64xf32, #tpu.memory_space<vmem>> -> memref<40x64xf32, #tpu.memory_space<vmem>>
      %dma_wait3A_1520 = arith.constant 0 : i32
      %dma_wait3A_1521 = tpu.memref_slice %arg5[%add3A_1516, %dma_wait3A_1520] : memref<10000x64xf32, #tpu.memory_space<vmem_shared>> -> memref<40x64xf32, #tpu.memory_space<vmem_shared>>
      %dma_wait3A_1522 = arith.constant 0 : i32
      %dma_wait3A_1523 = tpu.memref_slice %arg5[%add3A_1516, %dma_wait3A_1522] : memref<10000x64xf32, #tpu.memory_space<vmem_shared>> -> memref<40x64xf32, #tpu.memory_space<vmem_shared>>
      %dma_wait3A_1524 = arith.constant 0 : i32
      %dma_wait3A_1525 = arith.constant 0 : i32
      %dma_wait3A_1526 = tpu.memref_slice %arg10[%dma_wait3A_1524, %dma_wait3A_1525] : memref<125x64xf32, #tpu.memory_space<vmem>> -> memref<40x64xf32, #tpu.memory_space<vmem>>
      tpu.wait_dma2 semaphore(%arg14 : memref<!tpu.dma_semaphore, #tpu.memory_space<semaphore_mem>>) src(%dma_wait3A_1526 : memref<40x64xf32, #tpu.memory_space<vmem>>) dst(%dma_wait3A_1523 : memref<40x64xf32, #tpu.memory_space<vmem_shared>>)
      %add3A_1527 = arith.constant 240 : i32
      %add3A_1528 = arith.addi %mul3A_1023, %add3A_1527 : i32
      %dma_wait3A_1529 = arith.constant 0 : i32
      %dma_wait3A_1530 = arith.constant 0 : i32
      %dma_wait3A_1531 = tpu.memref_slice %arg10[%dma_wait3A_1529, %dma_wait3A_1530] : memref<125x64xf32, #tpu.memory_space<vmem>> -> memref<40x64xf32, #tpu.memory_space<vmem>>
      %dma_wait3A_1532 = arith.constant 0 : i32
      %dma_wait3A_1533 = tpu.memref_slice %arg5[%add3A_1528, %dma_wait3A_1532] : memref<10000x64xf32, #tpu.memory_space<vmem_shared>> -> memref<40x64xf32, #tpu.memory_space<vmem_shared>>
      %dma_wait3A_1534 = arith.constant 0 : i32
      %dma_wait3A_1535 = tpu.memref_slice %arg5[%add3A_1528, %dma_wait3A_1534] : memref<10000x64xf32, #tpu.memory_space<vmem_shared>> -> memref<40x64xf32, #tpu.memory_space<vmem_shared>>
      %dma_wait3A_1536 = arith.constant 0 : i32
      %dma_wait3A_1537 = arith.constant 0 : i32
      %dma_wait3A_1538 = tpu.memref_slice %arg10[%dma_wait3A_1536, %dma_wait3A_1537] : memref<125x64xf32, #tpu.memory_space<vmem>> -> memref<40x64xf32, #tpu.memory_space<vmem>>
      tpu.wait_dma2 semaphore(%arg14 : memref<!tpu.dma_semaphore, #tpu.memory_space<semaphore_mem>>) src(%dma_wait3A_1538 : memref<40x64xf32, #tpu.memory_space<vmem>>) dst(%dma_wait3A_1535 : memref<40x64xf32, #tpu.memory_space<vmem_shared>>)
      %add3A_1539 = arith.constant 280 : i32
      %add3A_1540 = arith.addi %mul3A_1023, %add3A_1539 : i32
      %dma_wait3A_1541 = arith.constant 0 : i32
      %dma_wait3A_1542 = arith.constant 0 : i32
      %dma_wait3A_1543 = tpu.memref_slice %arg10[%dma_wait3A_1541, %dma_wait3A_1542] : memref<125x64xf32, #tpu.memory_space<vmem>> -> memref<40x64xf32, #tpu.memory_space<vmem>>
      %dma_wait3A_1544 = arith.constant 0 : i32
      %dma_wait3A_1545 = tpu.memref_slice %arg5[%add3A_1540, %dma_wait3A_1544] : memref<10000x64xf32, #tpu.memory_space<vmem_shared>> -> memref<40x64xf32, #tpu.memory_space<vmem_shared>>
      %dma_wait3A_1546 = arith.constant 0 : i32
      %dma_wait3A_1547 = tpu.memref_slice %arg5[%add3A_1540, %dma_wait3A_1546] : memref<10000x64xf32, #tpu.memory_space<vmem_shared>> -> memref<40x64xf32, #tpu.memory_space<vmem_shared>>
      %dma_wait3A_1548 = arith.constant 0 : i32
      %dma_wait3A_1549 = arith.constant 0 : i32
      %dma_wait3A_1550 = tpu.memref_slice %arg10[%dma_wait3A_1548, %dma_wait3A_1549] : memref<125x64xf32, #tpu.memory_space<vmem>> -> memref<40x64xf32, #tpu.memory_space<vmem>>
      tpu.wait_dma2 semaphore(%arg14 : memref<!tpu.dma_semaphore, #tpu.memory_space<semaphore_mem>>) src(%dma_wait3A_1550 : memref<40x64xf32, #tpu.memory_space<vmem>>) dst(%dma_wait3A_1547 : memref<40x64xf32, #tpu.memory_space<vmem_shared>>)
      %add3A_1551 = arith.constant 320 : i32
      %add3A_1552 = arith.addi %mul3A_1023, %add3A_1551 : i32
      %dma_wait3A_1553 = arith.constant 0 : i32
      %dma_wait3A_1554 = arith.constant 0 : i32
      %dma_wait3A_1555 = tpu.memref_slice %arg10[%dma_wait3A_1553, %dma_wait3A_1554] : memref<125x64xf32, #tpu.memory_space<vmem>> -> memref<40x64xf32, #tpu.memory_space<vmem>>
      %dma_wait3A_1556 = arith.constant 0 : i32
      %dma_wait3A_1557 = tpu.memref_slice %arg5[%add3A_1552, %dma_wait3A_1556] : memref<10000x64xf32, #tpu.memory_space<vmem_shared>> -> memref<40x64xf32, #tpu.memory_space<vmem_shared>>
      %dma_wait3A_1558 = arith.constant 0 : i32
      %dma_wait3A_1559 = tpu.memref_slice %arg5[%add3A_1552, %dma_wait3A_1558] : memref<10000x64xf32, #tpu.memory_space<vmem_shared>> -> memref<40x64xf32, #tpu.memory_space<vmem_shared>>
      %dma_wait3A_1560 = arith.constant 0 : i32
      %dma_wait3A_1561 = arith.constant 0 : i32
      %dma_wait3A_1562 = tpu.memref_slice %arg10[%dma_wait3A_1560, %dma_wait3A_1561] : memref<125x64xf32, #tpu.memory_space<vmem>> -> memref<40x64xf32, #tpu.memory_space<vmem>>
      tpu.wait_dma2 semaphore(%arg14 : memref<!tpu.dma_semaphore, #tpu.memory_space<semaphore_mem>>) src(%dma_wait3A_1562 : memref<40x64xf32, #tpu.memory_space<vmem>>) dst(%dma_wait3A_1559 : memref<40x64xf32, #tpu.memory_space<vmem_shared>>)
      %add3A_1563 = arith.constant 360 : i32
      %add3A_1564 = arith.addi %mul3A_1023, %add3A_1563 : i32
      %dma_wait3A_1565 = arith.constant 0 : i32
      %dma_wait3A_1566 = arith.constant 0 : i32
      %dma_wait3A_1567 = tpu.memref_slice %arg10[%dma_wait3A_1565, %dma_wait3A_1566] : memref<125x64xf32, #tpu.memory_space<vmem>> -> memref<40x64xf32, #tpu.memory_space<vmem>>
      %dma_wait3A_1568 = arith.constant 0 : i32
      %dma_wait3A_1569 = tpu.memref_slice %arg5[%add3A_1564, %dma_wait3A_1568] : memref<10000x64xf32, #tpu.memory_space<vmem_shared>> -> memref<40x64xf32, #tpu.memory_space<vmem_shared>>
      %dma_wait3A_1570 = arith.constant 0 : i32
      %dma_wait3A_1571 = tpu.memref_slice %arg5[%add3A_1564, %dma_wait3A_1570] : memref<10000x64xf32, #tpu.memory_space<vmem_shared>> -> memref<40x64xf32, #tpu.memory_space<vmem_shared>>
      %dma_wait3A_1572 = arith.constant 0 : i32
      %dma_wait3A_1573 = arith.constant 0 : i32
      %dma_wait3A_1574 = tpu.memref_slice %arg10[%dma_wait3A_1572, %dma_wait3A_1573] : memref<125x64xf32, #tpu.memory_space<vmem>> -> memref<40x64xf32, #tpu.memory_space<vmem>>
      tpu.wait_dma2 semaphore(%arg14 : memref<!tpu.dma_semaphore, #tpu.memory_space<semaphore_mem>>) src(%dma_wait3A_1574 : memref<40x64xf32, #tpu.memory_space<vmem>>) dst(%dma_wait3A_1571 : memref<40x64xf32, #tpu.memory_space<vmem_shared>>)
      %add3A_1575 = arith.constant 400 : i32
      %add3A_1576 = arith.addi %mul3A_1023, %add3A_1575 : i32
      %dma_wait3A_1577 = arith.constant 0 : i32
      %dma_wait3A_1578 = arith.constant 0 : i32
      %dma_wait3A_1579 = tpu.memref_slice %arg10[%dma_wait3A_1577, %dma_wait3A_1578] : memref<125x64xf32, #tpu.memory_space<vmem>> -> memref<40x64xf32, #tpu.memory_space<vmem>>
      %dma_wait3A_1580 = arith.constant 0 : i32
      %dma_wait3A_1581 = tpu.memref_slice %arg5[%add3A_1576, %dma_wait3A_1580] : memref<10000x64xf32, #tpu.memory_space<vmem_shared>> -> memref<40x64xf32, #tpu.memory_space<vmem_shared>>
      %dma_wait3A_1582 = arith.constant 0 : i32
      %dma_wait3A_1583 = tpu.memref_slice %arg5[%add3A_1576, %dma_wait3A_1582] : memref<10000x64xf32, #tpu.memory_space<vmem_shared>> -> memref<40x64xf32, #tpu.memory_space<vmem_shared>>
      %dma_wait3A_1584 = arith.constant 0 : i32
      %dma_wait3A_1585 = arith.constant 0 : i32
      %dma_wait3A_1586 = tpu.memref_slice %arg10[%dma_wait3A_1584, %dma_wait3A_1585] : memref<125x64xf32, #tpu.memory_space<vmem>> -> memref<40x64xf32, #tpu.memory_space<vmem>>
      tpu.wait_dma2 semaphore(%arg14 : memref<!tpu.dma_semaphore, #tpu.memory_space<semaphore_mem>>) src(%dma_wait3A_1586 : memref<40x64xf32, #tpu.memory_space<vmem>>) dst(%dma_wait3A_1583 : memref<40x64xf32, #tpu.memory_space<vmem_shared>>)
      %add3A_1587 = arith.constant 440 : i32
      %add3A_1588 = arith.addi %mul3A_1023, %add3A_1587 : i32
      %dma_wait3A_1589 = arith.constant 0 : i32
      %dma_wait3A_1590 = arith.constant 0 : i32
      %dma_wait3A_1591 = tpu.memref_slice %arg10[%dma_wait3A_1589, %dma_wait3A_1590] : memref<125x64xf32, #tpu.memory_space<vmem>> -> memref<40x64xf32, #tpu.memory_space<vmem>>
      %dma_wait3A_1592 = arith.constant 0 : i32
      %dma_wait3A_1593 = tpu.memref_slice %arg5[%add3A_1588, %dma_wait3A_1592] : memref<10000x64xf32, #tpu.memory_space<vmem_shared>> -> memref<40x64xf32, #tpu.memory_space<vmem_shared>>
      %dma_wait3A_1594 = arith.constant 0 : i32
      %dma_wait3A_1595 = tpu.memref_slice %arg5[%add3A_1588, %dma_wait3A_1594] : memref<10000x64xf32, #tpu.memory_space<vmem_shared>> -> memref<40x64xf32, #tpu.memory_space<vmem_shared>>
      %dma_wait3A_1596 = arith.constant 0 : i32
      %dma_wait3A_1597 = arith.constant 0 : i32
      %dma_wait3A_1598 = tpu.memref_slice %arg10[%dma_wait3A_1596, %dma_wait3A_1597] : memref<125x64xf32, #tpu.memory_space<vmem>> -> memref<40x64xf32, #tpu.memory_space<vmem>>
      tpu.wait_dma2 semaphore(%arg14 : memref<!tpu.dma_semaphore, #tpu.memory_space<semaphore_mem>>) src(%dma_wait3A_1598 : memref<40x64xf32, #tpu.memory_space<vmem>>) dst(%dma_wait3A_1595 : memref<40x64xf32, #tpu.memory_space<vmem_shared>>)
      %add3A_1599 = arith.constant 480 : i32
      %add3A_1600 = arith.addi %mul3A_1023, %add3A_1599 : i32
      %dma_wait3A_1601 = arith.constant 0 : i32
      %dma_wait3A_1602 = arith.constant 0 : i32
      %dma_wait3A_1603 = tpu.memref_slice %arg10[%dma_wait3A_1601, %dma_wait3A_1602] : memref<125x64xf32, #tpu.memory_space<vmem>> -> memref<40x64xf32, #tpu.memory_space<vmem>>
      %dma_wait3A_1604 = arith.constant 0 : i32
      %dma_wait3A_1605 = tpu.memref_slice %arg5[%add3A_1600, %dma_wait3A_1604] : memref<10000x64xf32, #tpu.memory_space<vmem_shared>> -> memref<40x64xf32, #tpu.memory_space<vmem_shared>>
      %dma_wait3A_1606 = arith.constant 0 : i32
      %dma_wait3A_1607 = tpu.memref_slice %arg5[%add3A_1600, %dma_wait3A_1606] : memref<10000x64xf32, #tpu.memory_space<vmem_shared>> -> memref<40x64xf32, #tpu.memory_space<vmem_shared>>
      %dma_wait3A_1608 = arith.constant 0 : i32
      %dma_wait3A_1609 = arith.constant 0 : i32
      %dma_wait3A_1610 = tpu.memref_slice %arg10[%dma_wait3A_1608, %dma_wait3A_1609] : memref<125x64xf32, #tpu.memory_space<vmem>> -> memref<40x64xf32, #tpu.memory_space<vmem>>
      tpu.wait_dma2 semaphore(%arg14 : memref<!tpu.dma_semaphore, #tpu.memory_space<semaphore_mem>>) src(%dma_wait3A_1610 : memref<40x64xf32, #tpu.memory_space<vmem>>) dst(%dma_wait3A_1607 : memref<40x64xf32, #tpu.memory_space<vmem_shared>>)
      %add3A_1611 = arith.constant 0 : i32
      %add3A_1612 = arith.addi %mul3A_1023, %add3A_1611 : i32
      %dma_wait3A_1613 = arith.constant 0 : i32
      %dma_wait3A_1614 = arith.constant 0 : i32
      %dma_wait3A_1615 = tpu.memref_slice %arg10[%dma_wait3A_1613, %dma_wait3A_1614] : memref<125x64xf32, #tpu.memory_space<vmem>> -> memref<40x64xf32, #tpu.memory_space<vmem>>
      %dma_wait3A_1616 = arith.constant 0 : i32
      %dma_wait3A_1617 = tpu.memref_slice %arg6[%add3A_1612, %dma_wait3A_1616] : memref<10000x64xf32, #tpu.memory_space<vmem_shared>> -> memref<40x64xf32, #tpu.memory_space<vmem_shared>>
      %dma_wait3A_1618 = arith.constant 0 : i32
      %dma_wait3A_1619 = tpu.memref_slice %arg6[%add3A_1612, %dma_wait3A_1618] : memref<10000x64xf32, #tpu.memory_space<vmem_shared>> -> memref<40x64xf32, #tpu.memory_space<vmem_shared>>
      %dma_wait3A_1620 = arith.constant 0 : i32
      %dma_wait3A_1621 = arith.constant 0 : i32
      %dma_wait3A_1622 = tpu.memref_slice %arg10[%dma_wait3A_1620, %dma_wait3A_1621] : memref<125x64xf32, #tpu.memory_space<vmem>> -> memref<40x64xf32, #tpu.memory_space<vmem>>
      tpu.wait_dma2 semaphore(%arg15 : memref<!tpu.dma_semaphore, #tpu.memory_space<semaphore_mem>>) src(%dma_wait3A_1622 : memref<40x64xf32, #tpu.memory_space<vmem>>) dst(%dma_wait3A_1619 : memref<40x64xf32, #tpu.memory_space<vmem_shared>>)
      %add3A_1623 = arith.constant 40 : i32
      %add3A_1624 = arith.addi %mul3A_1023, %add3A_1623 : i32
      %dma_wait3A_1625 = arith.constant 0 : i32
      %dma_wait3A_1626 = arith.constant 0 : i32
      %dma_wait3A_1627 = tpu.memref_slice %arg10[%dma_wait3A_1625, %dma_wait3A_1626] : memref<125x64xf32, #tpu.memory_space<vmem>> -> memref<40x64xf32, #tpu.memory_space<vmem>>
      %dma_wait3A_1628 = arith.constant 0 : i32
      %dma_wait3A_1629 = tpu.memref_slice %arg6[%add3A_1624, %dma_wait3A_1628] : memref<10000x64xf32, #tpu.memory_space<vmem_shared>> -> memref<40x64xf32, #tpu.memory_space<vmem_shared>>
      %dma_wait3A_1630 = arith.constant 0 : i32
      %dma_wait3A_1631 = tpu.memref_slice %arg6[%add3A_1624, %dma_wait3A_1630] : memref<10000x64xf32, #tpu.memory_space<vmem_shared>> -> memref<40x64xf32, #tpu.memory_space<vmem_shared>>
      %dma_wait3A_1632 = arith.constant 0 : i32
      %dma_wait3A_1633 = arith.constant 0 : i32
      %dma_wait3A_1634 = tpu.memref_slice %arg10[%dma_wait3A_1632, %dma_wait3A_1633] : memref<125x64xf32, #tpu.memory_space<vmem>> -> memref<40x64xf32, #tpu.memory_space<vmem>>
      tpu.wait_dma2 semaphore(%arg15 : memref<!tpu.dma_semaphore, #tpu.memory_space<semaphore_mem>>) src(%dma_wait3A_1634 : memref<40x64xf32, #tpu.memory_space<vmem>>) dst(%dma_wait3A_1631 : memref<40x64xf32, #tpu.memory_space<vmem_shared>>)
      %add3A_1635 = arith.constant 80 : i32
      %add3A_1636 = arith.addi %mul3A_1023, %add3A_1635 : i32
      %dma_wait3A_1637 = arith.constant 0 : i32
      %dma_wait3A_1638 = arith.constant 0 : i32
      %dma_wait3A_1639 = tpu.memref_slice %arg10[%dma_wait3A_1637, %dma_wait3A_1638] : memref<125x64xf32, #tpu.memory_space<vmem>> -> memref<40x64xf32, #tpu.memory_space<vmem>>
      %dma_wait3A_1640 = arith.constant 0 : i32
      %dma_wait3A_1641 = tpu.memref_slice %arg6[%add3A_1636, %dma_wait3A_1640] : memref<10000x64xf32, #tpu.memory_space<vmem_shared>> -> memref<40x64xf32, #tpu.memory_space<vmem_shared>>
      %dma_wait3A_1642 = arith.constant 0 : i32
      %dma_wait3A_1643 = tpu.memref_slice %arg6[%add3A_1636, %dma_wait3A_1642] : memref<10000x64xf32, #tpu.memory_space<vmem_shared>> -> memref<40x64xf32, #tpu.memory_space<vmem_shared>>
      %dma_wait3A_1644 = arith.constant 0 : i32
      %dma_wait3A_1645 = arith.constant 0 : i32
      %dma_wait3A_1646 = tpu.memref_slice %arg10[%dma_wait3A_1644, %dma_wait3A_1645] : memref<125x64xf32, #tpu.memory_space<vmem>> -> memref<40x64xf32, #tpu.memory_space<vmem>>
      tpu.wait_dma2 semaphore(%arg15 : memref<!tpu.dma_semaphore, #tpu.memory_space<semaphore_mem>>) src(%dma_wait3A_1646 : memref<40x64xf32, #tpu.memory_space<vmem>>) dst(%dma_wait3A_1643 : memref<40x64xf32, #tpu.memory_space<vmem_shared>>)
      %add3A_1647 = arith.constant 120 : i32
      %add3A_1648 = arith.addi %mul3A_1023, %add3A_1647 : i32
      %dma_wait3A_1649 = arith.constant 0 : i32
      %dma_wait3A_1650 = arith.constant 0 : i32
      %dma_wait3A_1651 = tpu.memref_slice %arg10[%dma_wait3A_1649, %dma_wait3A_1650] : memref<125x64xf32, #tpu.memory_space<vmem>> -> memref<40x64xf32, #tpu.memory_space<vmem>>
      %dma_wait3A_1652 = arith.constant 0 : i32
      %dma_wait3A_1653 = tpu.memref_slice %arg6[%add3A_1648, %dma_wait3A_1652] : memref<10000x64xf32, #tpu.memory_space<vmem_shared>> -> memref<40x64xf32, #tpu.memory_space<vmem_shared>>
      %dma_wait3A_1654 = arith.constant 0 : i32
      %dma_wait3A_1655 = tpu.memref_slice %arg6[%add3A_1648, %dma_wait3A_1654] : memref<10000x64xf32, #tpu.memory_space<vmem_shared>> -> memref<40x64xf32, #tpu.memory_space<vmem_shared>>
      %dma_wait3A_1656 = arith.constant 0 : i32
      %dma_wait3A_1657 = arith.constant 0 : i32
      %dma_wait3A_1658 = tpu.memref_slice %arg10[%dma_wait3A_1656, %dma_wait3A_1657] : memref<125x64xf32, #tpu.memory_space<vmem>> -> memref<40x64xf32, #tpu.memory_space<vmem>>
      tpu.wait_dma2 semaphore(%arg15 : memref<!tpu.dma_semaphore, #tpu.memory_space<semaphore_mem>>) src(%dma_wait3A_1658 : memref<40x64xf32, #tpu.memory_space<vmem>>) dst(%dma_wait3A_1655 : memref<40x64xf32, #tpu.memory_space<vmem_shared>>)
      %add3A_1659 = arith.constant 160 : i32
      %add3A_1660 = arith.addi %mul3A_1023, %add3A_1659 : i32
      %dma_wait3A_1661 = arith.constant 0 : i32
      %dma_wait3A_1662 = arith.constant 0 : i32
      %dma_wait3A_1663 = tpu.memref_slice %arg10[%dma_wait3A_1661, %dma_wait3A_1662] : memref<125x64xf32, #tpu.memory_space<vmem>> -> memref<40x64xf32, #tpu.memory_space<vmem>>
      %dma_wait3A_1664 = arith.constant 0 : i32
      %dma_wait3A_1665 = tpu.memref_slice %arg6[%add3A_1660, %dma_wait3A_1664] : memref<10000x64xf32, #tpu.memory_space<vmem_shared>> -> memref<40x64xf32, #tpu.memory_space<vmem_shared>>
      %dma_wait3A_1666 = arith.constant 0 : i32
      %dma_wait3A_1667 = tpu.memref_slice %arg6[%add3A_1660, %dma_wait3A_1666] : memref<10000x64xf32, #tpu.memory_space<vmem_shared>> -> memref<40x64xf32, #tpu.memory_space<vmem_shared>>
      %dma_wait3A_1668 = arith.constant 0 : i32
      %dma_wait3A_1669 = arith.constant 0 : i32
      %dma_wait3A_1670 = tpu.memref_slice %arg10[%dma_wait3A_1668, %dma_wait3A_1669] : memref<125x64xf32, #tpu.memory_space<vmem>> -> memref<40x64xf32, #tpu.memory_space<vmem>>
      tpu.wait_dma2 semaphore(%arg15 : memref<!tpu.dma_semaphore, #tpu.memory_space<semaphore_mem>>) src(%dma_wait3A_1670 : memref<40x64xf32, #tpu.memory_space<vmem>>) dst(%dma_wait3A_1667 : memref<40x64xf32, #tpu.memory_space<vmem_shared>>)
      %add3A_1671 = arith.constant 200 : i32
      %add3A_1672 = arith.addi %mul3A_1023, %add3A_1671 : i32
      %dma_wait3A_1673 = arith.constant 0 : i32
      %dma_wait3A_1674 = arith.constant 0 : i32
      %dma_wait3A_1675 = tpu.memref_slice %arg10[%dma_wait3A_1673, %dma_wait3A_1674] : memref<125x64xf32, #tpu.memory_space<vmem>> -> memref<40x64xf32, #tpu.memory_space<vmem>>
      %dma_wait3A_1676 = arith.constant 0 : i32
      %dma_wait3A_1677 = tpu.memref_slice %arg6[%add3A_1672, %dma_wait3A_1676] : memref<10000x64xf32, #tpu.memory_space<vmem_shared>> -> memref<40x64xf32, #tpu.memory_space<vmem_shared>>
      %dma_wait3A_1678 = arith.constant 0 : i32
      %dma_wait3A_1679 = tpu.memref_slice %arg6[%add3A_1672, %dma_wait3A_1678] : memref<10000x64xf32, #tpu.memory_space<vmem_shared>> -> memref<40x64xf32, #tpu.memory_space<vmem_shared>>
      %dma_wait3A_1680 = arith.constant 0 : i32
      %dma_wait3A_1681 = arith.constant 0 : i32
      %dma_wait3A_1682 = tpu.memref_slice %arg10[%dma_wait3A_1680, %dma_wait3A_1681] : memref<125x64xf32, #tpu.memory_space<vmem>> -> memref<40x64xf32, #tpu.memory_space<vmem>>
      tpu.wait_dma2 semaphore(%arg15 : memref<!tpu.dma_semaphore, #tpu.memory_space<semaphore_mem>>) src(%dma_wait3A_1682 : memref<40x64xf32, #tpu.memory_space<vmem>>) dst(%dma_wait3A_1679 : memref<40x64xf32, #tpu.memory_space<vmem_shared>>)
      %add3A_1683 = arith.constant 240 : i32
      %add3A_1684 = arith.addi %mul3A_1023, %add3A_1683 : i32
      %dma_wait3A_1685 = arith.constant 0 : i32
      %dma_wait3A_1686 = arith.constant 0 : i32
      %dma_wait3A_1687 = tpu.memref_slice %arg10[%dma_wait3A_1685, %dma_wait3A_1686] : memref<125x64xf32, #tpu.memory_space<vmem>> -> memref<40x64xf32, #tpu.memory_space<vmem>>
      %dma_wait3A_1688 = arith.constant 0 : i32
      %dma_wait3A_1689 = tpu.memref_slice %arg6[%add3A_1684, %dma_wait3A_1688] : memref<10000x64xf32, #tpu.memory_space<vmem_shared>> -> memref<40x64xf32, #tpu.memory_space<vmem_shared>>
      %dma_wait3A_1690 = arith.constant 0 : i32
      %dma_wait3A_1691 = tpu.memref_slice %arg6[%add3A_1684, %dma_wait3A_1690] : memref<10000x64xf32, #tpu.memory_space<vmem_shared>> -> memref<40x64xf32, #tpu.memory_space<vmem_shared>>
      %dma_wait3A_1692 = arith.constant 0 : i32
      %dma_wait3A_1693 = arith.constant 0 : i32
      %dma_wait3A_1694 = tpu.memref_slice %arg10[%dma_wait3A_1692, %dma_wait3A_1693] : memref<125x64xf32, #tpu.memory_space<vmem>> -> memref<40x64xf32, #tpu.memory_space<vmem>>
      tpu.wait_dma2 semaphore(%arg15 : memref<!tpu.dma_semaphore, #tpu.memory_space<semaphore_mem>>) src(%dma_wait3A_1694 : memref<40x64xf32, #tpu.memory_space<vmem>>) dst(%dma_wait3A_1691 : memref<40x64xf32, #tpu.memory_space<vmem_shared>>)
      %add3A_1695 = arith.constant 280 : i32
      %add3A_1696 = arith.addi %mul3A_1023, %add3A_1695 : i32
      %dma_wait3A_1697 = arith.constant 0 : i32
      %dma_wait3A_1698 = arith.constant 0 : i32
      %dma_wait3A_1699 = tpu.memref_slice %arg10[%dma_wait3A_1697, %dma_wait3A_1698] : memref<125x64xf32, #tpu.memory_space<vmem>> -> memref<40x64xf32, #tpu.memory_space<vmem>>
      %dma_wait3A_1700 = arith.constant 0 : i32
      %dma_wait3A_1701 = tpu.memref_slice %arg6[%add3A_1696, %dma_wait3A_1700] : memref<10000x64xf32, #tpu.memory_space<vmem_shared>> -> memref<40x64xf32, #tpu.memory_space<vmem_shared>>
      %dma_wait3A_1702 = arith.constant 0 : i32
      %dma_wait3A_1703 = tpu.memref_slice %arg6[%add3A_1696, %dma_wait3A_1702] : memref<10000x64xf32, #tpu.memory_space<vmem_shared>> -> memref<40x64xf32, #tpu.memory_space<vmem_shared>>
      %dma_wait3A_1704 = arith.constant 0 : i32
      %dma_wait3A_1705 = arith.constant 0 : i32
      %dma_wait3A_1706 = tpu.memref_slice %arg10[%dma_wait3A_1704, %dma_wait3A_1705] : memref<125x64xf32, #tpu.memory_space<vmem>> -> memref<40x64xf32, #tpu.memory_space<vmem>>
      tpu.wait_dma2 semaphore(%arg15 : memref<!tpu.dma_semaphore, #tpu.memory_space<semaphore_mem>>) src(%dma_wait3A_1706 : memref<40x64xf32, #tpu.memory_space<vmem>>) dst(%dma_wait3A_1703 : memref<40x64xf32, #tpu.memory_space<vmem_shared>>)
      %add3A_1707 = arith.constant 320 : i32
      %add3A_1708 = arith.addi %mul3A_1023, %add3A_1707 : i32
      %dma_wait3A_1709 = arith.constant 0 : i32
      %dma_wait3A_1710 = arith.constant 0 : i32
      %dma_wait3A_1711 = tpu.memref_slice %arg10[%dma_wait3A_1709, %dma_wait3A_1710] : memref<125x64xf32, #tpu.memory_space<vmem>> -> memref<40x64xf32, #tpu.memory_space<vmem>>
      %dma_wait3A_1712 = arith.constant 0 : i32
      %dma_wait3A_1713 = tpu.memref_slice %arg6[%add3A_1708, %dma_wait3A_1712] : memref<10000x64xf32, #tpu.memory_space<vmem_shared>> -> memref<40x64xf32, #tpu.memory_space<vmem_shared>>
      %dma_wait3A_1714 = arith.constant 0 : i32
      %dma_wait3A_1715 = tpu.memref_slice %arg6[%add3A_1708, %dma_wait3A_1714] : memref<10000x64xf32, #tpu.memory_space<vmem_shared>> -> memref<40x64xf32, #tpu.memory_space<vmem_shared>>
      %dma_wait3A_1716 = arith.constant 0 : i32
      %dma_wait3A_1717 = arith.constant 0 : i32
      %dma_wait3A_1718 = tpu.memref_slice %arg10[%dma_wait3A_1716, %dma_wait3A_1717] : memref<125x64xf32, #tpu.memory_space<vmem>> -> memref<40x64xf32, #tpu.memory_space<vmem>>
      tpu.wait_dma2 semaphore(%arg15 : memref<!tpu.dma_semaphore, #tpu.memory_space<semaphore_mem>>) src(%dma_wait3A_1718 : memref<40x64xf32, #tpu.memory_space<vmem>>) dst(%dma_wait3A_1715 : memref<40x64xf32, #tpu.memory_space<vmem_shared>>)
      %add3A_1719 = arith.constant 360 : i32
      %add3A_1720 = arith.addi %mul3A_1023, %add3A_1719 : i32
      %dma_wait3A_1721 = arith.constant 0 : i32
      %dma_wait3A_1722 = arith.constant 0 : i32
      %dma_wait3A_1723 = tpu.memref_slice %arg10[%dma_wait3A_1721, %dma_wait3A_1722] : memref<125x64xf32, #tpu.memory_space<vmem>> -> memref<40x64xf32, #tpu.memory_space<vmem>>
      %dma_wait3A_1724 = arith.constant 0 : i32
      %dma_wait3A_1725 = tpu.memref_slice %arg6[%add3A_1720, %dma_wait3A_1724] : memref<10000x64xf32, #tpu.memory_space<vmem_shared>> -> memref<40x64xf32, #tpu.memory_space<vmem_shared>>
      %dma_wait3A_1726 = arith.constant 0 : i32
      %dma_wait3A_1727 = tpu.memref_slice %arg6[%add3A_1720, %dma_wait3A_1726] : memref<10000x64xf32, #tpu.memory_space<vmem_shared>> -> memref<40x64xf32, #tpu.memory_space<vmem_shared>>
      %dma_wait3A_1728 = arith.constant 0 : i32
      %dma_wait3A_1729 = arith.constant 0 : i32
      %dma_wait3A_1730 = tpu.memref_slice %arg10[%dma_wait3A_1728, %dma_wait3A_1729] : memref<125x64xf32, #tpu.memory_space<vmem>> -> memref<40x64xf32, #tpu.memory_space<vmem>>
      tpu.wait_dma2 semaphore(%arg15 : memref<!tpu.dma_semaphore, #tpu.memory_space<semaphore_mem>>) src(%dma_wait3A_1730 : memref<40x64xf32, #tpu.memory_space<vmem>>) dst(%dma_wait3A_1727 : memref<40x64xf32, #tpu.memory_space<vmem_shared>>)
      %add3A_1731 = arith.constant 400 : i32
      %add3A_1732 = arith.addi %mul3A_1023, %add3A_1731 : i32
      %dma_wait3A_1733 = arith.constant 0 : i32
      %dma_wait3A_1734 = arith.constant 0 : i32
      %dma_wait3A_1735 = tpu.memref_slice %arg10[%dma_wait3A_1733, %dma_wait3A_1734] : memref<125x64xf32, #tpu.memory_space<vmem>> -> memref<40x64xf32, #tpu.memory_space<vmem>>
      %dma_wait3A_1736 = arith.constant 0 : i32
      %dma_wait3A_1737 = tpu.memref_slice %arg6[%add3A_1732, %dma_wait3A_1736] : memref<10000x64xf32, #tpu.memory_space<vmem_shared>> -> memref<40x64xf32, #tpu.memory_space<vmem_shared>>
      %dma_wait3A_1738 = arith.constant 0 : i32
      %dma_wait3A_1739 = tpu.memref_slice %arg6[%add3A_1732, %dma_wait3A_1738] : memref<10000x64xf32, #tpu.memory_space<vmem_shared>> -> memref<40x64xf32, #tpu.memory_space<vmem_shared>>
      %dma_wait3A_1740 = arith.constant 0 : i32
      %dma_wait3A_1741 = arith.constant 0 : i32
      %dma_wait3A_1742 = tpu.memref_slice %arg10[%dma_wait3A_1740, %dma_wait3A_1741] : memref<125x64xf32, #tpu.memory_space<vmem>> -> memref<40x64xf32, #tpu.memory_space<vmem>>
      tpu.wait_dma2 semaphore(%arg15 : memref<!tpu.dma_semaphore, #tpu.memory_space<semaphore_mem>>) src(%dma_wait3A_1742 : memref<40x64xf32, #tpu.memory_space<vmem>>) dst(%dma_wait3A_1739 : memref<40x64xf32, #tpu.memory_space<vmem_shared>>)
      %add3A_1743 = arith.constant 440 : i32
      %add3A_1744 = arith.addi %mul3A_1023, %add3A_1743 : i32
      %dma_wait3A_1745 = arith.constant 0 : i32
      %dma_wait3A_1746 = arith.constant 0 : i32
      %dma_wait3A_1747 = tpu.memref_slice %arg10[%dma_wait3A_1745, %dma_wait3A_1746] : memref<125x64xf32, #tpu.memory_space<vmem>> -> memref<40x64xf32, #tpu.memory_space<vmem>>
      %dma_wait3A_1748 = arith.constant 0 : i32
      %dma_wait3A_1749 = tpu.memref_slice %arg6[%add3A_1744, %dma_wait3A_1748] : memref<10000x64xf32, #tpu.memory_space<vmem_shared>> -> memref<40x64xf32, #tpu.memory_space<vmem_shared>>
      %dma_wait3A_1750 = arith.constant 0 : i32
      %dma_wait3A_1751 = tpu.memref_slice %arg6[%add3A_1744, %dma_wait3A_1750] : memref<10000x64xf32, #tpu.memory_space<vmem_shared>> -> memref<40x64xf32, #tpu.memory_space<vmem_shared>>
      %dma_wait3A_1752 = arith.constant 0 : i32
      %dma_wait3A_1753 = arith.constant 0 : i32
      %dma_wait3A_1754 = tpu.memref_slice %arg10[%dma_wait3A_1752, %dma_wait3A_1753] : memref<125x64xf32, #tpu.memory_space<vmem>> -> memref<40x64xf32, #tpu.memory_space<vmem>>
      tpu.wait_dma2 semaphore(%arg15 : memref<!tpu.dma_semaphore, #tpu.memory_space<semaphore_mem>>) src(%dma_wait3A_1754 : memref<40x64xf32, #tpu.memory_space<vmem>>) dst(%dma_wait3A_1751 : memref<40x64xf32, #tpu.memory_space<vmem_shared>>)
      %add3A_1755 = arith.constant 480 : i32
      %add3A_1756 = arith.addi %mul3A_1023, %add3A_1755 : i32
      %dma_wait3A_1757 = arith.constant 0 : i32
      %dma_wait3A_1758 = arith.constant 0 : i32
      %dma_wait3A_1759 = tpu.memref_slice %arg10[%dma_wait3A_1757, %dma_wait3A_1758] : memref<125x64xf32, #tpu.memory_space<vmem>> -> memref<40x64xf32, #tpu.memory_space<vmem>>
      %dma_wait3A_1760 = arith.constant 0 : i32
      %dma_wait3A_1761 = tpu.memref_slice %arg6[%add3A_1756, %dma_wait3A_1760] : memref<10000x64xf32, #tpu.memory_space<vmem_shared>> -> memref<40x64xf32, #tpu.memory_space<vmem_shared>>
      %dma_wait3A_1762 = arith.constant 0 : i32
      %dma_wait3A_1763 = tpu.memref_slice %arg6[%add3A_1756, %dma_wait3A_1762] : memref<10000x64xf32, #tpu.memory_space<vmem_shared>> -> memref<40x64xf32, #tpu.memory_space<vmem_shared>>
      %dma_wait3A_1764 = arith.constant 0 : i32
      %dma_wait3A_1765 = arith.constant 0 : i32
      %dma_wait3A_1766 = tpu.memref_slice %arg10[%dma_wait3A_1764, %dma_wait3A_1765] : memref<125x64xf32, #tpu.memory_space<vmem>> -> memref<40x64xf32, #tpu.memory_space<vmem>>
      tpu.wait_dma2 semaphore(%arg15 : memref<!tpu.dma_semaphore, #tpu.memory_space<semaphore_mem>>) src(%dma_wait3A_1766 : memref<40x64xf32, #tpu.memory_space<vmem>>) dst(%dma_wait3A_1763 : memref<40x64xf32, #tpu.memory_space<vmem_shared>>)
    } else {
    }
    %dma_wait3A = arith.constant 0 : i32
    %dma_wait3A_1030 = arith.constant 0 : i32
    %dma_wait3A_1031 = arith.constant 0 : i32
    %dma_wait3A_1032 = arith.constant 0 : i32
    %dma_wait3A_1033 = arith.constant 0 : i32
    %dma_wait3A_1034 = tpu.memref_slice %arg7[%dma_wait3A_1031, %dma_wait3A_1032, %dma_wait3A_1033] : memref<2x2x125xi32, #tpu.memory_space<vmem>> -> memref<1x2x125xi32, #tpu.memory_space<vmem>>
    %dma_wait3A_1035 = tpu.memref_squeeze %dma_wait3A_1034 : memref<1x2x125xi32, #tpu.memory_space<vmem>> -> memref<2x125xi32, #tpu.memory_space<vmem>>
    %dma_wait3A_1036 = arith.constant 0 : i32
    %dma_wait3A_1037 = arith.constant 0 : i32
    %dma_wait3A_1038 = arith.constant 0 : i32
    %dma_wait3A_1039 = arith.constant 0 : i32
    %dma_wait3A_1040 = tpu.memref_slice %arg3[%dma_wait3A, %dma_wait3A_1036, %dma_wait3A_1037, %dma_wait3A_1038, %dma_wait3A_1039] : memref<2x32x40x2x125xi32, #tpu.memory_space<hbm>> -> memref<1x32x40x2x125xi32, #tpu.memory_space<hbm>>
    %dma_wait3A_1041 = tpu.memref_squeeze %dma_wait3A_1040 : memref<1x32x40x2x125xi32, #tpu.memory_space<hbm>> -> memref<32x40x2x125xi32, #tpu.memory_space<hbm>>
    %dma_wait3A_1042 = arith.constant 0 : i32
    %dma_wait3A_1043 = arith.constant 0 : i32
    %dma_wait3A_1044 = tpu.memref_slice %dma_wait3A_1041[%add3A, %dma_wait3A_1030, %dma_wait3A_1042, %dma_wait3A_1043] : memref<32x40x2x125xi32, #tpu.memory_space<hbm>> -> memref<1x1x2x125xi32, #tpu.memory_space<hbm>>
    %dma_wait3A_1045 = tpu.memref_squeeze %dma_wait3A_1044 : memref<1x1x2x125xi32, #tpu.memory_space<hbm>> -> memref<2x125xi32, #tpu.memory_space<hbm>>
    %dma_wait3A_1046 = arith.constant 0 : i32
    %dma_wait3A_1047 = arith.constant 0 : i32
    %dma_wait3A_1048 = tpu.memref_slice %arg7[%dma_wait3A_1031, %dma_wait3A_1046, %dma_wait3A_1047] : memref<2x2x125xi32, #tpu.memory_space<vmem>> -> memref<1x2x125xi32, #tpu.memory_space<vmem>>
    %dma_wait3A_1049 = tpu.memref_squeeze %dma_wait3A_1048 : memref<1x2x125xi32, #tpu.memory_space<vmem>> -> memref<2x125xi32, #tpu.memory_space<vmem>>
    %dma_wait3A_1050 = arith.constant 0 : i32
    %dma_wait3A_1051 = arith.constant 0 : i32
    %dma_wait3A_1052 = arith.constant 0 : i32
    %dma_wait3A_1053 = arith.constant 0 : i32
    %dma_wait3A_1054 = tpu.memref_slice %arg3[%dma_wait3A, %dma_wait3A_1050, %dma_wait3A_1051, %dma_wait3A_1052, %dma_wait3A_1053] : memref<2x32x40x2x125xi32, #tpu.memory_space<hbm>> -> memref<1x32x40x2x125xi32, #tpu.memory_space<hbm>>
    %dma_wait3A_1055 = tpu.memref_squeeze %dma_wait3A_1054 : memref<1x32x40x2x125xi32, #tpu.memory_space<hbm>> -> memref<32x40x2x125xi32, #tpu.memory_space<hbm>>
    %dma_wait3A_1056 = arith.constant 0 : i32
    %dma_wait3A_1057 = arith.constant 0 : i32
    %dma_wait3A_1058 = tpu.memref_slice %dma_wait3A_1055[%add3A, %dma_wait3A_1030, %dma_wait3A_1056, %dma_wait3A_1057] : memref<32x40x2x125xi32, #tpu.memory_space<hbm>> -> memref<1x1x2x125xi32, #tpu.memory_space<hbm>>
    %dma_wait3A_1059 = tpu.memref_squeeze %dma_wait3A_1058 : memref<1x1x2x125xi32, #tpu.memory_space<hbm>> -> memref<2x125xi32, #tpu.memory_space<hbm>>
    tpu.wait_dma2 semaphore(%arg16 : memref<!tpu.dma_semaphore, #tpu.memory_space<semaphore_mem>>) src(%dma_wait3A_1059 : memref<2x125xi32, #tpu.memory_space<hbm>>) dst(%dma_wait3A_1049 : memref<2x125xi32, #tpu.memory_space<vmem>>)
    %dma_wait3A_1060 = arith.constant 1 : i32
    %dma_wait3A_1061 = arith.constant 0 : i32
    %dma_wait3A_1062 = arith.constant 0 : i32
    %dma_wait3A_1063 = arith.constant 0 : i32
    %dma_wait3A_1064 = arith.constant 0 : i32
    %dma_wait3A_1065 = tpu.memref_slice %arg8[%dma_wait3A_1062, %dma_wait3A_1063, %dma_wait3A_1064] : memref<2x2x125xi32, #tpu.memory_space<vmem>> -> memref<1x2x125xi32, #tpu.memory_space<vmem>>
    %dma_wait3A_1066 = tpu.memref_squeeze %dma_wait3A_1065 : memref<1x2x125xi32, #tpu.memory_space<vmem>> -> memref<2x125xi32, #tpu.memory_space<vmem>>
    %dma_wait3A_1067 = arith.constant 0 : i32
    %dma_wait3A_1068 = arith.constant 0 : i32
    %dma_wait3A_1069 = arith.constant 0 : i32
    %dma_wait3A_1070 = arith.constant 0 : i32
    %dma_wait3A_1071 = tpu.memref_slice %arg3[%dma_wait3A_1060, %dma_wait3A_1067, %dma_wait3A_1068, %dma_wait3A_1069, %dma_wait3A_1070] : memref<2x32x40x2x125xi32, #tpu.memory_space<hbm>> -> memref<1x32x40x2x125xi32, #tpu.memory_space<hbm>>
    %dma_wait3A_1072 = tpu.memref_squeeze %dma_wait3A_1071 : memref<1x32x40x2x125xi32, #tpu.memory_space<hbm>> -> memref<32x40x2x125xi32, #tpu.memory_space<hbm>>
    %dma_wait3A_1073 = arith.constant 0 : i32
    %dma_wait3A_1074 = arith.constant 0 : i32
    %dma_wait3A_1075 = tpu.memref_slice %dma_wait3A_1072[%add3A, %dma_wait3A_1061, %dma_wait3A_1073, %dma_wait3A_1074] : memref<32x40x2x125xi32, #tpu.memory_space<hbm>> -> memref<1x1x2x125xi32, #tpu.memory_space<hbm>>
    %dma_wait3A_1076 = tpu.memref_squeeze %dma_wait3A_1075 : memref<1x1x2x125xi32, #tpu.memory_space<hbm>> -> memref<2x125xi32, #tpu.memory_space<hbm>>
    %dma_wait3A_1077 = arith.constant 0 : i32
    %dma_wait3A_1078 = arith.constant 0 : i32
    %dma_wait3A_1079 = tpu.memref_slice %arg8[%dma_wait3A_1062, %dma_wait3A_1077, %dma_wait3A_1078] : memref<2x2x125xi32, #tpu.memory_space<vmem>> -> memref<1x2x125xi32, #tpu.memory_space<vmem>>
    %dma_wait3A_1080 = tpu.memref_squeeze %dma_wait3A_1079 : memref<1x2x125xi32, #tpu.memory_space<vmem>> -> memref<2x125xi32, #tpu.memory_space<vmem>>
    %dma_wait3A_1081 = arith.constant 0 : i32
    %dma_wait3A_1082 = arith.constant 0 : i32
    %dma_wait3A_1083 = arith.constant 0 : i32
    %dma_wait3A_1084 = arith.constant 0 : i32
    %dma_wait3A_1085 = tpu.memref_slice %arg3[%dma_wait3A_1060, %dma_wait3A_1081, %dma_wait3A_1082, %dma_wait3A_1083, %dma_wait3A_1084] : memref<2x32x40x2x125xi32, #tpu.memory_space<hbm>> -> memref<1x32x40x2x125xi32, #tpu.memory_space<hbm>>
    %dma_wait3A_1086 = tpu.memref_squeeze %dma_wait3A_1085 : memref<1x32x40x2x125xi32, #tpu.memory_space<hbm>> -> memref<32x40x2x125xi32, #tpu.memory_space<hbm>>
    %dma_wait3A_1087 = arith.constant 0 : i32
    %dma_wait3A_1088 = arith.constant 0 : i32
    %dma_wait3A_1089 = tpu.memref_slice %dma_wait3A_1086[%add3A, %dma_wait3A_1061, %dma_wait3A_1087, %dma_wait3A_1088] : memref<32x40x2x125xi32, #tpu.memory_space<hbm>> -> memref<1x1x2x125xi32, #tpu.memory_space<hbm>>
    %dma_wait3A_1090 = tpu.memref_squeeze %dma_wait3A_1089 : memref<1x1x2x125xi32, #tpu.memory_space<hbm>> -> memref<2x125xi32, #tpu.memory_space<hbm>>
    tpu.wait_dma2 semaphore(%arg18 : memref<!tpu.dma_semaphore, #tpu.memory_space<semaphore_mem>>) src(%dma_wait3A_1090 : memref<2x125xi32, #tpu.memory_space<hbm>>) dst(%dma_wait3A_1080 : memref<2x125xi32, #tpu.memory_space<vmem>>)
    %barrier3A = arith.constant 0 : index
    tpu.barrier barrier_id(%barrier3A)
    %dma_start3A_1091 = arith.constant 0 : i32
    %dma_start3A_1092 = arith.constant 0 : i32
    %dma_start3A_1093 = arith.constant 0 : i32
    %dma_start3A_1094 = arith.constant 0 : i32
    %dma_start3A_1095 = arith.constant 0 : i32
    %dma_start3A_1096 = tpu.memref_slice %arg9[%dma_start3A_1093, %dma_start3A_1094, %dma_start3A_1095] : memref<2x125x64xf32, #tpu.memory_space<vmem>> -> memref<1x125x64xf32, #tpu.memory_space<vmem>>
    %dma_start3A_1097 = tpu.memref_squeeze %dma_start3A_1096 : memref<1x125x64xf32, #tpu.memory_space<vmem>> -> memref<125x64xf32, #tpu.memory_space<vmem>>
    %dma_start3A_1098 = arith.constant 0 : i32
    %dma_start3A_1099 = tpu.memref_slice %arg7[%dma_start3A_1091, %dma_start3A_1092, %dma_start3A_1098] : memref<2x2x125xi32, #tpu.memory_space<vmem>> -> memref<1x1x125xi32, #tpu.memory_space<vmem>>
    %dma_start3A_1100 = tpu.memref_squeeze %dma_start3A_1099 : memref<1x1x125xi32, #tpu.memory_space<vmem>> -> memref<125xi32, #tpu.memory_space<vmem>>
    %dma_start3A_1101 = arith.constant 0 : i32
    %dma_start3A_1102 = arith.constant 0 : i32
    %dma_start3A_1103 = tpu.memref_slice %arg2[%dma_start3A_1101, %dma_start3A_1102] : memref<10000x64xf32, #tpu.memory_space<hbm>> -> memref<10000x64xf32, #tpu.memory_space<hbm>>
    tpu.enqueue_indirect_dma source(%dma_start3A_1103 : memref<10000x64xf32, #tpu.memory_space<hbm>>) target(%dma_start3A_1097 : memref<125x64xf32, #tpu.memory_space<vmem>>) offsets(%dma_start3A_1100 : memref<125xi32, #tpu.memory_space<vmem>>) semaphore(%arg11 : memref<!tpu.dma_semaphore, #tpu.memory_space<semaphore_mem>>)
    %scan3A = arith.constant 0 : i32
    %scan3A_1104 = arith.constant 0 : i32
    %scan3A_1105 = arith.constant 1 : i32
    %scan3A_1106 = arith.constant 0 : i32
    %scan3A_1107 = arith.constant 20 : i32
    %scan3A_1108 = arith.addi %scan3A_1106, %scan3A_1107 : i32
    %scan3A_1109 = arith.constant 1 : i32
    scf.for %scan3A_1143 = %scan3A_1106 to %scan3A_1108 step %scan3A_1109  : i32 {
      %dma_wait3A_1144 = arith.constant 0 : i32
      %dma_wait3A_1145 = arith.constant 0 : i32
      %dma_wait3A_1146 = arith.constant 0 : i32
      %dma_wait3A_1147 = arith.constant 0 : i32
      %dma_wait3A_1148 = arith.constant 0 : i32
      %dma_wait3A_1149 = tpu.memref_slice %arg9[%dma_wait3A_1146, %dma_wait3A_1147, %dma_wait3A_1148] : memref<2x125x64xf32, #tpu.memory_space<vmem>> -> memref<1x125x64xf32, #tpu.memory_space<vmem>>
      %dma_wait3A_1150 = tpu.memref_squeeze %dma_wait3A_1149 : memref<1x125x64xf32, #tpu.memory_space<vmem>> -> memref<125x64xf32, #tpu.memory_space<vmem>>
      %dma_wait3A_1151 = arith.constant 0 : i32
      %dma_wait3A_1152 = tpu.memref_slice %arg7[%dma_wait3A_1144, %dma_wait3A_1145, %dma_wait3A_1151] : memref<2x2x125xi32, #tpu.memory_space<vmem>> -> memref<1x1x125xi32, #tpu.memory_space<vmem>>
      %dma_wait3A_1153 = tpu.memref_squeeze %dma_wait3A_1152 : memref<1x1x125xi32, #tpu.memory_space<vmem>> -> memref<125xi32, #tpu.memory_space<vmem>>
      %dma_wait3A_1154 = arith.constant 0 : i32
      %dma_wait3A_1155 = arith.constant 0 : i32
      %dma_wait3A_1156 = tpu.memref_slice %arg2[%dma_wait3A_1154, %dma_wait3A_1155] : memref<10000x64xf32, #tpu.memory_space<hbm>> -> memref<10000x64xf32, #tpu.memory_space<hbm>>
      tpu.wait_indirect_dma semaphore(%arg11 : memref<!tpu.dma_semaphore, #tpu.memory_space<semaphore_mem>>) src(%dma_wait3A_1156 : memref<10000x64xf32, #tpu.memory_space<hbm>>) dst(%dma_wait3A_1150 : memref<125x64xf32, #tpu.memory_space<vmem>>)
      %dma_start3A_1157 = arith.constant 0 : i32
      %dma_start3A_1158 = arith.constant 0 : i32
      %dma_start3A_1159 = arith.constant 0 : i32
      %dma_start3A_1160 = arith.constant 0 : i32
      %dma_start3A_1161 = arith.constant 0 : i32
      %dma_start3A_1162 = tpu.memref_slice %arg9[%dma_start3A_1157, %dma_start3A_1160, %dma_start3A_1161] : memref<2x125x64xf32, #tpu.memory_space<vmem>> -> memref<1x125x64xf32, #tpu.memory_space<vmem>>
      %dma_start3A_1163 = tpu.memref_squeeze %dma_start3A_1162 : memref<1x125x64xf32, #tpu.memory_space<vmem>> -> memref<125x64xf32, #tpu.memory_space<vmem>>
      %dma_start3A_1164 = arith.constant 0 : i32
      %dma_start3A_1165 = tpu.memref_slice %arg8[%dma_start3A_1158, %dma_start3A_1159, %dma_start3A_1164] : memref<2x2x125xi32, #tpu.memory_space<vmem>> -> memref<1x1x125xi32, #tpu.memory_space<vmem>>
      %dma_start3A_1166 = tpu.memref_squeeze %dma_start3A_1165 : memref<1x1x125xi32, #tpu.memory_space<vmem>> -> memref<125xi32, #tpu.memory_space<vmem>>
      %dma_start3A_1167 = arith.constant 0 : i32
      %dma_start3A_1168 = arith.constant 0 : i32
      %dma_start3A_1169 = tpu.memref_slice %arg6[%dma_start3A_1167, %dma_start3A_1168] : memref<10000x64xf32, #tpu.memory_space<vmem_shared>> -> memref<10000x64xf32, #tpu.memory_space<vmem_shared>>
      tpu.enqueue_indirect_dma source(%dma_start3A_1163 : memref<125x64xf32, #tpu.memory_space<vmem>>) target(%dma_start3A_1169 : memref<10000x64xf32, #tpu.memory_space<vmem_shared>>) offsets(%dma_start3A_1166 : memref<125xi32, #tpu.memory_space<vmem>>) semaphore(%arg14 : memref<!tpu.dma_semaphore, #tpu.memory_space<semaphore_mem>>) {add = true}
      %ge3A = arith.constant 1 : i32
      %ge3A_1170 = arith.cmpi sge, %scan3A_1143, %ge3A : i32
      %convert_element_type3A_1171 = arith.extui %ge3A_1170 : i1 to i32
      %cond3A_1172 = arith.constant 0 : i32
      %cond3A_1173 = arith.cmpi ne, %convert_element_type3A_1171, %cond3A_1172 : i32
      scf.if %cond3A_1173 {
        %dma_wait3A_1536 = arith.constant 1 : i32
        %dma_wait3A_1537 = arith.constant 1 : i32
        %dma_wait3A_1538 = arith.constant 1 : i32
        %dma_wait3A_1539 = arith.constant 0 : i32
        %dma_wait3A_1540 = arith.constant 0 : i32
        %dma_wait3A_1541 = tpu.memref_slice %arg9[%dma_wait3A_1536, %dma_wait3A_1539, %dma_wait3A_1540] : memref<2x125x64xf32, #tpu.memory_space<vmem>> -> memref<1x125x64xf32, #tpu.memory_space<vmem>>
        %dma_wait3A_1542 = tpu.memref_squeeze %dma_wait3A_1541 : memref<1x125x64xf32, #tpu.memory_space<vmem>> -> memref<125x64xf32, #tpu.memory_space<vmem>>
        %dma_wait3A_1543 = arith.constant 0 : i32
        %dma_wait3A_1544 = tpu.memref_slice %arg8[%dma_wait3A_1537, %dma_wait3A_1538, %dma_wait3A_1543] : memref<2x2x125xi32, #tpu.memory_space<vmem>> -> memref<1x1x125xi32, #tpu.memory_space<vmem>>
        %dma_wait3A_1545 = tpu.memref_squeeze %dma_wait3A_1544 : memref<1x1x125xi32, #tpu.memory_space<vmem>> -> memref<125xi32, #tpu.memory_space<vmem>>
        %dma_wait3A_1546 = arith.constant 0 : i32
        %dma_wait3A_1547 = arith.constant 0 : i32
        %dma_wait3A_1548 = tpu.memref_slice %arg6[%dma_wait3A_1546, %dma_wait3A_1547] : memref<10000x64xf32, #tpu.memory_space<vmem_shared>> -> memref<10000x64xf32, #tpu.memory_space<vmem_shared>>
        tpu.wait_indirect_dma semaphore(%arg15 : memref<!tpu.dma_semaphore, #tpu.memory_space<semaphore_mem>>) src(%dma_wait3A_1542 : memref<125x64xf32, #tpu.memory_space<vmem>>) dst(%dma_wait3A_1548 : memref<10000x64xf32, #tpu.memory_space<vmem_shared>>)
      } else {
      }
      %dma_start3A_1174 = arith.constant 0 : i32
      %dma_start3A_1175 = arith.constant 1 : i32
      %dma_start3A_1176 = arith.constant 1 : i32
      %dma_start3A_1177 = arith.constant 0 : i32
      %dma_start3A_1178 = arith.constant 0 : i32
      %dma_start3A_1179 = tpu.memref_slice %arg9[%dma_start3A_1176, %dma_start3A_1177, %dma_start3A_1178] : memref<2x125x64xf32, #tpu.memory_space<vmem>> -> memref<1x125x64xf32, #tpu.memory_space<vmem>>
      %dma_start3A_1180 = tpu.memref_squeeze %dma_start3A_1179 : memref<1x125x64xf32, #tpu.memory_space<vmem>> -> memref<125x64xf32, #tpu.memory_space<vmem>>
      %dma_start3A_1181 = arith.constant 0 : i32
      %dma_start3A_1182 = tpu.memref_slice %arg7[%dma_start3A_1174, %dma_start3A_1175, %dma_start3A_1181] : memref<2x2x125xi32, #tpu.memory_space<vmem>> -> memref<1x1x125xi32, #tpu.memory_space<vmem>>
      %dma_start3A_1183 = tpu.memref_squeeze %dma_start3A_1182 : memref<1x1x125xi32, #tpu.memory_space<vmem>> -> memref<125xi32, #tpu.memory_space<vmem>>
      %dma_start3A_1184 = arith.constant 0 : i32
      %dma_start3A_1185 = arith.constant 0 : i32
      %dma_start3A_1186 = tpu.memref_slice %arg2[%dma_start3A_1184, %dma_start3A_1185] : memref<10000x64xf32, #tpu.memory_space<hbm>> -> memref<10000x64xf32, #tpu.memory_space<hbm>>
      tpu.enqueue_indirect_dma source(%dma_start3A_1186 : memref<10000x64xf32, #tpu.memory_space<hbm>>) target(%dma_start3A_1180 : memref<125x64xf32, #tpu.memory_space<vmem>>) offsets(%dma_start3A_1183 : memref<125xi32, #tpu.memory_space<vmem>>) semaphore(%arg12 : memref<!tpu.dma_semaphore, #tpu.memory_space<semaphore_mem>>)
      %ge3A_1187 = arith.constant 1 : i32
      %ge3A_1188 = arith.cmpi sge, %scan3A_1143, %ge3A_1187 : i32
      %convert_element_type3A_1189 = arith.extui %ge3A_1188 : i1 to i32
      %cond3A_1190 = arith.constant 0 : i32
      %cond3A_1191 = arith.cmpi ne, %convert_element_type3A_1189, %cond3A_1190 : i32
      scf.if %cond3A_1191 {
        %dma_wait3A_1536 = arith.constant 1 : i32
        %dma_wait3A_1537 = arith.constant 1 : i32
        %dma_wait3A_1538 = arith.constant 0 : i32
        %dma_wait3A_1539 = tpu.memref_slice %arg8[%dma_wait3A_1536, %dma_wait3A_1537, %dma_wait3A_1538] : memref<2x2x125xi32, #tpu.memory_space<vmem>> -> memref<1x1x125xi32, #tpu.memory_space<vmem>>
        %dma_wait3A_1540 = tpu.memref_squeeze %dma_wait3A_1539 : memref<1x1x125xi32, #tpu.memory_space<vmem>> -> memref<125xi32, #tpu.memory_space<vmem>>
        %dma_wait3A_1541 = arith.constant 0 : i32
        %dma_wait3A_1542 = arith.constant 0 : i32
        %dma_wait3A_1543 = tpu.memref_slice %arg5[%dma_wait3A_1541, %dma_wait3A_1542] : memref<10000x64xf32, #tpu.memory_space<vmem_shared>> -> memref<10000x64xf32, #tpu.memory_space<vmem_shared>>
        tpu.wait_indirect_dma semaphore(%arg13 : memref<!tpu.dma_semaphore, #tpu.memory_space<semaphore_mem>>) src(%arg10 : memref<125x64xf32, #tpu.memory_space<vmem>>) dst(%dma_wait3A_1543 : memref<10000x64xf32, #tpu.memory_space<vmem_shared>>)
      } else {
      }
      %parallel_loop3A = arith.constant 0 : i32
      %parallel_loop3A_1192 = arith.constant 125 : i32
      %parallel_loop3A_1193 = arith.constant 1 : i32
      scf.for %parallel_loop3A_1536 = %parallel_loop3A to %parallel_loop3A_1192 step %parallel_loop3A_1193  : i32 {
        %parallel_loop3A_1537 = arith.constant 0 : i32
        %parallel_loop3A_1538 = arith.index_cast %parallel_loop3A_1537 : i32 to index
        %parallel_loop3A_1539 = arith.index_cast %parallel_loop3A_1536 : i32 to index
        %parallel_loop3A_1540 = arith.constant 0 : index
        %parallel_loop3A_1541 = tpu.vector_load %arg9[%parallel_loop3A_1538, %parallel_loop3A_1539, %parallel_loop3A_1540] {strides = array<i32>} : memref<2x125x64xf32, #tpu.memory_space<vmem>>, vector<1x1x16xf32>,
        %parallel_loop3A_1542 = vector.shape_cast %parallel_loop3A_1541 : vector<1x1x16xf32> to vector<16xf32>
        %parallel_loop3A_1543 = tpu.bitcast %parallel_loop3A_1542 : vector<16xf32> -> vector<16xi32>
        %parallel_loop3A_1544 = arith.constant 16 : i32
        %parallel_loop3A_1545 = vector.broadcast %parallel_loop3A_1544 : i32 to vector<16xi32>
        %parallel_loop3A_1546 = arith.shli %parallel_loop3A_1543, %parallel_loop3A_1545 : vector<16xi32>
        %parallel_loop3A_1547 = tpu.bitcast %parallel_loop3A_1546 : vector<16xi32> -> vector<16xf32>
        %parallel_loop3A_1548 = arith.index_cast %parallel_loop3A_1536 : i32 to index
        %parallel_loop3A_1549 = arith.constant 0 : index
        %parallel_loop3A_1550 = tpu.vector_load %arg10[%parallel_loop3A_1548, %parallel_loop3A_1549] {strides = array<i32>} : memref<125x64xf32, #tpu.memory_space<vmem>>, vector<1x16xf32>,
        %parallel_loop3A_1551 = vector.shape_cast %parallel_loop3A_1550 : vector<1x16xf32> to vector<16xf32>
        %parallel_loop3A_1552 = vector.shape_cast %parallel_loop3A_1547 : vector<16xf32> to vector<1x16xf32>
        tpu.vector_store %arg10[%parallel_loop3A_1548, %parallel_loop3A_1549], %parallel_loop3A_1552 {strides = array<i32>} : memref<125x64xf32, #tpu.memory_space<vmem>>, vector<1x16xf32>,
        %parallel_loop3A_1553 = arith.constant 0 : i32
        %parallel_loop3A_1554 = arith.index_cast %parallel_loop3A_1553 : i32 to index
        %parallel_loop3A_1555 = arith.index_cast %parallel_loop3A_1536 : i32 to index
        %parallel_loop3A_1556 = arith.constant 16 : index
        %parallel_loop3A_1557 = tpu.vector_load %arg9[%parallel_loop3A_1554, %parallel_loop3A_1555, %parallel_loop3A_1556] {strides = array<i32>} : memref<2x125x64xf32, #tpu.memory_space<vmem>>, vector<1x1x16xf32>,
        %parallel_loop3A_1558 = vector.shape_cast %parallel_loop3A_1557 : vector<1x1x16xf32> to vector<16xf32>
        %parallel_loop3A_1559 = tpu.bitcast %parallel_loop3A_1558 : vector<16xf32> -> vector<16xi32>
        %parallel_loop3A_1560 = arith.constant 16 : i32
        %parallel_loop3A_1561 = vector.broadcast %parallel_loop3A_1560 : i32 to vector<16xi32>
        %parallel_loop3A_1562 = arith.shli %parallel_loop3A_1559, %parallel_loop3A_1561 : vector<16xi32>
        %parallel_loop3A_1563 = tpu.bitcast %parallel_loop3A_1562 : vector<16xi32> -> vector<16xf32>
        %parallel_loop3A_1564 = arith.index_cast %parallel_loop3A_1536 : i32 to index
        %parallel_loop3A_1565 = arith.constant 16 : index
        %parallel_loop3A_1566 = tpu.vector_load %arg10[%parallel_loop3A_1564, %parallel_loop3A_1565] {strides = array<i32>} : memref<125x64xf32, #tpu.memory_space<vmem>>, vector<1x16xf32>,
        %parallel_loop3A_1567 = vector.shape_cast %parallel_loop3A_1566 : vector<1x16xf32> to vector<16xf32>
        %parallel_loop3A_1568 = vector.shape_cast %parallel_loop3A_1563 : vector<16xf32> to vector<1x16xf32>
        tpu.vector_store %arg10[%parallel_loop3A_1564, %parallel_loop3A_1565], %parallel_loop3A_1568 {strides = array<i32>} : memref<125x64xf32, #tpu.memory_space<vmem>>, vector<1x16xf32>,
        %parallel_loop3A_1569 = arith.constant 0 : i32
        %parallel_loop3A_1570 = arith.index_cast %parallel_loop3A_1569 : i32 to index
        %parallel_loop3A_1571 = arith.index_cast %parallel_loop3A_1536 : i32 to index
        %parallel_loop3A_1572 = arith.constant 32 : index
        %parallel_loop3A_1573 = tpu.vector_load %arg9[%parallel_loop3A_1570, %parallel_loop3A_1571, %parallel_loop3A_1572] {strides = array<i32>} : memref<2x125x64xf32, #tpu.memory_space<vmem>>, vector<1x1x16xf32>,
        %parallel_loop3A_1574 = vector.shape_cast %parallel_loop3A_1573 : vector<1x1x16xf32> to vector<16xf32>
        %parallel_loop3A_1575 = tpu.bitcast %parallel_loop3A_1574 : vector<16xf32> -> vector<16xi32>
        %parallel_loop3A_1576 = arith.constant 16 : i32
        %parallel_loop3A_1577 = vector.broadcast %parallel_loop3A_1576 : i32 to vector<16xi32>
        %parallel_loop3A_1578 = arith.shli %parallel_loop3A_1575, %parallel_loop3A_1577 : vector<16xi32>
        %parallel_loop3A_1579 = tpu.bitcast %parallel_loop3A_1578 : vector<16xi32> -> vector<16xf32>
        %parallel_loop3A_1580 = arith.index_cast %parallel_loop3A_1536 : i32 to index
        %parallel_loop3A_1581 = arith.constant 32 : index
        %parallel_loop3A_1582 = tpu.vector_load %arg10[%parallel_loop3A_1580, %parallel_loop3A_1581] {strides = array<i32>} : memref<125x64xf32, #tpu.memory_space<vmem>>, vector<1x16xf32>,
        %parallel_loop3A_1583 = vector.shape_cast %parallel_loop3A_1582 : vector<1x16xf32> to vector<16xf32>
        %parallel_loop3A_1584 = vector.shape_cast %parallel_loop3A_1579 : vector<16xf32> to vector<1x16xf32>
        tpu.vector_store %arg10[%parallel_loop3A_1580, %parallel_loop3A_1581], %parallel_loop3A_1584 {strides = array<i32>} : memref<125x64xf32, #tpu.memory_space<vmem>>, vector<1x16xf32>,
        %parallel_loop3A_1585 = arith.constant 0 : i32
        %parallel_loop3A_1586 = arith.index_cast %parallel_loop3A_1585 : i32 to index
        %parallel_loop3A_1587 = arith.index_cast %parallel_loop3A_1536 : i32 to index
        %parallel_loop3A_1588 = arith.constant 48 : index
        %parallel_loop3A_1589 = tpu.vector_load %arg9[%parallel_loop3A_1586, %parallel_loop3A_1587, %parallel_loop3A_1588] {strides = array<i32>} : memref<2x125x64xf32, #tpu.memory_space<vmem>>, vector<1x1x16xf32>,
        %parallel_loop3A_1590 = vector.shape_cast %parallel_loop3A_1589 : vector<1x1x16xf32> to vector<16xf32>
        %parallel_loop3A_1591 = tpu.bitcast %parallel_loop3A_1590 : vector<16xf32> -> vector<16xi32>
        %parallel_loop3A_1592 = arith.constant 16 : i32
        %parallel_loop3A_1593 = vector.broadcast %parallel_loop3A_1592 : i32 to vector<16xi32>
        %parallel_loop3A_1594 = arith.shli %parallel_loop3A_1591, %parallel_loop3A_1593 : vector<16xi32>
        %parallel_loop3A_1595 = tpu.bitcast %parallel_loop3A_1594 : vector<16xi32> -> vector<16xf32>
        %parallel_loop3A_1596 = arith.index_cast %parallel_loop3A_1536 : i32 to index
        %parallel_loop3A_1597 = arith.constant 48 : index
        %parallel_loop3A_1598 = tpu.vector_load %arg10[%parallel_loop3A_1596, %parallel_loop3A_1597] {strides = array<i32>} : memref<125x64xf32, #tpu.memory_space<vmem>>, vector<1x16xf32>,
        %parallel_loop3A_1599 = vector.shape_cast %parallel_loop3A_1598 : vector<1x16xf32> to vector<16xf32>
        %parallel_loop3A_1600 = vector.shape_cast %parallel_loop3A_1595 : vector<16xf32> to vector<1x16xf32>
        tpu.vector_store %arg10[%parallel_loop3A_1596, %parallel_loop3A_1597], %parallel_loop3A_1600 {strides = array<i32>} : memref<125x64xf32, #tpu.memory_space<vmem>>, vector<1x16xf32>,
      } {sc.loop_unroll_factor = 5 : i64, sc.parallel_access}
      %dma_start3A_1194 = arith.constant 0 : i32
      %dma_start3A_1195 = arith.constant 0 : i32
      %dma_start3A_1196 = arith.constant 0 : i32
      %dma_start3A_1197 = tpu.memref_slice %arg8[%dma_start3A_1194, %dma_start3A_1195, %dma_start3A_1196] : memref<2x2x125xi32, #tpu.memory_space<vmem>> -> memref<1x1x125xi32, #tpu.memory_space<vmem>>
      %dma_start3A_1198 = tpu.memref_squeeze %dma_start3A_1197 : memref<1x1x125xi32, #tpu.memory_space<vmem>> -> memref<125xi32, #tpu.memory_space<vmem>>
      %dma_start3A_1199 = arith.constant 0 : i32
      %dma_start3A_1200 = arith.constant 0 : i32
      %dma_start3A_1201 = tpu.memref_slice %arg5[%dma_start3A_1199, %dma_start3A_1200] : memref<10000x64xf32, #tpu.memory_space<vmem_shared>> -> memref<10000x64xf32, #tpu.memory_space<vmem_shared>>
      tpu.enqueue_indirect_dma source(%arg10 : memref<125x64xf32, #tpu.memory_space<vmem>>) target(%dma_start3A_1201 : memref<10000x64xf32, #tpu.memory_space<vmem_shared>>) offsets(%dma_start3A_1198 : memref<125xi32, #tpu.memory_space<vmem>>) semaphore(%arg13 : memref<!tpu.dma_semaphore, #tpu.memory_space<semaphore_mem>>) {add = true}
      %mul3A_1202 = arith.constant 2 : i32
      %mul3A_1203 = arith.muli %mul3A_1202, %scan3A_1143 : i32
      %add3A_1204 = arith.constant 1 : i32
      %add3A_1205 = arith.addi %mul3A_1203, %add3A_1204 : i32
      %dma_start3A_1206 = arith.constant 1 : i32
      %dma_start3A_1207 = arith.constant 0 : i32
      %dma_start3A_1208 = arith.constant 0 : i32
      %dma_start3A_1209 = tpu.memref_slice %arg7[%dma_start3A_1206, %dma_start3A_1207, %dma_start3A_1208] : memref<2x2x125xi32, #tpu.memory_space<vmem>> -> memref<1x2x125xi32, #tpu.memory_space<vmem>>
      %dma_start3A_1210 = tpu.memref_squeeze %dma_start3A_1209 : memref<1x2x125xi32, #tpu.memory_space<vmem>> -> memref<2x125xi32, #tpu.memory_space<vmem>>
      %dma_start3A_1211 = arith.constant 0 : i32
      %dma_start3A_1212 = arith.constant 0 : i32
      %dma_start3A_1213 = arith.constant 0 : i32
      %dma_start3A_1214 = arith.constant 0 : i32
      %dma_start3A_1215 = tpu.memref_slice %arg3[%scan3A_1104, %dma_start3A_1211, %dma_start3A_1212, %dma_start3A_1213, %dma_start3A_1214] : memref<2x32x40x2x125xi32, #tpu.memory_space<hbm>> -> memref<1x32x40x2x125xi32, #tpu.memory_space<hbm>>
      %dma_start3A_1216 = tpu.memref_squeeze %dma_start3A_1215 : memref<1x32x40x2x125xi32, #tpu.memory_space<hbm>> -> memref<32x40x2x125xi32, #tpu.memory_space<hbm>>
      %dma_start3A_1217 = arith.constant 0 : i32
      %dma_start3A_1218 = arith.constant 0 : i32
      %dma_start3A_1219 = tpu.memref_slice %dma_start3A_1216[%add3A, %add3A_1205, %dma_start3A_1217, %dma_start3A_1218] : memref<32x40x2x125xi32, #tpu.memory_space<hbm>> -> memref<1x1x2x125xi32, #tpu.memory_space<hbm>>
      %dma_start3A_1220 = tpu.memref_squeeze %dma_start3A_1219 : memref<1x1x2x125xi32, #tpu.memory_space<hbm>> -> memref<2x125xi32, #tpu.memory_space<hbm>>
      %dma_start3A_1221 = arith.constant 0 : i32
      %dma_start3A_1222 = arith.constant 0 : i32
      %dma_start3A_1223 = tpu.memref_slice %arg7[%dma_start3A_1206, %dma_start3A_1221, %dma_start3A_1222] : memref<2x2x125xi32, #tpu.memory_space<vmem>> -> memref<1x2x125xi32, #tpu.memory_space<vmem>>
      %dma_start3A_1224 = tpu.memref_squeeze %dma_start3A_1223 : memref<1x2x125xi32, #tpu.memory_space<vmem>> -> memref<2x125xi32, #tpu.memory_space<vmem>>
      %dma_start3A_1225 = arith.constant 0 : i32
      %dma_start3A_1226 = arith.constant 0 : i32
      %dma_start3A_1227 = arith.constant 0 : i32
      %dma_start3A_1228 = arith.constant 0 : i32
      %dma_start3A_1229 = tpu.memref_slice %arg3[%scan3A_1104, %dma_start3A_1225, %dma_start3A_1226, %dma_start3A_1227, %dma_start3A_1228] : memref<2x32x40x2x125xi32, #tpu.memory_space<hbm>> -> memref<1x32x40x2x125xi32, #tpu.memory_space<hbm>>
      %dma_start3A_1230 = tpu.memref_squeeze %dma_start3A_1229 : memref<1x32x40x2x125xi32, #tpu.memory_space<hbm>> -> memref<32x40x2x125xi32, #tpu.memory_space<hbm>>
      %dma_start3A_1231 = arith.constant 0 : i32
      %dma_start3A_1232 = arith.constant 0 : i32
      %dma_start3A_1233 = tpu.memref_slice %dma_start3A_1230[%add3A, %add3A_1205, %dma_start3A_1231, %dma_start3A_1232] : memref<32x40x2x125xi32, #tpu.memory_space<hbm>> -> memref<1x1x2x125xi32, #tpu.memory_space<hbm>>
      %dma_start3A_1234 = tpu.memref_squeeze %dma_start3A_1233 : memref<1x1x2x125xi32, #tpu.memory_space<hbm>> -> memref<2x125xi32, #tpu.memory_space<hbm>>
      tpu.enqueue_dma source(%dma_start3A_1234 : memref<2x125xi32, #tpu.memory_space<hbm>>) target(%dma_start3A_1224 : memref<2x125xi32, #tpu.memory_space<vmem>>) target_semaphore(%arg17 : memref<!tpu.dma_semaphore, #tpu.memory_space<semaphore_mem>>)
      %dma_start3A_1235 = arith.constant 1 : i32
      %dma_start3A_1236 = arith.constant 0 : i32
      %dma_start3A_1237 = arith.constant 0 : i32
      %dma_start3A_1238 = tpu.memref_slice %arg8[%dma_start3A_1235, %dma_start3A_1236, %dma_start3A_1237] : memref<2x2x125xi32, #tpu.memory_space<vmem>> -> memref<1x2x125xi32, #tpu.memory_space<vmem>>
      %dma_start3A_1239 = tpu.memref_squeeze %dma_start3A_1238 : memref<1x2x125xi32, #tpu.memory_space<vmem>> -> memref<2x125xi32, #tpu.memory_space<vmem>>
      %dma_start3A_1240 = arith.constant 0 : i32
      %dma_start3A_1241 = arith.constant 0 : i32
      %dma_start3A_1242 = arith.constant 0 : i32
      %dma_start3A_1243 = arith.constant 0 : i32
      %dma_start3A_1244 = tpu.memref_slice %arg3[%scan3A_1105, %dma_start3A_1240, %dma_start3A_1241, %dma_start3A_1242, %dma_start3A_1243] : memref<2x32x40x2x125xi32, #tpu.memory_space<hbm>> -> memref<1x32x40x2x125xi32, #tpu.memory_space<hbm>>
      %dma_start3A_1245 = tpu.memref_squeeze %dma_start3A_1244 : memref<1x32x40x2x125xi32, #tpu.memory_space<hbm>> -> memref<32x40x2x125xi32, #tpu.memory_space<hbm>>
      %dma_start3A_1246 = arith.constant 0 : i32
      %dma_start3A_1247 = arith.constant 0 : i32
      %dma_start3A_1248 = tpu.memref_slice %dma_start3A_1245[%add3A, %add3A_1205, %dma_start3A_1246, %dma_start3A_1247] : memref<32x40x2x125xi32, #tpu.memory_space<hbm>> -> memref<1x1x2x125xi32, #tpu.memory_space<hbm>>
      %dma_start3A_1249 = tpu.memref_squeeze %dma_start3A_1248 : memref<1x1x2x125xi32, #tpu.memory_space<hbm>> -> memref<2x125xi32, #tpu.memory_space<hbm>>
      %dma_start3A_1250 = arith.constant 0 : i32
      %dma_start3A_1251 = arith.constant 0 : i32
      %dma_start3A_1252 = tpu.memref_slice %arg8[%dma_start3A_1235, %dma_start3A_1250, %dma_start3A_1251] : memref<2x2x125xi32, #tpu.memory_space<vmem>> -> memref<1x2x125xi32, #tpu.memory_space<vmem>>
      %dma_start3A_1253 = tpu.memref_squeeze %dma_start3A_1252 : memref<1x2x125xi32, #tpu.memory_space<vmem>> -> memref<2x125xi32, #tpu.memory_space<vmem>>
      %dma_start3A_1254 = arith.constant 0 : i32
      %dma_start3A_1255 = arith.constant 0 : i32
      %dma_start3A_1256 = arith.constant 0 : i32
      %dma_start3A_1257 = arith.constant 0 : i32
      %dma_start3A_1258 = tpu.memref_slice %arg3[%scan3A_1105, %dma_start3A_1254, %dma_start3A_1255, %dma_start3A_1256, %dma_start3A_1257] : memref<2x32x40x2x125xi32, #tpu.memory_space<hbm>> -> memref<1x32x40x2x125xi32, #tpu.memory_space<hbm>>
      %dma_start3A_1259 = tpu.memref_squeeze %dma_start3A_1258 : memref<1x32x40x2x125xi32, #tpu.memory_space<hbm>> -> memref<32x40x2x125xi32, #tpu.memory_space<hbm>>
      %dma_start3A_1260 = arith.constant 0 : i32
      %dma_start3A_1261 = arith.constant 0 : i32
      %dma_start3A_1262 = tpu.memref_slice %dma_start3A_1259[%add3A, %add3A_1205, %dma_start3A_1260, %dma_start3A_1261] : memref<32x40x2x125xi32, #tpu.memory_space<hbm>> -> memref<1x1x2x125xi32, #tpu.memory_space<hbm>>
      %dma_start3A_1263 = tpu.memref_squeeze %dma_start3A_1262 : memref<1x1x2x125xi32, #tpu.memory_space<hbm>> -> memref<2x125xi32, #tpu.memory_space<hbm>>
      tpu.enqueue_dma source(%dma_start3A_1263 : memref<2x125xi32, #tpu.memory_space<hbm>>) target(%dma_start3A_1253 : memref<2x125xi32, #tpu.memory_space<vmem>>) target_semaphore(%arg19 : memref<!tpu.dma_semaphore, #tpu.memory_space<semaphore_mem>>)
      %dma_wait3A_1264 = arith.constant 0 : i32
      %dma_wait3A_1265 = arith.constant 1 : i32
      %dma_wait3A_1266 = arith.constant 1 : i32
      %dma_wait3A_1267 = arith.constant 0 : i32
      %dma_wait3A_1268 = arith.constant 0 : i32
      %dma_wait3A_1269 = tpu.memref_slice %arg9[%dma_wait3A_1266, %dma_wait3A_1267, %dma_wait3A_1268] : memref<2x125x64xf32, #tpu.memory_space<vmem>> -> memref<1x125x64xf32, #tpu.memory_space<vmem>>
      %dma_wait3A_1270 = tpu.memref_squeeze %dma_wait3A_1269 : memref<1x125x64xf32, #tpu.memory_space<vmem>> -> memref<125x64xf32, #tpu.memory_space<vmem>>
      %dma_wait3A_1271 = arith.constant 0 : i32
      %dma_wait3A_1272 = tpu.memref_slice %arg7[%dma_wait3A_1264, %dma_wait3A_1265, %dma_wait3A_1271] : memref<2x2x125xi32, #tpu.memory_space<vmem>> -> memref<1x1x125xi32, #tpu.memory_space<vmem>>
      %dma_wait3A_1273 = tpu.memref_squeeze %dma_wait3A_1272 : memref<1x1x125xi32, #tpu.memory_space<vmem>> -> memref<125xi32, #tpu.memory_space<vmem>>
      %dma_wait3A_1274 = arith.constant 0 : i32
      %dma_wait3A_1275 = arith.constant 0 : i32
      %dma_wait3A_1276 = tpu.memref_slice %arg2[%dma_wait3A_1274, %dma_wait3A_1275] : memref<10000x64xf32, #tpu.memory_space<hbm>> -> memref<10000x64xf32, #tpu.memory_space<hbm>>
      tpu.wait_indirect_dma semaphore(%arg12 : memref<!tpu.dma_semaphore, #tpu.memory_space<semaphore_mem>>) src(%dma_wait3A_1276 : memref<10000x64xf32, #tpu.memory_space<hbm>>) dst(%dma_wait3A_1270 : memref<125x64xf32, #tpu.memory_space<vmem>>)
      %dma_start3A_1277 = arith.constant 1 : i32
      %dma_start3A_1278 = arith.constant 0 : i32
      %dma_start3A_1279 = arith.constant 1 : i32
      %dma_start3A_1280 = arith.constant 0 : i32
      %dma_start3A_1281 = arith.constant 0 : i32
      %dma_start3A_1282 = tpu.memref_slice %arg9[%dma_start3A_1277, %dma_start3A_1280, %dma_start3A_1281] : memref<2x125x64xf32, #tpu.memory_space<vmem>> -> memref<1x125x64xf32, #tpu.memory_space<vmem>>
      %dma_start3A_1283 = tpu.memref_squeeze %dma_start3A_1282 : memref<1x125x64xf32, #tpu.memory_space<vmem>> -> memref<125x64xf32, #tpu.memory_space<vmem>>
      %dma_start3A_1284 = arith.constant 0 : i32
      %dma_start3A_1285 = tpu.memref_slice %arg8[%dma_start3A_1278, %dma_start3A_1279, %dma_start3A_1284] : memref<2x2x125xi32, #tpu.memory_space<vmem>> -> memref<1x1x125xi32, #tpu.memory_space<vmem>>
      %dma_start3A_1286 = tpu.memref_squeeze %dma_start3A_1285 : memref<1x1x125xi32, #tpu.memory_space<vmem>> -> memref<125xi32, #tpu.memory_space<vmem>>
      %dma_start3A_1287 = arith.constant 0 : i32
      %dma_start3A_1288 = arith.constant 0 : i32
      %dma_start3A_1289 = tpu.memref_slice %arg6[%dma_start3A_1287, %dma_start3A_1288] : memref<10000x64xf32, #tpu.memory_space<vmem_shared>> -> memref<10000x64xf32, #tpu.memory_space<vmem_shared>>
      tpu.enqueue_indirect_dma source(%dma_start3A_1283 : memref<125x64xf32, #tpu.memory_space<vmem>>) target(%dma_start3A_1289 : memref<10000x64xf32, #tpu.memory_space<vmem_shared>>) offsets(%dma_start3A_1286 : memref<125xi32, #tpu.memory_space<vmem>>) semaphore(%arg15 : memref<!tpu.dma_semaphore, #tpu.memory_space<semaphore_mem>>) {add = true}
      %dma_wait3A_1290 = arith.constant 0 : i32
      %dma_wait3A_1291 = arith.constant 0 : i32
      %dma_wait3A_1292 = arith.constant 0 : i32
      %dma_wait3A_1293 = arith.constant 0 : i32
      %dma_wait3A_1294 = arith.constant 0 : i32
      %dma_wait3A_1295 = tpu.memref_slice %arg9[%dma_wait3A_1290, %dma_wait3A_1293, %dma_wait3A_1294] : memref<2x125x64xf32, #tpu.memory_space<vmem>> -> memref<1x125x64xf32, #tpu.memory_space<vmem>>
      %dma_wait3A_1296 = tpu.memref_squeeze %dma_wait3A_1295 : memref<1x125x64xf32, #tpu.memory_space<vmem>> -> memref<125x64xf32, #tpu.memory_space<vmem>>
      %dma_wait3A_1297 = arith.constant 0 : i32
      %dma_wait3A_1298 = tpu.memref_slice %arg8[%dma_wait3A_1291, %dma_wait3A_1292, %dma_wait3A_1297] : memref<2x2x125xi32, #tpu.memory_space<vmem>> -> memref<1x1x125xi32, #tpu.memory_space<vmem>>
      %dma_wait3A_1299 = tpu.memref_squeeze %dma_wait3A_1298 : memref<1x1x125xi32, #tpu.memory_space<vmem>> -> memref<125xi32, #tpu.memory_space<vmem>>
      %dma_wait3A_1300 = arith.constant 0 : i32
      %dma_wait3A_1301 = arith.constant 0 : i32
      %dma_wait3A_1302 = tpu.memref_slice %arg6[%dma_wait3A_1300, %dma_wait3A_1301] : memref<10000x64xf32, #tpu.memory_space<vmem_shared>> -> memref<10000x64xf32, #tpu.memory_space<vmem_shared>>
      tpu.wait_indirect_dma semaphore(%arg14 : memref<!tpu.dma_semaphore, #tpu.memory_space<semaphore_mem>>) src(%dma_wait3A_1296 : memref<125x64xf32, #tpu.memory_space<vmem>>) dst(%dma_wait3A_1302 : memref<10000x64xf32, #tpu.memory_space<vmem_shared>>)
      %mul3A_1303 = arith.constant 2 : i32
      %mul3A_1304 = arith.muli %mul3A_1303, %scan3A_1143 : i32
      %add3A_1305 = arith.constant 1 : i32
      %add3A_1306 = arith.addi %mul3A_1304, %add3A_1305 : i32
      %dma_wait3A_1307 = arith.constant 1 : i32
      %dma_wait3A_1308 = arith.constant 0 : i32
      %dma_wait3A_1309 = arith.constant 0 : i32
      %dma_wait3A_1310 = tpu.memref_slice %arg7[%dma_wait3A_1307, %dma_wait3A_1308, %dma_wait3A_1309] : memref<2x2x125xi32, #tpu.memory_space<vmem>> -> memref<1x2x125xi32, #tpu.memory_space<vmem>>
      %dma_wait3A_1311 = tpu.memref_squeeze %dma_wait3A_1310 : memref<1x2x125xi32, #tpu.memory_space<vmem>> -> memref<2x125xi32, #tpu.memory_space<vmem>>
      %dma_wait3A_1312 = arith.constant 0 : i32
      %dma_wait3A_1313 = arith.constant 0 : i32
      %dma_wait3A_1314 = arith.constant 0 : i32
      %dma_wait3A_1315 = arith.constant 0 : i32
      %dma_wait3A_1316 = tpu.memref_slice %arg3[%scan3A_1104, %dma_wait3A_1312, %dma_wait3A_1313, %dma_wait3A_1314, %dma_wait3A_1315] : memref<2x32x40x2x125xi32, #tpu.memory_space<hbm>> -> memref<1x32x40x2x125xi32, #tpu.memory_space<hbm>>
      %dma_wait3A_1317 = tpu.memref_squeeze %dma_wait3A_1316 : memref<1x32x40x2x125xi32, #tpu.memory_space<hbm>> -> memref<32x40x2x125xi32, #tpu.memory_space<hbm>>
      %dma_wait3A_1318 = arith.constant 0 : i32
      %dma_wait3A_1319 = arith.constant 0 : i32
      %dma_wait3A_1320 = tpu.memref_slice %dma_wait3A_1317[%add3A, %add3A_1306, %dma_wait3A_1318, %dma_wait3A_1319] : memref<32x40x2x125xi32, #tpu.memory_space<hbm>> -> memref<1x1x2x125xi32, #tpu.memory_space<hbm>>
      %dma_wait3A_1321 = tpu.memref_squeeze %dma_wait3A_1320 : memref<1x1x2x125xi32, #tpu.memory_space<hbm>> -> memref<2x125xi32, #tpu.memory_space<hbm>>
      %dma_wait3A_1322 = arith.constant 0 : i32
      %dma_wait3A_1323 = arith.constant 0 : i32
      %dma_wait3A_1324 = tpu.memref_slice %arg7[%dma_wait3A_1307, %dma_wait3A_1322, %dma_wait3A_1323] : memref<2x2x125xi32, #tpu.memory_space<vmem>> -> memref<1x2x125xi32, #tpu.memory_space<vmem>>
      %dma_wait3A_1325 = tpu.memref_squeeze %dma_wait3A_1324 : memref<1x2x125xi32, #tpu.memory_space<vmem>> -> memref<2x125xi32, #tpu.memory_space<vmem>>
      %dma_wait3A_1326 = arith.constant 0 : i32
      %dma_wait3A_1327 = arith.constant 0 : i32
      %dma_wait3A_1328 = arith.constant 0 : i32
      %dma_wait3A_1329 = arith.constant 0 : i32
      %dma_wait3A_1330 = tpu.memref_slice %arg3[%scan3A_1104, %dma_wait3A_1326, %dma_wait3A_1327, %dma_wait3A_1328, %dma_wait3A_1329] : memref<2x32x40x2x125xi32, #tpu.memory_space<hbm>> -> memref<1x32x40x2x125xi32, #tpu.memory_space<hbm>>
      %dma_wait3A_1331 = tpu.memref_squeeze %dma_wait3A_1330 : memref<1x32x40x2x125xi32, #tpu.memory_space<hbm>> -> memref<32x40x2x125xi32, #tpu.memory_space<hbm>>
      %dma_wait3A_1332 = arith.constant 0 : i32
      %dma_wait3A_1333 = arith.constant 0 : i32
      %dma_wait3A_1334 = tpu.memref_slice %dma_wait3A_1331[%add3A, %add3A_1306, %dma_wait3A_1332, %dma_wait3A_1333] : memref<32x40x2x125xi32, #tpu.memory_space<hbm>> -> memref<1x1x2x125xi32, #tpu.memory_space<hbm>>
      %dma_wait3A_1335 = tpu.memref_squeeze %dma_wait3A_1334 : memref<1x1x2x125xi32, #tpu.memory_space<hbm>> -> memref<2x125xi32, #tpu.memory_space<hbm>>
      tpu.wait_dma2 semaphore(%arg17 : memref<!tpu.dma_semaphore, #tpu.memory_space<semaphore_mem>>) src(%dma_wait3A_1335 : memref<2x125xi32, #tpu.memory_space<hbm>>) dst(%dma_wait3A_1325 : memref<2x125xi32, #tpu.memory_space<vmem>>)
      %dma_wait3A_1336 = arith.constant 1 : i32
      %dma_wait3A_1337 = arith.constant 0 : i32
      %dma_wait3A_1338 = arith.constant 0 : i32
      %dma_wait3A_1339 = tpu.memref_slice %arg8[%dma_wait3A_1336, %dma_wait3A_1337, %dma_wait3A_1338] : memref<2x2x125xi32, #tpu.memory_space<vmem>> -> memref<1x2x125xi32, #tpu.memory_space<vmem>>
      %dma_wait3A_1340 = tpu.memref_squeeze %dma_wait3A_1339 : memref<1x2x125xi32, #tpu.memory_space<vmem>> -> memref<2x125xi32, #tpu.memory_space<vmem>>
      %dma_wait3A_1341 = arith.constant 0 : i32
      %dma_wait3A_1342 = arith.constant 0 : i32
      %dma_wait3A_1343 = arith.constant 0 : i32
      %dma_wait3A_1344 = arith.constant 0 : i32
      %dma_wait3A_1345 = tpu.memref_slice %arg3[%scan3A_1105, %dma_wait3A_1341, %dma_wait3A_1342, %dma_wait3A_1343, %dma_wait3A_1344] : memref<2x32x40x2x125xi32, #tpu.memory_space<hbm>> -> memref<1x32x40x2x125xi32, #tpu.memory_space<hbm>>
      %dma_wait3A_1346 = tpu.memref_squeeze %dma_wait3A_1345 : memref<1x32x40x2x125xi32, #tpu.memory_space<hbm>> -> memref<32x40x2x125xi32, #tpu.memory_space<hbm>>
      %dma_wait3A_1347 = arith.constant 0 : i32
      %dma_wait3A_1348 = arith.constant 0 : i32
      %dma_wait3A_1349 = tpu.memref_slice %dma_wait3A_1346[%add3A, %add3A_1306, %dma_wait3A_1347, %dma_wait3A_1348] : memref<32x40x2x125xi32, #tpu.memory_space<hbm>> -> memref<1x1x2x125xi32, #tpu.memory_space<hbm>>
      %dma_wait3A_1350 = tpu.memref_squeeze %dma_wait3A_1349 : memref<1x1x2x125xi32, #tpu.memory_space<hbm>> -> memref<2x125xi32, #tpu.memory_space<hbm>>
      %dma_wait3A_1351 = arith.constant 0 : i32
      %dma_wait3A_1352 = arith.constant 0 : i32
      %dma_wait3A_1353 = tpu.memref_slice %arg8[%dma_wait3A_1336, %dma_wait3A_1351, %dma_wait3A_1352] : memref<2x2x125xi32, #tpu.memory_space<vmem>> -> memref<1x2x125xi32, #tpu.memory_space<vmem>>
      %dma_wait3A_1354 = tpu.memref_squeeze %dma_wait3A_1353 : memref<1x2x125xi32, #tpu.memory_space<vmem>> -> memref<2x125xi32, #tpu.memory_space<vmem>>
      %dma_wait3A_1355 = arith.constant 0 : i32
      %dma_wait3A_1356 = arith.constant 0 : i32
      %dma_wait3A_1357 = arith.constant 0 : i32
      %dma_wait3A_1358 = arith.constant 0 : i32
      %dma_wait3A_1359 = tpu.memref_slice %arg3[%scan3A_1105, %dma_wait3A_1355, %dma_wait3A_1356, %dma_wait3A_1357, %dma_wait3A_1358] : memref<2x32x40x2x125xi32, #tpu.memory_space<hbm>> -> memref<1x32x40x2x125xi32, #tpu.memory_space<hbm>>
      %dma_wait3A_1360 = tpu.memref_squeeze %dma_wait3A_1359 : memref<1x32x40x2x125xi32, #tpu.memory_space<hbm>> -> memref<32x40x2x125xi32, #tpu.memory_space<hbm>>
      %dma_wait3A_1361 = arith.constant 0 : i32
      %dma_wait3A_1362 = arith.constant 0 : i32
      %dma_wait3A_1363 = tpu.memref_slice %dma_wait3A_1360[%add3A, %add3A_1306, %dma_wait3A_1361, %dma_wait3A_1362] : memref<32x40x2x125xi32, #tpu.memory_space<hbm>> -> memref<1x1x2x125xi32, #tpu.memory_space<hbm>>
      %dma_wait3A_1364 = tpu.memref_squeeze %dma_wait3A_1363 : memref<1x1x2x125xi32, #tpu.memory_space<hbm>> -> memref<2x125xi32, #tpu.memory_space<hbm>>
      tpu.wait_dma2 semaphore(%arg19 : memref<!tpu.dma_semaphore, #tpu.memory_space<semaphore_mem>>) src(%dma_wait3A_1364 : memref<2x125xi32, #tpu.memory_space<hbm>>) dst(%dma_wait3A_1354 : memref<2x125xi32, #tpu.memory_space<vmem>>)
      %dma_start3A_1365 = arith.constant 1 : i32
      %dma_start3A_1366 = arith.constant 0 : i32
      %dma_start3A_1367 = arith.constant 0 : i32
      %dma_start3A_1368 = arith.constant 0 : i32
      %dma_start3A_1369 = arith.constant 0 : i32
      %dma_start3A_1370 = tpu.memref_slice %arg9[%dma_start3A_1367, %dma_start3A_1368, %dma_start3A_1369] : memref<2x125x64xf32, #tpu.memory_space<vmem>> -> memref<1x125x64xf32, #tpu.memory_space<vmem>>
      %dma_start3A_1371 = tpu.memref_squeeze %dma_start3A_1370 : memref<1x125x64xf32, #tpu.memory_space<vmem>> -> memref<125x64xf32, #tpu.memory_space<vmem>>
      %dma_start3A_1372 = arith.constant 0 : i32
      %dma_start3A_1373 = tpu.memref_slice %arg7[%dma_start3A_1365, %dma_start3A_1366, %dma_start3A_1372] : memref<2x2x125xi32, #tpu.memory_space<vmem>> -> memref<1x1x125xi32, #tpu.memory_space<vmem>>
      %dma_start3A_1374 = tpu.memref_squeeze %dma_start3A_1373 : memref<1x1x125xi32, #tpu.memory_space<vmem>> -> memref<125xi32, #tpu.memory_space<vmem>>
      %dma_start3A_1375 = arith.constant 0 : i32
      %dma_start3A_1376 = arith.constant 0 : i32
      %dma_start3A_1377 = tpu.memref_slice %arg2[%dma_start3A_1375, %dma_start3A_1376] : memref<10000x64xf32, #tpu.memory_space<hbm>> -> memref<10000x64xf32, #tpu.memory_space<hbm>>
      tpu.enqueue_indirect_dma source(%dma_start3A_1377 : memref<10000x64xf32, #tpu.memory_space<hbm>>) target(%dma_start3A_1371 : memref<125x64xf32, #tpu.memory_space<vmem>>) offsets(%dma_start3A_1374 : memref<125xi32, #tpu.memory_space<vmem>>) semaphore(%arg11 : memref<!tpu.dma_semaphore, #tpu.memory_space<semaphore_mem>>)
      %dma_wait3A_1378 = arith.constant 0 : i32
      %dma_wait3A_1379 = arith.constant 0 : i32
      %dma_wait3A_1380 = arith.constant 0 : i32
      %dma_wait3A_1381 = tpu.memref_slice %arg8[%dma_wait3A_1378, %dma_wait3A_1379, %dma_wait3A_1380] : memref<2x2x125xi32, #tpu.memory_space<vmem>> -> memref<1x1x125xi32, #tpu.memory_space<vmem>>
      %dma_wait3A_1382 = tpu.memref_squeeze %dma_wait3A_1381 : memref<1x1x125xi32, #tpu.memory_space<vmem>> -> memref<125xi32, #tpu.memory_space<vmem>>
      %dma_wait3A_1383 = arith.constant 0 : i32
      %dma_wait3A_1384 = arith.constant 0 : i32
      %dma_wait3A_1385 = tpu.memref_slice %arg5[%dma_wait3A_1383, %dma_wait3A_1384] : memref<10000x64xf32, #tpu.memory_space<vmem_shared>> -> memref<10000x64xf32, #tpu.memory_space<vmem_shared>>
      tpu.wait_indirect_dma semaphore(%arg13 : memref<!tpu.dma_semaphore, #tpu.memory_space<semaphore_mem>>) src(%arg10 : memref<125x64xf32, #tpu.memory_space<vmem>>) dst(%dma_wait3A_1385 : memref<10000x64xf32, #tpu.memory_space<vmem_shared>>)
      %parallel_loop3A_1386 = arith.constant 0 : i32
      %parallel_loop3A_1387 = arith.constant 125 : i32
      %parallel_loop3A_1388 = arith.constant 1 : i32
      scf.for %parallel_loop3A_1536 = %parallel_loop3A_1386 to %parallel_loop3A_1387 step %parallel_loop3A_1388  : i32 {
        %parallel_loop3A_1537 = arith.constant 1 : i32
        %parallel_loop3A_1538 = arith.index_cast %parallel_loop3A_1537 : i32 to index
        %parallel_loop3A_1539 = arith.index_cast %parallel_loop3A_1536 : i32 to index
        %parallel_loop3A_1540 = arith.constant 0 : index
        %parallel_loop3A_1541 = tpu.vector_load %arg9[%parallel_loop3A_1538, %parallel_loop3A_1539, %parallel_loop3A_1540] {strides = array<i32>} : memref<2x125x64xf32, #tpu.memory_space<vmem>>, vector<1x1x16xf32>,
        %parallel_loop3A_1542 = vector.shape_cast %parallel_loop3A_1541 : vector<1x1x16xf32> to vector<16xf32>
        %parallel_loop3A_1543 = tpu.bitcast %parallel_loop3A_1542 : vector<16xf32> -> vector<16xi32>
        %parallel_loop3A_1544 = arith.constant 16 : i32
        %parallel_loop3A_1545 = vector.broadcast %parallel_loop3A_1544 : i32 to vector<16xi32>
        %parallel_loop3A_1546 = arith.shli %parallel_loop3A_1543, %parallel_loop3A_1545 : vector<16xi32>
        %parallel_loop3A_1547 = tpu.bitcast %parallel_loop3A_1546 : vector<16xi32> -> vector<16xf32>
        %parallel_loop3A_1548 = arith.index_cast %parallel_loop3A_1536 : i32 to index
        %parallel_loop3A_1549 = arith.constant 0 : index
        %parallel_loop3A_1550 = tpu.vector_load %arg10[%parallel_loop3A_1548, %parallel_loop3A_1549] {strides = array<i32>} : memref<125x64xf32, #tpu.memory_space<vmem>>, vector<1x16xf32>,
        %parallel_loop3A_1551 = vector.shape_cast %parallel_loop3A_1550 : vector<1x16xf32> to vector<16xf32>
        %parallel_loop3A_1552 = vector.shape_cast %parallel_loop3A_1547 : vector<16xf32> to vector<1x16xf32>
        tpu.vector_store %arg10[%parallel_loop3A_1548, %parallel_loop3A_1549], %parallel_loop3A_1552 {strides = array<i32>} : memref<125x64xf32, #tpu.memory_space<vmem>>, vector<1x16xf32>,
        %parallel_loop3A_1553 = arith.constant 1 : i32
        %parallel_loop3A_1554 = arith.index_cast %parallel_loop3A_1553 : i32 to index
        %parallel_loop3A_1555 = arith.index_cast %parallel_loop3A_1536 : i32 to index
        %parallel_loop3A_1556 = arith.constant 16 : index
        %parallel_loop3A_1557 = tpu.vector_load %arg9[%parallel_loop3A_1554, %parallel_loop3A_1555, %parallel_loop3A_1556] {strides = array<i32>} : memref<2x125x64xf32, #tpu.memory_space<vmem>>, vector<1x1x16xf32>,
        %parallel_loop3A_1558 = vector.shape_cast %parallel_loop3A_1557 : vector<1x1x16xf32> to vector<16xf32>
        %parallel_loop3A_1559 = tpu.bitcast %parallel_loop3A_1558 : vector<16xf32> -> vector<16xi32>
        %parallel_loop3A_1560 = arith.constant 16 : i32
        %parallel_loop3A_1561 = vector.broadcast %parallel_loop3A_1560 : i32 to vector<16xi32>
        %parallel_loop3A_1562 = arith.shli %parallel_loop3A_1559, %parallel_loop3A_1561 : vector<16xi32>
        %parallel_loop3A_1563 = tpu.bitcast %parallel_loop3A_1562 : vector<16xi32> -> vector<16xf32>
        %parallel_loop3A_1564 = arith.index_cast %parallel_loop3A_1536 : i32 to index
        %parallel_loop3A_1565 = arith.constant 16 : index
        %parallel_loop3A_1566 = tpu.vector_load %arg10[%parallel_loop3A_1564, %parallel_loop3A_1565] {strides = array<i32>} : memref<125x64xf32, #tpu.memory_space<vmem>>, vector<1x16xf32>,
        %parallel_loop3A_1567 = vector.shape_cast %parallel_loop3A_1566 : vector<1x16xf32> to vector<16xf32>
        %parallel_loop3A_1568 = vector.shape_cast %parallel_loop3A_1563 : vector<16xf32> to vector<1x16xf32>
        tpu.vector_store %arg10[%parallel_loop3A_1564, %parallel_loop3A_1565], %parallel_loop3A_1568 {strides = array<i32>} : memref<125x64xf32, #tpu.memory_space<vmem>>, vector<1x16xf32>,
        %parallel_loop3A_1569 = arith.constant 1 : i32
        %parallel_loop3A_1570 = arith.index_cast %parallel_loop3A_1569 : i32 to index
        %parallel_loop3A_1571 = arith.index_cast %parallel_loop3A_1536 : i32 to index
        %parallel_loop3A_1572 = arith.constant 32 : index
        %parallel_loop3A_1573 = tpu.vector_load %arg9[%parallel_loop3A_1570, %parallel_loop3A_1571, %parallel_loop3A_1572] {strides = array<i32>} : memref<2x125x64xf32, #tpu.memory_space<vmem>>, vector<1x1x16xf32>,
        %parallel_loop3A_1574 = vector.shape_cast %parallel_loop3A_1573 : vector<1x1x16xf32> to vector<16xf32>
        %parallel_loop3A_1575 = tpu.bitcast %parallel_loop3A_1574 : vector<16xf32> -> vector<16xi32>
        %parallel_loop3A_1576 = arith.constant 16 : i32
        %parallel_loop3A_1577 = vector.broadcast %parallel_loop3A_1576 : i32 to vector<16xi32>
        %parallel_loop3A_1578 = arith.shli %parallel_loop3A_1575, %parallel_loop3A_1577 : vector<16xi32>
        %parallel_loop3A_1579 = tpu.bitcast %parallel_loop3A_1578 : vector<16xi32> -> vector<16xf32>
        %parallel_loop3A_1580 = arith.index_cast %parallel_loop3A_1536 : i32 to index
        %parallel_loop3A_1581 = arith.constant 32 : index
        %parallel_loop3A_1582 = tpu.vector_load %arg10[%parallel_loop3A_1580, %parallel_loop3A_1581] {strides = array<i32>} : memref<125x64xf32, #tpu.memory_space<vmem>>, vector<1x16xf32>,
        %parallel_loop3A_1583 = vector.shape_cast %parallel_loop3A_1582 : vector<1x16xf32> to vector<16xf32>
        %parallel_loop3A_1584 = vector.shape_cast %parallel_loop3A_1579 : vector<16xf32> to vector<1x16xf32>
        tpu.vector_store %arg10[%parallel_loop3A_1580, %parallel_loop3A_1581], %parallel_loop3A_1584 {strides = array<i32>} : memref<125x64xf32, #tpu.memory_space<vmem>>, vector<1x16xf32>,
        %parallel_loop3A_1585 = arith.constant 1 : i32
        %parallel_loop3A_1586 = arith.index_cast %parallel_loop3A_1585 : i32 to index
        %parallel_loop3A_1587 = arith.index_cast %parallel_loop3A_1536 : i32 to index
        %parallel_loop3A_1588 = arith.constant 48 : index
        %parallel_loop3A_1589 = tpu.vector_load %arg9[%parallel_loop3A_1586, %parallel_loop3A_1587, %parallel_loop3A_1588] {strides = array<i32>} : memref<2x125x64xf32, #tpu.memory_space<vmem>>, vector<1x1x16xf32>,
        %parallel_loop3A_1590 = vector.shape_cast %parallel_loop3A_1589 : vector<1x1x16xf32> to vector<16xf32>
        %parallel_loop3A_1591 = tpu.bitcast %parallel_loop3A_1590 : vector<16xf32> -> vector<16xi32>
        %parallel_loop3A_1592 = arith.constant 16 : i32
        %parallel_loop3A_1593 = vector.broadcast %parallel_loop3A_1592 : i32 to vector<16xi32>
        %parallel_loop3A_1594 = arith.shli %parallel_loop3A_1591, %parallel_loop3A_1593 : vector<16xi32>
        %parallel_loop3A_1595 = tpu.bitcast %parallel_loop3A_1594 : vector<16xi32> -> vector<16xf32>
        %parallel_loop3A_1596 = arith.index_cast %parallel_loop3A_1536 : i32 to index
        %parallel_loop3A_1597 = arith.constant 48 : index
        %parallel_loop3A_1598 = tpu.vector_load %arg10[%parallel_loop3A_1596, %parallel_loop3A_1597] {strides = array<i32>} : memref<125x64xf32, #tpu.memory_space<vmem>>, vector<1x16xf32>,
        %parallel_loop3A_1599 = vector.shape_cast %parallel_loop3A_1598 : vector<1x16xf32> to vector<16xf32>
        %parallel_loop3A_1600 = vector.shape_cast %parallel_loop3A_1595 : vector<16xf32> to vector<1x16xf32>
        tpu.vector_store %arg10[%parallel_loop3A_1596, %parallel_loop3A_1597], %parallel_loop3A_1600 {strides = array<i32>} : memref<125x64xf32, #tpu.memory_space<vmem>>, vector<1x16xf32>,
      } {sc.loop_unroll_factor = 5 : i64, sc.parallel_access}
      %dma_start3A_1389 = arith.constant 0 : i32
      %dma_start3A_1390 = arith.constant 1 : i32
      %dma_start3A_1391 = arith.constant 0 : i32
      %dma_start3A_1392 = tpu.memref_slice %arg8[%dma_start3A_1389, %dma_start3A_1390, %dma_start3A_1391] : memref<2x2x125xi32, #tpu.memory_space<vmem>> -> memref<1x1x125xi32, #tpu.memory_space<vmem>>
      %dma_start3A_1393 = tpu.memref_squeeze %dma_start3A_1392 : memref<1x1x125xi32, #tpu.memory_space<vmem>> -> memref<125xi32, #tpu.memory_space<vmem>>
      %dma_start3A_1394 = arith.constant 0 : i32
      %dma_start3A_1395 = arith.constant 0 : i32
      %dma_start3A_1396 = tpu.memref_slice %arg5[%dma_start3A_1394, %dma_start3A_1395] : memref<10000x64xf32, #tpu.memory_space<vmem_shared>> -> memref<10000x64xf32, #tpu.memory_space<vmem_shared>>
      tpu.enqueue_indirect_dma source(%arg10 : memref<125x64xf32, #tpu.memory_space<vmem>>) target(%dma_start3A_1396 : memref<10000x64xf32, #tpu.memory_space<vmem_shared>>) offsets(%dma_start3A_1393 : memref<125xi32, #tpu.memory_space<vmem>>) semaphore(%arg13 : memref<!tpu.dma_semaphore, #tpu.memory_space<semaphore_mem>>) {add = true}
      %dma_wait3A_1397 = arith.constant 1 : i32
      %dma_wait3A_1398 = arith.constant 0 : i32
      %dma_wait3A_1399 = arith.constant 0 : i32
      %dma_wait3A_1400 = arith.constant 0 : i32
      %dma_wait3A_1401 = arith.constant 0 : i32
      %dma_wait3A_1402 = tpu.memref_slice %arg9[%dma_wait3A_1399, %dma_wait3A_1400, %dma_wait3A_1401] : memref<2x125x64xf32, #tpu.memory_space<vmem>> -> memref<1x125x64xf32, #tpu.memory_space<vmem>>
      %dma_wait3A_1403 = tpu.memref_squeeze %dma_wait3A_1402 : memref<1x125x64xf32, #tpu.memory_space<vmem>> -> memref<125x64xf32, #tpu.memory_space<vmem>>
      %dma_wait3A_1404 = arith.constant 0 : i32
      %dma_wait3A_1405 = tpu.memref_slice %arg7[%dma_wait3A_1397, %dma_wait3A_1398, %dma_wait3A_1404] : memref<2x2x125xi32, #tpu.memory_space<vmem>> -> memref<1x1x125xi32, #tpu.memory_space<vmem>>
      %dma_wait3A_1406 = tpu.memref_squeeze %dma_wait3A_1405 : memref<1x1x125xi32, #tpu.memory_space<vmem>> -> memref<125xi32, #tpu.memory_space<vmem>>
      %dma_wait3A_1407 = arith.constant 0 : i32
      %dma_wait3A_1408 = arith.constant 0 : i32
      %dma_wait3A_1409 = tpu.memref_slice %arg2[%dma_wait3A_1407, %dma_wait3A_1408] : memref<10000x64xf32, #tpu.memory_space<hbm>> -> memref<10000x64xf32, #tpu.memory_space<hbm>>
      tpu.wait_indirect_dma semaphore(%arg11 : memref<!tpu.dma_semaphore, #tpu.memory_space<semaphore_mem>>) src(%dma_wait3A_1409 : memref<10000x64xf32, #tpu.memory_space<hbm>>) dst(%dma_wait3A_1403 : memref<125x64xf32, #tpu.memory_space<vmem>>)
      %dma_start3A_1410 = arith.constant 0 : i32
      %dma_start3A_1411 = arith.constant 1 : i32
      %dma_start3A_1412 = arith.constant 0 : i32
      %dma_start3A_1413 = arith.constant 0 : i32
      %dma_start3A_1414 = arith.constant 0 : i32
      %dma_start3A_1415 = tpu.memref_slice %arg9[%dma_start3A_1410, %dma_start3A_1413, %dma_start3A_1414] : memref<2x125x64xf32, #tpu.memory_space<vmem>> -> memref<1x125x64xf32, #tpu.memory_space<vmem>>
      %dma_start3A_1416 = tpu.memref_squeeze %dma_start3A_1415 : memref<1x125x64xf32, #tpu.memory_space<vmem>> -> memref<125x64xf32, #tpu.memory_space<vmem>>
      %dma_start3A_1417 = arith.constant 0 : i32
      %dma_start3A_1418 = tpu.memref_slice %arg8[%dma_start3A_1411, %dma_start3A_1412, %dma_start3A_1417] : memref<2x2x125xi32, #tpu.memory_space<vmem>> -> memref<1x1x125xi32, #tpu.memory_space<vmem>>
      %dma_start3A_1419 = tpu.memref_squeeze %dma_start3A_1418 : memref<1x1x125xi32, #tpu.memory_space<vmem>> -> memref<125xi32, #tpu.memory_space<vmem>>
      %dma_start3A_1420 = arith.constant 0 : i32
      %dma_start3A_1421 = arith.constant 0 : i32
      %dma_start3A_1422 = tpu.memref_slice %arg6[%dma_start3A_1420, %dma_start3A_1421] : memref<10000x64xf32, #tpu.memory_space<vmem_shared>> -> memref<10000x64xf32, #tpu.memory_space<vmem_shared>>
      tpu.enqueue_indirect_dma source(%dma_start3A_1416 : memref<125x64xf32, #tpu.memory_space<vmem>>) target(%dma_start3A_1422 : memref<10000x64xf32, #tpu.memory_space<vmem_shared>>) offsets(%dma_start3A_1419 : memref<125xi32, #tpu.memory_space<vmem>>) semaphore(%arg14 : memref<!tpu.dma_semaphore, #tpu.memory_space<semaphore_mem>>) {add = true}
      %dma_wait3A_1423 = arith.constant 1 : i32
      %dma_wait3A_1424 = arith.constant 0 : i32
      %dma_wait3A_1425 = arith.constant 1 : i32
      %dma_wait3A_1426 = arith.constant 0 : i32
      %dma_wait3A_1427 = arith.constant 0 : i32
      %dma_wait3A_1428 = tpu.memref_slice %arg9[%dma_wait3A_1423, %dma_wait3A_1426, %dma_wait3A_1427] : memref<2x125x64xf32, #tpu.memory_space<vmem>> -> memref<1x125x64xf32, #tpu.memory_space<vmem>>
      %dma_wait3A_1429 = tpu.memref_squeeze %dma_wait3A_1428 : memref<1x125x64xf32, #tpu.memory_space<vmem>> -> memref<125x64xf32, #tpu.memory_space<vmem>>
      %dma_wait3A_1430 = arith.constant 0 : i32
      %dma_wait3A_1431 = tpu.memref_slice %arg8[%dma_wait3A_1424, %dma_wait3A_1425, %dma_wait3A_1430] : memref<2x2x125xi32, #tpu.memory_space<vmem>> -> memref<1x1x125xi32, #tpu.memory_space<vmem>>
      %dma_wait3A_1432 = tpu.memref_squeeze %dma_wait3A_1431 : memref<1x1x125xi32, #tpu.memory_space<vmem>> -> memref<125xi32, #tpu.memory_space<vmem>>
      %dma_wait3A_1433 = arith.constant 0 : i32
      %dma_wait3A_1434 = arith.constant 0 : i32
      %dma_wait3A_1435 = tpu.memref_slice %arg6[%dma_wait3A_1433, %dma_wait3A_1434] : memref<10000x64xf32, #tpu.memory_space<vmem_shared>> -> memref<10000x64xf32, #tpu.memory_space<vmem_shared>>
      tpu.wait_indirect_dma semaphore(%arg15 : memref<!tpu.dma_semaphore, #tpu.memory_space<semaphore_mem>>) src(%dma_wait3A_1429 : memref<125x64xf32, #tpu.memory_space<vmem>>) dst(%dma_wait3A_1435 : memref<10000x64xf32, #tpu.memory_space<vmem_shared>>)
      %dma_start3A_1436 = arith.constant 1 : i32
      %dma_start3A_1437 = arith.constant 1 : i32
      %dma_start3A_1438 = arith.constant 1 : i32
      %dma_start3A_1439 = arith.constant 0 : i32
      %dma_start3A_1440 = arith.constant 0 : i32
      %dma_start3A_1441 = tpu.memref_slice %arg9[%dma_start3A_1438, %dma_start3A_1439, %dma_start3A_1440] : memref<2x125x64xf32, #tpu.memory_space<vmem>> -> memref<1x125x64xf32, #tpu.memory_space<vmem>>
      %dma_start3A_1442 = tpu.memref_squeeze %dma_start3A_1441 : memref<1x125x64xf32, #tpu.memory_space<vmem>> -> memref<125x64xf32, #tpu.memory_space<vmem>>
      %dma_start3A_1443 = arith.constant 0 : i32
      %dma_start3A_1444 = tpu.memref_slice %arg7[%dma_start3A_1436, %dma_start3A_1437, %dma_start3A_1443] : memref<2x2x125xi32, #tpu.memory_space<vmem>> -> memref<1x1x125xi32, #tpu.memory_space<vmem>>
      %dma_start3A_1445 = tpu.memref_squeeze %dma_start3A_1444 : memref<1x1x125xi32, #tpu.memory_space<vmem>> -> memref<125xi32, #tpu.memory_space<vmem>>
      %dma_start3A_1446 = arith.constant 0 : i32
      %dma_start3A_1447 = arith.constant 0 : i32
      %dma_start3A_1448 = tpu.memref_slice %arg2[%dma_start3A_1446, %dma_start3A_1447] : memref<10000x64xf32, #tpu.memory_space<hbm>> -> memref<10000x64xf32, #tpu.memory_space<hbm>>
      tpu.enqueue_indirect_dma source(%dma_start3A_1448 : memref<10000x64xf32, #tpu.memory_space<hbm>>) target(%dma_start3A_1442 : memref<125x64xf32, #tpu.memory_space<vmem>>) offsets(%dma_start3A_1445 : memref<125xi32, #tpu.memory_space<vmem>>) semaphore(%arg12 : memref<!tpu.dma_semaphore, #tpu.memory_space<semaphore_mem>>)
      %dma_wait3A_1449 = arith.constant 0 : i32
      %dma_wait3A_1450 = arith.constant 1 : i32
      %dma_wait3A_1451 = arith.constant 0 : i32
      %dma_wait3A_1452 = tpu.memref_slice %arg8[%dma_wait3A_1449, %dma_wait3A_1450, %dma_wait3A_1451] : memref<2x2x125xi32, #tpu.memory_space<vmem>> -> memref<1x1x125xi32, #tpu.memory_space<vmem>>
      %dma_wait3A_1453 = tpu.memref_squeeze %dma_wait3A_1452 : memref<1x1x125xi32, #tpu.memory_space<vmem>> -> memref<125xi32, #tpu.memory_space<vmem>>
      %dma_wait3A_1454 = arith.constant 0 : i32
      %dma_wait3A_1455 = arith.constant 0 : i32
      %dma_wait3A_1456 = tpu.memref_slice %arg5[%dma_wait3A_1454, %dma_wait3A_1455] : memref<10000x64xf32, #tpu.memory_space<vmem_shared>> -> memref<10000x64xf32, #tpu.memory_space<vmem_shared>>
      tpu.wait_indirect_dma semaphore(%arg13 : memref<!tpu.dma_semaphore, #tpu.memory_space<semaphore_mem>>) src(%arg10 : memref<125x64xf32, #tpu.memory_space<vmem>>) dst(%dma_wait3A_1456 : memref<10000x64xf32, #tpu.memory_space<vmem_shared>>)
      %parallel_loop3A_1457 = arith.constant 0 : i32
      %parallel_loop3A_1458 = arith.constant 125 : i32
      %parallel_loop3A_1459 = arith.constant 1 : i32
      scf.for %parallel_loop3A_1536 = %parallel_loop3A_1457 to %parallel_loop3A_1458 step %parallel_loop3A_1459  : i32 {
        %parallel_loop3A_1537 = arith.constant 0 : i32
        %parallel_loop3A_1538 = arith.index_cast %parallel_loop3A_1537 : i32 to index
        %parallel_loop3A_1539 = arith.index_cast %parallel_loop3A_1536 : i32 to index
        %parallel_loop3A_1540 = arith.constant 0 : index
        %parallel_loop3A_1541 = tpu.vector_load %arg9[%parallel_loop3A_1538, %parallel_loop3A_1539, %parallel_loop3A_1540] {strides = array<i32>} : memref<2x125x64xf32, #tpu.memory_space<vmem>>, vector<1x1x16xf32>,
        %parallel_loop3A_1542 = vector.shape_cast %parallel_loop3A_1541 : vector<1x1x16xf32> to vector<16xf32>
        %parallel_loop3A_1543 = tpu.bitcast %parallel_loop3A_1542 : vector<16xf32> -> vector<16xi32>
        %parallel_loop3A_1544 = arith.constant 16 : i32
        %parallel_loop3A_1545 = vector.broadcast %parallel_loop3A_1544 : i32 to vector<16xi32>
        %parallel_loop3A_1546 = arith.shli %parallel_loop3A_1543, %parallel_loop3A_1545 : vector<16xi32>
        %parallel_loop3A_1547 = tpu.bitcast %parallel_loop3A_1546 : vector<16xi32> -> vector<16xf32>
        %parallel_loop3A_1548 = arith.index_cast %parallel_loop3A_1536 : i32 to index
        %parallel_loop3A_1549 = arith.constant 0 : index
        %parallel_loop3A_1550 = tpu.vector_load %arg10[%parallel_loop3A_1548, %parallel_loop3A_1549] {strides = array<i32>} : memref<125x64xf32, #tpu.memory_space<vmem>>, vector<1x16xf32>,
        %parallel_loop3A_1551 = vector.shape_cast %parallel_loop3A_1550 : vector<1x16xf32> to vector<16xf32>
        %parallel_loop3A_1552 = vector.shape_cast %parallel_loop3A_1547 : vector<16xf32> to vector<1x16xf32>
        tpu.vector_store %arg10[%parallel_loop3A_1548, %parallel_loop3A_1549], %parallel_loop3A_1552 {strides = array<i32>} : memref<125x64xf32, #tpu.memory_space<vmem>>, vector<1x16xf32>,
        %parallel_loop3A_1553 = arith.constant 0 : i32
        %parallel_loop3A_1554 = arith.index_cast %parallel_loop3A_1553 : i32 to index
        %parallel_loop3A_1555 = arith.index_cast %parallel_loop3A_1536 : i32 to index
        %parallel_loop3A_1556 = arith.constant 16 : index
        %parallel_loop3A_1557 = tpu.vector_load %arg9[%parallel_loop3A_1554, %parallel_loop3A_1555, %parallel_loop3A_1556] {strides = array<i32>} : memref<2x125x64xf32, #tpu.memory_space<vmem>>, vector<1x1x16xf32>,
        %parallel_loop3A_1558 = vector.shape_cast %parallel_loop3A_1557 : vector<1x1x16xf32> to vector<16xf32>
        %parallel_loop3A_1559 = tpu.bitcast %parallel_loop3A_1558 : vector<16xf32> -> vector<16xi32>
        %parallel_loop3A_1560 = arith.constant 16 : i32
        %parallel_loop3A_1561 = vector.broadcast %parallel_loop3A_1560 : i32 to vector<16xi32>
        %parallel_loop3A_1562 = arith.shli %parallel_loop3A_1559, %parallel_loop3A_1561 : vector<16xi32>
        %parallel_loop3A_1563 = tpu.bitcast %parallel_loop3A_1562 : vector<16xi32> -> vector<16xf32>
        %parallel_loop3A_1564 = arith.index_cast %parallel_loop3A_1536 : i32 to index
        %parallel_loop3A_1565 = arith.constant 16 : index
        %parallel_loop3A_1566 = tpu.vector_load %arg10[%parallel_loop3A_1564, %parallel_loop3A_1565] {strides = array<i32>} : memref<125x64xf32, #tpu.memory_space<vmem>>, vector<1x16xf32>,
        %parallel_loop3A_1567 = vector.shape_cast %parallel_loop3A_1566 : vector<1x16xf32> to vector<16xf32>
        %parallel_loop3A_1568 = vector.shape_cast %parallel_loop3A_1563 : vector<16xf32> to vector<1x16xf32>
        tpu.vector_store %arg10[%parallel_loop3A_1564, %parallel_loop3A_1565], %parallel_loop3A_1568 {strides = array<i32>} : memref<125x64xf32, #tpu.memory_space<vmem>>, vector<1x16xf32>,
        %parallel_loop3A_1569 = arith.constant 0 : i32
        %parallel_loop3A_1570 = arith.index_cast %parallel_loop3A_1569 : i32 to index
        %parallel_loop3A_1571 = arith.index_cast %parallel_loop3A_1536 : i32 to index
        %parallel_loop3A_1572 = arith.constant 32 : index
        %parallel_loop3A_1573 = tpu.vector_load %arg9[%parallel_loop3A_1570, %parallel_loop3A_1571, %parallel_loop3A_1572] {strides = array<i32>} : memref<2x125x64xf32, #tpu.memory_space<vmem>>, vector<1x1x16xf32>,
        %parallel_loop3A_1574 = vector.shape_cast %parallel_loop3A_1573 : vector<1x1x16xf32> to vector<16xf32>
        %parallel_loop3A_1575 = tpu.bitcast %parallel_loop3A_1574 : vector<16xf32> -> vector<16xi32>
        %parallel_loop3A_1576 = arith.constant 16 : i32
        %parallel_loop3A_1577 = vector.broadcast %parallel_loop3A_1576 : i32 to vector<16xi32>
        %parallel_loop3A_1578 = arith.shli %parallel_loop3A_1575, %parallel_loop3A_1577 : vector<16xi32>
        %parallel_loop3A_1579 = tpu.bitcast %parallel_loop3A_1578 : vector<16xi32> -> vector<16xf32>
        %parallel_loop3A_1580 = arith.index_cast %parallel_loop3A_1536 : i32 to index
        %parallel_loop3A_1581 = arith.constant 32 : index
        %parallel_loop3A_1582 = tpu.vector_load %arg10[%parallel_loop3A_1580, %parallel_loop3A_1581] {strides = array<i32>} : memref<125x64xf32, #tpu.memory_space<vmem>>, vector<1x16xf32>,
        %parallel_loop3A_1583 = vector.shape_cast %parallel_loop3A_1582 : vector<1x16xf32> to vector<16xf32>
        %parallel_loop3A_1584 = vector.shape_cast %parallel_loop3A_1579 : vector<16xf32> to vector<1x16xf32>
        tpu.vector_store %arg10[%parallel_loop3A_1580, %parallel_loop3A_1581], %parallel_loop3A_1584 {strides = array<i32>} : memref<125x64xf32, #tpu.memory_space<vmem>>, vector<1x16xf32>,
        %parallel_loop3A_1585 = arith.constant 0 : i32
        %parallel_loop3A_1586 = arith.index_cast %parallel_loop3A_1585 : i32 to index
        %parallel_loop3A_1587 = arith.index_cast %parallel_loop3A_1536 : i32 to index
        %parallel_loop3A_1588 = arith.constant 48 : index
        %parallel_loop3A_1589 = tpu.vector_load %arg9[%parallel_loop3A_1586, %parallel_loop3A_1587, %parallel_loop3A_1588] {strides = array<i32>} : memref<2x125x64xf32, #tpu.memory_space<vmem>>, vector<1x1x16xf32>,
        %parallel_loop3A_1590 = vector.shape_cast %parallel_loop3A_1589 : vector<1x1x16xf32> to vector<16xf32>
        %parallel_loop3A_1591 = tpu.bitcast %parallel_loop3A_1590 : vector<16xf32> -> vector<16xi32>
        %parallel_loop3A_1592 = arith.constant 16 : i32
        %parallel_loop3A_1593 = vector.broadcast %parallel_loop3A_1592 : i32 to vector<16xi32>
        %parallel_loop3A_1594 = arith.shli %parallel_loop3A_1591, %parallel_loop3A_1593 : vector<16xi32>
        %parallel_loop3A_1595 = tpu.bitcast %parallel_loop3A_1594 : vector<16xi32> -> vector<16xf32>
        %parallel_loop3A_1596 = arith.index_cast %parallel_loop3A_1536 : i32 to index
        %parallel_loop3A_1597 = arith.constant 48 : index
        %parallel_loop3A_1598 = tpu.vector_load %arg10[%parallel_loop3A_1596, %parallel_loop3A_1597] {strides = array<i32>} : memref<125x64xf32, #tpu.memory_space<vmem>>, vector<1x16xf32>,
        %parallel_loop3A_1599 = vector.shape_cast %parallel_loop3A_1598 : vector<1x16xf32> to vector<16xf32>
        %parallel_loop3A_1600 = vector.shape_cast %parallel_loop3A_1595 : vector<16xf32> to vector<1x16xf32>
        tpu.vector_store %arg10[%parallel_loop3A_1596, %parallel_loop3A_1597], %parallel_loop3A_1600 {strides = array<i32>} : memref<125x64xf32, #tpu.memory_space<vmem>>, vector<1x16xf32>,
      } {sc.loop_unroll_factor = 5 : i64, sc.parallel_access}
      %dma_start3A_1460 = arith.constant 1 : i32
      %dma_start3A_1461 = arith.constant 0 : i32
      %dma_start3A_1462 = arith.constant 0 : i32
      %dma_start3A_1463 = tpu.memref_slice %arg8[%dma_start3A_1460, %dma_start3A_1461, %dma_start3A_1462] : memref<2x2x125xi32, #tpu.memory_space<vmem>> -> memref<1x1x125xi32, #tpu.memory_space<vmem>>
      %dma_start3A_1464 = tpu.memref_squeeze %dma_start3A_1463 : memref<1x1x125xi32, #tpu.memory_space<vmem>> -> memref<125xi32, #tpu.memory_space<vmem>>
      %dma_start3A_1465 = arith.constant 0 : i32
      %dma_start3A_1466 = arith.constant 0 : i32
      %dma_start3A_1467 = tpu.memref_slice %arg5[%dma_start3A_1465, %dma_start3A_1466] : memref<10000x64xf32, #tpu.memory_space<vmem_shared>> -> memref<10000x64xf32, #tpu.memory_space<vmem_shared>>
      tpu.enqueue_indirect_dma source(%arg10 : memref<125x64xf32, #tpu.memory_space<vmem>>) target(%dma_start3A_1467 : memref<10000x64xf32, #tpu.memory_space<vmem_shared>>) offsets(%dma_start3A_1464 : memref<125xi32, #tpu.memory_space<vmem>>) semaphore(%arg13 : memref<!tpu.dma_semaphore, #tpu.memory_space<semaphore_mem>>) {add = true}
      %lt3A_1468 = arith.constant 19 : i32
      %lt3A_1469 = arith.cmpi slt, %scan3A_1143, %lt3A_1468 : i32
      %convert_element_type3A_1470 = arith.extui %lt3A_1469 : i1 to i32
      %cond3A_1471 = arith.constant 0 : i32
      %cond3A_1472 = arith.cmpi ne, %convert_element_type3A_1470, %cond3A_1471 : i32
      scf.if %cond3A_1472 {
        %mul3A_1536 = arith.constant 2 : i32
        %mul3A_1537 = arith.muli %mul3A_1536, %scan3A_1143 : i32
        %add3A_1538 = arith.constant 2 : i32
        %add3A_1539 = arith.addi %mul3A_1537, %add3A_1538 : i32
        %dma_start3A_1540 = arith.constant 0 : i32
        %dma_start3A_1541 = arith.constant 0 : i32
        %dma_start3A_1542 = arith.constant 0 : i32
        %dma_start3A_1543 = tpu.memref_slice %arg7[%dma_start3A_1540, %dma_start3A_1541, %dma_start3A_1542] : memref<2x2x125xi32, #tpu.memory_space<vmem>> -> memref<1x2x125xi32, #tpu.memory_space<vmem>>
        %dma_start3A_1544 = tpu.memref_squeeze %dma_start3A_1543 : memref<1x2x125xi32, #tpu.memory_space<vmem>> -> memref<2x125xi32, #tpu.memory_space<vmem>>
        %dma_start3A_1545 = arith.constant 0 : i32
        %dma_start3A_1546 = arith.constant 0 : i32
        %dma_start3A_1547 = arith.constant 0 : i32
        %dma_start3A_1548 = arith.constant 0 : i32
        %dma_start3A_1549 = tpu.memref_slice %arg3[%scan3A_1104, %dma_start3A_1545, %dma_start3A_1546, %dma_start3A_1547, %dma_start3A_1548] : memref<2x32x40x2x125xi32, #tpu.memory_space<hbm>> -> memref<1x32x40x2x125xi32, #tpu.memory_space<hbm>>
        %dma_start3A_1550 = tpu.memref_squeeze %dma_start3A_1549 : memref<1x32x40x2x125xi32, #tpu.memory_space<hbm>> -> memref<32x40x2x125xi32, #tpu.memory_space<hbm>>
        %dma_start3A_1551 = arith.constant 0 : i32
        %dma_start3A_1552 = arith.constant 0 : i32
        %dma_start3A_1553 = tpu.memref_slice %dma_start3A_1550[%add3A, %add3A_1539, %dma_start3A_1551, %dma_start3A_1552] : memref<32x40x2x125xi32, #tpu.memory_space<hbm>> -> memref<1x1x2x125xi32, #tpu.memory_space<hbm>>
        %dma_start3A_1554 = tpu.memref_squeeze %dma_start3A_1553 : memref<1x1x2x125xi32, #tpu.memory_space<hbm>> -> memref<2x125xi32, #tpu.memory_space<hbm>>
        %dma_start3A_1555 = arith.constant 0 : i32
        %dma_start3A_1556 = arith.constant 0 : i32
        %dma_start3A_1557 = tpu.memref_slice %arg7[%dma_start3A_1540, %dma_start3A_1555, %dma_start3A_1556] : memref<2x2x125xi32, #tpu.memory_space<vmem>> -> memref<1x2x125xi32, #tpu.memory_space<vmem>>
        %dma_start3A_1558 = tpu.memref_squeeze %dma_start3A_1557 : memref<1x2x125xi32, #tpu.memory_space<vmem>> -> memref<2x125xi32, #tpu.memory_space<vmem>>
        %dma_start3A_1559 = arith.constant 0 : i32
        %dma_start3A_1560 = arith.constant 0 : i32
        %dma_start3A_1561 = arith.constant 0 : i32
        %dma_start3A_1562 = arith.constant 0 : i32
        %dma_start3A_1563 = tpu.memref_slice %arg3[%scan3A_1104, %dma_start3A_1559, %dma_start3A_1560, %dma_start3A_1561, %dma_start3A_1562] : memref<2x32x40x2x125xi32, #tpu.memory_space<hbm>> -> memref<1x32x40x2x125xi32, #tpu.memory_space<hbm>>
        %dma_start3A_1564 = tpu.memref_squeeze %dma_start3A_1563 : memref<1x32x40x2x125xi32, #tpu.memory_space<hbm>> -> memref<32x40x2x125xi32, #tpu.memory_space<hbm>>
        %dma_start3A_1565 = arith.constant 0 : i32
        %dma_start3A_1566 = arith.constant 0 : i32
        %dma_start3A_1567 = tpu.memref_slice %dma_start3A_1564[%add3A, %add3A_1539, %dma_start3A_1565, %dma_start3A_1566] : memref<32x40x2x125xi32, #tpu.memory_space<hbm>> -> memref<1x1x2x125xi32, #tpu.memory_space<hbm>>
        %dma_start3A_1568 = tpu.memref_squeeze %dma_start3A_1567 : memref<1x1x2x125xi32, #tpu.memory_space<hbm>> -> memref<2x125xi32, #tpu.memory_space<hbm>>
        tpu.enqueue_dma source(%dma_start3A_1568 : memref<2x125xi32, #tpu.memory_space<hbm>>) target(%dma_start3A_1558 : memref<2x125xi32, #tpu.memory_space<vmem>>) target_semaphore(%arg16 : memref<!tpu.dma_semaphore, #tpu.memory_space<semaphore_mem>>)
        %dma_start3A_1569 = arith.constant 0 : i32
        %dma_start3A_1570 = arith.constant 0 : i32
        %dma_start3A_1571 = arith.constant 0 : i32
        %dma_start3A_1572 = tpu.memref_slice %arg8[%dma_start3A_1569, %dma_start3A_1570, %dma_start3A_1571] : memref<2x2x125xi32, #tpu.memory_space<vmem>> -> memref<1x2x125xi32, #tpu.memory_space<vmem>>
        %dma_start3A_1573 = tpu.memref_squeeze %dma_start3A_1572 : memref<1x2x125xi32, #tpu.memory_space<vmem>> -> memref<2x125xi32, #tpu.memory_space<vmem>>
        %dma_start3A_1574 = arith.constant 0 : i32
        %dma_start3A_1575 = arith.constant 0 : i32
        %dma_start3A_1576 = arith.constant 0 : i32
        %dma_start3A_1577 = arith.constant 0 : i32
        %dma_start3A_1578 = tpu.memref_slice %arg3[%scan3A_1105, %dma_start3A_1574, %dma_start3A_1575, %dma_start3A_1576, %dma_start3A_1577] : memref<2x32x40x2x125xi32, #tpu.memory_space<hbm>> -> memref<1x32x40x2x125xi32, #tpu.memory_space<hbm>>
        %dma_start3A_1579 = tpu.memref_squeeze %dma_start3A_1578 : memref<1x32x40x2x125xi32, #tpu.memory_space<hbm>> -> memref<32x40x2x125xi32, #tpu.memory_space<hbm>>
        %dma_start3A_1580 = arith.constant 0 : i32
        %dma_start3A_1581 = arith.constant 0 : i32
        %dma_start3A_1582 = tpu.memref_slice %dma_start3A_1579[%add3A, %add3A_1539, %dma_start3A_1580, %dma_start3A_1581] : memref<32x40x2x125xi32, #tpu.memory_space<hbm>> -> memref<1x1x2x125xi32, #tpu.memory_space<hbm>>
        %dma_start3A_1583 = tpu.memref_squeeze %dma_start3A_1582 : memref<1x1x2x125xi32, #tpu.memory_space<hbm>> -> memref<2x125xi32, #tpu.memory_space<hbm>>
        %dma_start3A_1584 = arith.constant 0 : i32
        %dma_start3A_1585 = arith.constant 0 : i32
        %dma_start3A_1586 = tpu.memref_slice %arg8[%dma_start3A_1569, %dma_start3A_1584, %dma_start3A_1585] : memref<2x2x125xi32, #tpu.memory_space<vmem>> -> memref<1x2x125xi32, #tpu.memory_space<vmem>>
        %dma_start3A_1587 = tpu.memref_squeeze %dma_start3A_1586 : memref<1x2x125xi32, #tpu.memory_space<vmem>> -> memref<2x125xi32, #tpu.memory_space<vmem>>
        %dma_start3A_1588 = arith.constant 0 : i32
        %dma_start3A_1589 = arith.constant 0 : i32
        %dma_start3A_1590 = arith.constant 0 : i32
        %dma_start3A_1591 = arith.constant 0 : i32
        %dma_start3A_1592 = tpu.memref_slice %arg3[%scan3A_1105, %dma_start3A_1588, %dma_start3A_1589, %dma_start3A_1590, %dma_start3A_1591] : memref<2x32x40x2x125xi32, #tpu.memory_space<hbm>> -> memref<1x32x40x2x125xi32, #tpu.memory_space<hbm>>
        %dma_start3A_1593 = tpu.memref_squeeze %dma_start3A_1592 : memref<1x32x40x2x125xi32, #tpu.memory_space<hbm>> -> memref<32x40x2x125xi32, #tpu.memory_space<hbm>>
        %dma_start3A_1594 = arith.constant 0 : i32
        %dma_start3A_1595 = arith.constant 0 : i32
        %dma_start3A_1596 = tpu.memref_slice %dma_start3A_1593[%add3A, %add3A_1539, %dma_start3A_1594, %dma_start3A_1595] : memref<32x40x2x125xi32, #tpu.memory_space<hbm>> -> memref<1x1x2x125xi32, #tpu.memory_space<hbm>>
        %dma_start3A_1597 = tpu.memref_squeeze %dma_start3A_1596 : memref<1x1x2x125xi32, #tpu.memory_space<hbm>> -> memref<2x125xi32, #tpu.memory_space<hbm>>
        tpu.enqueue_dma source(%dma_start3A_1597 : memref<2x125xi32, #tpu.memory_space<hbm>>) target(%dma_start3A_1587 : memref<2x125xi32, #tpu.memory_space<vmem>>) target_semaphore(%arg18 : memref<!tpu.dma_semaphore, #tpu.memory_space<semaphore_mem>>)
      } else {
      }
      %dma_wait3A_1473 = arith.constant 1 : i32
      %dma_wait3A_1474 = arith.constant 1 : i32
      %dma_wait3A_1475 = arith.constant 1 : i32
      %dma_wait3A_1476 = arith.constant 0 : i32
      %dma_wait3A_1477 = arith.constant 0 : i32
      %dma_wait3A_1478 = tpu.memref_slice %arg9[%dma_wait3A_1475, %dma_wait3A_1476, %dma_wait3A_1477] : memref<2x125x64xf32, #tpu.memory_space<vmem>> -> memref<1x125x64xf32, #tpu.memory_space<vmem>>
      %dma_wait3A_1479 = tpu.memref_squeeze %dma_wait3A_1478 : memref<1x125x64xf32, #tpu.memory_space<vmem>> -> memref<125x64xf32, #tpu.memory_space<vmem>>
      %dma_wait3A_1480 = arith.constant 0 : i32
      %dma_wait3A_1481 = tpu.memref_slice %arg7[%dma_wait3A_1473, %dma_wait3A_1474, %dma_wait3A_1480] : memref<2x2x125xi32, #tpu.memory_space<vmem>> -> memref<1x1x125xi32, #tpu.memory_space<vmem>>
      %dma_wait3A_1482 = tpu.memref_squeeze %dma_wait3A_1481 : memref<1x1x125xi32, #tpu.memory_space<vmem>> -> memref<125xi32, #tpu.memory_space<vmem>>
      %dma_wait3A_1483 = arith.constant 0 : i32
      %dma_wait3A_1484 = arith.constant 0 : i32
      %dma_wait3A_1485 = tpu.memref_slice %arg2[%dma_wait3A_1483, %dma_wait3A_1484] : memref<10000x64xf32, #tpu.memory_space<hbm>> -> memref<10000x64xf32, #tpu.memory_space<hbm>>
      tpu.wait_indirect_dma semaphore(%arg12 : memref<!tpu.dma_semaphore, #tpu.memory_space<semaphore_mem>>) src(%dma_wait3A_1485 : memref<10000x64xf32, #tpu.memory_space<hbm>>) dst(%dma_wait3A_1479 : memref<125x64xf32, #tpu.memory_space<vmem>>)
      %dma_start3A_1486 = arith.constant 1 : i32
      %dma_start3A_1487 = arith.constant 1 : i32
      %dma_start3A_1488 = arith.constant 1 : i32
      %dma_start3A_1489 = arith.constant 0 : i32
      %dma_start3A_1490 = arith.constant 0 : i32
      %dma_start3A_1491 = tpu.memref_slice %arg9[%dma_start3A_1486, %dma_start3A_1489, %dma_start3A_1490] : memref<2x125x64xf32, #tpu.memory_space<vmem>> -> memref<1x125x64xf32, #tpu.memory_space<vmem>>
      %dma_start3A_1492 = tpu.memref_squeeze %dma_start3A_1491 : memref<1x125x64xf32, #tpu.memory_space<vmem>> -> memref<125x64xf32, #tpu.memory_space<vmem>>
      %dma_start3A_1493 = arith.constant 0 : i32
      %dma_start3A_1494 = tpu.memref_slice %arg8[%dma_start3A_1487, %dma_start3A_1488, %dma_start3A_1493] : memref<2x2x125xi32, #tpu.memory_space<vmem>> -> memref<1x1x125xi32, #tpu.memory_space<vmem>>
      %dma_start3A_1495 = tpu.memref_squeeze %dma_start3A_1494 : memref<1x1x125xi32, #tpu.memory_space<vmem>> -> memref<125xi32, #tpu.memory_space<vmem>>
      %dma_start3A_1496 = arith.constant 0 : i32
      %dma_start3A_1497 = arith.constant 0 : i32
      %dma_start3A_1498 = tpu.memref_slice %arg6[%dma_start3A_1496, %dma_start3A_1497] : memref<10000x64xf32, #tpu.memory_space<vmem_shared>> -> memref<10000x64xf32, #tpu.memory_space<vmem_shared>>
      tpu.enqueue_indirect_dma source(%dma_start3A_1492 : memref<125x64xf32, #tpu.memory_space<vmem>>) target(%dma_start3A_1498 : memref<10000x64xf32, #tpu.memory_space<vmem_shared>>) offsets(%dma_start3A_1495 : memref<125xi32, #tpu.memory_space<vmem>>) semaphore(%arg15 : memref<!tpu.dma_semaphore, #tpu.memory_space<semaphore_mem>>) {add = true}
      %dma_wait3A_1499 = arith.constant 0 : i32
      %dma_wait3A_1500 = arith.constant 1 : i32
      %dma_wait3A_1501 = arith.constant 0 : i32
      %dma_wait3A_1502 = arith.constant 0 : i32
      %dma_wait3A_1503 = arith.constant 0 : i32
      %dma_wait3A_1504 = tpu.memref_slice %arg9[%dma_wait3A_1499, %dma_wait3A_1502, %dma_wait3A_1503] : memref<2x125x64xf32, #tpu.memory_space<vmem>> -> memref<1x125x64xf32, #tpu.memory_space<vmem>>
      %dma_wait3A_1505 = tpu.memref_squeeze %dma_wait3A_1504 : memref<1x125x64xf32, #tpu.memory_space<vmem>> -> memref<125x64xf32, #tpu.memory_space<vmem>>
      %dma_wait3A_1506 = arith.constant 0 : i32
      %dma_wait3A_1507 = tpu.memref_slice %arg8[%dma_wait3A_1500, %dma_wait3A_1501, %dma_wait3A_1506] : memref<2x2x125xi32, #tpu.memory_space<vmem>> -> memref<1x1x125xi32, #tpu.memory_space<vmem>>
      %dma_wait3A_1508 = tpu.memref_squeeze %dma_wait3A_1507 : memref<1x1x125xi32, #tpu.memory_space<vmem>> -> memref<125xi32, #tpu.memory_space<vmem>>
      %dma_wait3A_1509 = arith.constant 0 : i32
      %dma_wait3A_1510 = arith.constant 0 : i32
      %dma_wait3A_1511 = tpu.memref_slice %arg6[%dma_wait3A_1509, %dma_wait3A_1510] : memref<10000x64xf32, #tpu.memory_space<vmem_shared>> -> memref<10000x64xf32, #tpu.memory_space<vmem_shared>>
      tpu.wait_indirect_dma semaphore(%arg14 : memref<!tpu.dma_semaphore, #tpu.memory_space<semaphore_mem>>) src(%dma_wait3A_1505 : memref<125x64xf32, #tpu.memory_space<vmem>>) dst(%dma_wait3A_1511 : memref<10000x64xf32, #tpu.memory_space<vmem_shared>>)
      %lt3A_1512 = arith.constant 19 : i32
      %lt3A_1513 = arith.cmpi slt, %scan3A_1143, %lt3A_1512 : i32
      %convert_element_type3A_1514 = arith.extui %lt3A_1513 : i1 to i32
      %cond3A_1515 = arith.constant 0 : i32
      %cond3A_1516 = arith.cmpi ne, %convert_element_type3A_1514, %cond3A_1515 : i32
      scf.if %cond3A_1516 {
        %mul3A_1536 = arith.constant 2 : i32
        %mul3A_1537 = arith.muli %mul3A_1536, %scan3A_1143 : i32
        %add3A_1538 = arith.constant 2 : i32
        %add3A_1539 = arith.addi %mul3A_1537, %add3A_1538 : i32
        %dma_wait3A_1540 = arith.constant 0 : i32
        %dma_wait3A_1541 = arith.constant 0 : i32
        %dma_wait3A_1542 = arith.constant 0 : i32
        %dma_wait3A_1543 = tpu.memref_slice %arg7[%dma_wait3A_1540, %dma_wait3A_1541, %dma_wait3A_1542] : memref<2x2x125xi32, #tpu.memory_space<vmem>> -> memref<1x2x125xi32, #tpu.memory_space<vmem>>
        %dma_wait3A_1544 = tpu.memref_squeeze %dma_wait3A_1543 : memref<1x2x125xi32, #tpu.memory_space<vmem>> -> memref<2x125xi32, #tpu.memory_space<vmem>>
        %dma_wait3A_1545 = arith.constant 0 : i32
        %dma_wait3A_1546 = arith.constant 0 : i32
        %dma_wait3A_1547 = arith.constant 0 : i32
        %dma_wait3A_1548 = arith.constant 0 : i32
        %dma_wait3A_1549 = tpu.memref_slice %arg3[%scan3A_1104, %dma_wait3A_1545, %dma_wait3A_1546, %dma_wait3A_1547, %dma_wait3A_1548] : memref<2x32x40x2x125xi32, #tpu.memory_space<hbm>> -> memref<1x32x40x2x125xi32, #tpu.memory_space<hbm>>
        %dma_wait3A_1550 = tpu.memref_squeeze %dma_wait3A_1549 : memref<1x32x40x2x125xi32, #tpu.memory_space<hbm>> -> memref<32x40x2x125xi32, #tpu.memory_space<hbm>>
        %dma_wait3A_1551 = arith.constant 0 : i32
        %dma_wait3A_1552 = arith.constant 0 : i32
        %dma_wait3A_1553 = tpu.memref_slice %dma_wait3A_1550[%add3A, %add3A_1539, %dma_wait3A_1551, %dma_wait3A_1552] : memref<32x40x2x125xi32, #tpu.memory_space<hbm>> -> memref<1x1x2x125xi32, #tpu.memory_space<hbm>>
        %dma_wait3A_1554 = tpu.memref_squeeze %dma_wait3A_1553 : memref<1x1x2x125xi32, #tpu.memory_space<hbm>> -> memref<2x125xi32, #tpu.memory_space<hbm>>
        %dma_wait3A_1555 = arith.constant 0 : i32
        %dma_wait3A_1556 = arith.constant 0 : i32
        %dma_wait3A_1557 = tpu.memref_slice %arg7[%dma_wait3A_1540, %dma_wait3A_1555, %dma_wait3A_1556] : memref<2x2x125xi32, #tpu.memory_space<vmem>> -> memref<1x2x125xi32, #tpu.memory_space<vmem>>
        %dma_wait3A_1558 = tpu.memref_squeeze %dma_wait3A_1557 : memref<1x2x125xi32, #tpu.memory_space<vmem>> -> memref<2x125xi32, #tpu.memory_space<vmem>>
        %dma_wait3A_1559 = arith.constant 0 : i32
        %dma_wait3A_1560 = arith.constant 0 : i32
        %dma_wait3A_1561 = arith.constant 0 : i32
        %dma_wait3A_1562 = arith.constant 0 : i32
        %dma_wait3A_1563 = tpu.memref_slice %arg3[%scan3A_1104, %dma_wait3A_1559, %dma_wait3A_1560, %dma_wait3A_1561, %dma_wait3A_1562] : memref<2x32x40x2x125xi32, #tpu.memory_space<hbm>> -> memref<1x32x40x2x125xi32, #tpu.memory_space<hbm>>
        %dma_wait3A_1564 = tpu.memref_squeeze %dma_wait3A_1563 : memref<1x32x40x2x125xi32, #tpu.memory_space<hbm>> -> memref<32x40x2x125xi32, #tpu.memory_space<hbm>>
        %dma_wait3A_1565 = arith.constant 0 : i32
        %dma_wait3A_1566 = arith.constant 0 : i32
        %dma_wait3A_1567 = tpu.memref_slice %dma_wait3A_1564[%add3A, %add3A_1539, %dma_wait3A_1565, %dma_wait3A_1566] : memref<32x40x2x125xi32, #tpu.memory_space<hbm>> -> memref<1x1x2x125xi32, #tpu.memory_space<hbm>>
        %dma_wait3A_1568 = tpu.memref_squeeze %dma_wait3A_1567 : memref<1x1x2x125xi32, #tpu.memory_space<hbm>> -> memref<2x125xi32, #tpu.memory_space<hbm>>
        tpu.wait_dma2 semaphore(%arg16 : memref<!tpu.dma_semaphore, #tpu.memory_space<semaphore_mem>>) src(%dma_wait3A_1568 : memref<2x125xi32, #tpu.memory_space<hbm>>) dst(%dma_wait3A_1558 : memref<2x125xi32, #tpu.memory_space<vmem>>)
        %dma_wait3A_1569 = arith.constant 0 : i32
        %dma_wait3A_1570 = arith.constant 0 : i32
        %dma_wait3A_1571 = arith.constant 0 : i32
        %dma_wait3A_1572 = tpu.memref_slice %arg8[%dma_wait3A_1569, %dma_wait3A_1570, %dma_wait3A_1571] : memref<2x2x125xi32, #tpu.memory_space<vmem>> -> memref<1x2x125xi32, #tpu.memory_space<vmem>>
        %dma_wait3A_1573 = tpu.memref_squeeze %dma_wait3A_1572 : memref<1x2x125xi32, #tpu.memory_space<vmem>> -> memref<2x125xi32, #tpu.memory_space<vmem>>
        %dma_wait3A_1574 = arith.constant 0 : i32
        %dma_wait3A_1575 = arith.constant 0 : i32
        %dma_wait3A_1576 = arith.constant 0 : i32
        %dma_wait3A_1577 = arith.constant 0 : i32
        %dma_wait3A_1578 = tpu.memref_slice %arg3[%scan3A_1105, %dma_wait3A_1574, %dma_wait3A_1575, %dma_wait3A_1576, %dma_wait3A_1577] : memref<2x32x40x2x125xi32, #tpu.memory_space<hbm>> -> memref<1x32x40x2x125xi32, #tpu.memory_space<hbm>>
        %dma_wait3A_1579 = tpu.memref_squeeze %dma_wait3A_1578 : memref<1x32x40x2x125xi32, #tpu.memory_space<hbm>> -> memref<32x40x2x125xi32, #tpu.memory_space<hbm>>
        %dma_wait3A_1580 = arith.constant 0 : i32
        %dma_wait3A_1581 = arith.constant 0 : i32
        %dma_wait3A_1582 = tpu.memref_slice %dma_wait3A_1579[%add3A, %add3A_1539, %dma_wait3A_1580, %dma_wait3A_1581] : memref<32x40x2x125xi32, #tpu.memory_space<hbm>> -> memref<1x1x2x125xi32, #tpu.memory_space<hbm>>
        %dma_wait3A_1583 = tpu.memref_squeeze %dma_wait3A_1582 : memref<1x1x2x125xi32, #tpu.memory_space<hbm>> -> memref<2x125xi32, #tpu.memory_space<hbm>>
        %dma_wait3A_1584 = arith.constant 0 : i32
        %dma_wait3A_1585 = arith.constant 0 : i32
        %dma_wait3A_1586 = tpu.memref_slice %arg8[%dma_wait3A_1569, %dma_wait3A_1584, %dma_wait3A_1585] : memref<2x2x125xi32, #tpu.memory_space<vmem>> -> memref<1x2x125xi32, #tpu.memory_space<vmem>>
        %dma_wait3A_1587 = tpu.memref_squeeze %dma_wait3A_1586 : memref<1x2x125xi32, #tpu.memory_space<vmem>> -> memref<2x125xi32, #tpu.memory_space<vmem>>
        %dma_wait3A_1588 = arith.constant 0 : i32
        %dma_wait3A_1589 = arith.constant 0 : i32
        %dma_wait3A_1590 = arith.constant 0 : i32
        %dma_wait3A_1591 = arith.constant 0 : i32
        %dma_wait3A_1592 = tpu.memref_slice %arg3[%scan3A_1105, %dma_wait3A_1588, %dma_wait3A_1589, %dma_wait3A_1590, %dma_wait3A_1591] : memref<2x32x40x2x125xi32, #tpu.memory_space<hbm>> -> memref<1x32x40x2x125xi32, #tpu.memory_space<hbm>>
        %dma_wait3A_1593 = tpu.memref_squeeze %dma_wait3A_1592 : memref<1x32x40x2x125xi32, #tpu.memory_space<hbm>> -> memref<32x40x2x125xi32, #tpu.memory_space<hbm>>
        %dma_wait3A_1594 = arith.constant 0 : i32
        %dma_wait3A_1595 = arith.constant 0 : i32
        %dma_wait3A_1596 = tpu.memref_slice %dma_wait3A_1593[%add3A, %add3A_1539, %dma_wait3A_1594, %dma_wait3A_1595] : memref<32x40x2x125xi32, #tpu.memory_space<hbm>> -> memref<1x1x2x125xi32, #tpu.memory_space<hbm>>
        %dma_wait3A_1597 = tpu.memref_squeeze %dma_wait3A_1596 : memref<1x1x2x125xi32, #tpu.memory_space<hbm>> -> memref<2x125xi32, #tpu.memory_space<hbm>>
        tpu.wait_dma2 semaphore(%arg18 : memref<!tpu.dma_semaphore, #tpu.memory_space<semaphore_mem>>) src(%dma_wait3A_1597 : memref<2x125xi32, #tpu.memory_space<hbm>>) dst(%dma_wait3A_1587 : memref<2x125xi32, #tpu.memory_space<vmem>>)
        %dma_start3A_1598 = arith.constant 0 : i32
        %dma_start3A_1599 = arith.constant 0 : i32
        %dma_start3A_1600 = arith.constant 0 : i32
        %dma_start3A_1601 = arith.constant 0 : i32
        %dma_start3A_1602 = arith.constant 0 : i32
        %dma_start3A_1603 = tpu.memref_slice %arg9[%dma_start3A_1600, %dma_start3A_1601, %dma_start3A_1602] : memref<2x125x64xf32, #tpu.memory_space<vmem>> -> memref<1x125x64xf32, #tpu.memory_space<vmem>>
        %dma_start3A_1604 = tpu.memref_squeeze %dma_start3A_1603 : memref<1x125x64xf32, #tpu.memory_space<vmem>> -> memref<125x64xf32, #tpu.memory_space<vmem>>
        %dma_start3A_1605 = arith.constant 0 : i32
        %dma_start3A_1606 = tpu.memref_slice %arg7[%dma_start3A_1598, %dma_start3A_1599, %dma_start3A_1605] : memref<2x2x125xi32, #tpu.memory_space<vmem>> -> memref<1x1x125xi32, #tpu.memory_space<vmem>>
        %dma_start3A_1607 = tpu.memref_squeeze %dma_start3A_1606 : memref<1x1x125xi32, #tpu.memory_space<vmem>> -> memref<125xi32, #tpu.memory_space<vmem>>
        %dma_start3A_1608 = arith.constant 0 : i32
        %dma_start3A_1609 = arith.constant 0 : i32
        %dma_start3A_1610 = tpu.memref_slice %arg2[%dma_start3A_1608, %dma_start3A_1609] : memref<10000x64xf32, #tpu.memory_space<hbm>> -> memref<10000x64xf32, #tpu.memory_space<hbm>>
        tpu.enqueue_indirect_dma source(%dma_start3A_1610 : memref<10000x64xf32, #tpu.memory_space<hbm>>) target(%dma_start3A_1604 : memref<125x64xf32, #tpu.memory_space<vmem>>) offsets(%dma_start3A_1607 : memref<125xi32, #tpu.memory_space<vmem>>) semaphore(%arg11 : memref<!tpu.dma_semaphore, #tpu.memory_space<semaphore_mem>>)
      } else {
      }
      %dma_wait3A_1517 = arith.constant 1 : i32
      %dma_wait3A_1518 = arith.constant 0 : i32
      %dma_wait3A_1519 = arith.constant 0 : i32
      %dma_wait3A_1520 = tpu.memref_slice %arg8[%dma_wait3A_1517, %dma_wait3A_1518, %dma_wait3A_1519] : memref<2x2x125xi32, #tpu.memory_space<vmem>> -> memref<1x1x125xi32, #tpu.memory_space<vmem>>
      %dma_wait3A_1521 = tpu.memref_squeeze %dma_wait3A_1520 : memref<1x1x125xi32, #tpu.memory_space<vmem>> -> memref<125xi32, #tpu.memory_space<vmem>>
      %dma_wait3A_1522 = arith.constant 0 : i32
      %dma_wait3A_1523 = arith.constant 0 : i32
      %dma_wait3A_1524 = tpu.memref_slice %arg5[%dma_wait3A_1522, %dma_wait3A_1523] : memref<10000x64xf32, #tpu.memory_space<vmem_shared>> -> memref<10000x64xf32, #tpu.memory_space<vmem_shared>>
      tpu.wait_indirect_dma semaphore(%arg13 : memref<!tpu.dma_semaphore, #tpu.memory_space<semaphore_mem>>) src(%arg10 : memref<125x64xf32, #tpu.memory_space<vmem>>) dst(%dma_wait3A_1524 : memref<10000x64xf32, #tpu.memory_space<vmem_shared>>)
      %parallel_loop3A_1525 = arith.constant 0 : i32
      %parallel_loop3A_1526 = arith.constant 125 : i32
      %parallel_loop3A_1527 = arith.constant 1 : i32
      scf.for %parallel_loop3A_1536 = %parallel_loop3A_1525 to %parallel_loop3A_1526 step %parallel_loop3A_1527  : i32 {
        %parallel_loop3A_1537 = arith.constant 1 : i32
        %parallel_loop3A_1538 = arith.index_cast %parallel_loop3A_1537 : i32 to index
        %parallel_loop3A_1539 = arith.index_cast %parallel_loop3A_1536 : i32 to index
        %parallel_loop3A_1540 = arith.constant 0 : index
        %parallel_loop3A_1541 = tpu.vector_load %arg9[%parallel_loop3A_1538, %parallel_loop3A_1539, %parallel_loop3A_1540] {strides = array<i32>} : memref<2x125x64xf32, #tpu.memory_space<vmem>>, vector<1x1x16xf32>,
        %parallel_loop3A_1542 = vector.shape_cast %parallel_loop3A_1541 : vector<1x1x16xf32> to vector<16xf32>
        %parallel_loop3A_1543 = tpu.bitcast %parallel_loop3A_1542 : vector<16xf32> -> vector<16xi32>
        %parallel_loop3A_1544 = arith.constant 16 : i32
        %parallel_loop3A_1545 = vector.broadcast %parallel_loop3A_1544 : i32 to vector<16xi32>
        %parallel_loop3A_1546 = arith.shli %parallel_loop3A_1543, %parallel_loop3A_1545 : vector<16xi32>
        %parallel_loop3A_1547 = tpu.bitcast %parallel_loop3A_1546 : vector<16xi32> -> vector<16xf32>
        %parallel_loop3A_1548 = arith.index_cast %parallel_loop3A_1536 : i32 to index
        %parallel_loop3A_1549 = arith.constant 0 : index
        %parallel_loop3A_1550 = tpu.vector_load %arg10[%parallel_loop3A_1548, %parallel_loop3A_1549] {strides = array<i32>} : memref<125x64xf32, #tpu.memory_space<vmem>>, vector<1x16xf32>,
        %parallel_loop3A_1551 = vector.shape_cast %parallel_loop3A_1550 : vector<1x16xf32> to vector<16xf32>
        %parallel_loop3A_1552 = vector.shape_cast %parallel_loop3A_1547 : vector<16xf32> to vector<1x16xf32>
        tpu.vector_store %arg10[%parallel_loop3A_1548, %parallel_loop3A_1549], %parallel_loop3A_1552 {strides = array<i32>} : memref<125x64xf32, #tpu.memory_space<vmem>>, vector<1x16xf32>,
        %parallel_loop3A_1553 = arith.constant 1 : i32
        %parallel_loop3A_1554 = arith.index_cast %parallel_loop3A_1553 : i32 to index
        %parallel_loop3A_1555 = arith.index_cast %parallel_loop3A_1536 : i32 to index
        %parallel_loop3A_1556 = arith.constant 16 : index
        %parallel_loop3A_1557 = tpu.vector_load %arg9[%parallel_loop3A_1554, %parallel_loop3A_1555, %parallel_loop3A_1556] {strides = array<i32>} : memref<2x125x64xf32, #tpu.memory_space<vmem>>, vector<1x1x16xf32>,
        %parallel_loop3A_1558 = vector.shape_cast %parallel_loop3A_1557 : vector<1x1x16xf32> to vector<16xf32>
        %parallel_loop3A_1559 = tpu.bitcast %parallel_loop3A_1558 : vector<16xf32> -> vector<16xi32>
        %parallel_loop3A_1560 = arith.constant 16 : i32
        %parallel_loop3A_1561 = vector.broadcast %parallel_loop3A_1560 : i32 to vector<16xi32>
        %parallel_loop3A_1562 = arith.shli %parallel_loop3A_1559, %parallel_loop3A_1561 : vector<16xi32>
        %parallel_loop3A_1563 = tpu.bitcast %parallel_loop3A_1562 : vector<16xi32> -> vector<16xf32>
        %parallel_loop3A_1564 = arith.index_cast %parallel_loop3A_1536 : i32 to index
        %parallel_loop3A_1565 = arith.constant 16 : index
        %parallel_loop3A_1566 = tpu.vector_load %arg10[%parallel_loop3A_1564, %parallel_loop3A_1565] {strides = array<i32>} : memref<125x64xf32, #tpu.memory_space<vmem>>, vector<1x16xf32>,
        %parallel_loop3A_1567 = vector.shape_cast %parallel_loop3A_1566 : vector<1x16xf32> to vector<16xf32>
        %parallel_loop3A_1568 = vector.shape_cast %parallel_loop3A_1563 : vector<16xf32> to vector<1x16xf32>
        tpu.vector_store %arg10[%parallel_loop3A_1564, %parallel_loop3A_1565], %parallel_loop3A_1568 {strides = array<i32>} : memref<125x64xf32, #tpu.memory_space<vmem>>, vector<1x16xf32>,
        %parallel_loop3A_1569 = arith.constant 1 : i32
        %parallel_loop3A_1570 = arith.index_cast %parallel_loop3A_1569 : i32 to index
        %parallel_loop3A_1571 = arith.index_cast %parallel_loop3A_1536 : i32 to index
        %parallel_loop3A_1572 = arith.constant 32 : index
        %parallel_loop3A_1573 = tpu.vector_load %arg9[%parallel_loop3A_1570, %parallel_loop3A_1571, %parallel_loop3A_1572] {strides = array<i32>} : memref<2x125x64xf32, #tpu.memory_space<vmem>>, vector<1x1x16xf32>,
        %parallel_loop3A_1574 = vector.shape_cast %parallel_loop3A_1573 : vector<1x1x16xf32> to vector<16xf32>
        %parallel_loop3A_1575 = tpu.bitcast %parallel_loop3A_1574 : vector<16xf32> -> vector<16xi32>
        %parallel_loop3A_1576 = arith.constant 16 : i32
        %parallel_loop3A_1577 = vector.broadcast %parallel_loop3A_1576 : i32 to vector<16xi32>
        %parallel_loop3A_1578 = arith.shli %parallel_loop3A_1575, %parallel_loop3A_1577 : vector<16xi32>
        %parallel_loop3A_1579 = tpu.bitcast %parallel_loop3A_1578 : vector<16xi32> -> vector<16xf32>
        %parallel_loop3A_1580 = arith.index_cast %parallel_loop3A_1536 : i32 to index
        %parallel_loop3A_1581 = arith.constant 32 : index
        %parallel_loop3A_1582 = tpu.vector_load %arg10[%parallel_loop3A_1580, %parallel_loop3A_1581] {strides = array<i32>} : memref<125x64xf32, #tpu.memory_space<vmem>>, vector<1x16xf32>,
        %parallel_loop3A_1583 = vector.shape_cast %parallel_loop3A_1582 : vector<1x16xf32> to vector<16xf32>
        %parallel_loop3A_1584 = vector.shape_cast %parallel_loop3A_1579 : vector<16xf32> to vector<1x16xf32>
        tpu.vector_store %arg10[%parallel_loop3A_1580, %parallel_loop3A_1581], %parallel_loop3A_1584 {strides = array<i32>} : memref<125x64xf32, #tpu.memory_space<vmem>>, vector<1x16xf32>,
        %parallel_loop3A_1585 = arith.constant 1 : i32
        %parallel_loop3A_1586 = arith.index_cast %parallel_loop3A_1585 : i32 to index
        %parallel_loop3A_1587 = arith.index_cast %parallel_loop3A_1536 : i32 to index
        %parallel_loop3A_1588 = arith.constant 48 : index
        %parallel_loop3A_1589 = tpu.vector_load %arg9[%parallel_loop3A_1586, %parallel_loop3A_1587, %parallel_loop3A_1588] {strides = array<i32>} : memref<2x125x64xf32, #tpu.memory_space<vmem>>, vector<1x1x16xf32>,
        %parallel_loop3A_1590 = vector.shape_cast %parallel_loop3A_1589 : vector<1x1x16xf32> to vector<16xf32>
        %parallel_loop3A_1591 = tpu.bitcast %parallel_loop3A_1590 : vector<16xf32> -> vector<16xi32>
        %parallel_loop3A_1592 = arith.constant 16 : i32
        %parallel_loop3A_1593 = vector.broadcast %parallel_loop3A_1592 : i32 to vector<16xi32>
        %parallel_loop3A_1594 = arith.shli %parallel_loop3A_1591, %parallel_loop3A_1593 : vector<16xi32>
        %parallel_loop3A_1595 = tpu.bitcast %parallel_loop3A_1594 : vector<16xi32> -> vector<16xf32>
        %parallel_loop3A_1596 = arith.index_cast %parallel_loop3A_1536 : i32 to index
        %parallel_loop3A_1597 = arith.constant 48 : index
        %parallel_loop3A_1598 = tpu.vector_load %arg10[%parallel_loop3A_1596, %parallel_loop3A_1597] {strides = array<i32>} : memref<125x64xf32, #tpu.memory_space<vmem>>, vector<1x16xf32>,
        %parallel_loop3A_1599 = vector.shape_cast %parallel_loop3A_1598 : vector<1x16xf32> to vector<16xf32>
        %parallel_loop3A_1600 = vector.shape_cast %parallel_loop3A_1595 : vector<16xf32> to vector<1x16xf32>
        tpu.vector_store %arg10[%parallel_loop3A_1596, %parallel_loop3A_1597], %parallel_loop3A_1600 {strides = array<i32>} : memref<125x64xf32, #tpu.memory_space<vmem>>, vector<1x16xf32>,
      } {sc.loop_unroll_factor = 5 : i64, sc.parallel_access}
      %dma_start3A_1528 = arith.constant 1 : i32
      %dma_start3A_1529 = arith.constant 1 : i32
      %dma_start3A_1530 = arith.constant 0 : i32
      %dma_start3A_1531 = tpu.memref_slice %arg8[%dma_start3A_1528, %dma_start3A_1529, %dma_start3A_1530] : memref<2x2x125xi32, #tpu.memory_space<vmem>> -> memref<1x1x125xi32, #tpu.memory_space<vmem>>
      %dma_start3A_1532 = tpu.memref_squeeze %dma_start3A_1531 : memref<1x1x125xi32, #tpu.memory_space<vmem>> -> memref<125xi32, #tpu.memory_space<vmem>>
      %dma_start3A_1533 = arith.constant 0 : i32
      %dma_start3A_1534 = arith.constant 0 : i32
      %dma_start3A_1535 = tpu.memref_slice %arg5[%dma_start3A_1533, %dma_start3A_1534] : memref<10000x64xf32, #tpu.memory_space<vmem_shared>> -> memref<10000x64xf32, #tpu.memory_space<vmem_shared>>
      tpu.enqueue_indirect_dma source(%arg10 : memref<125x64xf32, #tpu.memory_space<vmem>>) target(%dma_start3A_1535 : memref<10000x64xf32, #tpu.memory_space<vmem_shared>>) offsets(%dma_start3A_1532 : memref<125xi32, #tpu.memory_space<vmem>>) semaphore(%arg13 : memref<!tpu.dma_semaphore, #tpu.memory_space<semaphore_mem>>) {add = true}
    }
    %scan3A_1110 = arith.constant 20 : i32
    %dma_wait3A_1111 = arith.constant 1 : i32
    %dma_wait3A_1112 = arith.constant 1 : i32
    %dma_wait3A_1113 = arith.constant 1 : i32
    %dma_wait3A_1114 = arith.constant 0 : i32
    %dma_wait3A_1115 = arith.constant 0 : i32
    %dma_wait3A_1116 = tpu.memref_slice %arg9[%dma_wait3A_1111, %dma_wait3A_1114, %dma_wait3A_1115] : memref<2x125x64xf32, #tpu.memory_space<vmem>> -> memref<1x125x64xf32, #tpu.memory_space<vmem>>
    %dma_wait3A_1117 = tpu.memref_squeeze %dma_wait3A_1116 : memref<1x125x64xf32, #tpu.memory_space<vmem>> -> memref<125x64xf32, #tpu.memory_space<vmem>>
    %dma_wait3A_1118 = arith.constant 0 : i32
    %dma_wait3A_1119 = tpu.memref_slice %arg8[%dma_wait3A_1112, %dma_wait3A_1113, %dma_wait3A_1118] : memref<2x2x125xi32, #tpu.memory_space<vmem>> -> memref<1x1x125xi32, #tpu.memory_space<vmem>>
    %dma_wait3A_1120 = tpu.memref_squeeze %dma_wait3A_1119 : memref<1x1x125xi32, #tpu.memory_space<vmem>> -> memref<125xi32, #tpu.memory_space<vmem>>
    %dma_wait3A_1121 = arith.constant 0 : i32
    %dma_wait3A_1122 = arith.constant 0 : i32
    %dma_wait3A_1123 = tpu.memref_slice %arg6[%dma_wait3A_1121, %dma_wait3A_1122] : memref<10000x64xf32, #tpu.memory_space<vmem_shared>> -> memref<10000x64xf32, #tpu.memory_space<vmem_shared>>
    tpu.wait_indirect_dma semaphore(%arg15 : memref<!tpu.dma_semaphore, #tpu.memory_space<semaphore_mem>>) src(%dma_wait3A_1117 : memref<125x64xf32, #tpu.memory_space<vmem>>) dst(%dma_wait3A_1123 : memref<10000x64xf32, #tpu.memory_space<vmem_shared>>)
    %dma_wait3A_1124 = arith.constant 1 : i32
    %dma_wait3A_1125 = arith.constant 1 : i32
    %dma_wait3A_1126 = arith.constant 0 : i32
    %dma_wait3A_1127 = tpu.memref_slice %arg8[%dma_wait3A_1124, %dma_wait3A_1125, %dma_wait3A_1126] : memref<2x2x125xi32, #tpu.memory_space<vmem>> -> memref<1x1x125xi32, #tpu.memory_space<vmem>>
    %dma_wait3A_1128 = tpu.memref_squeeze %dma_wait3A_1127 : memref<1x1x125xi32, #tpu.memory_space<vmem>> -> memref<125xi32, #tpu.memory_space<vmem>>
    %dma_wait3A_1129 = arith.constant 0 : i32
    %dma_wait3A_1130 = arith.constant 0 : i32
    %dma_wait3A_1131 = tpu.memref_slice %arg5[%dma_wait3A_1129, %dma_wait3A_1130] : memref<10000x64xf32, #tpu.memory_space<vmem_shared>> -> memref<10000x64xf32, #tpu.memory_space<vmem_shared>>
    tpu.wait_indirect_dma semaphore(%arg13 : memref<!tpu.dma_semaphore, #tpu.memory_space<semaphore_mem>>) src(%arg10 : memref<125x64xf32, #tpu.memory_space<vmem>>) dst(%dma_wait3A_1131 : memref<10000x64xf32, #tpu.memory_space<vmem_shared>>)
    %barrier3A_1132 = arith.constant 0 : index
    tpu.barrier barrier_id(%barrier3A_1132)
    %lt3A_1133 = arith.constant 15 : i32
    %lt3A_1134 = arith.cmpi slt, %arg1, %lt3A_1133 : i32
    %convert_element_type3A_1135 = arith.extui %lt3A_1134 : i1 to i32
    %cond3A_1136 = arith.constant 0 : i32
    %cond3A_1137 = arith.cmpi ne, %convert_element_type3A_1135, %cond3A_1136 : i32
    scf.if %cond3A_1137 {
      %mul3A_1143 = arith.constant 632 : i32
      %mul3A_1144 = arith.muli %arg1, %mul3A_1143 : i32
      %mul3A_1145 = arith.constant 632 : i32
      %mul3A_1146 = arith.muli %arg1, %mul3A_1145 : i32
      %run_scoped3A = arith.constant 0 : i32
      "tpu.region"() ({
        %run_scoped3A_1152 = tpu.sem_alloc : memref<!tpu.dma_semaphore, #tpu.memory_space<semaphore_mem>>
        %dma_start3A_1153 = arith.constant 0 : i32
        %dma_start3A_1154 = tpu.memref_slice %arg4[%arg0, %run_scoped3A, %mul3A_1146, %dma_start3A_1153] : memref<2x2x10000x64xf32, #tpu.memory_space<hbm>> -> memref<1x1x632x64xf32, #tpu.memory_space<hbm>>
        %dma_start3A_1155 = tpu.memref_squeeze %dma_start3A_1154 : memref<1x1x632x64xf32, #tpu.memory_space<hbm>> -> memref<632x64xf32, #tpu.memory_space<hbm>>
        %dma_start3A_1156 = arith.constant 0 : i32
        %dma_start3A_1157 = tpu.memref_slice %arg5[%mul3A_1144, %dma_start3A_1156] : memref<10000x64xf32, #tpu.memory_space<vmem_shared>> -> memref<632x64xf32, #tpu.memory_space<vmem_shared>>
        tpu.enqueue_dma source(%dma_start3A_1157 : memref<632x64xf32, #tpu.memory_space<vmem_shared>>) target(%dma_start3A_1155 : memref<632x64xf32, #tpu.memory_space<hbm>>) target_semaphore(%run_scoped3A_1152 : memref<!tpu.dma_semaphore, #tpu.memory_space<semaphore_mem>>)
        %dma_wait3A_1158 = arith.constant 0 : i32
        %dma_wait3A_1159 = tpu.memref_slice %arg4[%arg0, %run_scoped3A, %mul3A_1146, %dma_wait3A_1158] : memref<2x2x10000x64xf32, #tpu.memory_space<hbm>> -> memref<1x1x632x64xf32, #tpu.memory_space<hbm>>
        %dma_wait3A_1160 = tpu.memref_squeeze %dma_wait3A_1159 : memref<1x1x632x64xf32, #tpu.memory_space<hbm>> -> memref<632x64xf32, #tpu.memory_space<hbm>>
        %dma_wait3A_1161 = arith.constant 0 : i32
        %dma_wait3A_1162 = tpu.memref_slice %arg5[%mul3A_1144, %dma_wait3A_1161] : memref<10000x64xf32, #tpu.memory_space<vmem_shared>> -> memref<632x64xf32, #tpu.memory_space<vmem_shared>>
        tpu.wait_dma2 semaphore(%run_scoped3A_1152 : memref<!tpu.dma_semaphore, #tpu.memory_space<semaphore_mem>>) src(%dma_wait3A_1162 : memref<632x64xf32, #tpu.memory_space<vmem_shared>>) dst(%dma_wait3A_1160 : memref<632x64xf32, #tpu.memory_space<hbm>>)
        tpu.yield
      }) : () -> ()
      %mul3A_1147 = arith.constant 632 : i32
      %mul3A_1148 = arith.muli %arg1, %mul3A_1147 : i32
      %mul3A_1149 = arith.constant 632 : i32
      %mul3A_1150 = arith.muli %arg1, %mul3A_1149 : i32
      %run_scoped3A_1151 = arith.constant 1 : i32
      "tpu.region"() ({
        %run_scoped3A_1152 = tpu.sem_alloc : memref<!tpu.dma_semaphore, #tpu.memory_space<semaphore_mem>>
        %dma_start3A_1153 = arith.constant 0 : i32
        %dma_start3A_1154 = tpu.memref_slice %arg4[%arg0, %run_scoped3A_1151, %mul3A_1150, %dma_start3A_1153] : memref<2x2x10000x64xf32, #tpu.memory_space<hbm>> -> memref<1x1x632x64xf32, #tpu.memory_space<hbm>>
        %dma_start3A_1155 = tpu.memref_squeeze %dma_start3A_1154 : memref<1x1x632x64xf32, #tpu.memory_space<hbm>> -> memref<632x64xf32, #tpu.memory_space<hbm>>
        %dma_start3A_1156 = arith.constant 0 : i32
        %dma_start3A_1157 = tpu.memref_slice %arg6[%mul3A_1148, %dma_start3A_1156] : memref<10000x64xf32, #tpu.memory_space<vmem_shared>> -> memref<632x64xf32, #tpu.memory_space<vmem_shared>>
        tpu.enqueue_dma source(%dma_start3A_1157 : memref<632x64xf32, #tpu.memory_space<vmem_shared>>) target(%dma_start3A_1155 : memref<632x64xf32, #tpu.memory_space<hbm>>) target_semaphore(%run_scoped3A_1152 : memref<!tpu.dma_semaphore, #tpu.memory_space<semaphore_mem>>)
        %dma_wait3A_1158 = arith.constant 0 : i32
        %dma_wait3A_1159 = tpu.memref_slice %arg4[%arg0, %run_scoped3A_1151, %mul3A_1150, %dma_wait3A_1158] : memref<2x2x10000x64xf32, #tpu.memory_space<hbm>> -> memref<1x1x632x64xf32, #tpu.memory_space<hbm>>
        %dma_wait3A_1160 = tpu.memref_squeeze %dma_wait3A_1159 : memref<1x1x632x64xf32, #tpu.memory_space<hbm>> -> memref<632x64xf32, #tpu.memory_space<hbm>>
        %dma_wait3A_1161 = arith.constant 0 : i32
        %dma_wait3A_1162 = tpu.memref_slice %arg6[%mul3A_1148, %dma_wait3A_1161] : memref<10000x64xf32, #tpu.memory_space<vmem_shared>> -> memref<632x64xf32, #tpu.memory_space<vmem_shared>>
        tpu.wait_dma2 semaphore(%run_scoped3A_1152 : memref<!tpu.dma_semaphore, #tpu.memory_space<semaphore_mem>>) src(%dma_wait3A_1162 : memref<632x64xf32, #tpu.memory_space<vmem_shared>>) dst(%dma_wait3A_1160 : memref<632x64xf32, #tpu.memory_space<hbm>>)
        tpu.yield
      }) : () -> ()
    } else {
    }
    %eq3A_1138 = arith.constant 15 : i32
    %eq3A_1139 = arith.cmpi eq, %arg1, %eq3A_1138 : i32
    %convert_element_type3A_1140 = arith.extui %eq3A_1139 : i1 to i32
    %cond3A_1141 = arith.constant 0 : i32
    %cond3A_1142 = arith.cmpi ne, %convert_element_type3A_1140, %cond3A_1141 : i32
    scf.if %cond3A_1142 {
      %run_scoped3A = arith.constant 0 : i32
      "tpu.region"() ({
        %run_scoped3A_1144 = tpu.sem_alloc : memref<!tpu.dma_semaphore, #tpu.memory_space<semaphore_mem>>
        %dma_start3A_1145 = arith.constant 9480 : i32
        %dma_start3A_1146 = arith.constant 0 : i32
        %dma_start3A_1147 = tpu.memref_slice %arg4[%arg0, %run_scoped3A, %dma_start3A_1145, %dma_start3A_1146] : memref<2x2x10000x64xf32, #tpu.memory_space<hbm>> -> memref<1x1x520x64xf32, #tpu.memory_space<hbm>>
        %dma_start3A_1148 = tpu.memref_squeeze %dma_start3A_1147 : memref<1x1x520x64xf32, #tpu.memory_space<hbm>> -> memref<520x64xf32, #tpu.memory_space<hbm>>
        %dma_start3A_1149 = arith.constant 9480 : i32
        %dma_start3A_1150 = arith.constant 0 : i32
        %dma_start3A_1151 = tpu.memref_slice %arg5[%dma_start3A_1149, %dma_start3A_1150] : memref<10000x64xf32, #tpu.memory_space<vmem_shared>> -> memref<520x64xf32, #tpu.memory_space<vmem_shared>>
        tpu.enqueue_dma source(%dma_start3A_1151 : memref<520x64xf32, #tpu.memory_space<vmem_shared>>) target(%dma_start3A_1148 : memref<520x64xf32, #tpu.memory_space<hbm>>) target_semaphore(%run_scoped3A_1144 : memref<!tpu.dma_semaphore, #tpu.memory_space<semaphore_mem>>)
        %dma_wait3A_1152 = arith.constant 9480 : i32
        %dma_wait3A_1153 = arith.constant 0 : i32
        %dma_wait3A_1154 = tpu.memref_slice %arg4[%arg0, %run_scoped3A, %dma_wait3A_1152, %dma_wait3A_1153] : memref<2x2x10000x64xf32, #tpu.memory_space<hbm>> -> memref<1x1x520x64xf32, #tpu.memory_space<hbm>>
        %dma_wait3A_1155 = tpu.memref_squeeze %dma_wait3A_1154 : memref<1x1x520x64xf32, #tpu.memory_space<hbm>> -> memref<520x64xf32, #tpu.memory_space<hbm>>
        %dma_wait3A_1156 = arith.constant 9480 : i32
        %dma_wait3A_1157 = arith.constant 0 : i32
        %dma_wait3A_1158 = tpu.memref_slice %arg5[%dma_wait3A_1156, %dma_wait3A_1157] : memref<10000x64xf32, #tpu.memory_space<vmem_shared>> -> memref<520x64xf32, #tpu.memory_space<vmem_shared>>
        tpu.wait_dma2 semaphore(%run_scoped3A_1144 : memref<!tpu.dma_semaphore, #tpu.memory_space<semaphore_mem>>) src(%dma_wait3A_1158 : memref<520x64xf32, #tpu.memory_space<vmem_shared>>) dst(%dma_wait3A_1155 : memref<520x64xf32, #tpu.memory_space<hbm>>)
        tpu.yield
      }) : () -> ()
      %run_scoped3A_1143 = arith.constant 1 : i32
      "tpu.region"() ({
        %run_scoped3A_1144 = tpu.sem_alloc : memref<!tpu.dma_semaphore, #tpu.memory_space<semaphore_mem>>
        %dma_start3A_1145 = arith.constant 9480 : i32
        %dma_start3A_1146 = arith.constant 0 : i32
        %dma_start3A_1147 = tpu.memref_slice %arg4[%arg0, %run_scoped3A_1143, %dma_start3A_1145, %dma_start3A_1146] : memref<2x2x10000x64xf32, #tpu.memory_space<hbm>> -> memref<1x1x520x64xf32, #tpu.memory_space<hbm>>
        %dma_start3A_1148 = tpu.memref_squeeze %dma_start3A_1147 : memref<1x1x520x64xf32, #tpu.memory_space<hbm>> -> memref<520x64xf32, #tpu.memory_space<hbm>>
        %dma_start3A_1149 = arith.constant 9480 : i32
        %dma_start3A_1150 = arith.constant 0 : i32
        %dma_start3A_1151 = tpu.memref_slice %arg6[%dma_start3A_1149, %dma_start3A_1150] : memref<10000x64xf32, #tpu.memory_space<vmem_shared>> -> memref<520x64xf32, #tpu.memory_space<vmem_shared>>
        tpu.enqueue_dma source(%dma_start3A_1151 : memref<520x64xf32, #tpu.memory_space<vmem_shared>>) target(%dma_start3A_1148 : memref<520x64xf32, #tpu.memory_space<hbm>>) target_semaphore(%run_scoped3A_1144 : memref<!tpu.dma_semaphore, #tpu.memory_space<semaphore_mem>>)
        %dma_wait3A_1152 = arith.constant 9480 : i32
        %dma_wait3A_1153 = arith.constant 0 : i32
        %dma_wait3A_1154 = tpu.memref_slice %arg4[%arg0, %run_scoped3A_1143, %dma_wait3A_1152, %dma_wait3A_1153] : memref<2x2x10000x64xf32, #tpu.memory_space<hbm>> -> memref<1x1x520x64xf32, #tpu.memory_space<hbm>>
        %dma_wait3A_1155 = tpu.memref_squeeze %dma_wait3A_1154 : memref<1x1x520x64xf32, #tpu.memory_space<hbm>> -> memref<520x64xf32, #tpu.memory_space<hbm>>
        %dma_wait3A_1156 = arith.constant 9480 : i32
        %dma_wait3A_1157 = arith.constant 0 : i32
        %dma_wait3A_1158 = tpu.memref_slice %arg6[%dma_wait3A_1156, %dma_wait3A_1157] : memref<10000x64xf32, #tpu.memory_space<vmem_shared>> -> memref<520x64xf32, #tpu.memory_space<vmem_shared>>
        tpu.wait_dma2 semaphore(%run_scoped3A_1144 : memref<!tpu.dma_semaphore, #tpu.memory_space<semaphore_mem>>) src(%dma_wait3A_1158 : memref<520x64xf32, #tpu.memory_space<vmem_shared>>) dst(%dma_wait3A_1155 : memref<520x64xf32, #tpu.memory_space<hbm>>)
        tpu.yield
      }) : () -> ()
    } else {
    }
    return
  }
}

module attributes {stable_mosaic.version = 14 : i64} {
  func.func @_tc_body(%arg0: i32, %arg1: memref<1000x128xf32, #tpu.memory_space<vmem>>, %arg2: memref<2x2x1000x64xf32, #tpu.memory_space<vmem>>, %arg3: memref<128x128xf32, #tpu.memory_space<vmem>>, %arg4: memref<1x128xf32, #tpu.memory_space<vmem>>, %arg5: memref<1000x128xf32, #tpu.memory_space<vmem>>) attributes {dimension_semantics = [#tpu.dimension_semantics<arbitrary>], iteration_bounds = array<i64: 10>, scalar_prefetch = 0 : i64, scratch_operands = 0 : i64, tpu.core_type = #tpu.core_type<tc>, window_params = [{transform_indices = @transform_0, window_bounds = array<i64: 1000, 128>}, {transform_indices = @transform_1, window_bounds = array<i64: 2, 2, 1000, 64>}, {pipeline_mode = #tpu.pipeline_mode<synchronous>, transform_indices = @transform_2, window_bounds = array<i64: 128, 128>}, {pipeline_mode = #tpu.pipeline_mode<synchronous>, transform_indices = @transform_3, window_bounds = array<i64: 1, 128>}, {transform_indices = @transform_4, window_bounds = array<i64: 1000, 128>}]} {
    %get3A = arith.constant 0 : index
    %get3A_0 = arith.constant 0 : index
    %get3A_1 = arith.constant 0 : index
    %get3A_2 = arith.constant 0 : index
    %get3A_3 = vector.load %arg2[%get3A, %get3A_0, %get3A_1, %get3A_2] : memref<2x2x1000x64xf32, #tpu.memory_space<vmem>>, vector<1x1x1000x64xf32>
    %get3A_4 = vector.shape_cast %get3A_3 : vector<1x1x1000x64xf32> to vector<1000x64xf32>
    %get3A_5 = arith.constant 1 : index
    %get3A_6 = arith.constant 0 : index
    %get3A_7 = arith.constant 0 : index
    %get3A_8 = arith.constant 0 : index
    %get3A_9 = vector.load %arg2[%get3A_5, %get3A_6, %get3A_7, %get3A_8] : memref<2x2x1000x64xf32, #tpu.memory_space<vmem>>, vector<1x1x1000x64xf32>
    %get3A_10 = vector.shape_cast %get3A_9 : vector<1x1x1000x64xf32> to vector<1000x64xf32>
    %add3A = arith.addf %get3A_4, %get3A_10 : vector<1000x64xf32>
    %get3A_11 = arith.constant 0 : index
    %get3A_12 = arith.constant 1 : index
    %get3A_13 = arith.constant 0 : index
    %get3A_14 = arith.constant 0 : index
    %get3A_15 = vector.load %arg2[%get3A_11, %get3A_12, %get3A_13, %get3A_14] : memref<2x2x1000x64xf32, #tpu.memory_space<vmem>>, vector<1x1x1000x64xf32>
    %get3A_16 = vector.shape_cast %get3A_15 : vector<1x1x1000x64xf32> to vector<1000x64xf32>
    %get3A_17 = arith.constant 1 : index
    %get3A_18 = arith.constant 1 : index
    %get3A_19 = arith.constant 0 : index
    %get3A_20 = arith.constant 0 : index
    %get3A_21 = vector.load %arg2[%get3A_17, %get3A_18, %get3A_19, %get3A_20] : memref<2x2x1000x64xf32, #tpu.memory_space<vmem>>, vector<1x1x1000x64xf32>
    %get3A_22 = vector.shape_cast %get3A_21 : vector<1x1x1000x64xf32> to vector<1000x64xf32>
    %add3A_23 = arith.addf %get3A_16, %get3A_22 : vector<1000x64xf32>
    %get3A_24 = arith.constant 0 : index
    %get3A_25 = arith.constant 0 : index
    %get3A_26 = vector.load %arg1[%get3A_24, %get3A_25] : memref<1000x128xf32, #tpu.memory_space<vmem>>, vector<1000x128xf32>
    %concatenate3A = tpu.concatenate %add3A, %add3A_23 in 1 : vector<1000x64xf32>, vector<1000x64xf32> -> vector<1000x128xf32>
    %add3A_27 = arith.addf %get3A_26, %concatenate3A : vector<1000x128xf32>
    %get3A_28 = arith.constant 0 : index
    %get3A_29 = arith.constant 0 : index
    %get3A_30 = vector.load %arg3[%get3A_28, %get3A_29] : memref<128x128xf32, #tpu.memory_space<vmem>>, vector<128x128xf32>
    %dot_general3A = arith.constant dense<0.000000e+00> : vector<1000x128xf32>
    %dot_general3A_31 = tpu.matmul %add3A_27, %get3A_30, %dot_general3A {dimension_numbers = #tpu.dot_dimension_numbers<[1], [1], [0], [0], [0, 0, 1, 0], [], []>, transpose_lhs_hint = false} : vector<1000x128xf32>, vector<128x128xf32>, vector<1000x128xf32> -> vector<1000x128xf32>
    %get3A_32 = arith.constant 0 : index
    %get3A_33 = arith.constant 0 : index
    %get3A_34 = vector.load %arg4[%get3A_32, %get3A_33] : memref<1x128xf32, #tpu.memory_space<vmem>>, vector<1x128xf32>
    %add3A_35 = vector.broadcast %get3A_34 : vector<1x128xf32> to vector<1000x128xf32>
    %add3A_36 = arith.addf %dot_general3A_31, %add3A_35 : vector<1000x128xf32>
    %swap3A = arith.constant 0 : index
    %swap3A_37 = arith.constant 0 : index
    %swap3A_38 = vector.load %arg5[%swap3A, %swap3A_37] : memref<1000x128xf32, #tpu.memory_space<vmem>>, vector<1000x128xf32>
    tpu.vector_store %arg5[%swap3A, %swap3A_37], %add3A_36 {strides = array<i32>} : memref<1000x128xf32, #tpu.memory_space<vmem>>, vector<1000x128xf32>,
    return
  }
  func.func @transform_0(%arg0: i32) -> (i32, i32) {
    %c0_i32 = arith.constant 0 : i32
    %c0_i32_0 = arith.constant 0 : i32
    return %arg0, %c0_i32 : i32, i32
  }
  func.func @transform_1(%arg0: i32) -> (i32, i32, i32, i32) {
    %c0_i32 = arith.constant 0 : i32
    %c0_i32_0 = arith.constant 0 : i32
    %c0_i32_1 = arith.constant 0 : i32
    %c0_i32_2 = arith.constant 0 : i32
    return %c0_i32, %c0_i32_0, %arg0, %c0_i32_1 : i32, i32, i32, i32
  }
  func.func @transform_2(%arg0: i32) -> (i32, i32) {
    %c0_i32 = arith.constant 0 : i32
    %c0_i32_0 = arith.constant 0 : i32
    %c0_i32_1 = arith.constant 0 : i32
    return %c0_i32, %c0_i32_0 : i32, i32
  }
  func.func @transform_3(%arg0: i32) -> (i32, i32) {
    %c0_i32 = arith.constant 0 : i32
    %c0_i32_0 = arith.constant 0 : i32
    %c0_i32_1 = arith.constant 0 : i32
    return %c0_i32, %c0_i32_0 : i32, i32
  }
  func.func @transform_4(%arg0: i32) -> (i32, i32) {
    %c0_i32 = arith.constant 0 : i32
    %c0_i32_0 = arith.constant 0 : i32
    return %arg0, %c0_i32 : i32, i32
  }
}

</mosaic_0001>

<sc_bundles>
// kernel: kernel.4.cloned.1.call-start
scs
__scs_entry_jumppad:
0x0: {  	(pc) =	sbr.rel $0x88, $3  }
0x1: {  	(tag) =	ssettag $0x0;
	lr =	simm.s32 $0x1  }
0x2: {  	[smem:$0x3F9D] =	sst lr;
	_ =	strace $0xD0000000  }
0x3: {  	_ = 	snop  }
0x4: {  	_ = 	snop  }
0x5: {  	_ = 	snop  }
0x6: {  	_ = 	snop  }
0x7: {  	_ = 	snop  }
__scs_overlays_trampoline_lowered:
0x8: {  	[smem:$0x3FAC] =	sst s0  }
0x9: {  	[smem:$0x3FAD] =	sst s1  }
0xa: {  	[smem:$0x3FAE] =	sst s2  }
0xb: {  	[smem:$0x3FAF] =	sst s3  }
0xc: {  	[smem:$0x3FB0] =	sst s4  }
0xd: {  	[smem:$0x3FB1] =	sst s5  }
0xe: {  	[smem:$0x3FB2] =	sst s6  }
0xf: {  	[smem:$0x3FB3] =	sst s7  }
0x10: {  	[smem:$0x3FB4] =	sst s8  }
0x11: {  	[smem:$0x3FB5] =	sst s9;
	s0 =	simm.s32 @!p0 $0x0  }
0x12: {  	s1 =	sld [smem:$0x3F9B];
	s0 =	simm.s32 @p0 $0x1  }
0x13: {  	[smem:$0x3FB6] =	sst s0;
	s0 =	simm.s32 @!p1 $0x0  }
0x14: {  	s2 =	sld [smem:$0x3F9A];
	s0 =	simm.s32 @p1 $0x1  }
0x15: {  	[smem:$0x3FB7] =	sst s0;
	s0 =	simm.s32 @!p2 $0x0  }
0x16: {  	s3 =	sld [smem:$0x3FDB];
	s0 =	simm.s32 @p2 $0x1  }
0x17: {  	s4 =	simm.s32 $0x1BF5;
	[smem:$0x3FB9] =	sst s0  }
0x18: {  	s0 =	sld [smem:$0x3F9C];
	_ =	swait.ge [sflag:s4], $0x0  }
0x19: {  	s7 =	sld [smem:$0x3F9D]  }
0x1a: {  	s8 =	sadd.s32 $0xFFFFE003, lr  }
0x1b: {  	s9 =	sadd.s32 $0xFFFFFEF7, lr;
	s5 =	simm.s32 $0xFFFFFFFF;
	p2 =	slt.u32 s8, $0xFFFFF086  }
0x1c: {  	p1 =	slt.u32 s9, $0xF7A;
	s5 =	simm.s32 @!p2 $0x0  }
0x1d: {  	s5 =	simm.s32 @p1 $0x1;
	p0 =	seq.s32 s7, s2  }
0x1e: {  	s7 =	smul.u32 @!p0 $0xF7A, s2;
	p2 =	seq.s32 @!p0 s5, $0x0  }
0x1f: {  	s9 =	smul.u32 $0xF7A, s1;
	s8 =	simm.s32 @!p0 $0x1BF5;
	p2 =	por !p2, p0  }
0x20: {  	[sflag:s8] =	ssyncset.s32 @!p0 $0xFFFFF086;
	s6 =	sadd.s32 @!p0 s3, s7;
	s7 =	simm.s32 @!p0 $0x108  }
0x21: {  	s3 =	sadd.s32 s3, s9;
	s6 =	sadd.s32 @!p0 $0x88, s6;
	s7 =	simm.s32 @p2 $0x1082  }
0x22: {  	[simem:s7], [sflag:s8] =	dma.local @!p0 [hbm:s6], $0xF7A  }
0x23: {  	s9 =	sor.u32 $0xD0000000, s2;
	s6 =	simm.s32 $0x108;
	_ =	swait.ge @!p0 [sflag:s8], $0x0  }
0x24: {  	s3 =	sadd.s32 $0x88, s3;
	s6 =	simm.s32 @!p1 $0x1082;
	[sflag:s4] =	ssyncset.s32 $0xFFFFF086  }
0x25: {  	[simem:s6], [sflag:s4] =	dma.local [hbm:s3], $0xF7A  }
0x26: {  	[smem:$0x3F9D] =	sst s1;
	(tag) =	ssettag s2;
	_ =	strace s9  }
0x27: {  	s1 =	sld [smem:$0x3FAD]  }
0x28: {  	s2 =	sld [smem:$0x3FAE]  }
0x29: {  	s4 =	sld [smem:$0x3FB0]  }
0x2a: {  	p0 =	seq.s32 s5, $0x0;
	s5 =	sld [smem:$0x3FB1]  }
0x2b: {  	s6 =	sld [smem:$0x3FB2]  }
0x2c: {  	s7 =	sld [smem:$0x3FB3]  }
0x2d: {  	s3 =	simm.s32 $0x108;
	s8 =	sld [smem:$0x3FB4]  }
0x2e: {  	s3 =	simm.s32 @!p0 $0x1082;
	s9 =	sld [smem:$0x3FB5]  }
0x2f: {  	lr =	sadd.s32 s0, s3;
	s0 =	sld [smem:$0x3FAC]  }
0x30: {  	s3 =	sld [smem:$0x3FAF]  }
0x31: {  	[smem:$0x3FB8] =	sst s10  }
0x32: {  	s10 =	sld [smem:$0x3FB6];
	_ =	sdelay $0x3  }
0x33: {  	p0 =	seq.s32 s10, $0x1;
	s10 =	sld [smem:$0x3FB8];
	_ =	sdelay $0x3  }
0x34: {  	[smem:$0x3FB8] =	sst s10  }
0x35: {  	s10 =	sld [smem:$0x3FB7];
	_ =	sdelay $0x3  }
0x36: {  	p1 =	seq.s32 s10, $0x1;
	s10 =	sld [smem:$0x3FB8];
	_ =	sdelay $0x3  }
0x37: {  	[smem:$0x3FB8] =	sst s10  }
0x38: {  	s10 =	sld [smem:$0x3FB9]  }
0x39: {  	_ = 	snop;
	(pc) =	sbr.ind lr, $3  }
0x3a: {  	_ = 	snop  }
0x3b: {  	_ = 	snop  }
0x3c: {  	p2 =	seq.s32 s10, $0x1;
	s10 =	sld [smem:$0x3FB8]  }
0x3d: {  	_ =	shalt  }
0x3e: {  	_ =	shalt  }
0x3f: {  	_ =	shalt  }
0x40: {  	_ =	shalt  }
0x41: {  	_ =	shalt  }
0x42: {  	_ =	shalt  }
0x43: {  	_ =	shalt  }
0x44: {  	_ =	shalt  }
0x45: {  	_ =	shalt  }
0x46: {  	_ =	shalt  }
0x47: {  	_ =	shalt  }
0x48: {  	_ =	shalt  }
0x49: {  	_ =	shalt  }
0x4a: {  	_ =	shalt  }
0x4b: {  	_ =	shalt  }
0x4c: {  	_ =	shalt  }
0x4d: {  	_ =	shalt  }
0x4e: {  	_ =	shalt  }
0x4f: {  	_ =	shalt  }
0x50: {  	_ =	shalt  }
0x51: {  	_ =	shalt  }
0x52: {  	_ =	shalt  }
0x53: {  	_ =	shalt  }
0x54: {  	_ =	shalt  }
0x55: {  	_ =	shalt  }
0x56: {  	_ =	shalt  }
0x57: {  	_ =	shalt  }
0x58: {  	_ =	shalt  }
0x59: {  	_ =	shalt  }
0x5a: {  	_ =	shalt  }
0x5b: {  	_ =	shalt  }
0x5c: {  	_ =	shalt  }
0x5d: {  	_ =	shalt  }
0x5e: {  	_ =	shalt  }
0x5f: {  	_ =	shalt  }
0x60: {  	_ =	shalt  }
0x61: {  	_ =	shalt  }
0x62: {  	_ =	shalt  }
0x63: {  	_ =	shalt  }
0x64: {  	_ =	shalt  }
0x65: {  	_ =	shalt  }
0x66: {  	_ =	shalt  }
0x67: {  	_ =	shalt  }
0x68: {  	_ =	shalt  }
0x69: {  	_ =	shalt  }
0x6a: {  	_ =	shalt  }
0x6b: {  	_ =	shalt  }
0x6c: {  	_ =	shalt  }
0x6d: {  	_ =	shalt  }
0x6e: {  	_ =	shalt  }
0x6f: {  	_ =	shalt  }
0x70: {  	_ =	shalt  }
0x71: {  	_ =	shalt  }
0x72: {  	_ =	shalt  }
0x73: {  	_ =	shalt  }
0x74: {  	_ =	shalt  }
0x75: {  	_ =	shalt  }
0x76: {  	_ =	shalt  }
0x77: {  	_ =	shalt  }
0x78: {  	_ =	shalt  }
0x79: {  	_ =	shalt  }
0x7a: {  	_ =	shalt  }
0x7b: {  	_ =	shalt  }
0x7c: {  	_ =	shalt  }
0x7d: {  	_ =	shalt  }
0x7e: {  	_ =	shalt  }
0x7f: {  	_ =	shalt  }
0x80: {  	_ =	shalt  }
0x81: {  	_ =	shalt  }
0x82: {  	_ =	shalt  }
0x83: {  	_ =	shalt  }
0x84: {  	_ =	shalt  }
0x85: {  	_ =	shalt  }
0x86: {  	_ =	shalt  }
0x87: {  	_ =	shalt  }
.Lfunc_end0:
.L_simem_size_0:
called_computation_lowered:
.L_overlay_start_0:
0x88: {  	s2 =	sld [smem:$0x3FD9]  }
0x89: {  	s3 =	sld [smem:$0x3FFE];
	_ =	sdelay $0x1  }
0x8a: {  	s1 =	srdreg.scid  }
0x8b: {  	s0 =	sand.u32 $0x1, s1  }
0x8c: {  	s17 =	sshll.u32 s0, $0xA;
	s2 =	sadd.s32 s3, s2  }
0x8d: {  	s2 =	sadd.s32 s2, s17  }
0x8e: {  	[smem:$0x3FC4] =	sst s2  }
0x8f: {  	_ = 	snop  }
0x90: {  	s2 =	sld [smem:$0x3FD0];
	(tm) =	ssettm $0x1  }
0x91: {  	s18 =	sld [smem:$0x3FFB];
	_ =	sdelay $0x3  }
0x92: {  	_ =	strace s18  }
0x93: {  	s3 =	sld [smem:$0x3FFC];
	_ =	sdelay $0x3  }
0x94: {  	_ =	strace s3  }
0x95: {  	s3 =	sld [smem:$0x3FFD];
	_ =	sdelay $0x3  }
0x96: {  	_ =	strace s3  }
0x97: {  	_ =	strace $0x8FFFFFFF  }
0x98: {  	s19 =	sld [smem:$0x3FDB];
	_ =	sdelay $0x1  }
0x99: {  	s4 =	simm.s32 $_scs_section_size  }
0x9a: {  	s5 =	simm.s32 $_size__tile_overlayer_lowered;
	s6 =	simm.s32 $_tile_overlayer_lowered  }
0x9b: {  	s22 =	simm.s32 $0x1BFF;
	s21 =	sshll.u32 s6, $0x1;
	s3 =	sadd.s32 s4, s19  }
0x9c: {  	s7 =	simm.s32 $0x0;
	s20 =	sshll.u32 s5, $0x1;
	s5 =	sadd.s32 s21, s3  }
0x9d: {  	[timem:s7], [sflag:s22] =	dma.local [hbm:s5], s20  }
0x9e: {  	_ =	swait.ge [sflag:s22], s20  }
0x9f: {  	s4 =	ssub.s32 $0x0, s20;
	[sflag:s22] =	ssyncset.done $0x0  }
0xa0: {  	[sflag:s22] =	ssyncadd.s32 s4;
	_ =	sdelay $0x1  }
0xa1: {  	s23 =	simm.s32 $0x1B8B  }
0xa2: {  	_ =	swait.ge [sflag:s23], $0x1  }
0xa3: {  	[sflag:s23] =	ssyncset.done $0x0  }
0xa4: {  	s25 =	simm.s32 $0x1B8E;
	s24 =	sld [smem:$0x3FFE];
	[sflag:s23] =	ssyncadd.s32 $0xFFFFFFFF  }
0xa5: {  	s26 =	simm.s32 $execute0_lowered;
	[smem:$0x3FD2] =	sst s25  }
0xa6: {  	s5 =	sshll.u32 s26, $0x1;
	_ =	strace $0x80000046;
	[dreg:$0x1] =	wrdreg $0xFFFFFFFF  }
0xa7: {  	s28 =	simm.s32 $_size_execute0_lowered;
	s3 =	sadd.s32 s3, s5;
	[dreg:$0x0] =	wrdreg $0x0  }
0xa8: {  	s5 =	sshll.u32 s28, $0x1;
	[dreg:$0x2] =	wrdreg s3  }
0xa9: {  	[dreg:$0x3] =	wrdreg s5  }
0xaa: {  	[dreg:$0x4] =	wrdreg $0xC0  }
0xab: {  	_ =	task [dreg:s7], $0x5FFFF  }
0xac: {  	[dreg:$0x1] =	wrdreg $0xFFFFFFFF  }
0xad: {  	[dreg:$0x0] =	wrdreg $0x60  }
0xae: {  	[dreg:$0x2] =	wrdreg s24  }
0xaf: {  	[dreg:$0x3] =	wrdreg s2  }
0xb0: {  	[dreg:$0x4] =	wrdreg $0x0  }
0xb1: {  	[dreg:$0x5] =	wrdreg $0x9C400  }
0xb2: {  	[dreg:$0x6] =	wrdreg $0x9  }
0xb3: {  	_ =	task.clear_ibuf [dreg:s7], $0x7FFFF;
	_ =	strace $0x90000046  }
0xb4: {  	s29 =	simm.s32 $0x9;
	_ =	strace $0x80000048  }
0xb5: {  	_ =	swait.ge [sflag:s29], $0x1  }
0xb6: {  	[sflag:s29] =	ssyncadd.s32 $0xFFFFFFFF  }
0xb7: {  	_ =	strace $0x90000048  }
0xb8: {  	_ =	sfence  }
0xb9: {  	s30 =	sld [smem:$0x0];
	_ =	sdelay $0x2  }
0xba: {  	s31 =	sshll.u32 s1, $0xD;
	s1 =	sshrl.u32 s1, $0x2  }
0xbb: {  	s3 =	sand.u32 $0x4000, s31;
	s1 =	sadd.s32 s1, s30  }
0xbc: {  	s0 =	sor.u32 s3, s0;
	s1 =	sshll.u32 s1, $0x11  }
0xbd: {  	s0 =	sor.u32 s1, s0  }
0xbe: {  	s0 =	sadd.s32 $0x8F2B, s0  }
0xbf: {  	[sflag:s0] =	ssyncadd.remote.s32 $0x1  }
0xc0: {  	_ =	sfence.sel $0xFFFF  }
0xc1: {  	[dreg:$0x0] =	wrdreg $0xFFFFFFFF;
	(pc) =	sbr.abs _section_cstart, $3  }
0xc2: {  	[dreg:$0x1] =	wrdreg $0xFFFFFFFF  }
0xc3: {  	_ =	task.clear_ibuf [dreg:s7], $0x2FFFF;
	_ =	strace $0x9FFFFFFF  }
0xc4: {  	(tm) =	ssettm $0x7FFFFFFF  }
0xc5: {  	_ =	shalt  }
tec
execute0_lowered:
.L_overlay_start_1:
0x0: {  	(tag) =	ssettag $0x1  }
0x1: {  	s4 =	rddreg [dreg:$0x0]  }
0x2: {  	s1 =	rddreg [dreg:$0x1]  }
0x3: {  	s2 =	rddreg [dreg:$0x2]  }
0x4: {  	s3 =	rddreg [dreg:$0x3];
	s0 =	srdreg.scid;
	s5 =	simm.s32 $0x0  }
0x5: {  	s26 =	stileid.u32;
	s7 =	sand.u32 $0x1, s0;
	[smem:$0x7FF] =	sst s5  }
0x6: {  	s6 =	sadd.s32 $0x1000, s4;
	s4 =	sadd.s32 $0x14A00, s4;
	s11 =	smul.u32 $0x9E00, s26  }
0x7: {  	p0 =	seq.s32 s26, $0xF;
	s0 =	sshll.u32 s7, $0x4;
	_ =	strace $0x80000047  }
0x8: {  	s8 =	ssub.s32 $0x2, s7;
	s7 =	smul.u32 $0x138800, s7;
	s0 =	sor.u32 s26, s0  }
0x9: {  	s9 =	sshrl.u32 s8, $0x1;
	s24 =	sadd.s32 s11, s2;
	s25 =	sadd.s32 $0xA00, s11  }
0xa: {  	s12 =	sadd.s32 $0x1400, s11;
	s13 =	sadd.s32 $0x1E00, s11;
	s14 =	sadd.s32 $0x2800, s11  }
0xb: {  	s15 =	sadd.s32 $0x3200, s11;
	s16 =	sadd.s32 $0x3C00, s11;
	s17 =	sadd.s32 $0x4600, s11  }
0xc: {  	s18 =	sadd.s32 $0x5000, s11;
	s20 =	sadd.s32 $0x5A00, s11;
	s21 =	sadd.s32 $0x7800, s11  }
0xd: {  	s22 =	sadd.s32 $0x8200, s11;
	s26 =	sadd.s32 $0x97E00, s2;
	s0 =	smul.u32 $0x2800, s0  }
0xe: {  	s9 =	ssub.s32 s8, s9;
	s8 =	sadd.s32 $0xA000, s1;
	[dreg:$0x7] =	wrdreg s24  }
0xf: {  	s19 =	sadd.s32 s11, s7;
	s30 =	sadd.s32 s25, s2;
	[smem:$0x7E9] =	sst s26  }
0x10: {  	s7 =	sshrl.u32 s7, $0x3;
	s26 =	sadd.s32 $0x9BA00, s3;
	[dreg:$0xa] =	wrdreg s30  }
0x11: {  	s24 =	sadd.s32 $0x9600, s11;
	s30 =	sadd.s32 s13, s2;
	[smem:$0x7FC] =	sst s26  }
0x12: {  	s19 =	sshrl.u32 s19, $0x3;
	[dreg:$0xe] =	wrdreg s30;
	s30 =	sadd.s32 s16, s3  }
0x13: {  	s10 =	sshrl.u32 s0, $0x3;
	s28 =	sadd.s32 s4, s19;
	[dreg:$0x15] =	wrdreg s30  }
0x14: {  	s4 =	sadd.s32 s4, s7;
	s23 =	sadd.s32 s1, s10;
	[dreg:$0x8] =	wrdreg s28  }
0x15: {  	s7 =	sadd.s32 $0x6400, s11;
	s10 =	sadd.s32 s10, s8;
	[dreg:$0x5] =	wrdreg s23  }
0x16: {  	s19 =	sadd.s32 $0x6E00, s11;
	s30 =	sadd.s32 s22, s2;
	[dreg:$0x6] =	wrdreg s10  }
0x17: {  	s23 =	sadd.s32 $0x8C00, s11;
	s11 =	sadd.s32 s11, s3;
	[smem:$0x7DA] =	sst s30  }
0x18: {  	s10 =	sadd.s32 s25, s3;
	[dreg:$0x9] =	wrdreg s11  }
0x19: {  	s25 =	sadd.s32 s12, s3;
	[dreg:$0xb] =	wrdreg s10  }
0x1a: {  	s30 =	sadd.s32 $0x98800, s2;
	[dreg:$0xd] =	wrdreg s25  }
0x1b: {  	s11 =	sadd.s32 s12, s2;
	[smem:$0x7EA] =	sst s30  }
0x1c: {  	s12 =	sadd.s32 s14, s2;
	[dreg:$0xc] =	wrdreg s11  }
0x1d: {  	s25 =	sadd.s32 s16, s2;
	[dreg:$0x10] =	wrdreg s12  }
0x1e: {  	s16 =	sadd.s32 s20, s3;
	[dreg:$0x14] =	wrdreg s25  }
0x1f: {  	s10 =	sadd.s32 s22, s3;
	[dreg:$0x1b] =	wrdreg s16  }
0x20: {  	s22 =	sadd.s32 $0x96A00, s2;
	[smem:$0x7DB] =	sst s10  }
0x21: {  	s30 =	sadd.s32 $0x13880, s28;
	[smem:$0x7E7] =	sst s22  }
0x22: {  	s11 =	sadd.s32 s13, s3;
	[smem:$0x7FD] =	sst s30  }
0x23: {  	s13 =	sadd.s32 s14, s3;
	[dreg:$0xf] =	wrdreg s11  }
0x24: {  	s14 =	sadd.s32 s15, s2;
	[dreg:$0x11] =	wrdreg s13  }
0x25: {  	s15 =	sadd.s32 s15, s3;
	[dreg:$0x12] =	wrdreg s14  }
0x26: {  	s12 =	sadd.s32 s17, s3;
	[dreg:$0x13] =	wrdreg s15  }
0x27: {  	s25 =	sadd.s32 s21, s3;
	[dreg:$0x17] =	wrdreg s12  }
0x28: {  	s16 =	sadd.s32 $0x260C0, s4;
	[smem:$0x7D9] =	sst s25  }
0x29: {  	s10 =	sadd.s32 $0x9B000, s2;
	[smem:$0x7E1] =	sst s16  }
0x2a: {  	s22 =	sadd.s32 $0x9A600, s3;
	[smem:$0x7EE] =	sst s10  }
0x2b: {  	s11 =	sadd.s32 s17, s2;
	[smem:$0x7FA] =	sst s22  }
0x2c: {  	s13 =	sadd.s32 s18, s2;
	[dreg:$0x16] =	wrdreg s11  }
0x2d: {  	s14 =	sadd.s32 s18, s3;
	[dreg:$0x18] =	wrdreg s13  }
0x2e: {  	s15 =	sadd.s32 s20, s2;
	[dreg:$0x19] =	wrdreg s14  }
0x2f: {  	s17 =	sadd.s32 s7, s2;
	[dreg:$0x1a] =	wrdreg s15  }
0x30: {  	s7 =	sadd.s32 s7, s3;
	[dreg:$0x1c] =	wrdreg s17  }
0x31: {  	s18 =	sadd.s32 s19, s2;
	[dreg:$0x1d] =	wrdreg s7  }
0x32: {  	s19 =	sadd.s32 s19, s3;
	[dreg:$0x1e] =	wrdreg s18  }
0x33: {  	s20 =	sadd.s32 s21, s2;
	[dreg:$0x1f] =	wrdreg s19  }
0x34: {  	s12 =	sadd.s32 s23, s3;
	[smem:$0x7D8] =	sst s20  }
0x35: {  	s21 =	sadd.s32 $0x96000, s2;
	[smem:$0x7DD] =	sst s12  }
0x36: {  	s16 =	sadd.s32 $0x96A00, s3;
	[smem:$0x7E6] =	sst s21  }
0x37: {  	s11 =	sadd.s32 s23, s2;
	[smem:$0x7F4] =	sst s16  }
0x38: {  	s13 =	sadd.s32 s24, s2;
	[smem:$0x7DC] =	sst s11  }
0x39: {  	s14 =	sadd.s32 s24, s3;
	[smem:$0x7DE] =	sst s13  }
0x3a: {  	s15 =	sadd.s32 $0x12840, s4;
	[smem:$0x7DF] =	sst s14  }
0x3b: {  	s17 =	smax.u32 s9, $0x1;
	[smem:$0x7E0] =	sst s15  }
0x3c: {  	s18 =	sadd.s32 $0x94200, s2;
	[smem:$0x7E2] =	sst s17  }
0x3d: {  	s19 =	sadd.s32 $0x94C00, s2;
	[smem:$0x7E3] =	sst s18  }
0x3e: {  	s20 =	sadd.s32 $0x95600, s2;
	[smem:$0x7E4] =	sst s19  }
0x3f: {  	s23 =	sadd.s32 $0x97400, s2;
	[smem:$0x7E5] =	sst s20  }
0x40: {  	s4 =	sadd.s32 $0x99200, s2;
	[smem:$0x7E8] =	sst s23  }
0x41: {  	s7 =	sadd.s32 $0x99C00, s2;
	[smem:$0x7EB] =	sst s4  }
0x42: {  	s29 =	simm.s32 $0x9;
	s9 =	sadd.s32 $0x9A600, s2;
	[smem:$0x7EC] =	sst s7  }
0x43: {  	s31 =	simm.s32 $0x13C00;
	s12 =	sadd.s32 $0x94200, s3;
	[smem:$0x7ED] =	sst s9  }
0x44: {  	s26 =	simm.s32 $0x15BC0;
	s21 =	sadd.s32 $0x99C00, s3;
	[smem:$0x7F0] =	sst s12  }
0x45: {  	s28 =	simm.s32 $0x7;
	s11 =	sadd.s32 $0x9BA00, s2;
	[smem:$0x7F9] =	sst s21  }
0x46: {  	s25 =	sor.u32 $0x200, s0;
	s13 =	sadd.s32 $0x94C00, s3;
	[smem:$0x7EF] =	sst s11  }
0x47: {  	s10 =	simm.s32 $0x13880;
	s14 =	sadd.s32 $0x95600, s3;
	[smem:$0x7F1] =	sst s13  }
0x48: {  	s22 =	simm.s32 $0x13980;
	s15 =	sadd.s32 $0x96000, s3;
	[smem:$0x7F2] =	sst s14  }
0x49: {  	s24 =	sor.u32 $0x100, s0;
	s17 =	sadd.s32 $0x97400, s3;
	[smem:$0x7F3] =	sst s15  }
0x4a: {  	s16 =	simm.s32 $0x5;
	s18 =	sadd.s32 $0x97E00, s3;
	[smem:$0x7F5] =	sst s17  }
0x4b: {  	s19 =	sadd.s32 $0x98800, s3;
	s20 =	sadd.s32 $0x99200, s3;
	[smem:$0x7F6] =	sst s18  }
0x4c: {  	s23 =	sadd.s32 $0x9B000, s3;
	s21 =	simm.s32 $0x1;
	[smem:$0x7F7] =	sst s19  }
0x4d: {  	s4 =	simm.s32 $0x13B80;
	s7 =	simm.s32 $0x2;
	[smem:$0x7F8] =	sst s20  }
0x4e: {  	s9 =	simm.s32 $0x13B00;
	s12 =	simm.s32 $0x0;
	[smem:$0x7FB] =	sst s23  }
0x4f: {  	s13 =	simm.s32 $0x13A80;
	s14 =	simm.s32 $0x17B00;
	s15 =	simm.s32 $0x4  }
0x50: {  	v0 =	vimm.f32 $0.0e+00;
	s19 =	simm.s32 $0x7D;
	s20 =	simm.s32 $0x13C80;
	s11 =	simm.s32 $0x3  }
.LBB2_1:
0x51: {  	s0 =	rddreg [dreg:$0x5]  }
0x52: {  	[tilespmem:s10], [sflag:$0x6] =	stream.linear.gather [hbm4b:s0+s5], $0x100, $0x38;
	[tilespmem:$0x19A40] =	vst v63  }
0x53: {  	s30 =	rddreg [dreg:$0x6]  }
0x54: {  	[tilespmem:s13], [sflag:$0x8] =	stream.linear.gather [hbm4b:s30+s5], $0x100, $0x38;
	[tilespmem:$0x19A40] =	vst v63  }
0x55: {  	[tilespmem:$0x17B00] =	vst v0  }
0x56: {  	[tilespmem:$0x17B10] =	vst v0  }
0x57: {  	[tilespmem:$0x17B20] =	vst v0  }
0x58: {  	[tilespmem:$0x17B30] =	vst v0  }
0x59: {  	[tilespmem:$0x17B40] =	vst v0  }
0x5a: {  	[tilespmem:$0x17B50] =	vst v0  }
0x5b: {  	[tilespmem:$0x17B60] =	vst v0  }
0x5c: {  	[tilespmem:$0x17B70] =	vst v0  }
0x5d: {  	[tilespmem:$0x17B80] =	vst v0  }
0x5e: {  	[tilespmem:$0x17B90] =	vst v0  }
0x5f: {  	[tilespmem:$0x17BA0] =	vst v0  }
0x60: {  	[tilespmem:$0x17BB0] =	vst v0  }
0x61: {  	[tilespmem:$0x17BC0] =	vst v0  }
0x62: {  	[tilespmem:$0x17BD0] =	vst v0  }
0x63: {  	[tilespmem:$0x17BE0] =	vst v0  }
0x64: {  	[tilespmem:$0x17BF0] =	vst v0  }
0x65: {  	[tilespmem:$0x17C00] =	vst v0  }
0x66: {  	[tilespmem:$0x17C10] =	vst v0  }
0x67: {  	[tilespmem:$0x17C20] =	vst v0  }
0x68: {  	[tilespmem:$0x17C30] =	vst v0  }
0x69: {  	[tilespmem:$0x17C40] =	vst v0  }
0x6a: {  	[tilespmem:$0x17C50] =	vst v0  }
0x6b: {  	[tilespmem:$0x17C60] =	vst v0  }
0x6c: {  	[tilespmem:$0x17C70] =	vst v0  }
0x6d: {  	[tilespmem:$0x17C80] =	vst v0  }
0x6e: {  	[tilespmem:$0x17C90] =	vst v0  }
0x6f: {  	[tilespmem:$0x17CA0] =	vst v0  }
0x70: {  	[tilespmem:$0x17CB0] =	vst v0  }
0x71: {  	[tilespmem:$0x17CC0] =	vst v0  }
0x72: {  	[tilespmem:$0x17CD0] =	vst v0  }
0x73: {  	[tilespmem:$0x17CE0] =	vst v0  }
0x74: {  	[tilespmem:$0x17CF0] =	vst v0  }
0x75: {  	[tilespmem:$0x17D00] =	vst v0  }
0x76: {  	[tilespmem:$0x17D10] =	vst v0  }
0x77: {  	[tilespmem:$0x17D20] =	vst v0  }
0x78: {  	[tilespmem:$0x17D30] =	vst v0  }
0x79: {  	[tilespmem:$0x17D40] =	vst v0  }
0x7a: {  	[tilespmem:$0x17D50] =	vst v0  }
0x7b: {  	[tilespmem:$0x17D60] =	vst v0  }
0x7c: {  	[tilespmem:$0x17D70] =	vst v0  }
0x7d: {  	[tilespmem:$0x17D80] =	vst v0  }
0x7e: {  	[tilespmem:$0x17D90] =	vst v0  }
0x7f: {  	[tilespmem:$0x17DA0] =	vst v0  }
0x80: {  	[tilespmem:$0x17DB0] =	vst v0  }
0x81: {  	[tilespmem:$0x17DC0] =	vst v0  }
0x82: {  	[tilespmem:$0x17DD0] =	vst v0  }
0x83: {  	[tilespmem:$0x17DE0] =	vst v0  }
0x84: {  	[tilespmem:$0x17DF0] =	vst v0  }
0x85: {  	[tilespmem:$0x17E00] =	vst v0  }
0x86: {  	[tilespmem:$0x17E10] =	vst v0  }
0x87: {  	[tilespmem:$0x17E20] =	vst v0  }
0x88: {  	[tilespmem:$0x17E30] =	vst v0  }
0x89: {  	[tilespmem:$0x17E40] =	vst v0  }
0x8a: {  	[tilespmem:$0x17E50] =	vst v0  }
0x8b: {  	[tilespmem:$0x17E60] =	vst v0  }
0x8c: {  	[tilespmem:$0x17E70] =	vst v0  }
0x8d: {  	[tilespmem:$0x17E80] =	vst v0  }
0x8e: {  	[tilespmem:$0x17E90] =	vst v0  }
0x8f: {  	[tilespmem:$0x17EA0] =	vst v0  }
0x90: {  	[tilespmem:$0x17EB0] =	vst v0  }
0x91: {  	[tilespmem:$0x17EC0] =	vst v0  }
0x92: {  	[tilespmem:$0x17ED0] =	vst v0  }
0x93: {  	[tilespmem:$0x17EE0] =	vst v0  }
0x94: {  	[tilespmem:$0x17EF0] =	vst v0  }
0x95: {  	[tilespmem:$0x17F00] =	vst v0  }
0x96: {  	[tilespmem:$0x17F10] =	vst v0  }
0x97: {  	[tilespmem:$0x17F20] =	vst v0  }
0x98: {  	[tilespmem:$0x17F30] =	vst v0  }
0x99: {  	[tilespmem:$0x17F40] =	vst v0  }
0x9a: {  	[tilespmem:$0x17F50] =	vst v0  }
0x9b: {  	[tilespmem:$0x17F60] =	vst v0  }
0x9c: {  	[tilespmem:$0x17F70] =	vst v0  }
0x9d: {  	[tilespmem:$0x17F80] =	vst v0  }
0x9e: {  	[tilespmem:$0x17F90] =	vst v0  }
0x9f: {  	[tilespmem:$0x17FA0] =	vst v0  }
0xa0: {  	[tilespmem:$0x17FB0] =	vst v0  }
0xa1: {  	[tilespmem:$0x17FC0] =	vst v0  }
0xa2: {  	[tilespmem:$0x17FD0] =	vst v0  }
0xa3: {  	[tilespmem:$0x17FE0] =	vst v0  }
0xa4: {  	[tilespmem:$0x17FF0] =	vst v0  }
0xa5: {  	[tilespmem:$0x18000] =	vst v0  }
0xa6: {  	[tilespmem:$0x18010] =	vst v0  }
0xa7: {  	[tilespmem:$0x18020] =	vst v0  }
0xa8: {  	[tilespmem:$0x18030] =	vst v0  }
0xa9: {  	[tilespmem:$0x18040] =	vst v0  }
0xaa: {  	[tilespmem:$0x18050] =	vst v0  }
0xab: {  	[tilespmem:$0x18060] =	vst v0  }
0xac: {  	[tilespmem:$0x18070] =	vst v0  }
0xad: {  	[tilespmem:$0x18080] =	vst v0  }
0xae: {  	[tilespmem:$0x18090] =	vst v0  }
0xaf: {  	[tilespmem:$0x180A0] =	vst v0  }
0xb0: {  	[tilespmem:$0x180B0] =	vst v0  }
0xb1: {  	[tilespmem:$0x180C0] =	vst v0  }
0xb2: {  	[tilespmem:$0x180D0] =	vst v0  }
0xb3: {  	[tilespmem:$0x180E0] =	vst v0  }
0xb4: {  	[tilespmem:$0x180F0] =	vst v0  }
0xb5: {  	[tilespmem:$0x18100] =	vst v0  }
0xb6: {  	[tilespmem:$0x18110] =	vst v0  }
0xb7: {  	[tilespmem:$0x18120] =	vst v0  }
0xb8: {  	[tilespmem:$0x18130] =	vst v0  }
0xb9: {  	[tilespmem:$0x18140] =	vst v0  }
0xba: {  	[tilespmem:$0x18150] =	vst v0  }
0xbb: {  	[tilespmem:$0x18160] =	vst v0  }
0xbc: {  	[tilespmem:$0x18170] =	vst v0  }
0xbd: {  	[tilespmem:$0x18180] =	vst v0  }
0xbe: {  	[tilespmem:$0x18190] =	vst v0  }
0xbf: {  	[tilespmem:$0x181A0] =	vst v0  }
0xc0: {  	[tilespmem:$0x181B0] =	vst v0  }
0xc1: {  	[tilespmem:$0x181C0] =	vst v0  }
0xc2: {  	[tilespmem:$0x181D0] =	vst v0  }
0xc3: {  	[tilespmem:$0x181E0] =	vst v0  }
0xc4: {  	[tilespmem:$0x181F0] =	vst v0  }
0xc5: {  	[tilespmem:$0x18200] =	vst v0  }
0xc6: {  	[tilespmem:$0x18210] =	vst v0  }
0xc7: {  	[tilespmem:$0x18220] =	vst v0  }
0xc8: {  	[tilespmem:$0x18230] =	vst v0  }
0xc9: {  	[tilespmem:$0x18240] =	vst v0  }
0xca: {  	[tilespmem:$0x18250] =	vst v0  }
0xcb: {  	[tilespmem:$0x18260] =	vst v0  }
0xcc: {  	[tilespmem:$0x18270] =	vst v0  }
0xcd: {  	[tilespmem:$0x18280] =	vst v0  }
0xce: {  	[tilespmem:$0x18290] =	vst v0  }
0xcf: {  	[tilespmem:$0x182A0] =	vst v0  }
0xd0: {  	[tilespmem:$0x182B0] =	vst v0  }
0xd1: {  	[tilespmem:$0x182C0] =	vst v0  }
0xd2: {  	[tilespmem:$0x182D0] =	vst v0  }
0xd3: {  	[tilespmem:$0x182E0] =	vst v0  }
0xd4: {  	[tilespmem:$0x182F0] =	vst v0  }
0xd5: {  	[tilespmem:$0x18300] =	vst v0  }
0xd6: {  	[tilespmem:$0x18310] =	vst v0  }
0xd7: {  	[tilespmem:$0x18320] =	vst v0  }
0xd8: {  	[tilespmem:$0x18330] =	vst v0  }
0xd9: {  	[tilespmem:$0x18340] =	vst v0  }
0xda: {  	[tilespmem:$0x18350] =	vst v0  }
0xdb: {  	[tilespmem:$0x18360] =	vst v0  }
0xdc: {  	[tilespmem:$0x18370] =	vst v0  }
0xdd: {  	[tilespmem:$0x18380] =	vst v0  }
0xde: {  	[tilespmem:$0x18390] =	vst v0  }
0xdf: {  	[tilespmem:$0x183A0] =	vst v0  }
0xe0: {  	[tilespmem:$0x183B0] =	vst v0  }
0xe1: {  	[tilespmem:$0x183C0] =	vst v0  }
0xe2: {  	[tilespmem:$0x183D0] =	vst v0  }
0xe3: {  	[tilespmem:$0x183E0] =	vst v0  }
0xe4: {  	[tilespmem:$0x183F0] =	vst v0  }
0xe5: {  	[tilespmem:$0x18400] =	vst v0  }
0xe6: {  	[tilespmem:$0x18410] =	vst v0  }
0xe7: {  	[tilespmem:$0x18420] =	vst v0  }
0xe8: {  	[tilespmem:$0x18430] =	vst v0  }
0xe9: {  	[tilespmem:$0x18440] =	vst v0  }
0xea: {  	[tilespmem:$0x18450] =	vst v0  }
0xeb: {  	[tilespmem:$0x18460] =	vst v0  }
0xec: {  	[tilespmem:$0x18470] =	vst v0  }
0xed: {  	[tilespmem:$0x18480] =	vst v0  }
0xee: {  	[tilespmem:$0x18490] =	vst v0  }
0xef: {  	[tilespmem:$0x184A0] =	vst v0  }
.Ltmp0:
0xf0: {  	[tilespmem:$0x184B0] =	vst v0;
	(pc) =	sbr.rel @!p0 .LBB2_2-.Ltmp0, $4  }
0xf1: {  	[tilespmem:$0x184C0] =	vst v0  }
0xf2: {  	[tilespmem:$0x184D0] =	vst v0  }
0xf3: {  	[tilespmem:$0x184E0] =	vst v0  }
0xf4: {  	[smem:$0x7D7] =	sst s12;
	[tilespmem:$0x184F0] =	vst v0  }
0xf5: {  	s0 =	sld [smem:$0x7E3];
	_ =	sdelay $0x1  }
0xf6: {  	s12 =	sld [smem:$0x7E4]  }
0xf7: {  	[spmem:s0] =	stream.linear.scatter [tilespmem:s14], [sflag:$0x4], $0xA00, $0x38;
	[tilespmem:$0x19A40] =	vst v63  }
0xf8: {  	s17 =	sld [smem:$0x7E5]  }
0xf9: {  	[spmem:s12] =	stream.linear.scatter [tilespmem:s14], [sflag:$0x4], $0xA00, $0x38;
	[tilespmem:$0x19A40] =	vst v63  }
0xfa: {  	s18 =	sld [smem:$0x7E6]  }
0xfb: {  	[spmem:s17] =	stream.linear.scatter [tilespmem:s14], [sflag:$0x4], $0xA00, $0x38;
	[tilespmem:$0x19A40] =	vst v63  }
0xfc: {  	s23 =	sld [smem:$0x7E7]  }
0xfd: {  	[spmem:s18] =	stream.linear.scatter [tilespmem:s14], [sflag:$0x4], $0xA00, $0x38;
	[tilespmem:$0x19A40] =	vst v63  }
0xfe: {  	s30 =	sld [smem:$0x7E8]  }
0xff: {  	[spmem:s23] =	stream.linear.scatter [tilespmem:s14], [sflag:$0x4], $0xA00, $0x38;
	[tilespmem:$0x19A40] =	vst v63  }
0x100: {  	s12 =	sld [smem:$0x7E9]  }
0x101: {  	[spmem:s30] =	stream.linear.scatter [tilespmem:s14], [sflag:$0x4], $0xA00, $0x38;
	[tilespmem:$0x19A40] =	vst v63  }
0x102: {  	s17 =	sld [smem:$0x7EA]  }
0x103: {  	[spmem:s12] =	stream.linear.scatter [tilespmem:s14], [sflag:$0x4], $0xA00, $0x38;
	[tilespmem:$0x19A40] =	vst v63  }
0x104: {  	s18 =	sld [smem:$0x7EB]  }
0x105: {  	[spmem:s17] =	stream.linear.scatter [tilespmem:s14], [sflag:$0x4], $0xA00, $0x38;
	[tilespmem:$0x19A40] =	vst v63  }
0x106: {  	s23 =	sld [smem:$0x7EC]  }
0x107: {  	[spmem:s18] =	stream.linear.scatter [tilespmem:s14], [sflag:$0x4], $0xA00, $0x38;
	[tilespmem:$0x19A40] =	vst v63  }
0x108: {  	s30 =	sld [smem:$0x7ED]  }
0x109: {  	[spmem:s23] =	stream.linear.scatter [tilespmem:s14], [sflag:$0x4], $0xA00, $0x38;
	[tilespmem:$0x19A40] =	vst v63  }
0x10a: {  	s12 =	sld [smem:$0x7EE]  }
0x10b: {  	[spmem:s30] =	stream.linear.scatter [tilespmem:s14], [sflag:$0x4], $0xA00, $0x38;
	[tilespmem:$0x19A40] =	vst v63  }
0x10c: {  	s17 =	sld [smem:$0x7EF]  }
0x10d: {  	[spmem:s12] =	stream.linear.scatter [tilespmem:s14], [sflag:$0x4], $0xA00, $0x38;
	[tilespmem:$0x19A40] =	vst v63  }
0x10e: {  	s18 =	sld [smem:$0x7F0]  }
0x10f: {  	[spmem:s17] =	stream.linear.scatter [tilespmem:s14], [sflag:$0x4], $0xA00, $0x38;
	[tilespmem:$0x19A40] =	vst v63  }
0x110: {  	s23 =	sld [smem:$0x7F1]  }
0x111: {  	[spmem:s18] =	stream.linear.scatter [tilespmem:s14], [sflag:$0x5], $0xA00, $0x38;
	[tilespmem:$0x19A40] =	vst v63  }
0x112: {  	s30 =	sld [smem:$0x7F2]  }
0x113: {  	[spmem:s23] =	stream.linear.scatter [tilespmem:s14], [sflag:$0x5], $0xA00, $0x38;
	[tilespmem:$0x19A40] =	vst v63  }
0x114: {  	s12 =	sld [smem:$0x7F3]  }
0x115: {  	[spmem:s30] =	stream.linear.scatter [tilespmem:s14], [sflag:$0x5], $0xA00, $0x38;
	[tilespmem:$0x19A40] =	vst v63  }
0x116: {  	s17 =	sld [smem:$0x7F4]  }
0x117: {  	[spmem:s12] =	stream.linear.scatter [tilespmem:s14], [sflag:$0x5], $0xA00, $0x38;
	[tilespmem:$0x19A40] =	vst v63  }
0x118: {  	s18 =	sld [smem:$0x7F5]  }
0x119: {  	[spmem:s17] =	stream.linear.scatter [tilespmem:s14], [sflag:$0x5], $0xA00, $0x38;
	[tilespmem:$0x19A40] =	vst v63  }
0x11a: {  	s23 =	sld [smem:$0x7F6]  }
0x11b: {  	[spmem:s18] =	stream.linear.scatter [tilespmem:s14], [sflag:$0x5], $0xA00, $0x38;
	[tilespmem:$0x19A40] =	vst v63  }
0x11c: {  	s30 =	sld [smem:$0x7F7]  }
0x11d: {  	[spmem:s23] =	stream.linear.scatter [tilespmem:s14], [sflag:$0x5], $0xA00, $0x38;
	[tilespmem:$0x19A40] =	vst v63  }
0x11e: {  	s12 =	sld [smem:$0x7F8]  }
0x11f: {  	[spmem:s30] =	stream.linear.scatter [tilespmem:s14], [sflag:$0x5], $0xA00, $0x38;
	[tilespmem:$0x19A40] =	vst v63  }
0x120: {  	s17 =	sld [smem:$0x7F9]  }
0x121: {  	[spmem:s12] =	stream.linear.scatter [tilespmem:s14], [sflag:$0x5], $0xA00, $0x38;
	[tilespmem:$0x19A40] =	vst v63  }
0x122: {  	s18 =	sld [smem:$0x7FA]  }
0x123: {  	[spmem:s17] =	stream.linear.scatter [tilespmem:s14], [sflag:$0x5], $0xA00, $0x38;
	[tilespmem:$0x19A40] =	vst v63  }
0x124: {  	s23 =	sld [smem:$0x7FB]  }
0x125: {  	[spmem:s18] =	stream.linear.scatter [tilespmem:s14], [sflag:$0x5], $0xA00, $0x38;
	[tilespmem:$0x19A40] =	vst v63  }
0x126: {  	s30 =	sld [smem:$0x7FC]  }
0x127: {  	[spmem:s23] =	stream.linear.scatter [tilespmem:s14], [sflag:$0x5], $0xA00, $0x38;
	[tilespmem:$0x19A40] =	vst v63  }
0x128: {  	_ = 	snop  }
0x129: {  	[spmem:s30] =	stream.linear.scatter [tilespmem:s14], [sflag:$0x5], $0xA00, $0x38;
	[tilespmem:$0x19A40] =	vst v63  }
0x12a: {  	_ =	swait.ge [sflag:s15], $0xA00  }
0x12b: {  	[sflag:s15] =	ssyncset.done $0x0  }
0x12c: {  	[sflag:s15] =	ssyncadd.s32 $0xFFFFF600  }
0x12d: {  	_ =	swait.ge [sflag:s15], $0xA00  }
0x12e: {  	[sflag:s15] =	ssyncset.done $0x0  }
0x12f: {  	[sflag:s15] =	ssyncadd.s32 $0xFFFFF600  }
0x130: {  	_ =	swait.ge [sflag:s15], $0xA00  }
0x131: {  	[sflag:s15] =	ssyncset.done $0x0  }
0x132: {  	[sflag:s15] =	ssyncadd.s32 $0xFFFFF600  }
0x133: {  	_ =	swait.ge [sflag:s15], $0xA00  }
0x134: {  	[sflag:s15] =	ssyncset.done $0x0  }
0x135: {  	[sflag:s15] =	ssyncadd.s32 $0xFFFFF600  }
0x136: {  	_ =	swait.ge [sflag:s15], $0xA00  }
0x137: {  	[sflag:s15] =	ssyncset.done $0x0  }
0x138: {  	[sflag:s15] =	ssyncadd.s32 $0xFFFFF600  }
0x139: {  	_ =	swait.ge [sflag:s15], $0xA00  }
0x13a: {  	[sflag:s15] =	ssyncset.done $0x0  }
0x13b: {  	[sflag:s15] =	ssyncadd.s32 $0xFFFFF600  }
0x13c: {  	_ =	swait.ge [sflag:s15], $0xA00  }
0x13d: {  	[sflag:s15] =	ssyncset.done $0x0  }
0x13e: {  	[sflag:s15] =	ssyncadd.s32 $0xFFFFF600  }
0x13f: {  	_ =	swait.ge [sflag:s15], $0xA00  }
0x140: {  	[sflag:s15] =	ssyncset.done $0x0  }
0x141: {  	[sflag:s15] =	ssyncadd.s32 $0xFFFFF600  }
0x142: {  	_ =	swait.ge [sflag:s15], $0xA00  }
0x143: {  	[sflag:s15] =	ssyncset.done $0x0  }
0x144: {  	[sflag:s15] =	ssyncadd.s32 $0xFFFFF600  }
0x145: {  	_ =	swait.ge [sflag:s15], $0xA00  }
0x146: {  	[sflag:s15] =	ssyncset.done $0x0  }
0x147: {  	[sflag:s15] =	ssyncadd.s32 $0xFFFFF600  }
0x148: {  	_ =	swait.ge [sflag:s15], $0xA00  }
0x149: {  	[sflag:s15] =	ssyncset.done $0x0  }
0x14a: {  	[sflag:s15] =	ssyncadd.s32 $0xFFFFF600  }
0x14b: {  	_ =	swait.ge [sflag:s15], $0xA00  }
0x14c: {  	[sflag:s15] =	ssyncset.done $0x0  }
0x14d: {  	[sflag:s15] =	ssyncadd.s32 $0xFFFFF600  }
0x14e: {  	_ =	swait.ge [sflag:s15], $0xA00  }
0x14f: {  	[sflag:s15] =	ssyncset.done $0x0  }
0x150: {  	[sflag:s15] =	ssyncadd.s32 $0xFFFFF600  }
0x151: {  	_ =	swait.ge [sflag:s16], $0xA00  }
0x152: {  	[sflag:s16] =	ssyncset.done $0x0  }
0x153: {  	[sflag:s16] =	ssyncadd.s32 $0xFFFFF600  }
0x154: {  	_ =	swait.ge [sflag:s16], $0xA00  }
0x155: {  	[sflag:s16] =	ssyncset.done $0x0  }
0x156: {  	[sflag:s16] =	ssyncadd.s32 $0xFFFFF600  }
0x157: {  	_ =	swait.ge [sflag:s16], $0xA00  }
0x158: {  	[sflag:s16] =	ssyncset.done $0x0  }
0x159: {  	[sflag:s16] =	ssyncadd.s32 $0xFFFFF600  }
0x15a: {  	_ =	swait.ge [sflag:s16], $0xA00  }
0x15b: {  	[sflag:s16] =	ssyncset.done $0x0  }
0x15c: {  	[sflag:s16] =	ssyncadd.s32 $0xFFFFF600  }
0x15d: {  	_ =	swait.ge [sflag:s16], $0xA00  }
0x15e: {  	[sflag:s16] =	ssyncset.done $0x0  }
0x15f: {  	[sflag:s16] =	ssyncadd.s32 $0xFFFFF600  }
0x160: {  	_ =	swait.ge [sflag:s16], $0xA00  }
0x161: {  	[sflag:s16] =	ssyncset.done $0x0  }
0x162: {  	[sflag:s16] =	ssyncadd.s32 $0xFFFFF600  }
0x163: {  	_ =	swait.ge [sflag:s16], $0xA00  }
0x164: {  	[sflag:s16] =	ssyncset.done $0x0  }
0x165: {  	[sflag:s16] =	ssyncadd.s32 $0xFFFFF600  }
0x166: {  	_ =	swait.ge [sflag:s16], $0xA00  }
0x167: {  	[sflag:s16] =	ssyncset.done $0x0  }
0x168: {  	[sflag:s16] =	ssyncadd.s32 $0xFFFFF600  }
0x169: {  	_ =	swait.ge [sflag:s16], $0xA00  }
0x16a: {  	[sflag:s16] =	ssyncset.done $0x0  }
0x16b: {  	[sflag:s16] =	ssyncadd.s32 $0xFFFFF600  }
0x16c: {  	_ =	swait.ge [sflag:s16], $0xA00  }
0x16d: {  	[sflag:s16] =	ssyncset.done $0x0  }
0x16e: {  	[sflag:s16] =	ssyncadd.s32 $0xFFFFF600  }
0x16f: {  	_ =	swait.ge [sflag:s16], $0xA00  }
0x170: {  	[sflag:s16] =	ssyncset.done $0x0  }
0x171: {  	[sflag:s16] =	ssyncadd.s32 $0xFFFFF600  }
0x172: {  	_ =	swait.ge [sflag:s16], $0xA00  }
.Ltmp1:
0x173: {  	[sflag:s16] =	ssyncset.done $0x0;
	(pc) =	sbr.rel .LBB2_4-.Ltmp1, $4  }
0x174: {  	[sflag:s16] =	ssyncadd.s32 $0xFFFFF600  }
0x175: {  	_ =	swait.ge [sflag:s16], $0xA00  }
0x176: {  	[sflag:s16] =	ssyncset.done $0x0  }
0x177: {  	[sflag:s16] =	ssyncadd.s32 $0xFFFFF600  }
.LBB2_2:
0x178: {  	s0 =	rddreg [dreg:$0x7]  }
0x179: {  	s30 =	rddreg [dreg:$0xa]  }
0x17a: {  	[spmem:s0] =	stream.linear.scatter [tilespmem:s14], [sflag:$0x4], $0xA00, $0x38;
	[tilespmem:$0x19A40] =	vst v63  }
0x17b: {  	s12 =	rddreg [dreg:$0xc]  }
0x17c: {  	[spmem:s30] =	stream.linear.scatter [tilespmem:s14], [sflag:$0x4], $0xA00, $0x38;
	[tilespmem:$0x19A40] =	vst v63  }
0x17d: {  	s17 =	rddreg [dreg:$0xe]  }
0x17e: {  	[spmem:s12] =	stream.linear.scatter [tilespmem:s14], [sflag:$0x4], $0xA00, $0x38;
	[tilespmem:$0x19A40] =	vst v63  }
0x17f: {  	s18 =	rddreg [dreg:$0x10]  }
0x180: {  	[spmem:s17] =	stream.linear.scatter [tilespmem:s14], [sflag:$0x4], $0xA00, $0x38;
	[tilespmem:$0x19A40] =	vst v63  }
0x181: {  	s23 =	rddreg [dreg:$0x12]  }
0x182: {  	[spmem:s18] =	stream.linear.scatter [tilespmem:s14], [sflag:$0x4], $0xA00, $0x38;
	[tilespmem:$0x19A40] =	vst v63  }
0x183: {  	s30 =	rddreg [dreg:$0x14]  }
0x184: {  	[spmem:s23] =	stream.linear.scatter [tilespmem:s14], [sflag:$0x4], $0xA00, $0x38;
	[tilespmem:$0x19A40] =	vst v63  }
0x185: {  	s12 =	rddreg [dreg:$0x16]  }
0x186: {  	[spmem:s30] =	stream.linear.scatter [tilespmem:s14], [sflag:$0x4], $0xA00, $0x38;
	[tilespmem:$0x19A40] =	vst v63  }
0x187: {  	s17 =	rddreg [dreg:$0x18]  }
0x188: {  	[spmem:s12] =	stream.linear.scatter [tilespmem:s14], [sflag:$0x4], $0xA00, $0x38;
	[tilespmem:$0x19A40] =	vst v63  }
0x189: {  	s18 =	rddreg [dreg:$0x1a]  }
0x18a: {  	[spmem:s17] =	stream.linear.scatter [tilespmem:s14], [sflag:$0x4], $0xA00, $0x38;
	[tilespmem:$0x19A40] =	vst v63  }
0x18b: {  	s23 =	rddreg [dreg:$0x1c]  }
0x18c: {  	[spmem:s18] =	stream.linear.scatter [tilespmem:s14], [sflag:$0x4], $0xA00, $0x38;
	[tilespmem:$0x19A40] =	vst v63  }
0x18d: {  	s30 =	rddreg [dreg:$0x1e]  }
0x18e: {  	[spmem:s23] =	stream.linear.scatter [tilespmem:s14], [sflag:$0x4], $0xA00, $0x38;
	[tilespmem:$0x19A40] =	vst v63  }
0x18f: {  	s12 =	sld [smem:$0x7D8]  }
0x190: {  	[spmem:s30] =	stream.linear.scatter [tilespmem:s14], [sflag:$0x4], $0xA00, $0x38;
	[tilespmem:$0x19A40] =	vst v63  }
0x191: {  	s17 =	sld [smem:$0x7DA]  }
0x192: {  	[spmem:s12] =	stream.linear.scatter [tilespmem:s14], [sflag:$0x4], $0xA00, $0x38;
	[tilespmem:$0x19A40] =	vst v63  }
0x193: {  	s18 =	sld [smem:$0x7DC]  }
0x194: {  	[spmem:s17] =	stream.linear.scatter [tilespmem:s14], [sflag:$0x4], $0xA00, $0x38;
	[tilespmem:$0x19A40] =	vst v63  }
0x195: {  	s23 =	sld [smem:$0x7DE]  }
0x196: {  	[spmem:s18] =	stream.linear.scatter [tilespmem:s14], [sflag:$0x4], $0xA00, $0x38;
	[tilespmem:$0x19A40] =	vst v63  }
0x197: {  	s30 =	rddreg [dreg:$0x9]  }
0x198: {  	[spmem:s23] =	stream.linear.scatter [tilespmem:s14], [sflag:$0x4], $0x800, $0x38;
	[tilespmem:$0x19A40] =	vst v63  }
0x199: {  	s12 =	rddreg [dreg:$0xb]  }
0x19a: {  	[spmem:s30] =	stream.linear.scatter [tilespmem:s14], [sflag:$0x5], $0xA00, $0x38;
	[tilespmem:$0x19A40] =	vst v63  }
0x19b: {  	s17 =	rddreg [dreg:$0xd]  }
0x19c: {  	[spmem:s12] =	stream.linear.scatter [tilespmem:s14], [sflag:$0x5], $0xA00, $0x38;
	[tilespmem:$0x19A40] =	vst v63  }
0x19d: {  	s18 =	rddreg [dreg:$0xf]  }
0x19e: {  	[spmem:s17] =	stream.linear.scatter [tilespmem:s14], [sflag:$0x5], $0xA00, $0x38;
	[tilespmem:$0x19A40] =	vst v63  }
0x19f: {  	s23 =	rddreg [dreg:$0x11]  }
0x1a0: {  	[spmem:s18] =	stream.linear.scatter [tilespmem:s14], [sflag:$0x5], $0xA00, $0x38;
	[tilespmem:$0x19A40] =	vst v63  }
0x1a1: {  	s30 =	rddreg [dreg:$0x13]  }
0x1a2: {  	[spmem:s23] =	stream.linear.scatter [tilespmem:s14], [sflag:$0x5], $0xA00, $0x38;
	[tilespmem:$0x19A40] =	vst v63  }
0x1a3: {  	s12 =	rddreg [dreg:$0x15]  }
0x1a4: {  	[spmem:s30] =	stream.linear.scatter [tilespmem:s14], [sflag:$0x5], $0xA00, $0x38;
	[tilespmem:$0x19A40] =	vst v63  }
0x1a5: {  	s17 =	rddreg [dreg:$0x17]  }
0x1a6: {  	[spmem:s12] =	stream.linear.scatter [tilespmem:s14], [sflag:$0x5], $0xA00, $0x38;
	[tilespmem:$0x19A40] =	vst v63  }
0x1a7: {  	s18 =	rddreg [dreg:$0x19]  }
0x1a8: {  	[spmem:s17] =	stream.linear.scatter [tilespmem:s14], [sflag:$0x5], $0xA00, $0x38;
	[tilespmem:$0x19A40] =	vst v63  }
0x1a9: {  	s23 =	rddreg [dreg:$0x1b]  }
0x1aa: {  	[spmem:s18] =	stream.linear.scatter [tilespmem:s14], [sflag:$0x5], $0xA00, $0x38;
	[tilespmem:$0x19A40] =	vst v63  }
0x1ab: {  	s30 =	rddreg [dreg:$0x1d]  }
0x1ac: {  	[spmem:s23] =	stream.linear.scatter [tilespmem:s14], [sflag:$0x5], $0xA00, $0x38;
	[tilespmem:$0x19A40] =	vst v63  }
0x1ad: {  	s12 =	rddreg [dreg:$0x1f]  }
0x1ae: {  	[spmem:s30] =	stream.linear.scatter [tilespmem:s14], [sflag:$0x5], $0xA00, $0x38;
	[tilespmem:$0x19A40] =	vst v63  }
0x1af: {  	s17 =	sld [smem:$0x7D9]  }
0x1b0: {  	[spmem:s12] =	stream.linear.scatter [tilespmem:s14], [sflag:$0x5], $0xA00, $0x38;
	[tilespmem:$0x19A40] =	vst v63  }
0x1b1: {  	s18 =	sld [smem:$0x7DB]  }
0x1b2: {  	[spmem:s17] =	stream.linear.scatter [tilespmem:s14], [sflag:$0x5], $0xA00, $0x38;
	[tilespmem:$0x19A40] =	vst v63  }
0x1b3: {  	s23 =	sld [smem:$0x7DD]  }
0x1b4: {  	[spmem:s18] =	stream.linear.scatter [tilespmem:s14], [sflag:$0x5], $0xA00, $0x38;
	[tilespmem:$0x19A40] =	vst v63  }
0x1b5: {  	s30 =	sld [smem:$0x7DF]  }
0x1b6: {  	[spmem:s23] =	stream.linear.scatter [tilespmem:s14], [sflag:$0x5], $0xA00, $0x38;
	[tilespmem:$0x19A40] =	vst v63  }
0x1b7: {  	_ = 	snop  }
0x1b8: {  	[spmem:s30] =	stream.linear.scatter [tilespmem:s14], [sflag:$0x5], $0x800, $0x38;
	[tilespmem:$0x19A40] =	vst v63  }
0x1b9: {  	_ =	swait.ge [sflag:s15], $0xA00  }
0x1ba: {  	[sflag:s15] =	ssyncset.done $0x0  }
0x1bb: {  	[sflag:s15] =	ssyncadd.s32 $0xFFFFF600  }
0x1bc: {  	_ =	swait.ge [sflag:s15], $0xA00  }
0x1bd: {  	[sflag:s15] =	ssyncset.done $0x0  }
0x1be: {  	[sflag:s15] =	ssyncadd.s32 $0xFFFFF600  }
0x1bf: {  	_ =	swait.ge [sflag:s15], $0xA00  }
0x1c0: {  	[sflag:s15] =	ssyncset.done $0x0  }
0x1c1: {  	[sflag:s15] =	ssyncadd.s32 $0xFFFFF600  }
0x1c2: {  	_ =	swait.ge [sflag:s15], $0xA00  }
0x1c3: {  	[sflag:s15] =	ssyncset.done $0x0  }
0x1c4: {  	[sflag:s15] =	ssyncadd.s32 $0xFFFFF600  }
0x1c5: {  	_ =	swait.ge [sflag:s15], $0xA00  }
0x1c6: {  	[sflag:s15] =	ssyncset.done $0x0  }
0x1c7: {  	[sflag:s15] =	ssyncadd.s32 $0xFFFFF600  }
0x1c8: {  	_ =	swait.ge [sflag:s15], $0xA00  }
0x1c9: {  	[sflag:s15] =	ssyncset.done $0x0  }
0x1ca: {  	[sflag:s15] =	ssyncadd.s32 $0xFFFFF600  }
0x1cb: {  	_ =	swait.ge [sflag:s15], $0xA00  }
0x1cc: {  	[sflag:s15] =	ssyncset.done $0x0  }
0x1cd: {  	[sflag:s15] =	ssyncadd.s32 $0xFFFFF600  }
0x1ce: {  	_ =	swait.ge [sflag:s15], $0xA00  }
0x1cf: {  	[sflag:s15] =	ssyncset.done $0x0  }
0x1d0: {  	[sflag:s15] =	ssyncadd.s32 $0xFFFFF600  }
0x1d1: {  	_ =	swait.ge [sflag:s15], $0xA00  }
0x1d2: {  	[sflag:s15] =	ssyncset.done $0x0  }
0x1d3: {  	[sflag:s15] =	ssyncadd.s32 $0xFFFFF600  }
0x1d4: {  	_ =	swait.ge [sflag:s15], $0xA00  }
0x1d5: {  	[sflag:s15] =	ssyncset.done $0x0  }
0x1d6: {  	[sflag:s15] =	ssyncadd.s32 $0xFFFFF600  }
0x1d7: {  	_ =	swait.ge [sflag:s15], $0xA00  }
0x1d8: {  	[sflag:s15] =	ssyncset.done $0x0  }
0x1d9: {  	[sflag:s15] =	ssyncadd.s32 $0xFFFFF600  }
0x1da: {  	_ =	swait.ge [sflag:s15], $0xA00  }
0x1db: {  	[sflag:s15] =	ssyncset.done $0x0  }
0x1dc: {  	[sflag:s15] =	ssyncadd.s32 $0xFFFFF600  }
0x1dd: {  	_ =	swait.ge [sflag:s15], $0xA00  }
0x1de: {  	[sflag:s15] =	ssyncset.done $0x0  }
0x1df: {  	[sflag:s15] =	ssyncadd.s32 $0xFFFFF600  }
0x1e0: {  	_ =	swait.ge [sflag:s15], $0xA00  }
0x1e1: {  	[sflag:s15] =	ssyncset.done $0x0  }
0x1e2: {  	[sflag:s15] =	ssyncadd.s32 $0xFFFFF600  }
0x1e3: {  	_ =	swait.ge [sflag:s15], $0xA00  }
0x1e4: {  	[sflag:s15] =	ssyncset.done $0x0  }
0x1e5: {  	[sflag:s15] =	ssyncadd.s32 $0xFFFFF600  }
0x1e6: {  	_ =	swait.ge [sflag:s15], $0x800  }
0x1e7: {  	[sflag:s15] =	ssyncset.done $0x0  }
0x1e8: {  	[sflag:s15] =	ssyncadd.s32 $0xFFFFF800  }
0x1e9: {  	_ =	swait.ge [sflag:s16], $0xA00  }
0x1ea: {  	[sflag:s16] =	ssyncset.done $0x0  }
0x1eb: {  	[sflag:s16] =	ssyncadd.s32 $0xFFFFF600  }
0x1ec: {  	_ =	swait.ge [sflag:s16], $0xA00  }
0x1ed: {  	[sflag:s16] =	ssyncset.done $0x0  }
0x1ee: {  	[sflag:s16] =	ssyncadd.s32 $0xFFFFF600  }
0x1ef: {  	_ =	swait.ge [sflag:s16], $0xA00  }
0x1f0: {  	[sflag:s16] =	ssyncset.done $0x0  }
0x1f1: {  	[sflag:s16] =	ssyncadd.s32 $0xFFFFF600  }
0x1f2: {  	_ =	swait.ge [sflag:s16], $0xA00  }
0x1f3: {  	[sflag:s16] =	ssyncset.done $0x0  }
0x1f4: {  	[sflag:s16] =	ssyncadd.s32 $0xFFFFF600  }
0x1f5: {  	_ =	swait.ge [sflag:s16], $0xA00  }
0x1f6: {  	[sflag:s16] =	ssyncset.done $0x0  }
0x1f7: {  	[sflag:s16] =	ssyncadd.s32 $0xFFFFF600  }
0x1f8: {  	_ =	swait.ge [sflag:s16], $0xA00  }
0x1f9: {  	[sflag:s16] =	ssyncset.done $0x0  }
0x1fa: {  	[sflag:s16] =	ssyncadd.s32 $0xFFFFF600  }
0x1fb: {  	_ =	swait.ge [sflag:s16], $0xA00  }
0x1fc: {  	[sflag:s16] =	ssyncset.done $0x0  }
0x1fd: {  	[sflag:s16] =	ssyncadd.s32 $0xFFFFF600  }
0x1fe: {  	_ =	swait.ge [sflag:s16], $0xA00  }
0x1ff: {  	[sflag:s16] =	ssyncset.done $0x0  }
0x200: {  	[sflag:s16] =	ssyncadd.s32 $0xFFFFF600  }
0x201: {  	_ =	swait.ge [sflag:s16], $0xA00  }
0x202: {  	[sflag:s16] =	ssyncset.done $0x0  }
0x203: {  	[sflag:s16] =	ssyncadd.s32 $0xFFFFF600  }
0x204: {  	_ =	swait.ge [sflag:s16], $0xA00  }
0x205: {  	[sflag:s16] =	ssyncset.done $0x0  }
0x206: {  	[sflag:s16] =	ssyncadd.s32 $0xFFFFF600  }
0x207: {  	_ =	swait.ge [sflag:s16], $0xA00  }
0x208: {  	[sflag:s16] =	ssyncset.done $0x0  }
0x209: {  	[sflag:s16] =	ssyncadd.s32 $0xFFFFF600  }
0x20a: {  	_ =	swait.ge [sflag:s16], $0xA00  }
0x20b: {  	[sflag:s16] =	ssyncset.done $0x0  }
0x20c: {  	[sflag:s16] =	ssyncadd.s32 $0xFFFFF600  }
0x20d: {  	_ =	swait.ge [sflag:s16], $0xA00  }
0x20e: {  	[sflag:s16] =	ssyncset.done $0x0  }
0x20f: {  	[sflag:s16] =	ssyncadd.s32 $0xFFFFF600  }
0x210: {  	_ =	swait.ge [sflag:s16], $0xA00  }
0x211: {  	[sflag:s16] =	ssyncset.done $0x0  }
0x212: {  	[sflag:s16] =	ssyncadd.s32 $0xFFFFF600  }
0x213: {  	_ =	swait.ge [sflag:s16], $0xA00  }
0x214: {  	[sflag:s16] =	ssyncset.done $0x0  }
0x215: {  	[sflag:s16] =	ssyncadd.s32 $0xFFFFF600  }
0x216: {  	_ =	swait.ge [sflag:s16], $0x800  }
0x217: {  	[sflag:s16] =	ssyncset.done $0x0  }
0x218: {  	[sflag:s16] =	ssyncadd.s32 $0xFFFFF800  }
.LBB2_4:
0x219: {  	s0 =	simm.s32 $0x6  }
0x21a: {  	_ =	swait.ge [sflag:s0], $0x100  }
0x21b: {  	[sflag:s0] =	ssyncset.done $0x0  }
0x21c: {  	s30 =	simm.s32 $0x8;
	[sflag:s0] =	ssyncadd.s32 $0xFFFFFF00  }
0x21d: {  	_ =	swait.ge [sflag:s30], $0x100  }
0x21e: {  	[sflag:s30] =	ssyncset.done $0x0  }
0x21f: {  	[sflag:s30] =	ssyncadd.s32 $0xFFFFFF00  }
0x220: {  	s12 =	simm.s32 $0x0;
	[bflag:$0x0] =	sbarrier.arrive $0xFFFF  }
0x221: {  	[tilespmem:s20], [sflag:$0x1] =	stream.indirect.gather [hbm4b:s6+s19], $0x40, s10, s19, $0xb8;
	[tilespmem:$0x19A40] =	vst v63  }
.LBB2_5:
0x222: {  	_ =	swait.ge [sflag:s21], $0x1F40  }
0x223: {  	p1 =	sne.s32 s12, $0x0;
	[sflag:s21] =	ssyncset.done $0x0  }
0x224: {  	s0 =	simm.s32 @p1 $0x5;
	[sflag:s21] =	ssyncadd.s32 $0xFFFFE0C0  }
0x225: {  	[spmem:s3] =	stream.indirect.scatter.add.f32 [tilespmem:s20], [sflag:$0x4], $0x40, s13, s19, $0xb8;
	[tilespmem:$0x19A40] =	vst v63  }
0x226: {  	_ =	swait.ge @p1 [sflag:s0], $0x1F40  }
0x227: {  	s10 =	simm.s32 @p1 $0x13900;
	[sflag:s0] =	ssyncset.done @p1 $0x0  }
0x228: {  	s17 =	simm.s32 @p1 $0x15BC0;
	[sflag:s0] =	ssyncadd.s32 @p1 $0xFFFFE0C0;
	s0 =	simm.s32 @p1 $0x7D  }
0x229: {  	[tilespmem:s17], [sflag:$0x2] =	stream.indirect.gather @p1 [hbm4b:s6+s0], $0x40, s10, s0, $0xb8;
	[tilespmem:$0x19A40] =	vst v63  }
0x22a: {  	s0 =	simm.s32 @p1 $0x3  }
0x22b: {  	_ =	swait.ge @p1 [sflag:s0], $0x1F40  }
0x22c: {  	s18 =	simm.s32 $0x13D20;
	s10 =	simm.s32 @!p1 $0x13900;
	[sflag:s0] =	ssyncset.done @p1 $0x0  }
0x22d: {  	s17 =	simm.s32 @!p1 $0x15BC0;
	[sflag:s0] =	ssyncadd.s32 @p1 $0xFFFFE0C0;
	s0 =	simm.s32 @!p1 $0x7D  }
0x22e: {  	[tilespmem:s17], [sflag:$0x2] =	stream.indirect.gather @!p1 [hbm4b:s6+s0], $0x40, s10, s0, $0xb8;
	[tilespmem:$0x19A40] =	vst v63  }
0x22f: {  	v1 =	vld [tilespmem:s18+$0x60];
	_ =	sdelay $0x1  }
0x230: {  	v2 =	vld [tilespmem:s18+$0xFFFFFFA0]  }
0x231: {  	v3 =	vld [tilespmem:s18+$0xFFFFFFE0]  }
0x232: {  	v4 =	vld [tilespmem:s18+$0x20]  }
0x233: {  	s30 =	simm.s32 $0x17BA0;
	v5 =	vld [tilespmem:s18+$0xFFFFFF60];
	v1 =	vshll.u32 v1, $0x10  }
0x234: {  	[tilespmem:s30+$0x60] =	vst v1  }
0x235: {  	v1 =	vshll.u32 v2, $0x10;
	v2 =	vld [tilespmem:s18+$0x70]  }
0x236: {  	[tilespmem:s30+$0xFFFFFFA0] =	vst v1;
	v1 =	vshll.u32 v3, $0x10  }
0x237: {  	v3 =	vld [tilespmem:s18+$0xFFFFFFB0];
	[tilespmem:s30+$0xFFFFFFE0] =	vst v1;
	v1 =	vshll.u32 v4, $0x10  }
0x238: {  	v4 =	vshll.u32 v5, $0x10;
	v5 =	vld [tilespmem:s18+$0xFFFFFFF0];
	[tilespmem:s30+$0x20] =	vst v1  }
0x239: {  	[tilespmem:s30+$0xFFFFFF60] =	vst v4;
	v1 =	vld [tilespmem:s18+$0x30]  }
0x23a: {  	s23 =	simm.s32 $0x13E60;
	v4 =	vld [tilespmem:s18+$0xFFFFFF70];
	v2 =	vshll.u32 v2, $0x10  }
0x23b: {  	v6 =	vld [tilespmem:s23+$0x60];
	[tilespmem:s30+$0x70] =	vst v2  }
0x23c: {  	v2 =	vshll.u32 v3, $0x10;
	v3 =	vld [tilespmem:s18+$0x80]  }
0x23d: {  	v7 =	vld [tilespmem:s23+$0xFFFFFFA0];
	[tilespmem:s30+$0xFFFFFFB0] =	vst v2;
	v2 =	vshll.u32 v5, $0x10  }
0x23e: {  	v5 =	vld [tilespmem:s18+$0xFFFFFFC0];
	[tilespmem:s30+$0xFFFFFFF0] =	vst v2;
	v1 =	vshll.u32 v1, $0x10  }
0x23f: {  	v2 =	vshll.u32 v4, $0x10;
	v4 =	vld [tilespmem:s18+$0x0];
	[tilespmem:s30+$0x30] =	vst v1  }
0x240: {  	s17 =	simm.s32 $0x17CE0;
	v6 =	vshll.u32 v6, $0x10;
	[tilespmem:s30+$0xFFFFFF70] =	vst v2;
	v1 =	vld [tilespmem:s18+$0x40]  }
0x241: {  	[tilespmem:s17+$0x60] =	vst v6;
	v2 =	vld [tilespmem:s18+$0xFFFFFF80];
	v3 =	vshll.u32 v3, $0x10  }
0x242: {  	v6 =	vshll.u32 v7, $0x10;
	v7 =	vld [tilespmem:s23+$0x70];
	[tilespmem:s30+$0x80] =	vst v3  }
0x243: {  	[tilespmem:s17+$0xFFFFFFA0] =	vst v6;
	v3 =	vshll.u32 v5, $0x10;
	v5 =	vld [tilespmem:s18+$0x90]  }
0x244: {  	[tilespmem:s30+$0xFFFFFFC0] =	vst v3;
	v3 =	vshll.u32 v4, $0x10;
	v4 =	vld [tilespmem:s23+$0xFFFFFFE0]  }
0x245: {  	[tilespmem:s30+$0x0] =	vst v3;
	v1 =	vshll.u32 v1, $0x10;
	v3 =	vld [tilespmem:s23+$0x20]  }
0x246: {  	v2 =	vshll.u32 v2, $0x10;
	[tilespmem:s30+$0x40] =	vst v1;
	v1 =	vld [tilespmem:s23+$0xFFFFFF60]  }
0x247: {  	v6 =	vld [tilespmem:s23+$0xFFFFFFB0];
	[tilespmem:s30+$0xFFFFFF80] =	vst v2  }
0x248: {  	v2 =	vld [tilespmem:s18+$0xFFFFFF90];
	v5 =	vshll.u32 v5, $0x10  }
0x249: {  	v4 =	vshll.u32 v4, $0x10;
	[tilespmem:s30+$0x90] =	vst v5;
	v5 =	vld [tilespmem:s18+$0xFFFFFFD0]  }
0x24a: {  	[tilespmem:s17+$0xFFFFFFE0] =	vst v4;
	v3 =	vshll.u32 v3, $0x10  }
0x24b: {  	v1 =	vshll.u32 v1, $0x10;
	v4 =	vld [tilespmem:s23+$0xFFFFFFF0];
	[tilespmem:s17+$0x20] =	vst v3  }
0x24c: {  	v7 =	vshll.u32 v7, $0x10;
	[tilespmem:s17+$0xFFFFFF60] =	vst v1;
	v3 =	vld [tilespmem:s23+$0x30]  }
0x24d: {  	[tilespmem:s17+$0x70] =	vst v7;
	v1 =	vshll.u32 v2, $0x10;
	v2 =	vld [tilespmem:s23+$0xFFFFFF70]  }
0x24e: {  	v6 =	vshll.u32 v6, $0x10;
	[tilespmem:s30+$0xFFFFFF90] =	vst v1;
	v1 =	vshll.u32 v5, $0x10;
	v5 =	vld [tilespmem:s18+$0x10]  }
0x24f: {  	v7 =	vld [tilespmem:s23+$0x80];
	[tilespmem:s17+$0xFFFFFFB0] =	vst v6  }
0x250: {  	[tilespmem:s30+$0xFFFFFFD0] =	vst v1;
	v6 =	vshll.u32 v4, $0x10;
	v1 =	vld [tilespmem:s18+$0x50]  }
0x251: {  	v4 =	vld [tilespmem:s23+$0xFFFFFFC0];
	[tilespmem:s17+$0xFFFFFFF0] =	vst v6;
	v3 =	vshll.u32 v3, $0x10  }
0x252: {  	v6 =	vshll.u32 v2, $0x10;
	v2 =	vld [tilespmem:s23+$0x0];
	[tilespmem:s17+$0x30] =	vst v3  }
0x253: {  	[tilespmem:s17+$0xFFFFFF70] =	vst v6;
	v3 =	vld [tilespmem:s23+$0x40];
	v8 =	vshll.u32 v5, $0x10  }
0x254: {  	s10 =	simm.s32 $0x13FA0;
	s18 =	simm.s32 $0x5;
	v6 =	vshll.u32 v7, $0x10;
	v5 =	vld [tilespmem:s23+$0xFFFFFF80];
	[tilespmem:s30+$0x10] =	vst v8  }
.LBB2_6:
0x255: {  	v7 =	vld [tilespmem:s10+$0x60];
	s18 =	sadd.s32 $0x5, s18;
	[tilespmem:s17+$0x80] =	vst v6;
	v1 =	vshll.u32 v1, $0x10  }
0x256: {  	p1 =	slt.u32 s18, $0x78;
	v4 =	vshll.u32 v4, $0x10;
	v6 =	vld [tilespmem:s23+$0x90];
	[tilespmem:s30+$0x50] =	vst v1;
	s30 =	smov.u32 s17  }
0x257: {  	v1 =	vld [tilespmem:s10+$0xFFFFFFA0];
	[tilespmem:s17+$0xFFFFFFC0] =	vst v4;
	v2 =	vshll.u32 v2, $0x10  }
0x258: {  	v4 =	vld [tilespmem:s10+$0xFFFFFFE0];
	[tilespmem:s17+$0x0] =	vst v2;
	v2 =	vshll.u32 v3, $0x10  }
0x259: {  	v3 =	vld [tilespmem:s10+$0x20];
	v5 =	vshll.u32 v5, $0x10;
	[tilespmem:s17+$0x40] =	vst v2  }
0x25a: {  	s17 =	sadd.s32 $0x140, s17;
	v2 =	vld [tilespmem:s10+$0xFFFFFF60];
	v7 =	vshll.u32 v7, $0x10;
	[tilespmem:s30+$0xFFFFFF80] =	vst v5  }
0x25b: {  	[tilespmem:s17+$0x60] =	vst v7;
	v5 =	vld [tilespmem:s23+$0xFFFFFF90];
	v6 =	vshll.u32 v6, $0x10  }
0x25c: {  	v1 =	vshll.u32 v1, $0x10;
	v7 =	vld [tilespmem:s10+$0x70];
	[tilespmem:s30+$0x90] =	vst v6  }
0x25d: {  	[tilespmem:s17+$0xFFFFFFA0] =	vst v1;
	v1 =	vshll.u32 v4, $0x10;
	v4 =	vld [tilespmem:s23+$0xFFFFFFD0]  }
0x25e: {  	v6 =	vld [tilespmem:s10+$0xFFFFFFB0];
	[tilespmem:s17+$0xFFFFFFE0] =	vst v1;
	v1 =	vshll.u32 v3, $0x10  }
0x25f: {  	v2 =	vshll.u32 v2, $0x10;
	v3 =	vld [tilespmem:s10+$0xFFFFFFF0];
	[tilespmem:s17+$0x20] =	vst v1  }
0x260: {  	[tilespmem:s17+$0xFFFFFF60] =	vst v2;
	v2 =	vld [tilespmem:s10+$0x30];
	v1 =	vshll.u32 v5, $0x10  }
0x261: {  	v5 =	vld [tilespmem:s10+$0xFFFFFF70];
	v7 =	vshll.u32 v7, $0x10;
	[tilespmem:s30+$0xFFFFFF90] =	vst v1  }
0x262: {  	[tilespmem:s17+$0x70] =	vst v7;
	v1 =	vshll.u32 v4, $0x10;
	v7 =	vld [tilespmem:s23+$0x10]  }
0x263: {  	v4 =	vshll.u32 v6, $0x10;
	v6 =	vld [tilespmem:s10+$0x80];
	[tilespmem:s30+$0xFFFFFFD0] =	vst v1  }
.Ltmp2:
0x264: {  	[tilespmem:s17+$0xFFFFFFB0] =	vst v4;
	v3 =	vshll.u32 v3, $0x10;
	v1 =	vld [tilespmem:s23+$0x50];
	s23 =	smov.u32 s10;
	(pc) =	sbr.rel @p1 .LBB2_6-.Ltmp2, $4  }
0x265: {  	v4 =	vld [tilespmem:s10+$0xFFFFFFC0];
	[tilespmem:s17+$0xFFFFFFF0] =	vst v3;
	v3 =	vshll.u32 v2, $0x10  }
0x266: {  	v5 =	vshll.u32 v5, $0x10;
	v2 =	vld [tilespmem:s10+$0x0];
	[tilespmem:s17+$0x30] =	vst v3  }
0x267: {  	[tilespmem:s17+$0xFFFFFF70] =	vst v5;
	v3 =	vld [tilespmem:s10+$0x40];
	v7 =	vshll.u32 v7, $0x10  }
0x268: {  	s10 =	sadd.s32 $0x140, s10;
	v5 =	vld [tilespmem:s23+$0xFFFFFF80];
	v6 =	vshll.u32 v6, $0x10;
	[tilespmem:s30+$0x10] =	vst v7  }
0x269: {  	_ =	sdelay $0x3  }
0x26a: {  	[tilespmem:s17+$0x80] =	vst v6;
	v5 =	vshll.u32 v5, $0x10  }
0x26b: {  	v4 =	vshll.u32 v4, $0x10;
	v6 =	vld [tilespmem:s23+$0x90];
	[tilespmem:s17+$0xFFFFFF80] =	vst v5  }
0x26c: {  	[tilespmem:s17+$0xFFFFFFC0] =	vst v4;
	v2 =	vshll.u32 v2, $0x10;
	v4 =	vld [tilespmem:s23+$0xFFFFFF90]  }
0x26d: {  	[tilespmem:s17+$0x0] =	vst v2;
	v2 =	vshll.u32 v3, $0x10;
	v3 =	vld [tilespmem:s23+$0xFFFFFFD0]  }
0x26e: {  	[tilespmem:s17+$0x40] =	vst v2;
	v2 =	vld [tilespmem:s23+$0x10]  }
0x26f: {  	v1 =	vshll.u32 v1, $0x10;
	v5 =	vld [tilespmem:s23+$0x50]  }
0x270: {  	[tilespmem:s30+$0x50] =	vst v1;
	v1 =	vshll.u32 v6, $0x10  }
0x271: {  	[tilespmem:s17+$0x90] =	vst v1;
	v1 =	vshll.u32 v4, $0x10  }
0x272: {  	[tilespmem:s17+$0xFFFFFF90] =	vst v1;
	v1 =	vshll.u32 v3, $0x10  }
0x273: {  	s30 =	sshll.u32 s12, $0x9;
	[tilespmem:s17+$0xFFFFFFD0] =	vst v1;
	v1 =	vshll.u32 v2, $0x10  }
0x274: {  	s0 =	sadd.s32 s30, s24;
	[tilespmem:s17+$0x10] =	vst v1;
	v1 =	vshll.u32 v5, $0x10  }
0x275: {  	s0 =	sshrl.u32 s0, $0x3;
	[tilespmem:s17+$0x50] =	vst v1  }
0x276: {  	[spmem:s2] =	stream.indirect.scatter.add.f32 [tilespmem:s14], [sflag:$0x3], $0x40, s13, s19, $0xb8;
	[tilespmem:$0x19A40] =	vst v63  }
0x277: {  	s10 =	sadd.s32 s1, s0  }
0x278: {  	[tilespmem:s22], [sflag:$0x7] =	stream.linear.gather [hbm4b:s10+s5], $0x100, $0x38;
	[tilespmem:$0x19A40] =	vst v63  }
0x279: {  	s0 =	sadd.s32 s8, s0  }
0x27a: {  	[tilespmem:s4], [sflag:$0x9] =	stream.linear.gather [hbm4b:s0+s5], $0x100, $0x38;
	[tilespmem:$0x19A40] =	vst v63  }
0x27b: {  	_ =	swait.ge [sflag:s7], $0x1F40  }
0x27c: {  	[sflag:s7] =	ssyncset.done $0x0  }
0x27d: {  	[sflag:s7] =	ssyncadd.s32 $0xFFFFE0C0  }
0x27e: {  	[spmem:s3] =	stream.indirect.scatter.add.f32 [tilespmem:s26], [sflag:$0x5], $0x40, s9, s19, $0xb8;
	[tilespmem:$0x19A40] =	vst v63  }
0x27f: {  	_ =	swait.ge [sflag:s15], $0x1F40  }
0x280: {  	[sflag:s15] =	ssyncset.done $0x0  }
0x281: {  	[sflag:s15] =	ssyncadd.s32 $0xFFFFE0C0  }
0x282: {  	_ =	swait.ge [sflag:s28], $0x100  }
0x283: {  	[sflag:s28] =	ssyncset.done $0x0  }
0x284: {  	[sflag:s28] =	ssyncadd.s32 $0xFFFFFF00  }
0x285: {  	_ =	swait.ge [sflag:s29], $0x100  }
0x286: {  	[sflag:s29] =	ssyncset.done $0x0  }
0x287: {  	[sflag:s29] =	ssyncadd.s32 $0xFFFFFF00  }
0x288: {  	[tilespmem:s20], [sflag:$0x1] =	stream.indirect.gather [hbm4b:s6+s19], $0x40, s22, s19, $0xb8;
	[tilespmem:$0x19A40] =	vst v63  }
0x289: {  	_ =	swait.ge [sflag:s11], $0x1F40  }
0x28a: {  	[sflag:s11] =	ssyncset.done $0x0  }
0x28b: {  	s10 =	simm.s32 $0x15CF0;
	[sflag:s11] =	ssyncadd.s32 $0xFFFFE0C0  }
0x28c: {  	v1 =	vld [tilespmem:s10+$0xFFFFFFD0];
	_ =	sdelay $0x1  }
0x28d: {  	v2 =	vld [tilespmem:s10+$0xFFFFFF10]  }
0x28e: {  	v3 =	vld [tilespmem:s10+$0xFFFFFF50]  }
0x28f: {  	v4 =	vld [tilespmem:s10+$0xFFFFFF90]  }
0x290: {  	s23 =	simm.s32 $0x17BA0;
	v5 =	vld [tilespmem:s10+$0xFFFFFED0];
	v1 =	vshll.u32 v1, $0x10  }
0x291: {  	[tilespmem:s23+$0x60] =	vst v1  }
0x292: {  	v1 =	vshll.u32 v2, $0x10;
	v2 =	vld [tilespmem:s10+$0xFFFFFFE0]  }
0x293: {  	[tilespmem:s23+$0xFFFFFFA0] =	vst v1;
	v1 =	vshll.u32 v3, $0x10  }
0x294: {  	v3 =	vld [tilespmem:s10+$0xFFFFFF20];
	[tilespmem:s23+$0xFFFFFFE0] =	vst v1;
	v1 =	vshll.u32 v4, $0x10  }
0x295: {  	v4 =	vshll.u32 v5, $0x10;
	v5 =	vld [tilespmem:s10+$0xFFFFFF60];
	[tilespmem:s23+$0x20] =	vst v1  }
0x296: {  	[tilespmem:s23+$0xFFFFFF60] =	vst v4;
	v1 =	vld [tilespmem:s10+$0xFFFFFFA0]  }
0x297: {  	s17 =	simm.s32 $0x15E30;
	v4 =	vld [tilespmem:s10+$0xFFFFFEE0];
	v2 =	vshll.u32 v2, $0x10  }
0x298: {  	v6 =	vld [tilespmem:s17+$0xFFFFFFD0];
	[tilespmem:s23+$0x70] =	vst v2  }
0x299: {  	v2 =	vshll.u32 v3, $0x10;
	v3 =	vld [tilespmem:s10+$0xFFFFFFF0]  }
0x29a: {  	v7 =	vld [tilespmem:s17+$0xFFFFFF10];
	[tilespmem:s23+$0xFFFFFFB0] =	vst v2;
	v2 =	vshll.u32 v5, $0x10  }
0x29b: {  	v5 =	vld [tilespmem:s10+$0xFFFFFF30];
	[tilespmem:s23+$0xFFFFFFF0] =	vst v2;
	v1 =	vshll.u32 v1, $0x10  }
0x29c: {  	v2 =	vshll.u32 v4, $0x10;
	v4 =	vld [tilespmem:s10+$0xFFFFFF70];
	[tilespmem:s23+$0x30] =	vst v1  }
0x29d: {  	s18 =	simm.s32 $0x17CE0;
	v6 =	vshll.u32 v6, $0x10;
	[tilespmem:s23+$0xFFFFFF70] =	vst v2;
	v1 =	vld [tilespmem:s10+$0xFFFFFFB0]  }
0x29e: {  	[tilespmem:s18+$0x60] =	vst v6;
	v2 =	vld [tilespmem:s10+$0xFFFFFEF0];
	v3 =	vshll.u32 v3, $0x10  }
0x29f: {  	v6 =	vshll.u32 v7, $0x10;
	v7 =	vld [tilespmem:s17+$0xFFFFFFE0];
	[tilespmem:s23+$0x80] =	vst v3  }
0x2a0: {  	[tilespmem:s18+$0xFFFFFFA0] =	vst v6;
	v3 =	vshll.u32 v5, $0x10;
	v5 =	vld [tilespmem:s10+$0x0]  }
0x2a1: {  	[tilespmem:s23+$0xFFFFFFC0] =	vst v3;
	v3 =	vshll.u32 v4, $0x10;
	v4 =	vld [tilespmem:s17+$0xFFFFFF50]  }
0x2a2: {  	[tilespmem:s23+$0x0] =	vst v3;
	v1 =	vshll.u32 v1, $0x10;
	v3 =	vld [tilespmem:s17+$0xFFFFFF90]  }
0x2a3: {  	v2 =	vshll.u32 v2, $0x10;
	[tilespmem:s23+$0x40] =	vst v1;
	v1 =	vld [tilespmem:s17+$0xFFFFFED0]  }
0x2a4: {  	v6 =	vld [tilespmem:s17+$0xFFFFFF20];
	[tilespmem:s23+$0xFFFFFF80] =	vst v2  }
0x2a5: {  	v2 =	vld [tilespmem:s10+$0xFFFFFF00];
	v5 =	vshll.u32 v5, $0x10  }
0x2a6: {  	v4 =	vshll.u32 v4, $0x10;
	[tilespmem:s23+$0x90] =	vst v5;
	v5 =	vld [tilespmem:s10+$0xFFFFFF40]  }
0x2a7: {  	[tilespmem:s18+$0xFFFFFFE0] =	vst v4;
	v3 =	vshll.u32 v3, $0x10  }
0x2a8: {  	v1 =	vshll.u32 v1, $0x10;
	v4 =	vld [tilespmem:s17+$0xFFFFFF60];
	[tilespmem:s18+$0x20] =	vst v3  }
0x2a9: {  	v7 =	vshll.u32 v7, $0x10;
	[tilespmem:s18+$0xFFFFFF60] =	vst v1;
	v3 =	vld [tilespmem:s17+$0xFFFFFFA0]  }
0x2aa: {  	[tilespmem:s18+$0x70] =	vst v7;
	v1 =	vshll.u32 v2, $0x10;
	v2 =	vld [tilespmem:s17+$0xFFFFFEE0]  }
0x2ab: {  	v6 =	vshll.u32 v6, $0x10;
	[tilespmem:s23+$0xFFFFFF90] =	vst v1;
	v1 =	vshll.u32 v5, $0x10;
	v5 =	vld [tilespmem:s10+$0xFFFFFF80]  }
0x2ac: {  	v7 =	vld [tilespmem:s17+$0xFFFFFFF0];
	[tilespmem:s18+$0xFFFFFFB0] =	vst v6  }
0x2ad: {  	[tilespmem:s23+$0xFFFFFFD0] =	vst v1;
	v6 =	vshll.u32 v4, $0x10;
	v1 =	vld [tilespmem:s10+$0xFFFFFFC0]  }
0x2ae: {  	v4 =	vld [tilespmem:s17+$0xFFFFFF30];
	[tilespmem:s18+$0xFFFFFFF0] =	vst v6;
	v3 =	vshll.u32 v3, $0x10  }
0x2af: {  	v6 =	vshll.u32 v2, $0x10;
	v2 =	vld [tilespmem:s17+$0xFFFFFF70];
	[tilespmem:s18+$0x30] =	vst v3  }
0x2b0: {  	[tilespmem:s18+$0xFFFFFF70] =	vst v6;
	v3 =	vld [tilespmem:s17+$0xFFFFFFB0];
	v8 =	vshll.u32 v5, $0x10  }
0x2b1: {  	s0 =	simm.s32 $0x15F70;
	s10 =	simm.s32 $0x5;
	v6 =	vshll.u32 v7, $0x10;
	v5 =	vld [tilespmem:s17+$0xFFFFFEF0];
	[tilespmem:s23+$0x10] =	vst v8  }
.LBB2_8:
0x2b2: {  	v7 =	vld [tilespmem:s0+$0xFFFFFFD0];
	s10 =	sadd.s32 $0x5, s10;
	[tilespmem:s18+$0x80] =	vst v6;
	v1 =	vshll.u32 v1, $0x10  }
0x2b3: {  	p1 =	slt.u32 s10, $0x78;
	v4 =	vshll.u32 v4, $0x10;
	v6 =	vld [tilespmem:s17+$0x0];
	[tilespmem:s23+$0x50] =	vst v1;
	s23 =	smov.u32 s18  }
0x2b4: {  	v1 =	vld [tilespmem:s0+$0xFFFFFF10];
	[tilespmem:s18+$0xFFFFFFC0] =	vst v4;
	v2 =	vshll.u32 v2, $0x10  }
0x2b5: {  	v4 =	vld [tilespmem:s0+$0xFFFFFF50];
	[tilespmem:s18+$0x0] =	vst v2;
	v2 =	vshll.u32 v3, $0x10  }
0x2b6: {  	v3 =	vld [tilespmem:s0+$0xFFFFFF90];
	v5 =	vshll.u32 v5, $0x10;
	[tilespmem:s18+$0x40] =	vst v2  }
0x2b7: {  	s18 =	sadd.s32 $0x140, s18;
	v2 =	vld [tilespmem:s0+$0xFFFFFED0];
	v7 =	vshll.u32 v7, $0x10;
	[tilespmem:s23+$0xFFFFFF80] =	vst v5  }
0x2b8: {  	[tilespmem:s18+$0x60] =	vst v7;
	v5 =	vld [tilespmem:s17+$0xFFFFFF00];
	v6 =	vshll.u32 v6, $0x10  }
0x2b9: {  	v1 =	vshll.u32 v1, $0x10;
	v7 =	vld [tilespmem:s0+$0xFFFFFFE0];
	[tilespmem:s23+$0x90] =	vst v6  }
0x2ba: {  	[tilespmem:s18+$0xFFFFFFA0] =	vst v1;
	v1 =	vshll.u32 v4, $0x10;
	v4 =	vld [tilespmem:s17+$0xFFFFFF40]  }
0x2bb: {  	v6 =	vld [tilespmem:s0+$0xFFFFFF20];
	[tilespmem:s18+$0xFFFFFFE0] =	vst v1;
	v1 =	vshll.u32 v3, $0x10  }
0x2bc: {  	v2 =	vshll.u32 v2, $0x10;
	v3 =	vld [tilespmem:s0+$0xFFFFFF60];
	[tilespmem:s18+$0x20] =	vst v1  }
0x2bd: {  	[tilespmem:s18+$0xFFFFFF60] =	vst v2;
	v2 =	vld [tilespmem:s0+$0xFFFFFFA0];
	v1 =	vshll.u32 v5, $0x10  }
0x2be: {  	v5 =	vld [tilespmem:s0+$0xFFFFFEE0];
	v7 =	vshll.u32 v7, $0x10;
	[tilespmem:s23+$0xFFFFFF90] =	vst v1  }
0x2bf: {  	[tilespmem:s18+$0x70] =	vst v7;
	v1 =	vshll.u32 v4, $0x10;
	v7 =	vld [tilespmem:s17+$0xFFFFFF80]  }
0x2c0: {  	v4 =	vshll.u32 v6, $0x10;
	v6 =	vld [tilespmem:s0+$0xFFFFFFF0];
	[tilespmem:s23+$0xFFFFFFD0] =	vst v1  }
.Ltmp3:
0x2c1: {  	[tilespmem:s18+$0xFFFFFFB0] =	vst v4;
	v3 =	vshll.u32 v3, $0x10;
	v1 =	vld [tilespmem:s17+$0xFFFFFFC0];
	s17 =	smov.u32 s0;
	(pc) =	sbr.rel @p1 .LBB2_8-.Ltmp3, $4  }
0x2c2: {  	v4 =	vld [tilespmem:s0+$0xFFFFFF30];
	[tilespmem:s18+$0xFFFFFFF0] =	vst v3;
	v3 =	vshll.u32 v2, $0x10  }
0x2c3: {  	v5 =	vshll.u32 v5, $0x10;
	v2 =	vld [tilespmem:s0+$0xFFFFFF70];
	[tilespmem:s18+$0x30] =	vst v3  }
0x2c4: {  	[tilespmem:s18+$0xFFFFFF70] =	vst v5;
	v3 =	vld [tilespmem:s0+$0xFFFFFFB0];
	v7 =	vshll.u32 v7, $0x10  }
0x2c5: {  	s0 =	sadd.s32 $0x140, s0;
	v5 =	vld [tilespmem:s17+$0xFFFFFEF0];
	v6 =	vshll.u32 v6, $0x10;
	[tilespmem:s23+$0x10] =	vst v7  }
0x2c6: {  	_ =	sdelay $0x3  }
0x2c7: {  	[tilespmem:s18+$0x80] =	vst v6;
	v5 =	vshll.u32 v5, $0x10  }
0x2c8: {  	v4 =	vshll.u32 v4, $0x10;
	v6 =	vld [tilespmem:s17+$0x0];
	[tilespmem:s18+$0xFFFFFF80] =	vst v5  }
0x2c9: {  	[tilespmem:s18+$0xFFFFFFC0] =	vst v4;
	v2 =	vshll.u32 v2, $0x10;
	v4 =	vld [tilespmem:s17+$0xFFFFFF00]  }
0x2ca: {  	[tilespmem:s18+$0x0] =	vst v2;
	v2 =	vshll.u32 v3, $0x10;
	v3 =	vld [tilespmem:s17+$0xFFFFFF40]  }
0x2cb: {  	[tilespmem:s18+$0x40] =	vst v2;
	v2 =	vld [tilespmem:s17+$0xFFFFFF80]  }
0x2cc: {  	v1 =	vshll.u32 v1, $0x10;
	v5 =	vld [tilespmem:s17+$0xFFFFFFC0]  }
0x2cd: {  	[tilespmem:s23+$0x50] =	vst v1;
	v1 =	vshll.u32 v6, $0x10  }
0x2ce: {  	[tilespmem:s18+$0x90] =	vst v1;
	v1 =	vshll.u32 v4, $0x10  }
0x2cf: {  	[tilespmem:s18+$0xFFFFFF90] =	vst v1;
	v1 =	vshll.u32 v3, $0x10  }
0x2d0: {  	[tilespmem:s18+$0xFFFFFFD0] =	vst v1;
	v1 =	vshll.u32 v2, $0x10  }
0x2d1: {  	[tilespmem:s18+$0x10] =	vst v1;
	v1 =	vshll.u32 v5, $0x10  }
0x2d2: {  	[tilespmem:s18+$0x50] =	vst v1  }
0x2d3: {  	[spmem:s2] =	stream.indirect.scatter.add.f32 [tilespmem:s14], [sflag:$0x3], $0x40, s9, s19, $0xb8;
	[tilespmem:$0x19A40] =	vst v63  }
0x2d4: {  	_ =	swait.ge [sflag:s21], $0x1F40  }
0x2d5: {  	[sflag:s21] =	ssyncset.done $0x0  }
0x2d6: {  	[sflag:s21] =	ssyncadd.s32 $0xFFFFE0C0  }
0x2d7: {  	[spmem:s3] =	stream.indirect.scatter.add.f32 [tilespmem:s20], [sflag:$0x4], $0x40, s4, s19, $0xb8;
	[tilespmem:$0x19A40] =	vst v63  }
0x2d8: {  	_ =	swait.ge [sflag:s16], $0x1F40  }
0x2d9: {  	[sflag:s16] =	ssyncset.done $0x0  }
0x2da: {  	s0 =	simm.s32 $0x13A00;
	[sflag:s16] =	ssyncadd.s32 $0xFFFFE0C0  }
0x2db: {  	[tilespmem:s26], [sflag:$0x2] =	stream.indirect.gather [hbm4b:s6+s19], $0x40, s0, s19, $0xb8;
	[tilespmem:$0x19A40] =	vst v63  }
0x2dc: {  	_ =	swait.ge [sflag:s11], $0x1F40  }
0x2dd: {  	[sflag:s11] =	ssyncset.done $0x0  }
0x2de: {  	s10 =	simm.s32 $0x13D20;
	[sflag:s11] =	ssyncadd.s32 $0xFFFFE0C0  }
0x2df: {  	v1 =	vld [tilespmem:s10+$0x60];
	_ =	sdelay $0x1  }
0x2e0: {  	v2 =	vld [tilespmem:s10+$0xFFFFFFA0]  }
0x2e1: {  	v3 =	vld [tilespmem:s10+$0xFFFFFFE0]  }
0x2e2: {  	v4 =	vld [tilespmem:s10+$0x20]  }
0x2e3: {  	s23 =	simm.s32 $0x17BA0;
	v5 =	vld [tilespmem:s10+$0xFFFFFF60];
	v1 =	vshll.u32 v1, $0x10  }
0x2e4: {  	[tilespmem:s23+$0x60] =	vst v1  }
0x2e5: {  	v1 =	vshll.u32 v2, $0x10;
	v2 =	vld [tilespmem:s10+$0x70]  }
0x2e6: {  	[tilespmem:s23+$0xFFFFFFA0] =	vst v1;
	v1 =	vshll.u32 v3, $0x10  }
0x2e7: {  	v3 =	vld [tilespmem:s10+$0xFFFFFFB0];
	[tilespmem:s23+$0xFFFFFFE0] =	vst v1;
	v1 =	vshll.u32 v4, $0x10  }
0x2e8: {  	v4 =	vshll.u32 v5, $0x10;
	v5 =	vld [tilespmem:s10+$0xFFFFFFF0];
	[tilespmem:s23+$0x20] =	vst v1  }
0x2e9: {  	[tilespmem:s23+$0xFFFFFF60] =	vst v4;
	v1 =	vld [tilespmem:s10+$0x30]  }
0x2ea: {  	s17 =	simm.s32 $0x13E60;
	v4 =	vld [tilespmem:s10+$0xFFFFFF70];
	v2 =	vshll.u32 v2, $0x10  }
0x2eb: {  	v6 =	vld [tilespmem:s17+$0x60];
	[tilespmem:s23+$0x70] =	vst v2  }
0x2ec: {  	v2 =	vshll.u32 v3, $0x10;
	v3 =	vld [tilespmem:s10+$0x80]  }
0x2ed: {  	v7 =	vld [tilespmem:s17+$0xFFFFFFA0];
	[tilespmem:s23+$0xFFFFFFB0] =	vst v2;
	v2 =	vshll.u32 v5, $0x10  }
0x2ee: {  	v5 =	vld [tilespmem:s10+$0xFFFFFFC0];
	[tilespmem:s23+$0xFFFFFFF0] =	vst v2;
	v1 =	vshll.u32 v1, $0x10  }
0x2ef: {  	v2 =	vshll.u32 v4, $0x10;
	v4 =	vld [tilespmem:s10+$0x0];
	[tilespmem:s23+$0x30] =	vst v1  }
0x2f0: {  	s18 =	simm.s32 $0x17CE0;
	v6 =	vshll.u32 v6, $0x10;
	[tilespmem:s23+$0xFFFFFF70] =	vst v2;
	v1 =	vld [tilespmem:s10+$0x40]  }
0x2f1: {  	[tilespmem:s18+$0x60] =	vst v6;
	v2 =	vld [tilespmem:s10+$0xFFFFFF80];
	v3 =	vshll.u32 v3, $0x10  }
0x2f2: {  	v6 =	vshll.u32 v7, $0x10;
	v7 =	vld [tilespmem:s17+$0x70];
	[tilespmem:s23+$0x80] =	vst v3  }
0x2f3: {  	[tilespmem:s18+$0xFFFFFFA0] =	vst v6;
	v3 =	vshll.u32 v5, $0x10;
	v5 =	vld [tilespmem:s10+$0x90]  }
0x2f4: {  	[tilespmem:s23+$0xFFFFFFC0] =	vst v3;
	v3 =	vshll.u32 v4, $0x10;
	v4 =	vld [tilespmem:s17+$0xFFFFFFE0]  }
0x2f5: {  	[tilespmem:s23+$0x0] =	vst v3;
	v1 =	vshll.u32 v1, $0x10;
	v3 =	vld [tilespmem:s17+$0x20]  }
0x2f6: {  	v2 =	vshll.u32 v2, $0x10;
	[tilespmem:s23+$0x40] =	vst v1;
	v1 =	vld [tilespmem:s17+$0xFFFFFF60]  }
0x2f7: {  	v6 =	vld [tilespmem:s17+$0xFFFFFFB0];
	[tilespmem:s23+$0xFFFFFF80] =	vst v2  }
0x2f8: {  	v2 =	vld [tilespmem:s10+$0xFFFFFF90];
	v5 =	vshll.u32 v5, $0x10  }
0x2f9: {  	v4 =	vshll.u32 v4, $0x10;
	[tilespmem:s23+$0x90] =	vst v5;
	v5 =	vld [tilespmem:s10+$0xFFFFFFD0]  }
0x2fa: {  	[tilespmem:s18+$0xFFFFFFE0] =	vst v4;
	v3 =	vshll.u32 v3, $0x10  }
0x2fb: {  	v1 =	vshll.u32 v1, $0x10;
	v4 =	vld [tilespmem:s17+$0xFFFFFFF0];
	[tilespmem:s18+$0x20] =	vst v3  }
0x2fc: {  	v7 =	vshll.u32 v7, $0x10;
	[tilespmem:s18+$0xFFFFFF60] =	vst v1;
	v3 =	vld [tilespmem:s17+$0x30]  }
0x2fd: {  	[tilespmem:s18+$0x70] =	vst v7;
	v1 =	vshll.u32 v2, $0x10;
	v2 =	vld [tilespmem:s17+$0xFFFFFF70]  }
0x2fe: {  	v6 =	vshll.u32 v6, $0x10;
	[tilespmem:s23+$0xFFFFFF90] =	vst v1;
	v1 =	vshll.u32 v5, $0x10;
	v5 =	vld [tilespmem:s10+$0x10]  }
0x2ff: {  	v7 =	vld [tilespmem:s17+$0x80];
	[tilespmem:s18+$0xFFFFFFB0] =	vst v6  }
0x300: {  	[tilespmem:s23+$0xFFFFFFD0] =	vst v1;
	v6 =	vshll.u32 v4, $0x10;
	v1 =	vld [tilespmem:s10+$0x50]  }
0x301: {  	v4 =	vld [tilespmem:s17+$0xFFFFFFC0];
	[tilespmem:s18+$0xFFFFFFF0] =	vst v6;
	v3 =	vshll.u32 v3, $0x10  }
0x302: {  	v6 =	vshll.u32 v2, $0x10;
	v2 =	vld [tilespmem:s17+$0x0];
	[tilespmem:s18+$0x30] =	vst v3  }
0x303: {  	[tilespmem:s18+$0xFFFFFF70] =	vst v6;
	v3 =	vld [tilespmem:s17+$0x40];
	v8 =	vshll.u32 v5, $0x10  }
0x304: {  	s0 =	simm.s32 $0x13FA0;
	s10 =	simm.s32 $0x5;
	v6 =	vshll.u32 v7, $0x10;
	v5 =	vld [tilespmem:s17+$0xFFFFFF80];
	[tilespmem:s23+$0x10] =	vst v8  }
.LBB2_10:
0x305: {  	v7 =	vld [tilespmem:s0+$0x60];
	s10 =	sadd.s32 $0x5, s10;
	[tilespmem:s18+$0x80] =	vst v6;
	v1 =	vshll.u32 v1, $0x10  }
0x306: {  	p1 =	slt.u32 s10, $0x78;
	v4 =	vshll.u32 v4, $0x10;
	v6 =	vld [tilespmem:s17+$0x90];
	[tilespmem:s23+$0x50] =	vst v1;
	s23 =	smov.u32 s18  }
0x307: {  	v1 =	vld [tilespmem:s0+$0xFFFFFFA0];
	[tilespmem:s18+$0xFFFFFFC0] =	vst v4;
	v2 =	vshll.u32 v2, $0x10  }
0x308: {  	v4 =	vld [tilespmem:s0+$0xFFFFFFE0];
	[tilespmem:s18+$0x0] =	vst v2;
	v2 =	vshll.u32 v3, $0x10  }
0x309: {  	v3 =	vld [tilespmem:s0+$0x20];
	v5 =	vshll.u32 v5, $0x10;
	[tilespmem:s18+$0x40] =	vst v2  }
0x30a: {  	s18 =	sadd.s32 $0x140, s18;
	v2 =	vld [tilespmem:s0+$0xFFFFFF60];
	v7 =	vshll.u32 v7, $0x10;
	[tilespmem:s23+$0xFFFFFF80] =	vst v5  }
0x30b: {  	[tilespmem:s18+$0x60] =	vst v7;
	v5 =	vld [tilespmem:s17+$0xFFFFFF90];
	v6 =	vshll.u32 v6, $0x10  }
0x30c: {  	v1 =	vshll.u32 v1, $0x10;
	v7 =	vld [tilespmem:s0+$0x70];
	[tilespmem:s23+$0x90] =	vst v6  }
0x30d: {  	[tilespmem:s18+$0xFFFFFFA0] =	vst v1;
	v1 =	vshll.u32 v4, $0x10;
	v4 =	vld [tilespmem:s17+$0xFFFFFFD0]  }
0x30e: {  	v6 =	vld [tilespmem:s0+$0xFFFFFFB0];
	[tilespmem:s18+$0xFFFFFFE0] =	vst v1;
	v1 =	vshll.u32 v3, $0x10  }
0x30f: {  	v2 =	vshll.u32 v2, $0x10;
	v3 =	vld [tilespmem:s0+$0xFFFFFFF0];
	[tilespmem:s18+$0x20] =	vst v1  }
0x310: {  	[tilespmem:s18+$0xFFFFFF60] =	vst v2;
	v2 =	vld [tilespmem:s0+$0x30];
	v1 =	vshll.u32 v5, $0x10  }
0x311: {  	v5 =	vld [tilespmem:s0+$0xFFFFFF70];
	v7 =	vshll.u32 v7, $0x10;
	[tilespmem:s23+$0xFFFFFF90] =	vst v1  }
0x312: {  	[tilespmem:s18+$0x70] =	vst v7;
	v1 =	vshll.u32 v4, $0x10;
	v7 =	vld [tilespmem:s17+$0x10]  }
0x313: {  	v4 =	vshll.u32 v6, $0x10;
	v6 =	vld [tilespmem:s0+$0x80];
	[tilespmem:s23+$0xFFFFFFD0] =	vst v1  }
.Ltmp4:
0x314: {  	[tilespmem:s18+$0xFFFFFFB0] =	vst v4;
	v3 =	vshll.u32 v3, $0x10;
	v1 =	vld [tilespmem:s17+$0x50];
	s17 =	smov.u32 s0;
	(pc) =	sbr.rel @p1 .LBB2_10-.Ltmp4, $4  }
0x315: {  	v4 =	vld [tilespmem:s0+$0xFFFFFFC0];
	[tilespmem:s18+$0xFFFFFFF0] =	vst v3;
	v3 =	vshll.u32 v2, $0x10  }
0x316: {  	v5 =	vshll.u32 v5, $0x10;
	v2 =	vld [tilespmem:s0+$0x0];
	[tilespmem:s18+$0x30] =	vst v3  }
0x317: {  	[tilespmem:s18+$0xFFFFFF70] =	vst v5;
	v3 =	vld [tilespmem:s0+$0x40];
	v7 =	vshll.u32 v7, $0x10  }
0x318: {  	s0 =	sadd.s32 $0x140, s0;
	v5 =	vld [tilespmem:s17+$0xFFFFFF80];
	v6 =	vshll.u32 v6, $0x10;
	[tilespmem:s23+$0x10] =	vst v7  }
0x319: {  	_ =	sdelay $0x3  }
0x31a: {  	[tilespmem:s18+$0x80] =	vst v6;
	v5 =	vshll.u32 v5, $0x10  }
0x31b: {  	v4 =	vshll.u32 v4, $0x10;
	v6 =	vld [tilespmem:s17+$0x90];
	[tilespmem:s18+$0xFFFFFF80] =	vst v5  }
0x31c: {  	[tilespmem:s18+$0xFFFFFFC0] =	vst v4;
	v2 =	vshll.u32 v2, $0x10;
	v4 =	vld [tilespmem:s17+$0xFFFFFF90]  }
0x31d: {  	[tilespmem:s18+$0x0] =	vst v2;
	v2 =	vshll.u32 v3, $0x10;
	v3 =	vld [tilespmem:s17+$0xFFFFFFD0]  }
0x31e: {  	[tilespmem:s18+$0x40] =	vst v2;
	v2 =	vld [tilespmem:s17+$0x10]  }
0x31f: {  	v1 =	vshll.u32 v1, $0x10;
	v5 =	vld [tilespmem:s17+$0x50]  }
0x320: {  	[tilespmem:s23+$0x50] =	vst v1;
	v1 =	vshll.u32 v6, $0x10  }
0x321: {  	[tilespmem:s18+$0x90] =	vst v1;
	v1 =	vshll.u32 v4, $0x10  }
0x322: {  	[tilespmem:s18+$0xFFFFFF90] =	vst v1;
	v1 =	vshll.u32 v3, $0x10  }
0x323: {  	[tilespmem:s18+$0xFFFFFFD0] =	vst v1;
	v1 =	vshll.u32 v2, $0x10  }
0x324: {  	p1 =	seq.s32 s12, $0x13;
	[tilespmem:s18+$0x10] =	vst v1;
	v1 =	vshll.u32 v5, $0x10  }
0x325: {  	s0 =	simm.s32 @p1 $0x2;
	[tilespmem:s18+$0x50] =	vst v1  }
0x326: {  	[spmem:s2] =	stream.indirect.scatter.add.f32 [tilespmem:s14], [sflag:$0x3], $0x40, s4, s19, $0xb8;
	[tilespmem:$0x19A40] =	vst v63  }
0x327: {  	_ =	swait.ge @p1 [sflag:s0], $0x1F40  }
0x328: {  	s10 =	simm.s32 @p1 $0x13C00;
	[sflag:s0] =	ssyncset.done @p1 $0x0  }
0x329: {  	s17 =	simm.s32 @p1 $0x15BC0;
	[sflag:s0] =	ssyncadd.s32 @p1 $0xFFFFE0C0;
	s0 =	simm.s32 @p1 $0x7D  }
0x32a: {  	[spmem:s3] =	stream.indirect.scatter.add.f32 @p1 [tilespmem:s17], [sflag:$0x5], $0x40, s10, s0, $0xb8;
	[tilespmem:$0x19A40] =	vst v63  }
0x32b: {  	s0 =	simm.s32 @p1 $0x4  }
0x32c: {  	_ =	swait.ge @p1 [sflag:s0], $0x1F40  }
0x32d: {  	s10 =	sadd.s32 @!p1 s30, s25;
	[sflag:s0] =	ssyncset.done @p1 $0x0  }
0x32e: {  	[sflag:s0] =	ssyncadd.s32 @p1 $0xFFFFE0C0;
	s0 =	sshrl.u32 @!p1 s10, $0x3  }
0x32f: {  	s18 =	simm.s32 @!p1 $0x13880;
	s17 =	simm.s32 @!p1 $0x0;
	s10 =	sadd.s32 @!p1 s1, s0  }
0x330: {  	[tilespmem:s18], [sflag:$0x6] =	stream.linear.gather @!p1 [hbm4b:s10+s17], $0x100, $0x38;
	[tilespmem:$0x19A40] =	vst v63  }
0x331: {  	s0 =	sadd.s32 @!p1 s8, s0;
	s10 =	simm.s32 @!p1 $0x13A80  }
0x332: {  	[tilespmem:s10], [sflag:$0x8] =	stream.linear.gather @!p1 [hbm4b:s0+s17], $0x100, $0x38;
	[tilespmem:$0x19A40] =	vst v63  }
0x333: {  	s0 =	simm.s32 @!p1 $0x2  }
0x334: {  	_ =	swait.ge @!p1 [sflag:s0], $0x1F40  }
0x335: {  	s10 =	simm.s32 @!p1 $0x13C00;
	[sflag:s0] =	ssyncset.done @!p1 $0x0  }
0x336: {  	s17 =	simm.s32 @!p1 $0x15BC0;
	[sflag:s0] =	ssyncadd.s32 @!p1 $0xFFFFE0C0;
	s0 =	simm.s32 @!p1 $0x7D  }
0x337: {  	[spmem:s3] =	stream.indirect.scatter.add.f32 @!p1 [tilespmem:s17], [sflag:$0x5], $0x40, s10, s0, $0xb8;
	[tilespmem:$0x19A40] =	vst v63  }
0x338: {  	s10 =	simm.s32 @!p1 $0x4  }
0x339: {  	_ =	swait.ge @!p1 [sflag:s10], $0x1F40  }
0x33a: {  	[sflag:s10] =	ssyncset.done @!p1 $0x0  }
0x33b: {  	[sflag:s10] =	ssyncadd.s32 @!p1 $0xFFFFE0C0;
	s10 =	simm.s32 @!p1 $0x6  }
0x33c: {  	_ =	swait.ge @!p1 [sflag:s10], $0x100  }
0x33d: {  	[sflag:s10] =	ssyncset.done @!p1 $0x0  }
0x33e: {  	[sflag:s10] =	ssyncadd.s32 @!p1 $0xFFFFFF00;
	s10 =	simm.s32 @!p1 $0x8  }
0x33f: {  	_ =	swait.ge @!p1 [sflag:s10], $0x100  }
0x340: {  	[sflag:s10] =	ssyncset.done @!p1 $0x0  }
0x341: {  	[sflag:s10] =	ssyncadd.s32 @!p1 $0xFFFFFF00;
	s10 =	simm.s32 @!p1 $0x13C80  }
0x342: {  	[tilespmem:s10], [sflag:$0x1] =	stream.indirect.gather @!p1 [hbm4b:s6+s0], $0x40, s18, s0, $0xb8;
	[tilespmem:$0x19A40] =	vst v63  }
0x343: {  	_ =	swait.ge [sflag:s11], $0x1F40  }
0x344: {  	[sflag:s11] =	ssyncset.done $0x0  }
0x345: {  	s30 =	simm.s32 $0x15CF0;
	[sflag:s11] =	ssyncadd.s32 $0xFFFFE0C0  }
0x346: {  	v1 =	vld [tilespmem:s30+$0xFFFFFFD0];
	_ =	sdelay $0x1  }
0x347: {  	v2 =	vld [tilespmem:s30+$0xFFFFFF10]  }
0x348: {  	v3 =	vld [tilespmem:s30+$0xFFFFFF50]  }
0x349: {  	v4 =	vld [tilespmem:s30+$0xFFFFFF90]  }
0x34a: {  	s23 =	simm.s32 $0x17BA0;
	v5 =	vld [tilespmem:s30+$0xFFFFFED0];
	v1 =	vshll.u32 v1, $0x10  }
0x34b: {  	[tilespmem:s23+$0x60] =	vst v1  }
0x34c: {  	v1 =	vshll.u32 v2, $0x10;
	v2 =	vld [tilespmem:s30+$0xFFFFFFE0]  }
0x34d: {  	[tilespmem:s23+$0xFFFFFFA0] =	vst v1;
	v1 =	vshll.u32 v3, $0x10  }
0x34e: {  	v3 =	vld [tilespmem:s30+$0xFFFFFF20];
	[tilespmem:s23+$0xFFFFFFE0] =	vst v1;
	v1 =	vshll.u32 v4, $0x10  }
0x34f: {  	v4 =	vshll.u32 v5, $0x10;
	v5 =	vld [tilespmem:s30+$0xFFFFFF60];
	[tilespmem:s23+$0x20] =	vst v1  }
0x350: {  	[tilespmem:s23+$0xFFFFFF60] =	vst v4;
	v1 =	vld [tilespmem:s30+$0xFFFFFFA0]  }
0x351: {  	s17 =	simm.s32 $0x15E30;
	v4 =	vld [tilespmem:s30+$0xFFFFFEE0];
	v2 =	vshll.u32 v2, $0x10  }
0x352: {  	v6 =	vld [tilespmem:s17+$0xFFFFFFD0];
	[tilespmem:s23+$0x70] =	vst v2  }
0x353: {  	v2 =	vshll.u32 v3, $0x10;
	v3 =	vld [tilespmem:s30+$0xFFFFFFF0]  }
0x354: {  	v7 =	vld [tilespmem:s17+$0xFFFFFF10];
	[tilespmem:s23+$0xFFFFFFB0] =	vst v2;
	v2 =	vshll.u32 v5, $0x10  }
0x355: {  	v5 =	vld [tilespmem:s30+$0xFFFFFF30];
	[tilespmem:s23+$0xFFFFFFF0] =	vst v2;
	v1 =	vshll.u32 v1, $0x10  }
0x356: {  	v2 =	vshll.u32 v4, $0x10;
	v4 =	vld [tilespmem:s30+$0xFFFFFF70];
	[tilespmem:s23+$0x30] =	vst v1  }
0x357: {  	s18 =	simm.s32 $0x17CE0;
	v6 =	vshll.u32 v6, $0x10;
	[tilespmem:s23+$0xFFFFFF70] =	vst v2;
	v1 =	vld [tilespmem:s30+$0xFFFFFFB0]  }
0x358: {  	[tilespmem:s18+$0x60] =	vst v6;
	v2 =	vld [tilespmem:s30+$0xFFFFFEF0];
	v3 =	vshll.u32 v3, $0x10  }
0x359: {  	v6 =	vshll.u32 v7, $0x10;
	v7 =	vld [tilespmem:s17+$0xFFFFFFE0];
	[tilespmem:s23+$0x80] =	vst v3  }
0x35a: {  	[tilespmem:s18+$0xFFFFFFA0] =	vst v6;
	v3 =	vshll.u32 v5, $0x10;
	v5 =	vld [tilespmem:s30+$0x0]  }
0x35b: {  	[tilespmem:s23+$0xFFFFFFC0] =	vst v3;
	v3 =	vshll.u32 v4, $0x10;
	v4 =	vld [tilespmem:s17+$0xFFFFFF50]  }
0x35c: {  	[tilespmem:s23+$0x0] =	vst v3;
	v1 =	vshll.u32 v1, $0x10;
	v3 =	vld [tilespmem:s17+$0xFFFFFF90]  }
0x35d: {  	v2 =	vshll.u32 v2, $0x10;
	[tilespmem:s23+$0x40] =	vst v1;
	v1 =	vld [tilespmem:s17+$0xFFFFFED0]  }
0x35e: {  	v6 =	vld [tilespmem:s17+$0xFFFFFF20];
	[tilespmem:s23+$0xFFFFFF80] =	vst v2  }
0x35f: {  	v2 =	vld [tilespmem:s30+$0xFFFFFF00];
	v5 =	vshll.u32 v5, $0x10  }
0x360: {  	v4 =	vshll.u32 v4, $0x10;
	[tilespmem:s23+$0x90] =	vst v5;
	v5 =	vld [tilespmem:s30+$0xFFFFFF40]  }
0x361: {  	[tilespmem:s18+$0xFFFFFFE0] =	vst v4;
	v3 =	vshll.u32 v3, $0x10  }
0x362: {  	v1 =	vshll.u32 v1, $0x10;
	v4 =	vld [tilespmem:s17+$0xFFFFFF60];
	[tilespmem:s18+$0x20] =	vst v3  }
0x363: {  	v7 =	vshll.u32 v7, $0x10;
	[tilespmem:s18+$0xFFFFFF60] =	vst v1;
	v3 =	vld [tilespmem:s17+$0xFFFFFFA0]  }
0x364: {  	[tilespmem:s18+$0x70] =	vst v7;
	v1 =	vshll.u32 v2, $0x10;
	v2 =	vld [tilespmem:s17+$0xFFFFFEE0]  }
0x365: {  	v6 =	vshll.u32 v6, $0x10;
	[tilespmem:s23+$0xFFFFFF90] =	vst v1;
	v1 =	vshll.u32 v5, $0x10;
	v5 =	vld [tilespmem:s30+$0xFFFFFF80]  }
0x366: {  	v7 =	vld [tilespmem:s17+$0xFFFFFFF0];
	[tilespmem:s18+$0xFFFFFFB0] =	vst v6  }
0x367: {  	[tilespmem:s23+$0xFFFFFFD0] =	vst v1;
	v6 =	vshll.u32 v4, $0x10;
	v1 =	vld [tilespmem:s30+$0xFFFFFFC0]  }
0x368: {  	v4 =	vld [tilespmem:s17+$0xFFFFFF30];
	[tilespmem:s18+$0xFFFFFFF0] =	vst v6;
	v3 =	vshll.u32 v3, $0x10  }
0x369: {  	v6 =	vshll.u32 v2, $0x10;
	v2 =	vld [tilespmem:s17+$0xFFFFFF70];
	[tilespmem:s18+$0x30] =	vst v3  }
0x36a: {  	[tilespmem:s18+$0xFFFFFF70] =	vst v6;
	v3 =	vld [tilespmem:s17+$0xFFFFFFB0];
	v8 =	vshll.u32 v5, $0x10  }
0x36b: {  	s10 =	simm.s32 $0x5;
	s0 =	simm.s32 $0x15F70;
	v6 =	vshll.u32 v7, $0x10;
	v5 =	vld [tilespmem:s17+$0xFFFFFEF0];
	[tilespmem:s23+$0x10] =	vst v8  }
.LBB2_12:
0x36c: {  	v7 =	vld [tilespmem:s0+$0xFFFFFFD0];
	s10 =	sadd.s32 $0x5, s10;
	[tilespmem:s18+$0x80] =	vst v6;
	v1 =	vshll.u32 v1, $0x10  }
0x36d: {  	p1 =	slt.u32 s10, $0x78;
	v4 =	vshll.u32 v4, $0x10;
	v6 =	vld [tilespmem:s17+$0x0];
	[tilespmem:s23+$0x50] =	vst v1;
	s23 =	smov.u32 s18  }
0x36e: {  	v1 =	vld [tilespmem:s0+$0xFFFFFF10];
	[tilespmem:s18+$0xFFFFFFC0] =	vst v4;
	v2 =	vshll.u32 v2, $0x10  }
0x36f: {  	v4 =	vld [tilespmem:s0+$0xFFFFFF50];
	[tilespmem:s18+$0x0] =	vst v2;
	v2 =	vshll.u32 v3, $0x10  }
0x370: {  	v3 =	vld [tilespmem:s0+$0xFFFFFF90];
	v5 =	vshll.u32 v5, $0x10;
	[tilespmem:s18+$0x40] =	vst v2  }
0x371: {  	s18 =	sadd.s32 $0x140, s18;
	v2 =	vld [tilespmem:s0+$0xFFFFFED0];
	v7 =	vshll.u32 v7, $0x10;
	[tilespmem:s23+$0xFFFFFF80] =	vst v5  }
0x372: {  	[tilespmem:s18+$0x60] =	vst v7;
	v5 =	vld [tilespmem:s17+$0xFFFFFF00];
	v6 =	vshll.u32 v6, $0x10  }
0x373: {  	v1 =	vshll.u32 v1, $0x10;
	v7 =	vld [tilespmem:s0+$0xFFFFFFE0];
	[tilespmem:s23+$0x90] =	vst v6  }
0x374: {  	[tilespmem:s18+$0xFFFFFFA0] =	vst v1;
	v1 =	vshll.u32 v4, $0x10;
	v4 =	vld [tilespmem:s17+$0xFFFFFF40]  }
0x375: {  	v6 =	vld [tilespmem:s0+$0xFFFFFF20];
	[tilespmem:s18+$0xFFFFFFE0] =	vst v1;
	v1 =	vshll.u32 v3, $0x10  }
0x376: {  	v2 =	vshll.u32 v2, $0x10;
	v3 =	vld [tilespmem:s0+$0xFFFFFF60];
	[tilespmem:s18+$0x20] =	vst v1  }
0x377: {  	[tilespmem:s18+$0xFFFFFF60] =	vst v2;
	v2 =	vld [tilespmem:s0+$0xFFFFFFA0];
	v1 =	vshll.u32 v5, $0x10  }
0x378: {  	v5 =	vld [tilespmem:s0+$0xFFFFFEE0];
	v7 =	vshll.u32 v7, $0x10;
	[tilespmem:s23+$0xFFFFFF90] =	vst v1  }
0x379: {  	[tilespmem:s18+$0x70] =	vst v7;
	v1 =	vshll.u32 v4, $0x10;
	v7 =	vld [tilespmem:s17+$0xFFFFFF80]  }
0x37a: {  	v4 =	vshll.u32 v6, $0x10;
	v6 =	vld [tilespmem:s0+$0xFFFFFFF0];
	[tilespmem:s23+$0xFFFFFFD0] =	vst v1  }
.Ltmp5:
0x37b: {  	[tilespmem:s18+$0xFFFFFFB0] =	vst v4;
	v3 =	vshll.u32 v3, $0x10;
	v1 =	vld [tilespmem:s17+$0xFFFFFFC0];
	s17 =	smov.u32 s0;
	(pc) =	sbr.rel @p1 .LBB2_12-.Ltmp5, $4  }
0x37c: {  	v4 =	vld [tilespmem:s0+$0xFFFFFF30];
	[tilespmem:s18+$0xFFFFFFF0] =	vst v3;
	v3 =	vshll.u32 v2, $0x10  }
0x37d: {  	v5 =	vshll.u32 v5, $0x10;
	v2 =	vld [tilespmem:s0+$0xFFFFFF70];
	[tilespmem:s18+$0x30] =	vst v3  }
0x37e: {  	[tilespmem:s18+$0xFFFFFF70] =	vst v5;
	v3 =	vld [tilespmem:s0+$0xFFFFFFB0];
	v7 =	vshll.u32 v7, $0x10  }
0x37f: {  	s0 =	sadd.s32 $0x140, s0;
	v5 =	vld [tilespmem:s17+$0xFFFFFEF0];
	v6 =	vshll.u32 v6, $0x10;
	[tilespmem:s23+$0x10] =	vst v7  }
0x380: {  	_ =	sdelay $0x3  }
0x381: {  	[tilespmem:s18+$0x80] =	vst v6;
	v5 =	vshll.u32 v5, $0x10  }
0x382: {  	v4 =	vshll.u32 v4, $0x10;
	v6 =	vld [tilespmem:s17+$0x0];
	[tilespmem:s18+$0xFFFFFF80] =	vst v5  }
0x383: {  	[tilespmem:s18+$0xFFFFFFC0] =	vst v4;
	v2 =	vshll.u32 v2, $0x10;
	v62 =	vld [tilespmem:s17+$0xFFFFFF00]  }
0x384: {  	[tilespmem:s18+$0x0] =	vst v2;
	v2 =	vshll.u32 v3, $0x10;
	v3 =	vld [tilespmem:s17+$0xFFFFFF40]  }
0x385: {  	[tilespmem:s18+$0x40] =	vst v2;
	v2 =	vld [tilespmem:s17+$0xFFFFFF80]  }
0x386: {  	v1 =	vshll.u32 v1, $0x10;
	v63 =	vld [tilespmem:s17+$0xFFFFFFC0]  }
0x387: {  	s12 =	sadd.s32 $0x1, s12;
	[tilespmem:s23+$0x50] =	vst v1;
	v1 =	vshll.u32 v6, $0x10  }
0x388: {  	p1 =	sne.s32 s12, $0x14;
	[tilespmem:s18+$0x90] =	vst v1;
	v1 =	vshll.u32 v62, $0x10  }
.Ltmp6:
0x389: {  	[tilespmem:s18+$0xFFFFFF90] =	vst v1;
	v1 =	vshll.u32 v3, $0x10;
	(pc) =	sbr.rel @p1 .LBB2_5-.Ltmp6, $4  }
0x38a: {  	[tilespmem:s18+$0xFFFFFFD0] =	vst v1;
	v1 =	vshll.u32 v2, $0x10  }
0x38b: {  	[tilespmem:s18+$0x10] =	vst v1;
	v1 =	vshll.u32 v63, $0x10  }
0x38c: {  	[tilespmem:s18+$0x50] =	vst v1  }
0x38d: {  	[spmem:s2] =	stream.indirect.scatter.add.f32 [tilespmem:s14], [sflag:$0x3], $0x40, s31, s19, $0xb8;
	[tilespmem:$0x19A40] =	vst v63  }
0x38e: {  	_ =	swait.ge [sflag:s16], $0x1F40  }
0x38f: {  	[sflag:s16] =	ssyncset.done $0x0  }
0x390: {  	[sflag:s16] =	ssyncadd.s32 $0xFFFFE0C0  }
0x391: {  	_ =	swait.ge [sflag:s11], $0x1F40  }
0x392: {  	[sflag:s11] =	ssyncset.done $0x0  }
0x393: {  	[sflag:s11] =	ssyncadd.s32 $0xFFFFE0C0  }
0x394: {  	[bflag:$0x0] =	sbarrier.arrive $0xFFFF  }
0x395: {  	s0 =	sld [smem:$0x7E3]  }
0x396: {  	s12 =	sld [smem:$0x7E0];
	_ =	sdelay $0x1  }
0x397: {  	s10 =	simm.s32 @p0 $0x1FCA;
	s0 =	sshrl.u32 @p0 s0, $0x3  }
0x398: {  	[hbm:s12], [sflag:s10] =	dma.local @p0 [spmem:s0], $0x1040  }
0x399: {  	s0 =	simm.s32 @p0 $0xA  }
0x39a: {  	_ =	swait.ge @p0 [sflag:s0], $0x1040  }
0x39b: {  	s12 =	sld [smem:$0x7F0]  }
0x39c: {  	s17 =	sld [smem:$0x7E1]  }
0x39d: {  	[sflag:s0] =	ssyncset.done @p0 $0x0  }
0x39e: {  	[sflag:s0] =	ssyncadd.s32 @p0 $0xFFFFEFC0;
	s12 =	sshrl.u32 @p0 s12, $0x3  }
0x39f: {  	[hbm:s17], [sflag:s10] =	dma.local @p0 [spmem:s12], $0x1040  }
0x3a0: {  	s10 =	stileid.u32;
	_ =	swait.ge @p0 [sflag:s0], $0x1040  }
0x3a1: {  	s10 =	sshll.u32 @!p0 s10, $0x6;
	[sflag:s0] =	ssyncset.done @p0 $0x0  }
0x3a2: {  	[sflag:s0] =	ssyncadd.s32 @p0 $0xFFFFEFC0;
	s0 =	sor.u32 @!p0 $0x1C0A, s10;
	s10 =	rddreg [dreg:$0x7]  }
0x3a3: {  	s12 =	rddreg [dreg:$0x8];
	s10 =	sshrl.u32 @!p0 s10, $0x3  }
0x3a4: {  	[hbm:s12], [sflag:s0] =	dma.local @!p0 [spmem:s10], $0x13C0  }
0x3a5: {  	s10 =	simm.s32 @!p0 $0xA  }
0x3a6: {  	_ =	swait.ge @!p0 [sflag:s10], $0x13C0  }
0x3a7: {  	s17 =	sld [smem:$0x7FD]  }
0x3a8: {  	[sflag:s10] =	ssyncset.done @!p0 $0x0;
	s12 =	rddreg [dreg:$0x9]  }
0x3a9: {  	[sflag:s10] =	ssyncadd.s32 @!p0 $0xFFFFEC40;
	s12 =	sshrl.u32 @!p0 s12, $0x3  }
0x3aa: {  	[hbm:s17], [sflag:s0] =	dma.local @!p0 [spmem:s12], $0x13C0  }
0x3ab: {  	_ =	swait.ge @!p0 [sflag:s10], $0x13C0  }
0x3ac: {  	s23 =	sld [smem:$0x7D7]  }
0x3ad: {  	s30 =	sld [smem:$0x7E2];
	_ =	sdelay $0x1  }
0x3ae: {  	s12 =	sadd.s32 $0x1, s23  }
0x3af: {  	p1 =	sne.s32 s12, s30  }
.Ltmp7:
0x3b0: {  	_ = 	snop;
	(pc) =	sbr.rel @p1 .LBB2_1-.Ltmp7, $3  }
0x3b1: {  	_ =	sdelay $0x1  }
0x3b2: {  	[sflag:s10] =	ssyncset.done @!p0 $0x0  }
0x3b3: {  	[sflag:s10] =	ssyncadd.s32 @!p0 $0xFFFFEC40;
	s10 =	simm.s32 $0x13880  }
0x3b4: {  	_ =	sfence.sel $0x180000  }
0x3b5: {  	[bflag:$0x0] =	sbarrier.arrive $0xFFFF  }
0x3b6: {  	_ =	strace $0x90000047  }
0x3b7: {  	s0 =	stileid.u32;
	[bflag:$0x2] =	sbarrier.arrive $0xFFFF  }
0x3b8: {  	p0 =	sne.s32 s0, $0x0;
	s0 =	rddreg [dreg:$0x4]  }
0x3b9: {  	s0 =	sadd.s32 @!p0 $0x100000, s0  }
0x3ba: {  	[sflag:s0] =	ssyncadd.tile.s32 @!p0 $0x1;
	_ =	shalt  }
.Lfunc_end2:
_tile_overlayer_lowered:
.L_overlay_start_2:
0x3bb: {  	(tag) =	ssettag $0x2  }
0x3bc: {  	s0 =	rddreg [dreg:$0x0];
	s2 =	stileid.u32  }
0x3bd: {  	s1 =	rddreg [dreg:$0x1];
	p0 =	sne.s32 s2, $0x0  }
0x3be: {  	s3 =	rddreg [dreg:$0x2];
	[bflag:$0x3] =	sbarrier.arrive $0xFFFF;
	s2 =	simm.s32 @!p0 $0x1C0A  }
0x3bf: {  	[timem:s3], [sflag:s2] =	dma.local @!p0 [hbm:s0], s1  }
0x3c0: {  	s0 =	simm.s32 @!p0 $0xA  }
0x3c1: {  	_ =	swait.ge @!p0 [sflag:s0], s1  }
0x3c2: {  	s1 =	ssub.s32 @!p0 $0x0, s1;
	[sflag:s0] =	ssyncset.done @!p0 $0x0  }
0x3c3: {  	[sflag:s0] =	ssyncadd.s32 @!p0 s1  }
0x3c4: {  	[bflag:$0x3] =	sbarrier.arrive $0xFFFF  }
0x3c5: {  	_ =	shalt  }

</sc_bundles>
